<compile_context>
chip_gen: v7x
topology: tpu7x:2x2x1
jax: 0.10.2.dev20260603
libtpu: 0.0.44.dev20260713+nightly
codegen_flags: <defaults>
</compile_context>

<pallas_src>
import functools

import jax
import jax.numpy as jnp
from jax import lax
from jax.experimental import pallas as pl
from jax.experimental.pallas import tpu as pltpu
from jax.experimental.pallas import tpu_sc as plsc

N = 10000
E = 320000
D = 128
DH = D // 2

NC = 2
NS = 16
NW = NC * NS
N_PAD = 10240
RPT = N_PAD // NS
CH = 128
E_PAD = 327680
NCHD = E_PAD // (NW * CH)
NCHS = E_PAD // (NS * CH)
GROUP = 4
W_IDX = 20
BM = 256
NBLK = N_PAD // BM


def _sc_degree(dst2d):
    mesh = plsc.VectorSubcoreMesh(core_axis_name="c", subcore_axis_name="s")

    @functools.partial(
        pl.kernel,
        out_type=jax.ShapeDtypeStruct((NC, N_PAD), jnp.float32),
        mesh=mesh,
        compiler_params=pltpu.CompilerParams(use_tc_tiling_on_sc=False),
        scratch_types=[
            pltpu.VMEM((NCHD, CH), jnp.int32),
            pltpu.VMEM((CH,), jnp.float32),
            pltpu.VMEM((CH,), jnp.float32),
            pltpu.VMEM_SHARED((N_PAD,), jnp.float32),
        ],
    )
    def deg_kernel(dst_hbm, out_hbm, idx_v, ones_v, zero_v, acc):
        c = lax.axis_index("c")
        s = lax.axis_index("s")
        w = s * NC + c
        for t in range(CH // 16):
            ones_v[pl.ds(t * 16, 16)] = jnp.full((16,), 1.0, jnp.float32)
            zero_v[pl.ds(t * 16, 16)] = jnp.zeros((16,), jnp.float32)
        pltpu.sync_copy(dst_hbm.at[pl.ds(w * NCHD, NCHD)], idx_v)
        for q in range(RPT // CH):
            pltpu.sync_copy(zero_v, acc.at[pl.ds(s * RPT + q * CH, CH)])
        plsc.subcore_barrier()

        def body(j, carry):
            pltpu.sync_copy(ones_v, acc.at[idx_v.at[j]], add=True)
            return carry

        lax.fori_loop(0, NCHD, body, 0)
        plsc.subcore_barrier()
        pltpu.sync_copy(acc.at[pl.ds(s * RPT, RPT)],
                        out_hbm.at[c, pl.ds(s * RPT, RPT)])

    return deg_kernel(dst2d)


def _sc_scatter(xlo, xhi, e2d, zrows):
    mesh = plsc.VectorSubcoreMesh(core_axis_name="c", subcore_axis_name="s")

    @functools.partial(
        pl.kernel,
        out_type=jax.ShapeDtypeStruct((NC, N_PAD, DH), jnp.float32),
        mesh=mesh,
        compiler_params=pltpu.CompilerParams(use_tc_tiling_on_sc=False),
        scratch_types=(
            [pltpu.VMEM((W_IDX, 2, CH), jnp.int32),
             pltpu.VMEM((W_IDX, 2, CH), jnp.int32)]
            + [pltpu.VMEM((CH, DH), jnp.float32)] * GROUP
            + [pltpu.VMEM_SHARED((N_PAD, DH), jnp.float32),
               pltpu.VMEM_SHARED((N_PAD, DH), jnp.float32)]
            + [pltpu.SemaphoreType.DMA] * (2 * GROUP + 2)
        ),
    )
    def scat_kernel(xlo_hbm, xhi_hbm, e_hbm, z_hbm, out_hbm,
                    slab0, slab1, *rest):
        bufs = rest[:GROUP]
        acc = rest[GROUP]
        xsp = rest[GROUP + 1]
        gsem = rest[GROUP + 2:2 * GROUP + 2]
        tsem = rest[2 * GROUP + 2:3 * GROUP + 2]
        isem = rest[3 * GROUP + 2:]
        c = lax.axis_index("c")
        s = lax.axis_index("s")
        base0 = s * NCHS
        pltpu.sync_copy(z_hbm, acc.at[pl.ds(s * RPT, RPT)])
        pltpu.async_copy(e_hbm.at[pl.ds(base0, W_IDX)], slab0, isem[0])

        @pl.when(c == 0)
        def _():
            pltpu.sync_copy(xlo_hbm.at[pl.ds(s * RPT, RPT)],
                            xsp.at[pl.ds(s * RPT, RPT)])

        @pl.when(c == 1)
        def _():
            pltpu.sync_copy(xhi_hbm.at[pl.ds(s * RPT, RPT)],
                            xsp.at[pl.ds(s * RPT, RPT)])

        plsc.subcore_barrier()

        def ring(slab):
            def body(g, carry2):
                j = g * GROUP
                ds = []
                for k in range(GROUP):
                    @pl.when(g > 0)
                    def _(k=k):
                        pltpu.make_async_copy(
                            bufs[k], acc.at[slab.at[j - GROUP + k, 1]],
                            tsem[k]).wait()

                    ds.append(pltpu.async_copy(xsp.at[slab.at[j + k, 0]],
                                               bufs[k], gsem[k]))
                for k in range(GROUP):
                    ds[k].wait()
                    pltpu.async_copy(
                        bufs[k], acc.at[slab.at[j + k, 1]], tsem[k], add=True)
                return carry2

            lax.fori_loop(0, W_IDX // GROUP, body, 0)
            for k in range(GROUP):
                pltpu.make_async_copy(
                    bufs[k], acc.at[slab.at[W_IDX - GROUP + k, 1]],
                    tsem[k]).wait()

        npair = NCHS // (2 * W_IDX)

        def wpair(m, carry):
            base = base0 + m * 2 * W_IDX
            pltpu.make_async_copy(e_hbm.at[pl.ds(base, W_IDX)],
                                  slab0, isem[0]).wait()
            pltpu.async_copy(e_hbm.at[pl.ds(base + W_IDX, W_IDX)],
                             slab1, isem[1])
            ring(slab0)
            pltpu.make_async_copy(e_hbm.at[pl.ds(base + W_IDX, W_IDX)],
                                  slab1, isem[1]).wait()

            @pl.when(m + 1 < npair)
            def _():
                pltpu.async_copy(e_hbm.at[pl.ds(base + 2 * W_IDX, W_IDX)],
                                 slab0, isem[0])

            ring(slab1)
            return carry

        lax.fori_loop(0, npair, wpair, 0)
        plsc.subcore_barrier()
        pltpu.sync_copy(acc.at[pl.ds(s * RPT, RPT)],
                        out_hbm.at[c, pl.ds(s * RPT, RPT)])

    return scat_kernel(xlo, xhi, e2d, zrows)


def _dis_from_parts(dp_block):
    return lax.rsqrt(dp_block[0] + dp_block[1] + 1.0)


def _mat_scale(x, W, deg_parts):
    def body(x_ref, w_ref, dp_ref, lo_ref, hi_ref):
        dis = _dis_from_parts(dp_ref[...])
        y = jnp.dot(x_ref[...], w_ref[...], preferred_element_type=jnp.float32)
        y = y * dis[:, None]
        lo_ref[...] = y[:, :DH]
        hi_ref[...] = y[:, DH:]

    return pl.pallas_call(
        body,
        grid=(NBLK,),
        in_specs=[
            pl.BlockSpec((BM, D), lambda i: (i, 0)),
            pl.BlockSpec((D, D), lambda i: (0, 0)),
            pl.BlockSpec((NC, BM), lambda i: (0, i)),
        ],
        out_specs=[
            pl.BlockSpec((BM, DH), lambda i: (i, 0)),
            pl.BlockSpec((BM, DH), lambda i: (i, 0)),
        ],
        out_shape=[
            jax.ShapeDtypeStruct((N_PAD, DH), jnp.float32),
            jax.ShapeDtypeStruct((N_PAD, DH), jnp.float32),
        ],
    )(x, W, deg_parts)


def _bn_stats(accp, xlo, xhi, deg_parts, b):
    def body(a_ref, lo_ref, hi_ref, dp_ref, b_ref, h_ref, s_ref):
        i = pl.program_id(0)
        dis = _dis_from_parts(dp_ref[...])
        agg = jnp.concatenate([a_ref[0] + lo_ref[...],
                               a_ref[1] + hi_ref[...]], axis=-1)
        t = agg * dis[:, None] + b_ref[...]
        h = jnp.maximum(t, 0.0)
        rid = i * BM + lax.broadcasted_iota(jnp.int32, (BM, 1), 0)
        h = jnp.where(rid < N, h, 0.0)
        h_ref[...] = h
        ps = jnp.concatenate(
            [jnp.sum(h, axis=0, keepdims=True),
             jnp.sum(h * h, axis=0, keepdims=True),
             jnp.zeros((6, D), jnp.float32)], axis=0)

        @pl.when(i == 0)
        def _():
            s_ref[...] = ps

        @pl.when(i > 0)
        def _():
            s_ref[...] = s_ref[...] + ps

    return pl.pallas_call(
        body,
        grid=(NBLK,),
        in_specs=[
            pl.BlockSpec((NC, BM, DH), lambda i: (0, i, 0)),
            pl.BlockSpec((BM, DH), lambda i: (i, 0)),
            pl.BlockSpec((BM, DH), lambda i: (i, 0)),
            pl.BlockSpec((NC, BM), lambda i: (0, i)),
            pl.BlockSpec((1, D), lambda i: (0, 0)),
        ],
        out_specs=[
            pl.BlockSpec((BM, D), lambda i: (i, 0)),
            pl.BlockSpec((8, D), lambda i: (0, 0)),
        ],
        out_shape=[
            jax.ShapeDtypeStruct((N_PAD, D), jnp.float32),
            jax.ShapeDtypeStruct((8, D), jnp.float32),
        ],
    )(accp, xlo, xhi, deg_parts, b.reshape(1, D))


def _bn_norm(h_blk, s_blk, g_blk, be_blk, rid):
    mu = s_blk[0] * (1.0 / N)
    var = s_blk[1] * (1.0 / N) - mu * mu
    inv = 1.0 / jnp.sqrt(var + 1e-5)
    xn = g_blk * (h_blk - mu) * inv + be_blk
    return jnp.where(rid < N, xn, 0.0)


def _bn_apply_mat(h, stats, gamma, beta, Wn, deg_parts):
    def body(h_ref, s_ref, g_ref, be_ref, w_ref, dp_ref,
             xn_ref, lo_ref, hi_ref):
        i = pl.program_id(0)
        rid = i * BM + lax.broadcasted_iota(jnp.int32, (BM, 1), 0)
        xn = _bn_norm(h_ref[...], s_ref[...], g_ref[...], be_ref[...], rid)
        xn_ref[...] = xn
        dis = _dis_from_parts(dp_ref[...])
        y = jnp.dot(xn, w_ref[...], preferred_element_type=jnp.float32)
        y = y * dis[:, None]
        lo_ref[...] = y[:, :DH]
        hi_ref[...] = y[:, DH:]

    return pl.pallas_call(
        body,
        grid=(NBLK,),
        in_specs=[
            pl.BlockSpec((BM, D), lambda i: (i, 0)),
            pl.BlockSpec((8, D), lambda i: (0, 0)),
            pl.BlockSpec((1, D), lambda i: (0, 0)),
            pl.BlockSpec((1, D), lambda i: (0, 0)),
            pl.BlockSpec((D, D), lambda i: (0, 0)),
            pl.BlockSpec((NC, BM), lambda i: (0, i)),
        ],
        out_specs=[
            pl.BlockSpec((BM, D), lambda i: (i, 0)),
            pl.BlockSpec((BM, DH), lambda i: (i, 0)),
            pl.BlockSpec((BM, DH), lambda i: (i, 0)),
        ],
        out_shape=[
            jax.ShapeDtypeStruct((N_PAD, D), jnp.float32),
            jax.ShapeDtypeStruct((N_PAD, DH), jnp.float32),
            jax.ShapeDtypeStruct((N_PAD, DH), jnp.float32),
        ],
    )(h, stats, gamma.reshape(1, D), beta.reshape(1, D), Wn, deg_parts)


def _head(h3, st3, gamma3, beta3, x1, x2, lin_W, lin_b):
    def body(h_ref, s_ref, g_ref, be_ref, x1_ref, x2_ref, w_ref, lb_ref, o_ref):
        i = pl.program_id(0)
        rid = i * BM + lax.broadcasted_iota(jnp.int32, (BM, 1), 0)
        x3 = _bn_norm(h_ref[...], s_ref[...], g_ref[...], be_ref[...], rid)
        xc = jnp.concatenate([x1_ref[...], x2_ref[...], x3], axis=-1)
        y = jnp.dot(xc, w_ref[...], preferred_element_type=jnp.float32)
        o_ref[...] = jnp.maximum(y + lb_ref[...], 0.0)

    return pl.pallas_call(
        body,
        grid=(NBLK,),
        in_specs=[
            pl.BlockSpec((BM, D), lambda i: (i, 0)),
            pl.BlockSpec((8, D), lambda i: (0, 0)),
            pl.BlockSpec((1, D), lambda i: (0, 0)),
            pl.BlockSpec((1, D), lambda i: (0, 0)),
            pl.BlockSpec((BM, D), lambda i: (i, 0)),
            pl.BlockSpec((BM, D), lambda i: (i, 0)),
            pl.BlockSpec((3 * D, D), lambda i: (0, 0)),
            pl.BlockSpec((1, D), lambda i: (0, 0)),
        ],
        out_specs=pl.BlockSpec((BM, D), lambda i: (i, 0)),
        out_shape=jax.ShapeDtypeStruct((N_PAD, D), jnp.float32),
    )(h3, st3, gamma3.reshape(1, D), beta3.reshape(1, D), x1, x2,
      lin_W, lin_b.reshape(1, D))


def kernel(x, edge_index, batch, W1, b1, gamma1, beta1, W2, b2, gamma2,
           beta2, W3, b3, gamma3, beta3, lin_W, lin_b):
    x_p = jnp.pad(x, ((0, N_PAD - N), (0, 0)))
    padv = jnp.full((E_PAD - E,), N, jnp.int32)
    src2d = jnp.concatenate([edge_index[0], padv]).reshape(NS * NCHS, CH)
    dst2d = jnp.concatenate([edge_index[1], padv]).reshape(NS * NCHS, CH)
    e2d = jnp.stack([src2d, dst2d], axis=1)
    zrows = jnp.zeros((RPT, DH), jnp.float32)

    deg_parts = _sc_degree(dst2d)

    lo1, hi1 = _mat_scale(x_p, W1, deg_parts)
    acc1 = _sc_scatter(lo1, hi1, e2d, zrows)
    h1, st1 = _bn_stats(acc1, lo1, hi1, deg_parts, b1)

    x1, lo2, hi2 = _bn_apply_mat(h1, st1, gamma1, beta1, W2, deg_parts)
    acc2 = _sc_scatter(lo2, hi2, e2d, zrows)
    h2, st2 = _bn_stats(acc2, lo2, hi2, deg_parts, b2)

    x2, lo3, hi3 = _bn_apply_mat(h2, st2, gamma2, beta2, W3, deg_parts)
    acc3 = _sc_scatter(lo3, hi3, e2d, zrows)
    h3, st3 = _bn_stats(acc3, lo3, hi3, deg_parts, b3)

    out = _head(h3, st3, gamma3, beta3, x1, x2, lin_W, lin_b)
    return out[:N]

# --- scband reference (transcript-rebuilt; emitter-appended) ---
"""Pipeline reference for scband-gnn-58033598104029 (READ-ONLY COPY).

The authoritative reference and input builder live on the scoring server;
editing this copy changes nothing except your own understanding.
"""

import jax, jax.numpy as jnp
import numpy as np

N = 10000
E = 320000
D = 128


def setup_inputs(seed: int = 0) -> dict:
    key = jax.random.key(seed)
    ks = jax.random.split(key, 8)
    x = jax.random.normal(ks[0], (N, D), dtype=jnp.float32)
    edge_index = jax.random.randint(ks[1], (2, E), 0, N, dtype=jnp.int32)
    batch = jnp.zeros((N,), dtype=jnp.int32)
    s = 0.05
    W1 = jax.random.normal(ks[2], (D, D), dtype=jnp.float32) * s
    b1 = jnp.zeros((D,), dtype=jnp.float32)
    W2 = jax.random.normal(ks[3], (D, D), dtype=jnp.float32) * s
    b2 = jnp.zeros((D,), dtype=jnp.float32)
    W3 = jax.random.normal(ks[4], (D, D), dtype=jnp.float32) * s
    b3 = jnp.zeros((D,), dtype=jnp.float32)
    gamma1 = jnp.ones((D,), dtype=jnp.float32)
    beta1 = jnp.zeros((D,), dtype=jnp.float32)
    gamma2 = jnp.ones((D,), dtype=jnp.float32)
    beta2 = jnp.zeros((D,), dtype=jnp.float32)
    gamma3 = jnp.ones((D,), dtype=jnp.float32)
    beta3 = jnp.zeros((D,), dtype=jnp.float32)
    lin_W = jax.random.normal(ks[5], (3 * D, D), dtype=jnp.float32) * s
    lin_b = jnp.zeros((D,), dtype=jnp.float32)
    return {
        "x": x, "edge_index": edge_index, "batch": batch,
        "W1": W1, "b1": b1, "gamma1": gamma1, "beta1": beta1,
        "W2": W2, "b2": b2, "gamma2": gamma2, "beta2": beta2,
        "W3": W3, "b3": b3, "gamma3": gamma3, "beta3": beta3,
        "lin_W": lin_W, "lin_b": lin_b,
    }


def gcn_conv(x, edge_index, W, b):
    # PyG GCNConv: add self loops, symmetric normalization, gather-scatter aggregation
    n = x.shape[0]
    loop = jnp.arange(n, dtype=edge_index.dtype)
    src = jnp.concatenate([edge_index[0], loop])
    dst = jnp.concatenate([edge_index[1], loop])
    deg = jnp.zeros((n,), x.dtype).at[dst].add(1.0)
    dis = jnp.where(deg > 0, jax.lax.rsqrt(deg), 0.0)
    norm = dis[src] * dis[dst]
    xw = x @ W
    msgs = xw[src] * norm[:, None]
    out = jnp.zeros((n, W.shape[1]), x.dtype).at[dst].add(msgs)
    return out + b


def batch_norm(x, gamma, beta):
    mu = jnp.mean(x, axis=0)
    var = jnp.var(x, axis=0)
    return gamma * (x - mu) / jnp.sqrt(var + 1e-5) + beta


def reference(x, edge_index, batch, W1, b1, gamma1, beta1, W2, b2, gamma2, beta2, W3, b3, gamma3, beta3, lin_W, lin_b):
    x1 = batch_norm(jax.nn.relu(gcn_conv(x, edge_index, W1, b1)), gamma1, beta1)
    x2 = batch_norm(jax.nn.relu(gcn_conv(x1, edge_index, W2, b2)), gamma2, beta2)
    x3 = batch_norm(jax.nn.relu(gcn_conv(x2, edge_index, W3, b3)), gamma3, beta3)
    xc = jnp.concatenate([x1, x2, x3], axis=-1)
    return jax.nn.relu(xc @ lin_W + lin_b)

if __name__ == "__main__":
    import jax
    _d = setup_inputs()
    print(jax.jit(kernel)(*tuple(_d.values())))

</pallas_src>

<mosaic_0001>
#map = affine_map<(d0, d1) -> (0, 0)>
#map1 = affine_map<(d0, d1) -> (0, 0, 0)>
module attributes {stable_mosaic.version = 14 : i64} {
  func.func @scat_kernel(%arg0: i32, %arg1: i32, %arg2: memref<10240x64xf32, #tpu.memory_space<hbm>>, %arg3: memref<10240x64xf32, #tpu.memory_space<hbm>>, %arg4: memref<2560x2x128xi32, #tpu.memory_space<hbm>>, %arg5: memref<640x64xf32, #tpu.memory_space<hbm>>, %arg6: memref<2x10240x64xf32, #tpu.memory_space<hbm>>, %arg7: memref<20x2x128xi32, #tpu.memory_space<vmem>>, %arg8: memref<20x2x128xi32, #tpu.memory_space<vmem>>, %arg9: memref<128x64xf32, #tpu.memory_space<vmem>>, %arg10: memref<128x64xf32, #tpu.memory_space<vmem>>, %arg11: memref<128x64xf32, #tpu.memory_space<vmem>>, %arg12: memref<128x64xf32, #tpu.memory_space<vmem>>, %arg13: memref<10240x64xf32, #tpu.memory_space<vmem_shared>>, %arg14: memref<10240x64xf32, #tpu.memory_space<vmem_shared>>, %arg15: memref<!tpu.dma_semaphore, #tpu.memory_space<semaphore_mem>>, %arg16: memref<!tpu.dma_semaphore, #tpu.memory_space<semaphore_mem>>, %arg17: memref<!tpu.dma_semaphore, #tpu.memory_space<semaphore_mem>>, %arg18: memref<!tpu.dma_semaphore, #tpu.memory_space<semaphore_mem>>, %arg19: memref<!tpu.dma_semaphore, #tpu.memory_space<semaphore_mem>>, %arg20: memref<!tpu.dma_semaphore, #tpu.memory_space<semaphore_mem>>, %arg21: memref<!tpu.dma_semaphore, #tpu.memory_space<semaphore_mem>>, %arg22: memref<!tpu.dma_semaphore, #tpu.memory_space<semaphore_mem>>, %arg23: memref<!tpu.dma_semaphore, #tpu.memory_space<semaphore_mem>>, %arg24: memref<!tpu.dma_semaphore, #tpu.memory_space<semaphore_mem>>) attributes {dimension_semantics = [#tpu.dimension_semantics<core_parallel>, #tpu.dimension_semantics<subcore_parallel>], iteration_bounds = array<i64: 2, 16>, scalar_prefetch = 0 : i64, scratch_operands = 18 : i64, tpu.core_type = #tpu.core_type<sc_vector_subcore>, window_params = [{transform_indices = #map}, {transform_indices = #map}, {transform_indices = #map1}, {transform_indices = #map}, {transform_indices = #map1}]} {
    %mul3A = arith.constant 160 : i32
    %mul3A_0 = arith.muli %arg1, %mul3A : i32
    %mul3A_1 = arith.constant 640 : i32
    %mul3A_2 = arith.muli %arg1, %mul3A_1 : i32
    "tpu.region"() ({
      %run_scoped3A = tpu.sem_alloc : memref<!tpu.dma_semaphore, #tpu.memory_space<semaphore_mem>>
      %dma_start3A_25 = arith.constant 0 : i32
      %dma_start3A_26 = tpu.memref_slice %arg13[%mul3A_2, %dma_start3A_25] : memref<10240x64xf32, #tpu.memory_space<vmem_shared>> -> memref<640x64xf32, #tpu.memory_space<vmem_shared>>
      tpu.enqueue_dma source(%arg5 : memref<640x64xf32, #tpu.memory_space<hbm>>) target(%dma_start3A_26 : memref<640x64xf32, #tpu.memory_space<vmem_shared>>) target_semaphore(%run_scoped3A : memref<!tpu.dma_semaphore, #tpu.memory_space<semaphore_mem>>)
      %dma_wait3A = arith.constant 0 : i32
      %dma_wait3A_27 = tpu.memref_slice %arg13[%mul3A_2, %dma_wait3A] : memref<10240x64xf32, #tpu.memory_space<vmem_shared>> -> memref<640x64xf32, #tpu.memory_space<vmem_shared>>
      tpu.wait_dma2 semaphore(%run_scoped3A : memref<!tpu.dma_semaphore, #tpu.memory_space<semaphore_mem>>) src(%arg5 : memref<640x64xf32, #tpu.memory_space<hbm>>) dst(%dma_wait3A_27 : memref<640x64xf32, #tpu.memory_space<vmem_shared>>)
      tpu.yield
    }) : () -> ()
    %dma_start3A = arith.constant 0 : i32
    %dma_start3A_3 = arith.constant 0 : i32
    %dma_start3A_4 = tpu.memref_slice %arg4[%mul3A_0, %dma_start3A, %dma_start3A_3] : memref<2560x2x128xi32, #tpu.memory_space<hbm>> -> memref<20x2x128xi32, #tpu.memory_space<hbm>>
    %dma_start3A_5 = arith.constant 0 : i32
    %dma_start3A_6 = arith.constant 0 : i32
    %dma_start3A_7 = tpu.memref_slice %arg4[%mul3A_0, %dma_start3A_5, %dma_start3A_6] : memref<2560x2x128xi32, #tpu.memory_space<hbm>> -> memref<20x2x128xi32, #tpu.memory_space<hbm>>
    tpu.enqueue_dma source(%dma_start3A_7 : memref<20x2x128xi32, #tpu.memory_space<hbm>>) target(%arg7 : memref<20x2x128xi32, #tpu.memory_space<vmem>>) target_semaphore(%arg23 : memref<!tpu.dma_semaphore, #tpu.memory_space<semaphore_mem>>)
    %eq3A = arith.constant 0 : i32
    %eq3A_8 = arith.cmpi eq, %arg0, %eq3A : i32
    %convert_element_type3A = arith.extui %eq3A_8 : i1 to i32
    %cond3A = arith.constant 0 : i32
    %cond3A_9 = arith.cmpi ne, %convert_element_type3A, %cond3A : i32
    scf.if %cond3A_9 {
      %mul3A_25 = arith.constant 640 : i32
      %mul3A_26 = arith.muli %arg1, %mul3A_25 : i32
      %mul3A_27 = arith.constant 640 : i32
      %mul3A_28 = arith.muli %arg1, %mul3A_27 : i32
      "tpu.region"() ({
        %run_scoped3A = tpu.sem_alloc : memref<!tpu.dma_semaphore, #tpu.memory_space<semaphore_mem>>
        %dma_start3A_29 = arith.constant 0 : i32
        %dma_start3A_30 = tpu.memref_slice %arg14[%mul3A_28, %dma_start3A_29] : memref<10240x64xf32, #tpu.memory_space<vmem_shared>> -> memref<640x64xf32, #tpu.memory_space<vmem_shared>>
        %dma_start3A_31 = arith.constant 0 : i32
        %dma_start3A_32 = tpu.memref_slice %arg2[%mul3A_26, %dma_start3A_31] : memref<10240x64xf32, #tpu.memory_space<hbm>> -> memref<640x64xf32, #tpu.memory_space<hbm>>
        tpu.enqueue_dma source(%dma_start3A_32 : memref<640x64xf32, #tpu.memory_space<hbm>>) target(%dma_start3A_30 : memref<640x64xf32, #tpu.memory_space<vmem_shared>>) target_semaphore(%run_scoped3A : memref<!tpu.dma_semaphore, #tpu.memory_space<semaphore_mem>>)
        %dma_wait3A = arith.constant 0 : i32
        %dma_wait3A_33 = tpu.memref_slice %arg14[%mul3A_28, %dma_wait3A] : memref<10240x64xf32, #tpu.memory_space<vmem_shared>> -> memref<640x64xf32, #tpu.memory_space<vmem_shared>>
        %dma_wait3A_34 = arith.constant 0 : i32
        %dma_wait3A_35 = tpu.memref_slice %arg2[%mul3A_26, %dma_wait3A_34] : memref<10240x64xf32, #tpu.memory_space<hbm>> -> memref<640x64xf32, #tpu.memory_space<hbm>>
        tpu.wait_dma2 semaphore(%run_scoped3A : memref<!tpu.dma_semaphore, #tpu.memory_space<semaphore_mem>>) src(%dma_wait3A_35 : memref<640x64xf32, #tpu.memory_space<hbm>>) dst(%dma_wait3A_33 : memref<640x64xf32, #tpu.memory_space<vmem_shared>>)
        tpu.yield
      }) : () -> ()
    } else {
    }
    %eq3A_10 = arith.constant 1 : i32
    %eq3A_11 = arith.cmpi eq, %arg0, %eq3A_10 : i32
    %convert_element_type3A_12 = arith.extui %eq3A_11 : i1 to i32
    %cond3A_13 = arith.constant 0 : i32
    %cond3A_14 = arith.cmpi ne, %convert_element_type3A_12, %cond3A_13 : i32
    scf.if %cond3A_14 {
      %mul3A_25 = arith.constant 640 : i32
      %mul3A_26 = arith.muli %arg1, %mul3A_25 : i32
      %mul3A_27 = arith.constant 640 : i32
      %mul3A_28 = arith.muli %arg1, %mul3A_27 : i32
      "tpu.region"() ({
        %run_scoped3A = tpu.sem_alloc : memref<!tpu.dma_semaphore, #tpu.memory_space<semaphore_mem>>
        %dma_start3A_29 = arith.constant 0 : i32
        %dma_start3A_30 = tpu.memref_slice %arg14[%mul3A_28, %dma_start3A_29] : memref<10240x64xf32, #tpu.memory_space<vmem_shared>> -> memref<640x64xf32, #tpu.memory_space<vmem_shared>>
        %dma_start3A_31 = arith.constant 0 : i32
        %dma_start3A_32 = tpu.memref_slice %arg3[%mul3A_26, %dma_start3A_31] : memref<10240x64xf32, #tpu.memory_space<hbm>> -> memref<640x64xf32, #tpu.memory_space<hbm>>
        tpu.enqueue_dma source(%dma_start3A_32 : memref<640x64xf32, #tpu.memory_space<hbm>>) target(%dma_start3A_30 : memref<640x64xf32, #tpu.memory_space<vmem_shared>>) target_semaphore(%run_scoped3A : memref<!tpu.dma_semaphore, #tpu.memory_space<semaphore_mem>>)
        %dma_wait3A = arith.constant 0 : i32
        %dma_wait3A_33 = tpu.memref_slice %arg14[%mul3A_28, %dma_wait3A] : memref<10240x64xf32, #tpu.memory_space<vmem_shared>> -> memref<640x64xf32, #tpu.memory_space<vmem_shared>>
        %dma_wait3A_34 = arith.constant 0 : i32
        %dma_wait3A_35 = tpu.memref_slice %arg3[%mul3A_26, %dma_wait3A_34] : memref<10240x64xf32, #tpu.memory_space<hbm>> -> memref<640x64xf32, #tpu.memory_space<hbm>>
        tpu.wait_dma2 semaphore(%run_scoped3A : memref<!tpu.dma_semaphore, #tpu.memory_space<semaphore_mem>>) src(%dma_wait3A_35 : memref<640x64xf32, #tpu.memory_space<hbm>>) dst(%dma_wait3A_33 : memref<640x64xf32, #tpu.memory_space<vmem_shared>>)
        tpu.yield
      }) : () -> ()
    } else {
    }
    %barrier3A = arith.constant 0 : index
    tpu.barrier barrier_id(%barrier3A)
    %scan3A = arith.constant 0 : i32
    %scan3A_15 = arith.constant 0 : i32
    %scan3A_16 = arith.constant 4 : i32
    %scan3A_17 = arith.addi %scan3A_15, %scan3A_16 : i32
    %scan3A_18 = arith.constant 1 : i32
    scf.for %scan3A_25 = %scan3A_15 to %scan3A_17 step %scan3A_18  : i32 {
      %mul3A_26 = arith.constant 2 : i32
      %mul3A_27 = arith.muli %scan3A_25, %mul3A_26 : i32
      %mul3A_28 = arith.constant 20 : i32
      %mul3A_29 = arith.muli %mul3A_27, %mul3A_28 : i32
      %add3A = arith.addi %mul3A_0, %mul3A_29 : i32
      %dma_wait3A = arith.constant 0 : i32
      %dma_wait3A_30 = arith.constant 0 : i32
      %dma_wait3A_31 = tpu.memref_slice %arg4[%add3A, %dma_wait3A, %dma_wait3A_30] : memref<2560x2x128xi32, #tpu.memory_space<hbm>> -> memref<20x2x128xi32, #tpu.memory_space<hbm>>
      %dma_wait3A_32 = arith.constant 0 : i32
      %dma_wait3A_33 = arith.constant 0 : i32
      %dma_wait3A_34 = tpu.memref_slice %arg4[%add3A, %dma_wait3A_32, %dma_wait3A_33] : memref<2560x2x128xi32, #tpu.memory_space<hbm>> -> memref<20x2x128xi32, #tpu.memory_space<hbm>>
      tpu.wait_dma2 semaphore(%arg23 : memref<!tpu.dma_semaphore, #tpu.memory_space<semaphore_mem>>) src(%dma_wait3A_34 : memref<20x2x128xi32, #tpu.memory_space<hbm>>) dst(%arg7 : memref<20x2x128xi32, #tpu.memory_space<vmem>>)
      %add3A_35 = arith.constant 20 : i32
      %add3A_36 = arith.addi %add3A, %add3A_35 : i32
      %dma_start3A_37 = arith.constant 0 : i32
      %dma_start3A_38 = arith.constant 0 : i32
      %dma_start3A_39 = tpu.memref_slice %arg4[%add3A_36, %dma_start3A_37, %dma_start3A_38] : memref<2560x2x128xi32, #tpu.memory_space<hbm>> -> memref<20x2x128xi32, #tpu.memory_space<hbm>>
      %dma_start3A_40 = arith.constant 0 : i32
      %dma_start3A_41 = arith.constant 0 : i32
      %dma_start3A_42 = tpu.memref_slice %arg4[%add3A_36, %dma_start3A_40, %dma_start3A_41] : memref<2560x2x128xi32, #tpu.memory_space<hbm>> -> memref<20x2x128xi32, #tpu.memory_space<hbm>>
      tpu.enqueue_dma source(%dma_start3A_42 : memref<20x2x128xi32, #tpu.memory_space<hbm>>) target(%arg8 : memref<20x2x128xi32, #tpu.memory_space<vmem>>) target_semaphore(%arg24 : memref<!tpu.dma_semaphore, #tpu.memory_space<semaphore_mem>>)
      %scan3A_43 = arith.constant 0 : i32
      %scan3A_44 = arith.constant 0 : i32
      %scan3A_45 = arith.constant 5 : i32
      %scan3A_46 = arith.addi %scan3A_44, %scan3A_45 : i32
      %scan3A_47 = arith.constant 1 : i32
      scf.for %scan3A_133 = %scan3A_44 to %scan3A_46 step %scan3A_47  : i32 {
        %mul3A_134 = arith.constant 4 : i32
        %mul3A_135 = arith.muli %scan3A_133, %mul3A_134 : i32
        %gt3A = arith.constant 0 : i32
        %gt3A_136 = arith.cmpi sgt, %scan3A_133, %gt3A : i32
        %convert_element_type3A_137 = arith.extui %gt3A_136 : i1 to i32
        %cond3A_138 = arith.constant 0 : i32
        %cond3A_139 = arith.cmpi ne, %convert_element_type3A_137, %cond3A_138 : i32
        scf.if %cond3A_139 {
          %sub3A = arith.constant 4 : i32
          %sub3A_255 = arith.subi %mul3A_135, %sub3A : i32
          %add3A_256 = arith.constant 0 : i32
          %add3A_257 = arith.addi %sub3A_255, %add3A_256 : i32
          %dma_wait3A_258 = arith.constant 1 : i32
          %dma_wait3A_259 = arith.constant 0 : i32
          %dma_wait3A_260 = tpu.memref_slice %arg7[%add3A_257, %dma_wait3A_258, %dma_wait3A_259] : memref<20x2x128xi32, #tpu.memory_space<vmem>> -> memref<1x1x128xi32, #tpu.memory_space<vmem>>
          %dma_wait3A_261 = tpu.memref_squeeze %dma_wait3A_260 : memref<1x1x128xi32, #tpu.memory_space<vmem>> -> memref<128xi32, #tpu.memory_space<vmem>>
          %dma_wait3A_262 = arith.constant 0 : i32
          %dma_wait3A_263 = arith.constant 0 : i32
          %dma_wait3A_264 = tpu.memref_slice %arg13[%dma_wait3A_262, %dma_wait3A_263] : memref<10240x64xf32, #tpu.memory_space<vmem_shared>> -> memref<10240x64xf32, #tpu.memory_space<vmem_shared>>
          tpu.wait_indirect_dma semaphore(%arg19 : memref<!tpu.dma_semaphore, #tpu.memory_space<semaphore_mem>>) src(%arg9 : memref<128x64xf32, #tpu.memory_space<vmem>>) dst(%dma_wait3A_264 : memref<10240x64xf32, #tpu.memory_space<vmem_shared>>)
        } else {
        }
        %add3A_140 = arith.constant 0 : i32
        %add3A_141 = arith.addi %mul3A_135, %add3A_140 : i32
        %dma_start3A_142 = arith.constant 0 : i32
        %dma_start3A_143 = arith.constant 0 : i32
        %dma_start3A_144 = tpu.memref_slice %arg7[%add3A_141, %dma_start3A_142, %dma_start3A_143] : memref<20x2x128xi32, #tpu.memory_space<vmem>> -> memref<1x1x128xi32, #tpu.memory_space<vmem>>
        %dma_start3A_145 = tpu.memref_squeeze %dma_start3A_144 : memref<1x1x128xi32, #tpu.memory_space<vmem>> -> memref<128xi32, #tpu.memory_space<vmem>>
        %dma_start3A_146 = arith.constant 0 : i32
        %dma_start3A_147 = arith.constant 0 : i32
        %dma_start3A_148 = tpu.memref_slice %arg14[%dma_start3A_146, %dma_start3A_147] : memref<10240x64xf32, #tpu.memory_space<vmem_shared>> -> memref<10240x64xf32, #tpu.memory_space<vmem_shared>>
        tpu.enqueue_indirect_dma source(%dma_start3A_148 : memref<10240x64xf32, #tpu.memory_space<vmem_shared>>) target(%arg9 : memref<128x64xf32, #tpu.memory_space<vmem>>) offsets(%dma_start3A_145 : memref<128xi32, #tpu.memory_space<vmem>>) semaphore(%arg15 : memref<!tpu.dma_semaphore, #tpu.memory_space<semaphore_mem>>)
        %gt3A_149 = arith.constant 0 : i32
        %gt3A_150 = arith.cmpi sgt, %scan3A_133, %gt3A_149 : i32
        %convert_element_type3A_151 = arith.extui %gt3A_150 : i1 to i32
        %cond3A_152 = arith.constant 0 : i32
        %cond3A_153 = arith.cmpi ne, %convert_element_type3A_151, %cond3A_152 : i32
        scf.if %cond3A_153 {
          %sub3A = arith.constant 4 : i32
          %sub3A_255 = arith.subi %mul3A_135, %sub3A : i32
          %add3A_256 = arith.constant 1 : i32
          %add3A_257 = arith.addi %sub3A_255, %add3A_256 : i32
          %dma_wait3A_258 = arith.constant 1 : i32
          %dma_wait3A_259 = arith.constant 0 : i32
          %dma_wait3A_260 = tpu.memref_slice %arg7[%add3A_257, %dma_wait3A_258, %dma_wait3A_259] : memref<20x2x128xi32, #tpu.memory_space<vmem>> -> memref<1x1x128xi32, #tpu.memory_space<vmem>>
          %dma_wait3A_261 = tpu.memref_squeeze %dma_wait3A_260 : memref<1x1x128xi32, #tpu.memory_space<vmem>> -> memref<128xi32, #tpu.memory_space<vmem>>
          %dma_wait3A_262 = arith.constant 0 : i32
          %dma_wait3A_263 = arith.constant 0 : i32
          %dma_wait3A_264 = tpu.memref_slice %arg13[%dma_wait3A_262, %dma_wait3A_263] : memref<10240x64xf32, #tpu.memory_space<vmem_shared>> -> memref<10240x64xf32, #tpu.memory_space<vmem_shared>>
          tpu.wait_indirect_dma semaphore(%arg20 : memref<!tpu.dma_semaphore, #tpu.memory_space<semaphore_mem>>) src(%arg10 : memref<128x64xf32, #tpu.memory_space<vmem>>) dst(%dma_wait3A_264 : memref<10240x64xf32, #tpu.memory_space<vmem_shared>>)
        } else {
        }
        %add3A_154 = arith.constant 1 : i32
        %add3A_155 = arith.addi %mul3A_135, %add3A_154 : i32
        %dma_start3A_156 = arith.constant 0 : i32
        %dma_start3A_157 = arith.constant 0 : i32
        %dma_start3A_158 = tpu.memref_slice %arg7[%add3A_155, %dma_start3A_156, %dma_start3A_157] : memref<20x2x128xi32, #tpu.memory_space<vmem>> -> memref<1x1x128xi32, #tpu.memory_space<vmem>>
        %dma_start3A_159 = tpu.memref_squeeze %dma_start3A_158 : memref<1x1x128xi32, #tpu.memory_space<vmem>> -> memref<128xi32, #tpu.memory_space<vmem>>
        %dma_start3A_160 = arith.constant 0 : i32
        %dma_start3A_161 = arith.constant 0 : i32
        %dma_start3A_162 = tpu.memref_slice %arg14[%dma_start3A_160, %dma_start3A_161] : memref<10240x64xf32, #tpu.memory_space<vmem_shared>> -> memref<10240x64xf32, #tpu.memory_space<vmem_shared>>
        tpu.enqueue_indirect_dma source(%dma_start3A_162 : memref<10240x64xf32, #tpu.memory_space<vmem_shared>>) target(%arg10 : memref<128x64xf32, #tpu.memory_space<vmem>>) offsets(%dma_start3A_159 : memref<128xi32, #tpu.memory_space<vmem>>) semaphore(%arg16 : memref<!tpu.dma_semaphore, #tpu.memory_space<semaphore_mem>>)
        %gt3A_163 = arith.constant 0 : i32
        %gt3A_164 = arith.cmpi sgt, %scan3A_133, %gt3A_163 : i32
        %convert_element_type3A_165 = arith.extui %gt3A_164 : i1 to i32
        %cond3A_166 = arith.constant 0 : i32
        %cond3A_167 = arith.cmpi ne, %convert_element_type3A_165, %cond3A_166 : i32
        scf.if %cond3A_167 {
          %sub3A = arith.constant 4 : i32
          %sub3A_255 = arith.subi %mul3A_135, %sub3A : i32
          %add3A_256 = arith.constant 2 : i32
          %add3A_257 = arith.addi %sub3A_255, %add3A_256 : i32
          %dma_wait3A_258 = arith.constant 1 : i32
          %dma_wait3A_259 = arith.constant 0 : i32
          %dma_wait3A_260 = tpu.memref_slice %arg7[%add3A_257, %dma_wait3A_258, %dma_wait3A_259] : memref<20x2x128xi32, #tpu.memory_space<vmem>> -> memref<1x1x128xi32, #tpu.memory_space<vmem>>
          %dma_wait3A_261 = tpu.memref_squeeze %dma_wait3A_260 : memref<1x1x128xi32, #tpu.memory_space<vmem>> -> memref<128xi32, #tpu.memory_space<vmem>>
          %dma_wait3A_262 = arith.constant 0 : i32
          %dma_wait3A_263 = arith.constant 0 : i32
          %dma_wait3A_264 = tpu.memref_slice %arg13[%dma_wait3A_262, %dma_wait3A_263] : memref<10240x64xf32, #tpu.memory_space<vmem_shared>> -> memref<10240x64xf32, #tpu.memory_space<vmem_shared>>
          tpu.wait_indirect_dma semaphore(%arg21 : memref<!tpu.dma_semaphore, #tpu.memory_space<semaphore_mem>>) src(%arg11 : memref<128x64xf32, #tpu.memory_space<vmem>>) dst(%dma_wait3A_264 : memref<10240x64xf32, #tpu.memory_space<vmem_shared>>)
        } else {
        }
        %add3A_168 = arith.constant 2 : i32
        %add3A_169 = arith.addi %mul3A_135, %add3A_168 : i32
        %dma_start3A_170 = arith.constant 0 : i32
        %dma_start3A_171 = arith.constant 0 : i32
        %dma_start3A_172 = tpu.memref_slice %arg7[%add3A_169, %dma_start3A_170, %dma_start3A_171] : memref<20x2x128xi32, #tpu.memory_space<vmem>> -> memref<1x1x128xi32, #tpu.memory_space<vmem>>
        %dma_start3A_173 = tpu.memref_squeeze %dma_start3A_172 : memref<1x1x128xi32, #tpu.memory_space<vmem>> -> memref<128xi32, #tpu.memory_space<vmem>>
        %dma_start3A_174 = arith.constant 0 : i32
        %dma_start3A_175 = arith.constant 0 : i32
        %dma_start3A_176 = tpu.memref_slice %arg14[%dma_start3A_174, %dma_start3A_175] : memref<10240x64xf32, #tpu.memory_space<vmem_shared>> -> memref<10240x64xf32, #tpu.memory_space<vmem_shared>>
        tpu.enqueue_indirect_dma source(%dma_start3A_176 : memref<10240x64xf32, #tpu.memory_space<vmem_shared>>) target(%arg11 : memref<128x64xf32, #tpu.memory_space<vmem>>) offsets(%dma_start3A_173 : memref<128xi32, #tpu.memory_space<vmem>>) semaphore(%arg17 : memref<!tpu.dma_semaphore, #tpu.memory_space<semaphore_mem>>)
        %gt3A_177 = arith.constant 0 : i32
        %gt3A_178 = arith.cmpi sgt, %scan3A_133, %gt3A_177 : i32
        %convert_element_type3A_179 = arith.extui %gt3A_178 : i1 to i32
        %cond3A_180 = arith.constant 0 : i32
        %cond3A_181 = arith.cmpi ne, %convert_element_type3A_179, %cond3A_180 : i32
        scf.if %cond3A_181 {
          %sub3A = arith.constant 4 : i32
          %sub3A_255 = arith.subi %mul3A_135, %sub3A : i32
          %add3A_256 = arith.constant 3 : i32
          %add3A_257 = arith.addi %sub3A_255, %add3A_256 : i32
          %dma_wait3A_258 = arith.constant 1 : i32
          %dma_wait3A_259 = arith.constant 0 : i32
          %dma_wait3A_260 = tpu.memref_slice %arg7[%add3A_257, %dma_wait3A_258, %dma_wait3A_259] : memref<20x2x128xi32, #tpu.memory_space<vmem>> -> memref<1x1x128xi32, #tpu.memory_space<vmem>>
          %dma_wait3A_261 = tpu.memref_squeeze %dma_wait3A_260 : memref<1x1x128xi32, #tpu.memory_space<vmem>> -> memref<128xi32, #tpu.memory_space<vmem>>
          %dma_wait3A_262 = arith.constant 0 : i32
          %dma_wait3A_263 = arith.constant 0 : i32
          %dma_wait3A_264 = tpu.memref_slice %arg13[%dma_wait3A_262, %dma_wait3A_263] : memref<10240x64xf32, #tpu.memory_space<vmem_shared>> -> memref<10240x64xf32, #tpu.memory_space<vmem_shared>>
          tpu.wait_indirect_dma semaphore(%arg22 : memref<!tpu.dma_semaphore, #tpu.memory_space<semaphore_mem>>) src(%arg12 : memref<128x64xf32, #tpu.memory_space<vmem>>) dst(%dma_wait3A_264 : memref<10240x64xf32, #tpu.memory_space<vmem_shared>>)
        } else {
        }
        %add3A_182 = arith.constant 3 : i32
        %add3A_183 = arith.addi %mul3A_135, %add3A_182 : i32
        %dma_start3A_184 = arith.constant 0 : i32
        %dma_start3A_185 = arith.constant 0 : i32
        %dma_start3A_186 = tpu.memref_slice %arg7[%add3A_183, %dma_start3A_184, %dma_start3A_185] : memref<20x2x128xi32, #tpu.memory_space<vmem>> -> memref<1x1x128xi32, #tpu.memory_space<vmem>>
        %dma_start3A_187 = tpu.memref_squeeze %dma_start3A_186 : memref<1x1x128xi32, #tpu.memory_space<vmem>> -> memref<128xi32, #tpu.memory_space<vmem>>
        %dma_start3A_188 = arith.constant 0 : i32
        %dma_start3A_189 = arith.constant 0 : i32
        %dma_start3A_190 = tpu.memref_slice %arg14[%dma_start3A_188, %dma_start3A_189] : memref<10240x64xf32, #tpu.memory_space<vmem_shared>> -> memref<10240x64xf32, #tpu.memory_space<vmem_shared>>
        tpu.enqueue_indirect_dma source(%dma_start3A_190 : memref<10240x64xf32, #tpu.memory_space<vmem_shared>>) target(%arg12 : memref<128x64xf32, #tpu.memory_space<vmem>>) offsets(%dma_start3A_187 : memref<128xi32, #tpu.memory_space<vmem>>) semaphore(%arg18 : memref<!tpu.dma_semaphore, #tpu.memory_space<semaphore_mem>>)
        %dma_wait3A_191 = arith.constant 0 : i32
        %dma_wait3A_192 = arith.constant 0 : i32
        %dma_wait3A_193 = tpu.memref_slice %arg7[%add3A_141, %dma_wait3A_191, %dma_wait3A_192] : memref<20x2x128xi32, #tpu.memory_space<vmem>> -> memref<1x1x128xi32, #tpu.memory_space<vmem>>
        %dma_wait3A_194 = tpu.memref_squeeze %dma_wait3A_193 : memref<1x1x128xi32, #tpu.memory_space<vmem>> -> memref<128xi32, #tpu.memory_space<vmem>>
        %dma_wait3A_195 = arith.constant 0 : i32
        %dma_wait3A_196 = arith.constant 0 : i32
        %dma_wait3A_197 = tpu.memref_slice %arg14[%dma_wait3A_195, %dma_wait3A_196] : memref<10240x64xf32, #tpu.memory_space<vmem_shared>> -> memref<10240x64xf32, #tpu.memory_space<vmem_shared>>
        tpu.wait_indirect_dma semaphore(%arg15 : memref<!tpu.dma_semaphore, #tpu.memory_space<semaphore_mem>>) src(%dma_wait3A_197 : memref<10240x64xf32, #tpu.memory_space<vmem_shared>>) dst(%arg9 : memref<128x64xf32, #tpu.memory_space<vmem>>)
        %add3A_198 = arith.constant 0 : i32
        %add3A_199 = arith.addi %mul3A_135, %add3A_198 : i32
        %dma_start3A_200 = arith.constant 1 : i32
        %dma_start3A_201 = arith.constant 0 : i32
        %dma_start3A_202 = tpu.memref_slice %arg7[%add3A_199, %dma_start3A_200, %dma_start3A_201] : memref<20x2x128xi32, #tpu.memory_space<vmem>> -> memref<1x1x128xi32, #tpu.memory_space<vmem>>
        %dma_start3A_203 = tpu.memref_squeeze %dma_start3A_202 : memref<1x1x128xi32, #tpu.memory_space<vmem>> -> memref<128xi32, #tpu.memory_space<vmem>>
        %dma_start3A_204 = arith.constant 0 : i32
        %dma_start3A_205 = arith.constant 0 : i32
        %dma_start3A_206 = tpu.memref_slice %arg13[%dma_start3A_204, %dma_start3A_205] : memref<10240x64xf32, #tpu.memory_space<vmem_shared>> -> memref<10240x64xf32, #tpu.memory_space<vmem_shared>>
        tpu.enqueue_indirect_dma source(%arg9 : memref<128x64xf32, #tpu.memory_space<vmem>>) target(%dma_start3A_206 : memref<10240x64xf32, #tpu.memory_space<vmem_shared>>) offsets(%dma_start3A_203 : memref<128xi32, #tpu.memory_space<vmem>>) semaphore(%arg19 : memref<!tpu.dma_semaphore, #tpu.memory_space<semaphore_mem>>) {add = true}
        %dma_wait3A_207 = arith.constant 0 : i32
        %dma_wait3A_208 = arith.constant 0 : i32
        %dma_wait3A_209 = tpu.memref_slice %arg7[%add3A_155, %dma_wait3A_207, %dma_wait3A_208] : memref<20x2x128xi32, #tpu.memory_space<vmem>> -> memref<1x1x128xi32, #tpu.memory_space<vmem>>
        %dma_wait3A_210 = tpu.memref_squeeze %dma_wait3A_209 : memref<1x1x128xi32, #tpu.memory_space<vmem>> -> memref<128xi32, #tpu.memory_space<vmem>>
        %dma_wait3A_211 = arith.constant 0 : i32
        %dma_wait3A_212 = arith.constant 0 : i32
        %dma_wait3A_213 = tpu.memref_slice %arg14[%dma_wait3A_211, %dma_wait3A_212] : memref<10240x64xf32, #tpu.memory_space<vmem_shared>> -> memref<10240x64xf32, #tpu.memory_space<vmem_shared>>
        tpu.wait_indirect_dma semaphore(%arg16 : memref<!tpu.dma_semaphore, #tpu.memory_space<semaphore_mem>>) src(%dma_wait3A_213 : memref<10240x64xf32, #tpu.memory_space<vmem_shared>>) dst(%arg10 : memref<128x64xf32, #tpu.memory_space<vmem>>)
        %add3A_214 = arith.constant 1 : i32
        %add3A_215 = arith.addi %mul3A_135, %add3A_214 : i32
        %dma_start3A_216 = arith.constant 1 : i32
        %dma_start3A_217 = arith.constant 0 : i32
        %dma_start3A_218 = tpu.memref_slice %arg7[%add3A_215, %dma_start3A_216, %dma_start3A_217] : memref<20x2x128xi32, #tpu.memory_space<vmem>> -> memref<1x1x128xi32, #tpu.memory_space<vmem>>
        %dma_start3A_219 = tpu.memref_squeeze %dma_start3A_218 : memref<1x1x128xi32, #tpu.memory_space<vmem>> -> memref<128xi32, #tpu.memory_space<vmem>>
        %dma_start3A_220 = arith.constant 0 : i32
        %dma_start3A_221 = arith.constant 0 : i32
        %dma_start3A_222 = tpu.memref_slice %arg13[%dma_start3A_220, %dma_start3A_221] : memref<10240x64xf32, #tpu.memory_space<vmem_shared>> -> memref<10240x64xf32, #tpu.memory_space<vmem_shared>>
        tpu.enqueue_indirect_dma source(%arg10 : memref<128x64xf32, #tpu.memory_space<vmem>>) target(%dma_start3A_222 : memref<10240x64xf32, #tpu.memory_space<vmem_shared>>) offsets(%dma_start3A_219 : memref<128xi32, #tpu.memory_space<vmem>>) semaphore(%arg20 : memref<!tpu.dma_semaphore, #tpu.memory_space<semaphore_mem>>) {add = true}
        %dma_wait3A_223 = arith.constant 0 : i32
        %dma_wait3A_224 = arith.constant 0 : i32
        %dma_wait3A_225 = tpu.memref_slice %arg7[%add3A_169, %dma_wait3A_223, %dma_wait3A_224] : memref<20x2x128xi32, #tpu.memory_space<vmem>> -> memref<1x1x128xi32, #tpu.memory_space<vmem>>
        %dma_wait3A_226 = tpu.memref_squeeze %dma_wait3A_225 : memref<1x1x128xi32, #tpu.memory_space<vmem>> -> memref<128xi32, #tpu.memory_space<vmem>>
        %dma_wait3A_227 = arith.constant 0 : i32
        %dma_wait3A_228 = arith.constant 0 : i32
        %dma_wait3A_229 = tpu.memref_slice %arg14[%dma_wait3A_227, %dma_wait3A_228] : memref<10240x64xf32, #tpu.memory_space<vmem_shared>> -> memref<10240x64xf32, #tpu.memory_space<vmem_shared>>
        tpu.wait_indirect_dma semaphore(%arg17 : memref<!tpu.dma_semaphore, #tpu.memory_space<semaphore_mem>>) src(%dma_wait3A_229 : memref<10240x64xf32, #tpu.memory_space<vmem_shared>>) dst(%arg11 : memref<128x64xf32, #tpu.memory_space<vmem>>)
        %add3A_230 = arith.constant 2 : i32
        %add3A_231 = arith.addi %mul3A_135, %add3A_230 : i32
        %dma_start3A_232 = arith.constant 1 : i32
        %dma_start3A_233 = arith.constant 0 : i32
        %dma_start3A_234 = tpu.memref_slice %arg7[%add3A_231, %dma_start3A_232, %dma_start3A_233] : memref<20x2x128xi32, #tpu.memory_space<vmem>> -> memref<1x1x128xi32, #tpu.memory_space<vmem>>
        %dma_start3A_235 = tpu.memref_squeeze %dma_start3A_234 : memref<1x1x128xi32, #tpu.memory_space<vmem>> -> memref<128xi32, #tpu.memory_space<vmem>>
        %dma_start3A_236 = arith.constant 0 : i32
        %dma_start3A_237 = arith.constant 0 : i32
        %dma_start3A_238 = tpu.memref_slice %arg13[%dma_start3A_236, %dma_start3A_237] : memref<10240x64xf32, #tpu.memory_space<vmem_shared>> -> memref<10240x64xf32, #tpu.memory_space<vmem_shared>>
        tpu.enqueue_indirect_dma source(%arg11 : memref<128x64xf32, #tpu.memory_space<vmem>>) target(%dma_start3A_238 : memref<10240x64xf32, #tpu.memory_space<vmem_shared>>) offsets(%dma_start3A_235 : memref<128xi32, #tpu.memory_space<vmem>>) semaphore(%arg21 : memref<!tpu.dma_semaphore, #tpu.memory_space<semaphore_mem>>) {add = true}
        %dma_wait3A_239 = arith.constant 0 : i32
        %dma_wait3A_240 = arith.constant 0 : i32
        %dma_wait3A_241 = tpu.memref_slice %arg7[%add3A_183, %dma_wait3A_239, %dma_wait3A_240] : memref<20x2x128xi32, #tpu.memory_space<vmem>> -> memref<1x1x128xi32, #tpu.memory_space<vmem>>
        %dma_wait3A_242 = tpu.memref_squeeze %dma_wait3A_241 : memref<1x1x128xi32, #tpu.memory_space<vmem>> -> memref<128xi32, #tpu.memory_space<vmem>>
        %dma_wait3A_243 = arith.constant 0 : i32
        %dma_wait3A_244 = arith.constant 0 : i32
        %dma_wait3A_245 = tpu.memref_slice %arg14[%dma_wait3A_243, %dma_wait3A_244] : memref<10240x64xf32, #tpu.memory_space<vmem_shared>> -> memref<10240x64xf32, #tpu.memory_space<vmem_shared>>
        tpu.wait_indirect_dma semaphore(%arg18 : memref<!tpu.dma_semaphore, #tpu.memory_space<semaphore_mem>>) src(%dma_wait3A_245 : memref<10240x64xf32, #tpu.memory_space<vmem_shared>>) dst(%arg12 : memref<128x64xf32, #tpu.memory_space<vmem>>)
        %add3A_246 = arith.constant 3 : i32
        %add3A_247 = arith.addi %mul3A_135, %add3A_246 : i32
        %dma_start3A_248 = arith.constant 1 : i32
        %dma_start3A_249 = arith.constant 0 : i32
        %dma_start3A_250 = tpu.memref_slice %arg7[%add3A_247, %dma_start3A_248, %dma_start3A_249] : memref<20x2x128xi32, #tpu.memory_space<vmem>> -> memref<1x1x128xi32, #tpu.memory_space<vmem>>
        %dma_start3A_251 = tpu.memref_squeeze %dma_start3A_250 : memref<1x1x128xi32, #tpu.memory_space<vmem>> -> memref<128xi32, #tpu.memory_space<vmem>>
        %dma_start3A_252 = arith.constant 0 : i32
        %dma_start3A_253 = arith.constant 0 : i32
        %dma_start3A_254 = tpu.memref_slice %arg13[%dma_start3A_252, %dma_start3A_253] : memref<10240x64xf32, #tpu.memory_space<vmem_shared>> -> memref<10240x64xf32, #tpu.memory_space<vmem_shared>>
        tpu.enqueue_indirect_dma source(%arg12 : memref<128x64xf32, #tpu.memory_space<vmem>>) target(%dma_start3A_254 : memref<10240x64xf32, #tpu.memory_space<vmem_shared>>) offsets(%dma_start3A_251 : memref<128xi32, #tpu.memory_space<vmem>>) semaphore(%arg22 : memref<!tpu.dma_semaphore, #tpu.memory_space<semaphore_mem>>) {add = true}
      }
      %scan3A_48 = arith.constant 5 : i32
      %dma_wait3A_49 = arith.constant 16 : i32
      %dma_wait3A_50 = arith.constant 1 : i32
      %dma_wait3A_51 = arith.constant 0 : i32
      %dma_wait3A_52 = tpu.memref_slice %arg7[%dma_wait3A_49, %dma_wait3A_50, %dma_wait3A_51] : memref<20x2x128xi32, #tpu.memory_space<vmem>> -> memref<1x1x128xi32, #tpu.memory_space<vmem>>
      %dma_wait3A_53 = tpu.memref_squeeze %dma_wait3A_52 : memref<1x1x128xi32, #tpu.memory_space<vmem>> -> memref<128xi32, #tpu.memory_space<vmem>>
      %dma_wait3A_54 = arith.constant 0 : i32
      %dma_wait3A_55 = arith.constant 0 : i32
      %dma_wait3A_56 = tpu.memref_slice %arg13[%dma_wait3A_54, %dma_wait3A_55] : memref<10240x64xf32, #tpu.memory_space<vmem_shared>> -> memref<10240x64xf32, #tpu.memory_space<vmem_shared>>
      tpu.wait_indirect_dma semaphore(%arg19 : memref<!tpu.dma_semaphore, #tpu.memory_space<semaphore_mem>>) src(%arg9 : memref<128x64xf32, #tpu.memory_space<vmem>>) dst(%dma_wait3A_56 : memref<10240x64xf32, #tpu.memory_space<vmem_shared>>)
      %dma_wait3A_57 = arith.constant 17 : i32
      %dma_wait3A_58 = arith.constant 1 : i32
      %dma_wait3A_59 = arith.constant 0 : i32
      %dma_wait3A_60 = tpu.memref_slice %arg7[%dma_wait3A_57, %dma_wait3A_58, %dma_wait3A_59] : memref<20x2x128xi32, #tpu.memory_space<vmem>> -> memref<1x1x128xi32, #tpu.memory_space<vmem>>
      %dma_wait3A_61 = tpu.memref_squeeze %dma_wait3A_60 : memref<1x1x128xi32, #tpu.memory_space<vmem>> -> memref<128xi32, #tpu.memory_space<vmem>>
      %dma_wait3A_62 = arith.constant 0 : i32
      %dma_wait3A_63 = arith.constant 0 : i32
      %dma_wait3A_64 = tpu.memref_slice %arg13[%dma_wait3A_62, %dma_wait3A_63] : memref<10240x64xf32, #tpu.memory_space<vmem_shared>> -> memref<10240x64xf32, #tpu.memory_space<vmem_shared>>
      tpu.wait_indirect_dma semaphore(%arg20 : memref<!tpu.dma_semaphore, #tpu.memory_space<semaphore_mem>>) src(%arg10 : memref<128x64xf32, #tpu.memory_space<vmem>>) dst(%dma_wait3A_64 : memref<10240x64xf32, #tpu.memory_space<vmem_shared>>)
      %dma_wait3A_65 = arith.constant 18 : i32
      %dma_wait3A_66 = arith.constant 1 : i32
      %dma_wait3A_67 = arith.constant 0 : i32
      %dma_wait3A_68 = tpu.memref_slice %arg7[%dma_wait3A_65, %dma_wait3A_66, %dma_wait3A_67] : memref<20x2x128xi32, #tpu.memory_space<vmem>> -> memref<1x1x128xi32, #tpu.memory_space<vmem>>
      %dma_wait3A_69 = tpu.memref_squeeze %dma_wait3A_68 : memref<1x1x128xi32, #tpu.memory_space<vmem>> -> memref<128xi32, #tpu.memory_space<vmem>>
      %dma_wait3A_70 = arith.constant 0 : i32
      %dma_wait3A_71 = arith.constant 0 : i32
      %dma_wait3A_72 = tpu.memref_slice %arg13[%dma_wait3A_70, %dma_wait3A_71] : memref<10240x64xf32, #tpu.memory_space<vmem_shared>> -> memref<10240x64xf32, #tpu.memory_space<vmem_shared>>
      tpu.wait_indirect_dma semaphore(%arg21 : memref<!tpu.dma_semaphore, #tpu.memory_space<semaphore_mem>>) src(%arg11 : memref<128x64xf32, #tpu.memory_space<vmem>>) dst(%dma_wait3A_72 : memref<10240x64xf32, #tpu.memory_space<vmem_shared>>)
      %dma_wait3A_73 = arith.constant 19 : i32
      %dma_wait3A_74 = arith.constant 1 : i32
      %dma_wait3A_75 = arith.constant 0 : i32
      %dma_wait3A_76 = tpu.memref_slice %arg7[%dma_wait3A_73, %dma_wait3A_74, %dma_wait3A_75] : memref<20x2x128xi32, #tpu.memory_space<vmem>> -> memref<1x1x128xi32, #tpu.memory_space<vmem>>
      %dma_wait3A_77 = tpu.memref_squeeze %dma_wait3A_76 : memref<1x1x128xi32, #tpu.memory_space<vmem>> -> memref<128xi32, #tpu.memory_space<vmem>>
      %dma_wait3A_78 = arith.constant 0 : i32
      %dma_wait3A_79 = arith.constant 0 : i32
      %dma_wait3A_80 = tpu.memref_slice %arg13[%dma_wait3A_78, %dma_wait3A_79] : memref<10240x64xf32, #tpu.memory_space<vmem_shared>> -> memref<10240x64xf32, #tpu.memory_space<vmem_shared>>
      tpu.wait_indirect_dma semaphore(%arg22 : memref<!tpu.dma_semaphore, #tpu.memory_space<semaphore_mem>>) src(%arg12 : memref<128x64xf32, #tpu.memory_space<vmem>>) dst(%dma_wait3A_80 : memref<10240x64xf32, #tpu.memory_space<vmem_shared>>)
      %add3A_81 = arith.constant 20 : i32
      %add3A_82 = arith.addi %add3A, %add3A_81 : i32
      %dma_wait3A_83 = arith.constant 0 : i32
      %dma_wait3A_84 = arith.constant 0 : i32
      %dma_wait3A_85 = tpu.memref_slice %arg4[%add3A_82, %dma_wait3A_83, %dma_wait3A_84] : memref<2560x2x128xi32, #tpu.memory_space<hbm>> -> memref<20x2x128xi32, #tpu.memory_space<hbm>>
      %dma_wait3A_86 = arith.constant 0 : i32
      %dma_wait3A_87 = arith.constant 0 : i32
      %dma_wait3A_88 = tpu.memref_slice %arg4[%add3A_82, %dma_wait3A_86, %dma_wait3A_87] : memref<2560x2x128xi32, #tpu.memory_space<hbm>> -> memref<20x2x128xi32, #tpu.memory_space<hbm>>
      tpu.wait_dma2 semaphore(%arg24 : memref<!tpu.dma_semaphore, #tpu.memory_space<semaphore_mem>>) src(%dma_wait3A_88 : memref<20x2x128xi32, #tpu.memory_space<hbm>>) dst(%arg8 : memref<20x2x128xi32, #tpu.memory_space<vmem>>)
      %add3A_89 = arith.constant 1 : i32
      %add3A_90 = arith.addi %scan3A_25, %add3A_89 : i32
      %lt3A = arith.constant 4 : i32
      %lt3A_91 = arith.cmpi slt, %add3A_90, %lt3A : i32
      %convert_element_type3A_92 = arith.extui %lt3A_91 : i1 to i32
      %cond3A_93 = arith.constant 0 : i32
      %cond3A_94 = arith.cmpi ne, %convert_element_type3A_92, %cond3A_93 : i32
      scf.if %cond3A_94 {
        %add3A_133 = arith.constant 40 : i32
        %add3A_134 = arith.addi %add3A, %add3A_133 : i32
        %dma_start3A_135 = arith.constant 0 : i32
        %dma_start3A_136 = arith.constant 0 : i32
        %dma_start3A_137 = tpu.memref_slice %arg4[%add3A_134, %dma_start3A_135, %dma_start3A_136] : memref<2560x2x128xi32, #tpu.memory_space<hbm>> -> memref<20x2x128xi32, #tpu.memory_space<hbm>>
        %dma_start3A_138 = arith.constant 0 : i32
        %dma_start3A_139 = arith.constant 0 : i32
        %dma_start3A_140 = tpu.memref_slice %arg4[%add3A_134, %dma_start3A_138, %dma_start3A_139] : memref<2560x2x128xi32, #tpu.memory_space<hbm>> -> memref<20x2x128xi32, #tpu.memory_space<hbm>>
        tpu.enqueue_dma source(%dma_start3A_140 : memref<20x2x128xi32, #tpu.memory_space<hbm>>) target(%arg7 : memref<20x2x128xi32, #tpu.memory_space<vmem>>) target_semaphore(%arg23 : memref<!tpu.dma_semaphore, #tpu.memory_space<semaphore_mem>>)
      } else {
      }
      %scan3A_95 = arith.constant 0 : i32
      %scan3A_96 = arith.constant 0 : i32
      %scan3A_97 = arith.constant 5 : i32
      %scan3A_98 = arith.addi %scan3A_96, %scan3A_97 : i32
      %scan3A_99 = arith.constant 1 : i32
      scf.for %scan3A_133 = %scan3A_96 to %scan3A_98 step %scan3A_99  : i32 {
        %mul3A_134 = arith.constant 4 : i32
        %mul3A_135 = arith.muli %scan3A_133, %mul3A_134 : i32
        %gt3A = arith.constant 0 : i32
        %gt3A_136 = arith.cmpi sgt, %scan3A_133, %gt3A : i32
        %convert_element_type3A_137 = arith.extui %gt3A_136 : i1 to i32
        %cond3A_138 = arith.constant 0 : i32
        %cond3A_139 = arith.cmpi ne, %convert_element_type3A_137, %cond3A_138 : i32
        scf.if %cond3A_139 {
          %sub3A = arith.constant 4 : i32
          %sub3A_255 = arith.subi %mul3A_135, %sub3A : i32
          %add3A_256 = arith.constant 0 : i32
          %add3A_257 = arith.addi %sub3A_255, %add3A_256 : i32
          %dma_wait3A_258 = arith.constant 1 : i32
          %dma_wait3A_259 = arith.constant 0 : i32
          %dma_wait3A_260 = tpu.memref_slice %arg8[%add3A_257, %dma_wait3A_258, %dma_wait3A_259] : memref<20x2x128xi32, #tpu.memory_space<vmem>> -> memref<1x1x128xi32, #tpu.memory_space<vmem>>
          %dma_wait3A_261 = tpu.memref_squeeze %dma_wait3A_260 : memref<1x1x128xi32, #tpu.memory_space<vmem>> -> memref<128xi32, #tpu.memory_space<vmem>>
          %dma_wait3A_262 = arith.constant 0 : i32
          %dma_wait3A_263 = arith.constant 0 : i32
          %dma_wait3A_264 = tpu.memref_slice %arg13[%dma_wait3A_262, %dma_wait3A_263] : memref<10240x64xf32, #tpu.memory_space<vmem_shared>> -> memref<10240x64xf32, #tpu.memory_space<vmem_shared>>
          tpu.wait_indirect_dma semaphore(%arg19 : memref<!tpu.dma_semaphore, #tpu.memory_space<semaphore_mem>>) src(%arg9 : memref<128x64xf32, #tpu.memory_space<vmem>>) dst(%dma_wait3A_264 : memref<10240x64xf32, #tpu.memory_space<vmem_shared>>)
        } else {
        }
        %add3A_140 = arith.constant 0 : i32
        %add3A_141 = arith.addi %mul3A_135, %add3A_140 : i32
        %dma_start3A_142 = arith.constant 0 : i32
        %dma_start3A_143 = arith.constant 0 : i32
        %dma_start3A_144 = tpu.memref_slice %arg8[%add3A_141, %dma_start3A_142, %dma_start3A_143] : memref<20x2x128xi32, #tpu.memory_space<vmem>> -> memref<1x1x128xi32, #tpu.memory_space<vmem>>
        %dma_start3A_145 = tpu.memref_squeeze %dma_start3A_144 : memref<1x1x128xi32, #tpu.memory_space<vmem>> -> memref<128xi32, #tpu.memory_space<vmem>>
        %dma_start3A_146 = arith.constant 0 : i32
        %dma_start3A_147 = arith.constant 0 : i32
        %dma_start3A_148 = tpu.memref_slice %arg14[%dma_start3A_146, %dma_start3A_147] : memref<10240x64xf32, #tpu.memory_space<vmem_shared>> -> memref<10240x64xf32, #tpu.memory_space<vmem_shared>>
        tpu.enqueue_indirect_dma source(%dma_start3A_148 : memref<10240x64xf32, #tpu.memory_space<vmem_shared>>) target(%arg9 : memref<128x64xf32, #tpu.memory_space<vmem>>) offsets(%dma_start3A_145 : memref<128xi32, #tpu.memory_space<vmem>>) semaphore(%arg15 : memref<!tpu.dma_semaphore, #tpu.memory_space<semaphore_mem>>)
        %gt3A_149 = arith.constant 0 : i32
        %gt3A_150 = arith.cmpi sgt, %scan3A_133, %gt3A_149 : i32
        %convert_element_type3A_151 = arith.extui %gt3A_150 : i1 to i32
        %cond3A_152 = arith.constant 0 : i32
        %cond3A_153 = arith.cmpi ne, %convert_element_type3A_151, %cond3A_152 : i32
        scf.if %cond3A_153 {
          %sub3A = arith.constant 4 : i32
          %sub3A_255 = arith.subi %mul3A_135, %sub3A : i32
          %add3A_256 = arith.constant 1 : i32
          %add3A_257 = arith.addi %sub3A_255, %add3A_256 : i32
          %dma_wait3A_258 = arith.constant 1 : i32
          %dma_wait3A_259 = arith.constant 0 : i32
          %dma_wait3A_260 = tpu.memref_slice %arg8[%add3A_257, %dma_wait3A_258, %dma_wait3A_259] : memref<20x2x128xi32, #tpu.memory_space<vmem>> -> memref<1x1x128xi32, #tpu.memory_space<vmem>>
          %dma_wait3A_261 = tpu.memref_squeeze %dma_wait3A_260 : memref<1x1x128xi32, #tpu.memory_space<vmem>> -> memref<128xi32, #tpu.memory_space<vmem>>
          %dma_wait3A_262 = arith.constant 0 : i32
          %dma_wait3A_263 = arith.constant 0 : i32
          %dma_wait3A_264 = tpu.memref_slice %arg13[%dma_wait3A_262, %dma_wait3A_263] : memref<10240x64xf32, #tpu.memory_space<vmem_shared>> -> memref<10240x64xf32, #tpu.memory_space<vmem_shared>>
          tpu.wait_indirect_dma semaphore(%arg20 : memref<!tpu.dma_semaphore, #tpu.memory_space<semaphore_mem>>) src(%arg10 : memref<128x64xf32, #tpu.memory_space<vmem>>) dst(%dma_wait3A_264 : memref<10240x64xf32, #tpu.memory_space<vmem_shared>>)
        } else {
        }
        %add3A_154 = arith.constant 1 : i32
        %add3A_155 = arith.addi %mul3A_135, %add3A_154 : i32
        %dma_start3A_156 = arith.constant 0 : i32
        %dma_start3A_157 = arith.constant 0 : i32
        %dma_start3A_158 = tpu.memref_slice %arg8[%add3A_155, %dma_start3A_156, %dma_start3A_157] : memref<20x2x128xi32, #tpu.memory_space<vmem>> -> memref<1x1x128xi32, #tpu.memory_space<vmem>>
        %dma_start3A_159 = tpu.memref_squeeze %dma_start3A_158 : memref<1x1x128xi32, #tpu.memory_space<vmem>> -> memref<128xi32, #tpu.memory_space<vmem>>
        %dma_start3A_160 = arith.constant 0 : i32
        %dma_start3A_161 = arith.constant 0 : i32
        %dma_start3A_162 = tpu.memref_slice %arg14[%dma_start3A_160, %dma_start3A_161] : memref<10240x64xf32, #tpu.memory_space<vmem_shared>> -> memref<10240x64xf32, #tpu.memory_space<vmem_shared>>
        tpu.enqueue_indirect_dma source(%dma_start3A_162 : memref<10240x64xf32, #tpu.memory_space<vmem_shared>>) target(%arg10 : memref<128x64xf32, #tpu.memory_space<vmem>>) offsets(%dma_start3A_159 : memref<128xi32, #tpu.memory_space<vmem>>) semaphore(%arg16 : memref<!tpu.dma_semaphore, #tpu.memory_space<semaphore_mem>>)
        %gt3A_163 = arith.constant 0 : i32
        %gt3A_164 = arith.cmpi sgt, %scan3A_133, %gt3A_163 : i32
        %convert_element_type3A_165 = arith.extui %gt3A_164 : i1 to i32
        %cond3A_166 = arith.constant 0 : i32
        %cond3A_167 = arith.cmpi ne, %convert_element_type3A_165, %cond3A_166 : i32
        scf.if %cond3A_167 {
          %sub3A = arith.constant 4 : i32
          %sub3A_255 = arith.subi %mul3A_135, %sub3A : i32
          %add3A_256 = arith.constant 2 : i32
          %add3A_257 = arith.addi %sub3A_255, %add3A_256 : i32
          %dma_wait3A_258 = arith.constant 1 : i32
          %dma_wait3A_259 = arith.constant 0 : i32
          %dma_wait3A_260 = tpu.memref_slice %arg8[%add3A_257, %dma_wait3A_258, %dma_wait3A_259] : memref<20x2x128xi32, #tpu.memory_space<vmem>> -> memref<1x1x128xi32, #tpu.memory_space<vmem>>
          %dma_wait3A_261 = tpu.memref_squeeze %dma_wait3A_260 : memref<1x1x128xi32, #tpu.memory_space<vmem>> -> memref<128xi32, #tpu.memory_space<vmem>>
          %dma_wait3A_262 = arith.constant 0 : i32
          %dma_wait3A_263 = arith.constant 0 : i32
          %dma_wait3A_264 = tpu.memref_slice %arg13[%dma_wait3A_262, %dma_wait3A_263] : memref<10240x64xf32, #tpu.memory_space<vmem_shared>> -> memref<10240x64xf32, #tpu.memory_space<vmem_shared>>
          tpu.wait_indirect_dma semaphore(%arg21 : memref<!tpu.dma_semaphore, #tpu.memory_space<semaphore_mem>>) src(%arg11 : memref<128x64xf32, #tpu.memory_space<vmem>>) dst(%dma_wait3A_264 : memref<10240x64xf32, #tpu.memory_space<vmem_shared>>)
        } else {
        }
        %add3A_168 = arith.constant 2 : i32
        %add3A_169 = arith.addi %mul3A_135, %add3A_168 : i32
        %dma_start3A_170 = arith.constant 0 : i32
        %dma_start3A_171 = arith.constant 0 : i32
        %dma_start3A_172 = tpu.memref_slice %arg8[%add3A_169, %dma_start3A_170, %dma_start3A_171] : memref<20x2x128xi32, #tpu.memory_space<vmem>> -> memref<1x1x128xi32, #tpu.memory_space<vmem>>
        %dma_start3A_173 = tpu.memref_squeeze %dma_start3A_172 : memref<1x1x128xi32, #tpu.memory_space<vmem>> -> memref<128xi32, #tpu.memory_space<vmem>>
        %dma_start3A_174 = arith.constant 0 : i32
        %dma_start3A_175 = arith.constant 0 : i32
        %dma_start3A_176 = tpu.memref_slice %arg14[%dma_start3A_174, %dma_start3A_175] : memref<10240x64xf32, #tpu.memory_space<vmem_shared>> -> memref<10240x64xf32, #tpu.memory_space<vmem_shared>>
        tpu.enqueue_indirect_dma source(%dma_start3A_176 : memref<10240x64xf32, #tpu.memory_space<vmem_shared>>) target(%arg11 : memref<128x64xf32, #tpu.memory_space<vmem>>) offsets(%dma_start3A_173 : memref<128xi32, #tpu.memory_space<vmem>>) semaphore(%arg17 : memref<!tpu.dma_semaphore, #tpu.memory_space<semaphore_mem>>)
        %gt3A_177 = arith.constant 0 : i32
        %gt3A_178 = arith.cmpi sgt, %scan3A_133, %gt3A_177 : i32
        %convert_element_type3A_179 = arith.extui %gt3A_178 : i1 to i32
        %cond3A_180 = arith.constant 0 : i32
        %cond3A_181 = arith.cmpi ne, %convert_element_type3A_179, %cond3A_180 : i32
        scf.if %cond3A_181 {
          %sub3A = arith.constant 4 : i32
          %sub3A_255 = arith.subi %mul3A_135, %sub3A : i32
          %add3A_256 = arith.constant 3 : i32
          %add3A_257 = arith.addi %sub3A_255, %add3A_256 : i32
          %dma_wait3A_258 = arith.constant 1 : i32
          %dma_wait3A_259 = arith.constant 0 : i32
          %dma_wait3A_260 = tpu.memref_slice %arg8[%add3A_257, %dma_wait3A_258, %dma_wait3A_259] : memref<20x2x128xi32, #tpu.memory_space<vmem>> -> memref<1x1x128xi32, #tpu.memory_space<vmem>>
          %dma_wait3A_261 = tpu.memref_squeeze %dma_wait3A_260 : memref<1x1x128xi32, #tpu.memory_space<vmem>> -> memref<128xi32, #tpu.memory_space<vmem>>
          %dma_wait3A_262 = arith.constant 0 : i32
          %dma_wait3A_263 = arith.constant 0 : i32
          %dma_wait3A_264 = tpu.memref_slice %arg13[%dma_wait3A_262, %dma_wait3A_263] : memref<10240x64xf32, #tpu.memory_space<vmem_shared>> -> memref<10240x64xf32, #tpu.memory_space<vmem_shared>>
          tpu.wait_indirect_dma semaphore(%arg22 : memref<!tpu.dma_semaphore, #tpu.memory_space<semaphore_mem>>) src(%arg12 : memref<128x64xf32, #tpu.memory_space<vmem>>) dst(%dma_wait3A_264 : memref<10240x64xf32, #tpu.memory_space<vmem_shared>>)
        } else {
        }
        %add3A_182 = arith.constant 3 : i32
        %add3A_183 = arith.addi %mul3A_135, %add3A_182 : i32
        %dma_start3A_184 = arith.constant 0 : i32
        %dma_start3A_185 = arith.constant 0 : i32
        %dma_start3A_186 = tpu.memref_slice %arg8[%add3A_183, %dma_start3A_184, %dma_start3A_185] : memref<20x2x128xi32, #tpu.memory_space<vmem>> -> memref<1x1x128xi32, #tpu.memory_space<vmem>>
        %dma_start3A_187 = tpu.memref_squeeze %dma_start3A_186 : memref<1x1x128xi32, #tpu.memory_space<vmem>> -> memref<128xi32, #tpu.memory_space<vmem>>
        %dma_start3A_188 = arith.constant 0 : i32
        %dma_start3A_189 = arith.constant 0 : i32
        %dma_start3A_190 = tpu.memref_slice %arg14[%dma_start3A_188, %dma_start3A_189] : memref<10240x64xf32, #tpu.memory_space<vmem_shared>> -> memref<10240x64xf32, #tpu.memory_space<vmem_shared>>
        tpu.enqueue_indirect_dma source(%dma_start3A_190 : memref<10240x64xf32, #tpu.memory_space<vmem_shared>>) target(%arg12 : memref<128x64xf32, #tpu.memory_space<vmem>>) offsets(%dma_start3A_187 : memref<128xi32, #tpu.memory_space<vmem>>) semaphore(%arg18 : memref<!tpu.dma_semaphore, #tpu.memory_space<semaphore_mem>>)
        %dma_wait3A_191 = arith.constant 0 : i32
        %dma_wait3A_192 = arith.constant 0 : i32
        %dma_wait3A_193 = tpu.memref_slice %arg8[%add3A_141, %dma_wait3A_191, %dma_wait3A_192] : memref<20x2x128xi32, #tpu.memory_space<vmem>> -> memref<1x1x128xi32, #tpu.memory_space<vmem>>
        %dma_wait3A_194 = tpu.memref_squeeze %dma_wait3A_193 : memref<1x1x128xi32, #tpu.memory_space<vmem>> -> memref<128xi32, #tpu.memory_space<vmem>>
        %dma_wait3A_195 = arith.constant 0 : i32
        %dma_wait3A_196 = arith.constant 0 : i32
        %dma_wait3A_197 = tpu.memref_slice %arg14[%dma_wait3A_195, %dma_wait3A_196] : memref<10240x64xf32, #tpu.memory_space<vmem_shared>> -> memref<10240x64xf32, #tpu.memory_space<vmem_shared>>
        tpu.wait_indirect_dma semaphore(%arg15 : memref<!tpu.dma_semaphore, #tpu.memory_space<semaphore_mem>>) src(%dma_wait3A_197 : memref<10240x64xf32, #tpu.memory_space<vmem_shared>>) dst(%arg9 : memref<128x64xf32, #tpu.memory_space<vmem>>)
        %add3A_198 = arith.constant 0 : i32
        %add3A_199 = arith.addi %mul3A_135, %add3A_198 : i32
        %dma_start3A_200 = arith.constant 1 : i32
        %dma_start3A_201 = arith.constant 0 : i32
        %dma_start3A_202 = tpu.memref_slice %arg8[%add3A_199, %dma_start3A_200, %dma_start3A_201] : memref<20x2x128xi32, #tpu.memory_space<vmem>> -> memref<1x1x128xi32, #tpu.memory_space<vmem>>
        %dma_start3A_203 = tpu.memref_squeeze %dma_start3A_202 : memref<1x1x128xi32, #tpu.memory_space<vmem>> -> memref<128xi32, #tpu.memory_space<vmem>>
        %dma_start3A_204 = arith.constant 0 : i32
        %dma_start3A_205 = arith.constant 0 : i32
        %dma_start3A_206 = tpu.memref_slice %arg13[%dma_start3A_204, %dma_start3A_205] : memref<10240x64xf32, #tpu.memory_space<vmem_shared>> -> memref<10240x64xf32, #tpu.memory_space<vmem_shared>>
        tpu.enqueue_indirect_dma source(%arg9 : memref<128x64xf32, #tpu.memory_space<vmem>>) target(%dma_start3A_206 : memref<10240x64xf32, #tpu.memory_space<vmem_shared>>) offsets(%dma_start3A_203 : memref<128xi32, #tpu.memory_space<vmem>>) semaphore(%arg19 : memref<!tpu.dma_semaphore, #tpu.memory_space<semaphore_mem>>) {add = true}
        %dma_wait3A_207 = arith.constant 0 : i32
        %dma_wait3A_208 = arith.constant 0 : i32
        %dma_wait3A_209 = tpu.memref_slice %arg8[%add3A_155, %dma_wait3A_207, %dma_wait3A_208] : memref<20x2x128xi32, #tpu.memory_space<vmem>> -> memref<1x1x128xi32, #tpu.memory_space<vmem>>
        %dma_wait3A_210 = tpu.memref_squeeze %dma_wait3A_209 : memref<1x1x128xi32, #tpu.memory_space<vmem>> -> memref<128xi32, #tpu.memory_space<vmem>>
        %dma_wait3A_211 = arith.constant 0 : i32
        %dma_wait3A_212 = arith.constant 0 : i32
        %dma_wait3A_213 = tpu.memref_slice %arg14[%dma_wait3A_211, %dma_wait3A_212] : memref<10240x64xf32, #tpu.memory_space<vmem_shared>> -> memref<10240x64xf32, #tpu.memory_space<vmem_shared>>
        tpu.wait_indirect_dma semaphore(%arg16 : memref<!tpu.dma_semaphore, #tpu.memory_space<semaphore_mem>>) src(%dma_wait3A_213 : memref<10240x64xf32, #tpu.memory_space<vmem_shared>>) dst(%arg10 : memref<128x64xf32, #tpu.memory_space<vmem>>)
        %add3A_214 = arith.constant 1 : i32
        %add3A_215 = arith.addi %mul3A_135, %add3A_214 : i32
        %dma_start3A_216 = arith.constant 1 : i32
        %dma_start3A_217 = arith.constant 0 : i32
        %dma_start3A_218 = tpu.memref_slice %arg8[%add3A_215, %dma_start3A_216, %dma_start3A_217] : memref<20x2x128xi32, #tpu.memory_space<vmem>> -> memref<1x1x128xi32, #tpu.memory_space<vmem>>
        %dma_start3A_219 = tpu.memref_squeeze %dma_start3A_218 : memref<1x1x128xi32, #tpu.memory_space<vmem>> -> memref<128xi32, #tpu.memory_space<vmem>>
        %dma_start3A_220 = arith.constant 0 : i32
        %dma_start3A_221 = arith.constant 0 : i32
        %dma_start3A_222 = tpu.memref_slice %arg13[%dma_start3A_220, %dma_start3A_221] : memref<10240x64xf32, #tpu.memory_space<vmem_shared>> -> memref<10240x64xf32, #tpu.memory_space<vmem_shared>>
        tpu.enqueue_indirect_dma source(%arg10 : memref<128x64xf32, #tpu.memory_space<vmem>>) target(%dma_start3A_222 : memref<10240x64xf32, #tpu.memory_space<vmem_shared>>) offsets(%dma_start3A_219 : memref<128xi32, #tpu.memory_space<vmem>>) semaphore(%arg20 : memref<!tpu.dma_semaphore, #tpu.memory_space<semaphore_mem>>) {add = true}
        %dma_wait3A_223 = arith.constant 0 : i32
        %dma_wait3A_224 = arith.constant 0 : i32
        %dma_wait3A_225 = tpu.memref_slice %arg8[%add3A_169, %dma_wait3A_223, %dma_wait3A_224] : memref<20x2x128xi32, #tpu.memory_space<vmem>> -> memref<1x1x128xi32, #tpu.memory_space<vmem>>
        %dma_wait3A_226 = tpu.memref_squeeze %dma_wait3A_225 : memref<1x1x128xi32, #tpu.memory_space<vmem>> -> memref<128xi32, #tpu.memory_space<vmem>>
        %dma_wait3A_227 = arith.constant 0 : i32
        %dma_wait3A_228 = arith.constant 0 : i32
        %dma_wait3A_229 = tpu.memref_slice %arg14[%dma_wait3A_227, %dma_wait3A_228] : memref<10240x64xf32, #tpu.memory_space<vmem_shared>> -> memref<10240x64xf32, #tpu.memory_space<vmem_shared>>
        tpu.wait_indirect_dma semaphore(%arg17 : memref<!tpu.dma_semaphore, #tpu.memory_space<semaphore_mem>>) src(%dma_wait3A_229 : memref<10240x64xf32, #tpu.memory_space<vmem_shared>>) dst(%arg11 : memref<128x64xf32, #tpu.memory_space<vmem>>)
        %add3A_230 = arith.constant 2 : i32
        %add3A_231 = arith.addi %mul3A_135, %add3A_230 : i32
        %dma_start3A_232 = arith.constant 1 : i32
        %dma_start3A_233 = arith.constant 0 : i32
        %dma_start3A_234 = tpu.memref_slice %arg8[%add3A_231, %dma_start3A_232, %dma_start3A_233] : memref<20x2x128xi32, #tpu.memory_space<vmem>> -> memref<1x1x128xi32, #tpu.memory_space<vmem>>
        %dma_start3A_235 = tpu.memref_squeeze %dma_start3A_234 : memref<1x1x128xi32, #tpu.memory_space<vmem>> -> memref<128xi32, #tpu.memory_space<vmem>>
        %dma_start3A_236 = arith.constant 0 : i32
        %dma_start3A_237 = arith.constant 0 : i32
        %dma_start3A_238 = tpu.memref_slice %arg13[%dma_start3A_236, %dma_start3A_237] : memref<10240x64xf32, #tpu.memory_space<vmem_shared>> -> memref<10240x64xf32, #tpu.memory_space<vmem_shared>>
        tpu.enqueue_indirect_dma source(%arg11 : memref<128x64xf32, #tpu.memory_space<vmem>>) target(%dma_start3A_238 : memref<10240x64xf32, #tpu.memory_space<vmem_shared>>) offsets(%dma_start3A_235 : memref<128xi32, #tpu.memory_space<vmem>>) semaphore(%arg21 : memref<!tpu.dma_semaphore, #tpu.memory_space<semaphore_mem>>) {add = true}
        %dma_wait3A_239 = arith.constant 0 : i32
        %dma_wait3A_240 = arith.constant 0 : i32
        %dma_wait3A_241 = tpu.memref_slice %arg8[%add3A_183, %dma_wait3A_239, %dma_wait3A_240] : memref<20x2x128xi32, #tpu.memory_space<vmem>> -> memref<1x1x128xi32, #tpu.memory_space<vmem>>
        %dma_wait3A_242 = tpu.memref_squeeze %dma_wait3A_241 : memref<1x1x128xi32, #tpu.memory_space<vmem>> -> memref<128xi32, #tpu.memory_space<vmem>>
        %dma_wait3A_243 = arith.constant 0 : i32
        %dma_wait3A_244 = arith.constant 0 : i32
        %dma_wait3A_245 = tpu.memref_slice %arg14[%dma_wait3A_243, %dma_wait3A_244] : memref<10240x64xf32, #tpu.memory_space<vmem_shared>> -> memref<10240x64xf32, #tpu.memory_space<vmem_shared>>
        tpu.wait_indirect_dma semaphore(%arg18 : memref<!tpu.dma_semaphore, #tpu.memory_space<semaphore_mem>>) src(%dma_wait3A_245 : memref<10240x64xf32, #tpu.memory_space<vmem_shared>>) dst(%arg12 : memref<128x64xf32, #tpu.memory_space<vmem>>)
        %add3A_246 = arith.constant 3 : i32
        %add3A_247 = arith.addi %mul3A_135, %add3A_246 : i32
        %dma_start3A_248 = arith.constant 1 : i32
        %dma_start3A_249 = arith.constant 0 : i32
        %dma_start3A_250 = tpu.memref_slice %arg8[%add3A_247, %dma_start3A_248, %dma_start3A_249] : memref<20x2x128xi32, #tpu.memory_space<vmem>> -> memref<1x1x128xi32, #tpu.memory_space<vmem>>
        %dma_start3A_251 = tpu.memref_squeeze %dma_start3A_250 : memref<1x1x128xi32, #tpu.memory_space<vmem>> -> memref<128xi32, #tpu.memory_space<vmem>>
        %dma_start3A_252 = arith.constant 0 : i32
        %dma_start3A_253 = arith.constant 0 : i32
        %dma_start3A_254 = tpu.memref_slice %arg13[%dma_start3A_252, %dma_start3A_253] : memref<10240x64xf32, #tpu.memory_space<vmem_shared>> -> memref<10240x64xf32, #tpu.memory_space<vmem_shared>>
        tpu.enqueue_indirect_dma source(%arg12 : memref<128x64xf32, #tpu.memory_space<vmem>>) target(%dma_start3A_254 : memref<10240x64xf32, #tpu.memory_space<vmem_shared>>) offsets(%dma_start3A_251 : memref<128xi32, #tpu.memory_space<vmem>>) semaphore(%arg22 : memref<!tpu.dma_semaphore, #tpu.memory_space<semaphore_mem>>) {add = true}
      }
      %scan3A_100 = arith.constant 5 : i32
      %dma_wait3A_101 = arith.constant 16 : i32
      %dma_wait3A_102 = arith.constant 1 : i32
      %dma_wait3A_103 = arith.constant 0 : i32
      %dma_wait3A_104 = tpu.memref_slice %arg8[%dma_wait3A_101, %dma_wait3A_102, %dma_wait3A_103] : memref<20x2x128xi32, #tpu.memory_space<vmem>> -> memref<1x1x128xi32, #tpu.memory_space<vmem>>
      %dma_wait3A_105 = tpu.memref_squeeze %dma_wait3A_104 : memref<1x1x128xi32, #tpu.memory_space<vmem>> -> memref<128xi32, #tpu.memory_space<vmem>>
      %dma_wait3A_106 = arith.constant 0 : i32
      %dma_wait3A_107 = arith.constant 0 : i32
      %dma_wait3A_108 = tpu.memref_slice %arg13[%dma_wait3A_106, %dma_wait3A_107] : memref<10240x64xf32, #tpu.memory_space<vmem_shared>> -> memref<10240x64xf32, #tpu.memory_space<vmem_shared>>
      tpu.wait_indirect_dma semaphore(%arg19 : memref<!tpu.dma_semaphore, #tpu.memory_space<semaphore_mem>>) src(%arg9 : memref<128x64xf32, #tpu.memory_space<vmem>>) dst(%dma_wait3A_108 : memref<10240x64xf32, #tpu.memory_space<vmem_shared>>)
      %dma_wait3A_109 = arith.constant 17 : i32
      %dma_wait3A_110 = arith.constant 1 : i32
      %dma_wait3A_111 = arith.constant 0 : i32
      %dma_wait3A_112 = tpu.memref_slice %arg8[%dma_wait3A_109, %dma_wait3A_110, %dma_wait3A_111] : memref<20x2x128xi32, #tpu.memory_space<vmem>> -> memref<1x1x128xi32, #tpu.memory_space<vmem>>
      %dma_wait3A_113 = tpu.memref_squeeze %dma_wait3A_112 : memref<1x1x128xi32, #tpu.memory_space<vmem>> -> memref<128xi32, #tpu.memory_space<vmem>>
      %dma_wait3A_114 = arith.constant 0 : i32
      %dma_wait3A_115 = arith.constant 0 : i32
      %dma_wait3A_116 = tpu.memref_slice %arg13[%dma_wait3A_114, %dma_wait3A_115] : memref<10240x64xf32, #tpu.memory_space<vmem_shared>> -> memref<10240x64xf32, #tpu.memory_space<vmem_shared>>
      tpu.wait_indirect_dma semaphore(%arg20 : memref<!tpu.dma_semaphore, #tpu.memory_space<semaphore_mem>>) src(%arg10 : memref<128x64xf32, #tpu.memory_space<vmem>>) dst(%dma_wait3A_116 : memref<10240x64xf32, #tpu.memory_space<vmem_shared>>)
      %dma_wait3A_117 = arith.constant 18 : i32
      %dma_wait3A_118 = arith.constant 1 : i32
      %dma_wait3A_119 = arith.constant 0 : i32
      %dma_wait3A_120 = tpu.memref_slice %arg8[%dma_wait3A_117, %dma_wait3A_118, %dma_wait3A_119] : memref<20x2x128xi32, #tpu.memory_space<vmem>> -> memref<1x1x128xi32, #tpu.memory_space<vmem>>
      %dma_wait3A_121 = tpu.memref_squeeze %dma_wait3A_120 : memref<1x1x128xi32, #tpu.memory_space<vmem>> -> memref<128xi32, #tpu.memory_space<vmem>>
      %dma_wait3A_122 = arith.constant 0 : i32
      %dma_wait3A_123 = arith.constant 0 : i32
      %dma_wait3A_124 = tpu.memref_slice %arg13[%dma_wait3A_122, %dma_wait3A_123] : memref<10240x64xf32, #tpu.memory_space<vmem_shared>> -> memref<10240x64xf32, #tpu.memory_space<vmem_shared>>
      tpu.wait_indirect_dma semaphore(%arg21 : memref<!tpu.dma_semaphore, #tpu.memory_space<semaphore_mem>>) src(%arg11 : memref<128x64xf32, #tpu.memory_space<vmem>>) dst(%dma_wait3A_124 : memref<10240x64xf32, #tpu.memory_space<vmem_shared>>)
      %dma_wait3A_125 = arith.constant 19 : i32
      %dma_wait3A_126 = arith.constant 1 : i32
      %dma_wait3A_127 = arith.constant 0 : i32
      %dma_wait3A_128 = tpu.memref_slice %arg8[%dma_wait3A_125, %dma_wait3A_126, %dma_wait3A_127] : memref<20x2x128xi32, #tpu.memory_space<vmem>> -> memref<1x1x128xi32, #tpu.memory_space<vmem>>
      %dma_wait3A_129 = tpu.memref_squeeze %dma_wait3A_128 : memref<1x1x128xi32, #tpu.memory_space<vmem>> -> memref<128xi32, #tpu.memory_space<vmem>>
      %dma_wait3A_130 = arith.constant 0 : i32
      %dma_wait3A_131 = arith.constant 0 : i32
      %dma_wait3A_132 = tpu.memref_slice %arg13[%dma_wait3A_130, %dma_wait3A_131] : memref<10240x64xf32, #tpu.memory_space<vmem_shared>> -> memref<10240x64xf32, #tpu.memory_space<vmem_shared>>
      tpu.wait_indirect_dma semaphore(%arg22 : memref<!tpu.dma_semaphore, #tpu.memory_space<semaphore_mem>>) src(%arg12 : memref<128x64xf32, #tpu.memory_space<vmem>>) dst(%dma_wait3A_132 : memref<10240x64xf32, #tpu.memory_space<vmem_shared>>)
    }
    %scan3A_19 = arith.constant 4 : i32
    %barrier3A_20 = arith.constant 0 : index
    tpu.barrier barrier_id(%barrier3A_20)
    %mul3A_21 = arith.constant 640 : i32
    %mul3A_22 = arith.muli %arg1, %mul3A_21 : i32
    %mul3A_23 = arith.constant 640 : i32
    %mul3A_24 = arith.muli %arg1, %mul3A_23 : i32
    "tpu.region"() ({
      %run_scoped3A = tpu.sem_alloc : memref<!tpu.dma_semaphore, #tpu.memory_space<semaphore_mem>>
      %dma_start3A_25 = arith.constant 0 : i32
      %dma_start3A_26 = tpu.memref_slice %arg6[%arg0, %mul3A_24, %dma_start3A_25] : memref<2x10240x64xf32, #tpu.memory_space<hbm>> -> memref<1x640x64xf32, #tpu.memory_space<hbm>>
      %dma_start3A_27 = tpu.memref_squeeze %dma_start3A_26 : memref<1x640x64xf32, #tpu.memory_space<hbm>> -> memref<640x64xf32, #tpu.memory_space<hbm>>
      %dma_start3A_28 = arith.constant 0 : i32
      %dma_start3A_29 = tpu.memref_slice %arg13[%mul3A_22, %dma_start3A_28] : memref<10240x64xf32, #tpu.memory_space<vmem_shared>> -> memref<640x64xf32, #tpu.memory_space<vmem_shared>>
      tpu.enqueue_dma source(%dma_start3A_29 : memref<640x64xf32, #tpu.memory_space<vmem_shared>>) target(%dma_start3A_27 : memref<640x64xf32, #tpu.memory_space<hbm>>) target_semaphore(%run_scoped3A : memref<!tpu.dma_semaphore, #tpu.memory_space<semaphore_mem>>)
      %dma_wait3A = arith.constant 0 : i32
      %dma_wait3A_30 = tpu.memref_slice %arg6[%arg0, %mul3A_24, %dma_wait3A] : memref<2x10240x64xf32, #tpu.memory_space<hbm>> -> memref<1x640x64xf32, #tpu.memory_space<hbm>>
      %dma_wait3A_31 = tpu.memref_squeeze %dma_wait3A_30 : memref<1x640x64xf32, #tpu.memory_space<hbm>> -> memref<640x64xf32, #tpu.memory_space<hbm>>
      %dma_wait3A_32 = arith.constant 0 : i32
      %dma_wait3A_33 = tpu.memref_slice %arg13[%mul3A_22, %dma_wait3A_32] : memref<10240x64xf32, #tpu.memory_space<vmem_shared>> -> memref<640x64xf32, #tpu.memory_space<vmem_shared>>
      tpu.wait_dma2 semaphore(%run_scoped3A : memref<!tpu.dma_semaphore, #tpu.memory_space<semaphore_mem>>) src(%dma_wait3A_33 : memref<640x64xf32, #tpu.memory_space<vmem_shared>>) dst(%dma_wait3A_31 : memref<640x64xf32, #tpu.memory_space<hbm>>)
      tpu.yield
    }) : () -> ()
    return
  }
}

#map = affine_map<(d0, d1) -> (0, 0)>
module attributes {stable_mosaic.version = 14 : i64} {
  func.func @deg_kernel(%arg0: i32, %arg1: i32, %arg2: memref<2560x128xi32, #tpu.memory_space<hbm>>, %arg3: memref<2x10240xf32, #tpu.memory_space<hbm>>, %arg4: memref<80x128xi32, #tpu.memory_space<vmem>>, %arg5: memref<128xf32, #tpu.memory_space<vmem>>, %arg6: memref<128xf32, #tpu.memory_space<vmem>>, %arg7: memref<10240xf32, #tpu.memory_space<vmem_shared>>) attributes {dimension_semantics = [#tpu.dimension_semantics<core_parallel>, #tpu.dimension_semantics<subcore_parallel>], iteration_bounds = array<i64: 2, 16>, scalar_prefetch = 0 : i64, scratch_operands = 4 : i64, tpu.core_type = #tpu.core_type<sc_vector_subcore>, window_params = [{transform_indices = #map}, {transform_indices = #map}]} {
    %mul3A = arith.constant 2 : i32
    %mul3A_0 = arith.muli %arg1, %mul3A : i32
    %add3A = arith.addi %mul3A_0, %arg0 : i32
    %broadcast_in_dim3A = arith.constant 1.000000e+00 : f32
    %broadcast_in_dim3A_1 = vector.broadcast %broadcast_in_dim3A : f32 to vector<16xf32>
    %swap3A = arith.constant 0 : index
    %swap3A_2 = tpu.vector_load %arg5[%swap3A] {strides = array<i32>} : memref<128xf32, #tpu.memory_space<vmem>>, vector<16xf32>,
    %swap3A_3 = vector.shape_cast %swap3A_2 : vector<16xf32> to vector<16xf32>
    %swap3A_4 = vector.shape_cast %broadcast_in_dim3A_1 : vector<16xf32> to vector<16xf32>
    tpu.vector_store %arg5[%swap3A], %swap3A_4 {strides = array<i32>} : memref<128xf32, #tpu.memory_space<vmem>>, vector<16xf32>,
    %broadcast_in_dim3A_5 = arith.constant 0.000000e+00 : f32
    %broadcast_in_dim3A_6 = vector.broadcast %broadcast_in_dim3A_5 : f32 to vector<16xf32>
    %swap3A_7 = arith.constant 0 : index
    %swap3A_8 = tpu.vector_load %arg6[%swap3A_7] {strides = array<i32>} : memref<128xf32, #tpu.memory_space<vmem>>, vector<16xf32>,
    %swap3A_9 = vector.shape_cast %swap3A_8 : vector<16xf32> to vector<16xf32>
    %swap3A_10 = vector.shape_cast %broadcast_in_dim3A_6 : vector<16xf32> to vector<16xf32>
    tpu.vector_store %arg6[%swap3A_7], %swap3A_10 {strides = array<i32>} : memref<128xf32, #tpu.memory_space<vmem>>, vector<16xf32>,
    %broadcast_in_dim3A_11 = arith.constant 1.000000e+00 : f32
    %broadcast_in_dim3A_12 = vector.broadcast %broadcast_in_dim3A_11 : f32 to vector<16xf32>
    %swap3A_13 = arith.constant 16 : index
    %swap3A_14 = tpu.vector_load %arg5[%swap3A_13] {strides = array<i32>} : memref<128xf32, #tpu.memory_space<vmem>>, vector<16xf32>,
    %swap3A_15 = vector.shape_cast %swap3A_14 : vector<16xf32> to vector<16xf32>
    %swap3A_16 = vector.shape_cast %broadcast_in_dim3A_12 : vector<16xf32> to vector<16xf32>
    tpu.vector_store %arg5[%swap3A_13], %swap3A_16 {strides = array<i32>} : memref<128xf32, #tpu.memory_space<vmem>>, vector<16xf32>,
    %broadcast_in_dim3A_17 = arith.constant 0.000000e+00 : f32
    %broadcast_in_dim3A_18 = vector.broadcast %broadcast_in_dim3A_17 : f32 to vector<16xf32>
    %swap3A_19 = arith.constant 16 : index
    %swap3A_20 = tpu.vector_load %arg6[%swap3A_19] {strides = array<i32>} : memref<128xf32, #tpu.memory_space<vmem>>, vector<16xf32>,
    %swap3A_21 = vector.shape_cast %swap3A_20 : vector<16xf32> to vector<16xf32>
    %swap3A_22 = vector.shape_cast %broadcast_in_dim3A_18 : vector<16xf32> to vector<16xf32>
    tpu.vector_store %arg6[%swap3A_19], %swap3A_22 {strides = array<i32>} : memref<128xf32, #tpu.memory_space<vmem>>, vector<16xf32>,
    %broadcast_in_dim3A_23 = arith.constant 1.000000e+00 : f32
    %broadcast_in_dim3A_24 = vector.broadcast %broadcast_in_dim3A_23 : f32 to vector<16xf32>
    %swap3A_25 = arith.constant 32 : index
    %swap3A_26 = tpu.vector_load %arg5[%swap3A_25] {strides = array<i32>} : memref<128xf32, #tpu.memory_space<vmem>>, vector<16xf32>,
    %swap3A_27 = vector.shape_cast %swap3A_26 : vector<16xf32> to vector<16xf32>
    %swap3A_28 = vector.shape_cast %broadcast_in_dim3A_24 : vector<16xf32> to vector<16xf32>
    tpu.vector_store %arg5[%swap3A_25], %swap3A_28 {strides = array<i32>} : memref<128xf32, #tpu.memory_space<vmem>>, vector<16xf32>,
    %broadcast_in_dim3A_29 = arith.constant 0.000000e+00 : f32
    %broadcast_in_dim3A_30 = vector.broadcast %broadcast_in_dim3A_29 : f32 to vector<16xf32>
    %swap3A_31 = arith.constant 32 : index
    %swap3A_32 = tpu.vector_load %arg6[%swap3A_31] {strides = array<i32>} : memref<128xf32, #tpu.memory_space<vmem>>, vector<16xf32>,
    %swap3A_33 = vector.shape_cast %swap3A_32 : vector<16xf32> to vector<16xf32>
    %swap3A_34 = vector.shape_cast %broadcast_in_dim3A_30 : vector<16xf32> to vector<16xf32>
    tpu.vector_store %arg6[%swap3A_31], %swap3A_34 {strides = array<i32>} : memref<128xf32, #tpu.memory_space<vmem>>, vector<16xf32>,
    %broadcast_in_dim3A_35 = arith.constant 1.000000e+00 : f32
    %broadcast_in_dim3A_36 = vector.broadcast %broadcast_in_dim3A_35 : f32 to vector<16xf32>
    %swap3A_37 = arith.constant 48 : index
    %swap3A_38 = tpu.vector_load %arg5[%swap3A_37] {strides = array<i32>} : memref<128xf32, #tpu.memory_space<vmem>>, vector<16xf32>,
    %swap3A_39 = vector.shape_cast %swap3A_38 : vector<16xf32> to vector<16xf32>
    %swap3A_40 = vector.shape_cast %broadcast_in_dim3A_36 : vector<16xf32> to vector<16xf32>
    tpu.vector_store %arg5[%swap3A_37], %swap3A_40 {strides = array<i32>} : memref<128xf32, #tpu.memory_space<vmem>>, vector<16xf32>,
    %broadcast_in_dim3A_41 = arith.constant 0.000000e+00 : f32
    %broadcast_in_dim3A_42 = vector.broadcast %broadcast_in_dim3A_41 : f32 to vector<16xf32>
    %swap3A_43 = arith.constant 48 : index
    %swap3A_44 = tpu.vector_load %arg6[%swap3A_43] {strides = array<i32>} : memref<128xf32, #tpu.memory_space<vmem>>, vector<16xf32>,
    %swap3A_45 = vector.shape_cast %swap3A_44 : vector<16xf32> to vector<16xf32>
    %swap3A_46 = vector.shape_cast %broadcast_in_dim3A_42 : vector<16xf32> to vector<16xf32>
    tpu.vector_store %arg6[%swap3A_43], %swap3A_46 {strides = array<i32>} : memref<128xf32, #tpu.memory_space<vmem>>, vector<16xf32>,
    %broadcast_in_dim3A_47 = arith.constant 1.000000e+00 : f32
    %broadcast_in_dim3A_48 = vector.broadcast %broadcast_in_dim3A_47 : f32 to vector<16xf32>
    %swap3A_49 = arith.constant 64 : index
    %swap3A_50 = tpu.vector_load %arg5[%swap3A_49] {strides = array<i32>} : memref<128xf32, #tpu.memory_space<vmem>>, vector<16xf32>,
    %swap3A_51 = vector.shape_cast %swap3A_50 : vector<16xf32> to vector<16xf32>
    %swap3A_52 = vector.shape_cast %broadcast_in_dim3A_48 : vector<16xf32> to vector<16xf32>
    tpu.vector_store %arg5[%swap3A_49], %swap3A_52 {strides = array<i32>} : memref<128xf32, #tpu.memory_space<vmem>>, vector<16xf32>,
    %broadcast_in_dim3A_53 = arith.constant 0.000000e+00 : f32
    %broadcast_in_dim3A_54 = vector.broadcast %broadcast_in_dim3A_53 : f32 to vector<16xf32>
    %swap3A_55 = arith.constant 64 : index
    %swap3A_56 = tpu.vector_load %arg6[%swap3A_55] {strides = array<i32>} : memref<128xf32, #tpu.memory_space<vmem>>, vector<16xf32>,
    %swap3A_57 = vector.shape_cast %swap3A_56 : vector<16xf32> to vector<16xf32>
    %swap3A_58 = vector.shape_cast %broadcast_in_dim3A_54 : vector<16xf32> to vector<16xf32>
    tpu.vector_store %arg6[%swap3A_55], %swap3A_58 {strides = array<i32>} : memref<128xf32, #tpu.memory_space<vmem>>, vector<16xf32>,
    %broadcast_in_dim3A_59 = arith.constant 1.000000e+00 : f32
    %broadcast_in_dim3A_60 = vector.broadcast %broadcast_in_dim3A_59 : f32 to vector<16xf32>
    %swap3A_61 = arith.constant 80 : index
    %swap3A_62 = tpu.vector_load %arg5[%swap3A_61] {strides = array<i32>} : memref<128xf32, #tpu.memory_space<vmem>>, vector<16xf32>,
    %swap3A_63 = vector.shape_cast %swap3A_62 : vector<16xf32> to vector<16xf32>
    %swap3A_64 = vector.shape_cast %broadcast_in_dim3A_60 : vector<16xf32> to vector<16xf32>
    tpu.vector_store %arg5[%swap3A_61], %swap3A_64 {strides = array<i32>} : memref<128xf32, #tpu.memory_space<vmem>>, vector<16xf32>,
    %broadcast_in_dim3A_65 = arith.constant 0.000000e+00 : f32
    %broadcast_in_dim3A_66 = vector.broadcast %broadcast_in_dim3A_65 : f32 to vector<16xf32>
    %swap3A_67 = arith.constant 80 : index
    %swap3A_68 = tpu.vector_load %arg6[%swap3A_67] {strides = array<i32>} : memref<128xf32, #tpu.memory_space<vmem>>, vector<16xf32>,
    %swap3A_69 = vector.shape_cast %swap3A_68 : vector<16xf32> to vector<16xf32>
    %swap3A_70 = vector.shape_cast %broadcast_in_dim3A_66 : vector<16xf32> to vector<16xf32>
    tpu.vector_store %arg6[%swap3A_67], %swap3A_70 {strides = array<i32>} : memref<128xf32, #tpu.memory_space<vmem>>, vector<16xf32>,
    %broadcast_in_dim3A_71 = arith.constant 1.000000e+00 : f32
    %broadcast_in_dim3A_72 = vector.broadcast %broadcast_in_dim3A_71 : f32 to vector<16xf32>
    %swap3A_73 = arith.constant 96 : index
    %swap3A_74 = tpu.vector_load %arg5[%swap3A_73] {strides = array<i32>} : memref<128xf32, #tpu.memory_space<vmem>>, vector<16xf32>,
    %swap3A_75 = vector.shape_cast %swap3A_74 : vector<16xf32> to vector<16xf32>
    %swap3A_76 = vector.shape_cast %broadcast_in_dim3A_72 : vector<16xf32> to vector<16xf32>
    tpu.vector_store %arg5[%swap3A_73], %swap3A_76 {strides = array<i32>} : memref<128xf32, #tpu.memory_space<vmem>>, vector<16xf32>,
    %broadcast_in_dim3A_77 = arith.constant 0.000000e+00 : f32
    %broadcast_in_dim3A_78 = vector.broadcast %broadcast_in_dim3A_77 : f32 to vector<16xf32>
    %swap3A_79 = arith.constant 96 : index
    %swap3A_80 = tpu.vector_load %arg6[%swap3A_79] {strides = array<i32>} : memref<128xf32, #tpu.memory_space<vmem>>, vector<16xf32>,
    %swap3A_81 = vector.shape_cast %swap3A_80 : vector<16xf32> to vector<16xf32>
    %swap3A_82 = vector.shape_cast %broadcast_in_dim3A_78 : vector<16xf32> to vector<16xf32>
    tpu.vector_store %arg6[%swap3A_79], %swap3A_82 {strides = array<i32>} : memref<128xf32, #tpu.memory_space<vmem>>, vector<16xf32>,
    %broadcast_in_dim3A_83 = arith.constant 1.000000e+00 : f32
    %broadcast_in_dim3A_84 = vector.broadcast %broadcast_in_dim3A_83 : f32 to vector<16xf32>
    %swap3A_85 = arith.constant 112 : index
    %swap3A_86 = tpu.vector_load %arg5[%swap3A_85] {strides = array<i32>} : memref<128xf32, #tpu.memory_space<vmem>>, vector<16xf32>,
    %swap3A_87 = vector.shape_cast %swap3A_86 : vector<16xf32> to vector<16xf32>
    %swap3A_88 = vector.shape_cast %broadcast_in_dim3A_84 : vector<16xf32> to vector<16xf32>
    tpu.vector_store %arg5[%swap3A_85], %swap3A_88 {strides = array<i32>} : memref<128xf32, #tpu.memory_space<vmem>>, vector<16xf32>,
    %broadcast_in_dim3A_89 = arith.constant 0.000000e+00 : f32
    %broadcast_in_dim3A_90 = vector.broadcast %broadcast_in_dim3A_89 : f32 to vector<16xf32>
    %swap3A_91 = arith.constant 112 : index
    %swap3A_92 = tpu.vector_load %arg6[%swap3A_91] {strides = array<i32>} : memref<128xf32, #tpu.memory_space<vmem>>, vector<16xf32>,
    %swap3A_93 = vector.shape_cast %swap3A_92 : vector<16xf32> to vector<16xf32>
    %swap3A_94 = vector.shape_cast %broadcast_in_dim3A_90 : vector<16xf32> to vector<16xf32>
    tpu.vector_store %arg6[%swap3A_91], %swap3A_94 {strides = array<i32>} : memref<128xf32, #tpu.memory_space<vmem>>, vector<16xf32>,
    %mul3A_95 = arith.constant 80 : i32
    %mul3A_96 = arith.muli %add3A, %mul3A_95 : i32
    "tpu.region"() ({
      %run_scoped3A = tpu.sem_alloc : memref<!tpu.dma_semaphore, #tpu.memory_space<semaphore_mem>>
      %dma_start3A = arith.constant 0 : i32
      %dma_start3A_127 = tpu.memref_slice %arg2[%mul3A_96, %dma_start3A] : memref<2560x128xi32, #tpu.memory_space<hbm>> -> memref<80x128xi32, #tpu.memory_space<hbm>>
      %dma_start3A_128 = arith.constant 0 : i32
      %dma_start3A_129 = tpu.memref_slice %arg2[%mul3A_96, %dma_start3A_128] : memref<2560x128xi32, #tpu.memory_space<hbm>> -> memref<80x128xi32, #tpu.memory_space<hbm>>
      tpu.enqueue_dma source(%dma_start3A_129 : memref<80x128xi32, #tpu.memory_space<hbm>>) target(%arg4 : memref<80x128xi32, #tpu.memory_space<vmem>>) target_semaphore(%run_scoped3A : memref<!tpu.dma_semaphore, #tpu.memory_space<semaphore_mem>>)
      %dma_wait3A = arith.constant 0 : i32
      %dma_wait3A_130 = tpu.memref_slice %arg2[%mul3A_96, %dma_wait3A] : memref<2560x128xi32, #tpu.memory_space<hbm>> -> memref<80x128xi32, #tpu.memory_space<hbm>>
      %dma_wait3A_131 = arith.constant 0 : i32
      %dma_wait3A_132 = tpu.memref_slice %arg2[%mul3A_96, %dma_wait3A_131] : memref<2560x128xi32, #tpu.memory_space<hbm>> -> memref<80x128xi32, #tpu.memory_space<hbm>>
      tpu.wait_dma2 semaphore(%run_scoped3A : memref<!tpu.dma_semaphore, #tpu.memory_space<semaphore_mem>>) src(%dma_wait3A_132 : memref<80x128xi32, #tpu.memory_space<hbm>>) dst(%arg4 : memref<80x128xi32, #tpu.memory_space<vmem>>)
      tpu.yield
    }) : () -> ()
    %mul3A_97 = arith.constant 640 : i32
    %mul3A_98 = arith.muli %arg1, %mul3A_97 : i32
    %add3A_99 = arith.constant 0 : i32
    %add3A_100 = arith.addi %mul3A_98, %add3A_99 : i32
    "tpu.region"() ({
      %run_scoped3A = tpu.sem_alloc : memref<!tpu.dma_semaphore, #tpu.memory_space<semaphore_mem>>
      %dma_start3A = tpu.memref_slice %arg7[%add3A_100] : memref<10240xf32, #tpu.memory_space<vmem_shared>> -> memref<128xf32, #tpu.memory_space<vmem_shared>>
      %dma_start3A_127 = tpu.memref_slice %arg7[%add3A_100] : memref<10240xf32, #tpu.memory_space<vmem_shared>> -> memref<128xf32, #tpu.memory_space<vmem_shared>>
      tpu.enqueue_dma source(%arg6 : memref<128xf32, #tpu.memory_space<vmem>>) target(%dma_start3A_127 : memref<128xf32, #tpu.memory_space<vmem_shared>>) target_semaphore(%run_scoped3A : memref<!tpu.dma_semaphore, #tpu.memory_space<semaphore_mem>>)
      %dma_wait3A = tpu.memref_slice %arg7[%add3A_100] : memref<10240xf32, #tpu.memory_space<vmem_shared>> -> memref<128xf32, #tpu.memory_space<vmem_shared>>
      %dma_wait3A_128 = tpu.memref_slice %arg7[%add3A_100] : memref<10240xf32, #tpu.memory_space<vmem_shared>> -> memref<128xf32, #tpu.memory_space<vmem_shared>>
      tpu.wait_dma2 semaphore(%run_scoped3A : memref<!tpu.dma_semaphore, #tpu.memory_space<semaphore_mem>>) src(%arg6 : memref<128xf32, #tpu.memory_space<vmem>>) dst(%dma_wait3A_128 : memref<128xf32, #tpu.memory_space<vmem_shared>>)
      tpu.yield
    }) : () -> ()
    %mul3A_101 = arith.constant 640 : i32
    %mul3A_102 = arith.muli %arg1, %mul3A_101 : i32
    %add3A_103 = arith.constant 128 : i32
    %add3A_104 = arith.addi %mul3A_102, %add3A_103 : i32
    "tpu.region"() ({
      %run_scoped3A = tpu.sem_alloc : memref<!tpu.dma_semaphore, #tpu.memory_space<semaphore_mem>>
      %dma_start3A = tpu.memref_slice %arg7[%add3A_104] : memref<10240xf32, #tpu.memory_space<vmem_shared>> -> memref<128xf32, #tpu.memory_space<vmem_shared>>
      %dma_start3A_127 = tpu.memref_slice %arg7[%add3A_104] : memref<10240xf32, #tpu.memory_space<vmem_shared>> -> memref<128xf32, #tpu.memory_space<vmem_shared>>
      tpu.enqueue_dma source(%arg6 : memref<128xf32, #tpu.memory_space<vmem>>) target(%dma_start3A_127 : memref<128xf32, #tpu.memory_space<vmem_shared>>) target_semaphore(%run_scoped3A : memref<!tpu.dma_semaphore, #tpu.memory_space<semaphore_mem>>)
      %dma_wait3A = tpu.memref_slice %arg7[%add3A_104] : memref<10240xf32, #tpu.memory_space<vmem_shared>> -> memref<128xf32, #tpu.memory_space<vmem_shared>>
      %dma_wait3A_128 = tpu.memref_slice %arg7[%add3A_104] : memref<10240xf32, #tpu.memory_space<vmem_shared>> -> memref<128xf32, #tpu.memory_space<vmem_shared>>
      tpu.wait_dma2 semaphore(%run_scoped3A : memref<!tpu.dma_semaphore, #tpu.memory_space<semaphore_mem>>) src(%arg6 : memref<128xf32, #tpu.memory_space<vmem>>) dst(%dma_wait3A_128 : memref<128xf32, #tpu.memory_space<vmem_shared>>)
      tpu.yield
    }) : () -> ()
    %mul3A_105 = arith.constant 640 : i32
    %mul3A_106 = arith.muli %arg1, %mul3A_105 : i32
    %add3A_107 = arith.constant 256 : i32
    %add3A_108 = arith.addi %mul3A_106, %add3A_107 : i32
    "tpu.region"() ({
      %run_scoped3A = tpu.sem_alloc : memref<!tpu.dma_semaphore, #tpu.memory_space<semaphore_mem>>
      %dma_start3A = tpu.memref_slice %arg7[%add3A_108] : memref<10240xf32, #tpu.memory_space<vmem_shared>> -> memref<128xf32, #tpu.memory_space<vmem_shared>>
      %dma_start3A_127 = tpu.memref_slice %arg7[%add3A_108] : memref<10240xf32, #tpu.memory_space<vmem_shared>> -> memref<128xf32, #tpu.memory_space<vmem_shared>>
      tpu.enqueue_dma source(%arg6 : memref<128xf32, #tpu.memory_space<vmem>>) target(%dma_start3A_127 : memref<128xf32, #tpu.memory_space<vmem_shared>>) target_semaphore(%run_scoped3A : memref<!tpu.dma_semaphore, #tpu.memory_space<semaphore_mem>>)
      %dma_wait3A = tpu.memref_slice %arg7[%add3A_108] : memref<10240xf32, #tpu.memory_space<vmem_shared>> -> memref<128xf32, #tpu.memory_space<vmem_shared>>
      %dma_wait3A_128 = tpu.memref_slice %arg7[%add3A_108] : memref<10240xf32, #tpu.memory_space<vmem_shared>> -> memref<128xf32, #tpu.memory_space<vmem_shared>>
      tpu.wait_dma2 semaphore(%run_scoped3A : memref<!tpu.dma_semaphore, #tpu.memory_space<semaphore_mem>>) src(%arg6 : memref<128xf32, #tpu.memory_space<vmem>>) dst(%dma_wait3A_128 : memref<128xf32, #tpu.memory_space<vmem_shared>>)
      tpu.yield
    }) : () -> ()
    %mul3A_109 = arith.constant 640 : i32
    %mul3A_110 = arith.muli %arg1, %mul3A_109 : i32
    %add3A_111 = arith.constant 384 : i32
    %add3A_112 = arith.addi %mul3A_110, %add3A_111 : i32
    "tpu.region"() ({
      %run_scoped3A = tpu.sem_alloc : memref<!tpu.dma_semaphore, #tpu.memory_space<semaphore_mem>>
      %dma_start3A = tpu.memref_slice %arg7[%add3A_112] : memref<10240xf32, #tpu.memory_space<vmem_shared>> -> memref<128xf32, #tpu.memory_space<vmem_shared>>
      %dma_start3A_127 = tpu.memref_slice %arg7[%add3A_112] : memref<10240xf32, #tpu.memory_space<vmem_shared>> -> memref<128xf32, #tpu.memory_space<vmem_shared>>
      tpu.enqueue_dma source(%arg6 : memref<128xf32, #tpu.memory_space<vmem>>) target(%dma_start3A_127 : memref<128xf32, #tpu.memory_space<vmem_shared>>) target_semaphore(%run_scoped3A : memref<!tpu.dma_semaphore, #tpu.memory_space<semaphore_mem>>)
      %dma_wait3A = tpu.memref_slice %arg7[%add3A_112] : memref<10240xf32, #tpu.memory_space<vmem_shared>> -> memref<128xf32, #tpu.memory_space<vmem_shared>>
      %dma_wait3A_128 = tpu.memref_slice %arg7[%add3A_112] : memref<10240xf32, #tpu.memory_space<vmem_shared>> -> memref<128xf32, #tpu.memory_space<vmem_shared>>
      tpu.wait_dma2 semaphore(%run_scoped3A : memref<!tpu.dma_semaphore, #tpu.memory_space<semaphore_mem>>) src(%arg6 : memref<128xf32, #tpu.memory_space<vmem>>) dst(%dma_wait3A_128 : memref<128xf32, #tpu.memory_space<vmem_shared>>)
      tpu.yield
    }) : () -> ()
    %mul3A_113 = arith.constant 640 : i32
    %mul3A_114 = arith.muli %arg1, %mul3A_113 : i32
    %add3A_115 = arith.constant 512 : i32
    %add3A_116 = arith.addi %mul3A_114, %add3A_115 : i32
    "tpu.region"() ({
      %run_scoped3A = tpu.sem_alloc : memref<!tpu.dma_semaphore, #tpu.memory_space<semaphore_mem>>
      %dma_start3A = tpu.memref_slice %arg7[%add3A_116] : memref<10240xf32, #tpu.memory_space<vmem_shared>> -> memref<128xf32, #tpu.memory_space<vmem_shared>>
      %dma_start3A_127 = tpu.memref_slice %arg7[%add3A_116] : memref<10240xf32, #tpu.memory_space<vmem_shared>> -> memref<128xf32, #tpu.memory_space<vmem_shared>>
      tpu.enqueue_dma source(%arg6 : memref<128xf32, #tpu.memory_space<vmem>>) target(%dma_start3A_127 : memref<128xf32, #tpu.memory_space<vmem_shared>>) target_semaphore(%run_scoped3A : memref<!tpu.dma_semaphore, #tpu.memory_space<semaphore_mem>>)
      %dma_wait3A = tpu.memref_slice %arg7[%add3A_116] : memref<10240xf32, #tpu.memory_space<vmem_shared>> -> memref<128xf32, #tpu.memory_space<vmem_shared>>
      %dma_wait3A_128 = tpu.memref_slice %arg7[%add3A_116] : memref<10240xf32, #tpu.memory_space<vmem_shared>> -> memref<128xf32, #tpu.memory_space<vmem_shared>>
      tpu.wait_dma2 semaphore(%run_scoped3A : memref<!tpu.dma_semaphore, #tpu.memory_space<semaphore_mem>>) src(%arg6 : memref<128xf32, #tpu.memory_space<vmem>>) dst(%dma_wait3A_128 : memref<128xf32, #tpu.memory_space<vmem_shared>>)
      tpu.yield
    }) : () -> ()
    %barrier3A = arith.constant 0 : index
    tpu.barrier barrier_id(%barrier3A)
    %scan3A = arith.constant 0 : i32
    %scan3A_117 = arith.constant 0 : i32
    %scan3A_118 = arith.constant 80 : i32
    %scan3A_119 = arith.addi %scan3A_117, %scan3A_118 : i32
    %scan3A_120 = arith.constant 1 : i32
    scf.for %scan3A_127 = %scan3A_117 to %scan3A_119 step %scan3A_120  : i32 {
      "tpu.region"() ({
        %run_scoped3A = tpu.sem_alloc : memref<!tpu.dma_semaphore, #tpu.memory_space<semaphore_mem>>
        %dma_start3A = arith.constant 0 : i32
        %dma_start3A_128 = tpu.memref_slice %arg4[%scan3A_127, %dma_start3A] : memref<80x128xi32, #tpu.memory_space<vmem>> -> memref<1x128xi32, #tpu.memory_space<vmem>>
        %dma_start3A_129 = tpu.memref_squeeze %dma_start3A_128 : memref<1x128xi32, #tpu.memory_space<vmem>> -> memref<128xi32, #tpu.memory_space<vmem>>
        %dma_start3A_130 = arith.constant 0 : i32
        %dma_start3A_131 = tpu.memref_slice %arg7[%dma_start3A_130] : memref<10240xf32, #tpu.memory_space<vmem_shared>> -> memref<10240xf32, #tpu.memory_space<vmem_shared>>
        tpu.enqueue_indirect_dma source(%arg5 : memref<128xf32, #tpu.memory_space<vmem>>) target(%dma_start3A_131 : memref<10240xf32, #tpu.memory_space<vmem_shared>>) offsets(%dma_start3A_129 : memref<128xi32, #tpu.memory_space<vmem>>) semaphore(%run_scoped3A : memref<!tpu.dma_semaphore, #tpu.memory_space<semaphore_mem>>) {add = true}
        %dma_wait3A = arith.constant 0 : i32
        %dma_wait3A_132 = tpu.memref_slice %arg4[%scan3A_127, %dma_wait3A] : memref<80x128xi32, #tpu.memory_space<vmem>> -> memref<1x128xi32, #tpu.memory_space<vmem>>
        %dma_wait3A_133 = tpu.memref_squeeze %dma_wait3A_132 : memref<1x128xi32, #tpu.memory_space<vmem>> -> memref<128xi32, #tpu.memory_space<vmem>>
        %dma_wait3A_134 = arith.constant 0 : i32
        %dma_wait3A_135 = tpu.memref_slice %arg7[%dma_wait3A_134] : memref<10240xf32, #tpu.memory_space<vmem_shared>> -> memref<10240xf32, #tpu.memory_space<vmem_shared>>
        tpu.wait_indirect_dma semaphore(%run_scoped3A : memref<!tpu.dma_semaphore, #tpu.memory_space<semaphore_mem>>) src(%arg5 : memref<128xf32, #tpu.memory_space<vmem>>) dst(%dma_wait3A_135 : memref<10240xf32, #tpu.memory_space<vmem_shared>>)
        tpu.yield
      }) : () -> ()
    }
    %scan3A_121 = arith.constant 80 : i32
    %barrier3A_122 = arith.constant 0 : index
    tpu.barrier barrier_id(%barrier3A_122)
    %mul3A_123 = arith.constant 640 : i32
    %mul3A_124 = arith.muli %arg1, %mul3A_123 : i32
    %mul3A_125 = arith.constant 640 : i32
    %mul3A_126 = arith.muli %arg1, %mul3A_125 : i32
    "tpu.region"() ({
      %run_scoped3A = tpu.sem_alloc : memref<!tpu.dma_semaphore, #tpu.memory_space<semaphore_mem>>
      %dma_start3A = tpu.memref_slice %arg3[%arg0, %mul3A_126] : memref<2x10240xf32, #tpu.memory_space<hbm>> -> memref<1x640xf32, #tpu.memory_space<hbm>>
      %dma_start3A_127 = tpu.memref_squeeze %dma_start3A : memref<1x640xf32, #tpu.memory_space<hbm>> -> memref<640xf32, #tpu.memory_space<hbm>>
      %dma_start3A_128 = tpu.memref_slice %arg7[%mul3A_124] : memref<10240xf32, #tpu.memory_space<vmem_shared>> -> memref<640xf32, #tpu.memory_space<vmem_shared>>
      tpu.enqueue_dma source(%dma_start3A_128 : memref<640xf32, #tpu.memory_space<vmem_shared>>) target(%dma_start3A_127 : memref<640xf32, #tpu.memory_space<hbm>>) target_semaphore(%run_scoped3A : memref<!tpu.dma_semaphore, #tpu.memory_space<semaphore_mem>>)
      %dma_wait3A = tpu.memref_slice %arg3[%arg0, %mul3A_126] : memref<2x10240xf32, #tpu.memory_space<hbm>> -> memref<1x640xf32, #tpu.memory_space<hbm>>
      %dma_wait3A_129 = tpu.memref_squeeze %dma_wait3A : memref<1x640xf32, #tpu.memory_space<hbm>> -> memref<640xf32, #tpu.memory_space<hbm>>
      %dma_wait3A_130 = tpu.memref_slice %arg7[%mul3A_124] : memref<10240xf32, #tpu.memory_space<vmem_shared>> -> memref<640xf32, #tpu.memory_space<vmem_shared>>
      tpu.wait_dma2 semaphore(%run_scoped3A : memref<!tpu.dma_semaphore, #tpu.memory_space<semaphore_mem>>) src(%dma_wait3A_130 : memref<640xf32, #tpu.memory_space<vmem_shared>>) dst(%dma_wait3A_129 : memref<640xf32, #tpu.memory_space<hbm>>)
      tpu.yield
    }) : () -> ()
    return
  }
}

#map = affine_map<(d0, d1) -> (0, 0)>
#map1 = affine_map<(d0, d1) -> (0, 0, 0)>
module attributes {stable_mosaic.version = 14 : i64} {
  func.func @scat_kernel(%arg0: i32, %arg1: i32, %arg2: memref<10240x64xf32, #tpu.memory_space<hbm>>, %arg3: memref<10240x64xf32, #tpu.memory_space<hbm>>, %arg4: memref<2560x2x128xi32, #tpu.memory_space<hbm>>, %arg5: memref<640x64xf32, #tpu.memory_space<hbm>>, %arg6: memref<2x10240x64xf32, #tpu.memory_space<hbm>>, %arg7: memref<20x2x128xi32, #tpu.memory_space<vmem>>, %arg8: memref<20x2x128xi32, #tpu.memory_space<vmem>>, %arg9: memref<128x64xf32, #tpu.memory_space<vmem>>, %arg10: memref<128x64xf32, #tpu.memory_space<vmem>>, %arg11: memref<128x64xf32, #tpu.memory_space<vmem>>, %arg12: memref<128x64xf32, #tpu.memory_space<vmem>>, %arg13: memref<10240x64xf32, #tpu.memory_space<vmem_shared>>, %arg14: memref<10240x64xf32, #tpu.memory_space<vmem_shared>>, %arg15: memref<!tpu.dma_semaphore, #tpu.memory_space<semaphore_mem>>, %arg16: memref<!tpu.dma_semaphore, #tpu.memory_space<semaphore_mem>>, %arg17: memref<!tpu.dma_semaphore, #tpu.memory_space<semaphore_mem>>, %arg18: memref<!tpu.dma_semaphore, #tpu.memory_space<semaphore_mem>>, %arg19: memref<!tpu.dma_semaphore, #tpu.memory_space<semaphore_mem>>, %arg20: memref<!tpu.dma_semaphore, #tpu.memory_space<semaphore_mem>>, %arg21: memref<!tpu.dma_semaphore, #tpu.memory_space<semaphore_mem>>, %arg22: memref<!tpu.dma_semaphore, #tpu.memory_space<semaphore_mem>>, %arg23: memref<!tpu.dma_semaphore, #tpu.memory_space<semaphore_mem>>, %arg24: memref<!tpu.dma_semaphore, #tpu.memory_space<semaphore_mem>>) attributes {dimension_semantics = [#tpu.dimension_semantics<core_parallel>, #tpu.dimension_semantics<subcore_parallel>], iteration_bounds = array<i64: 2, 16>, scalar_prefetch = 0 : i64, scratch_operands = 18 : i64, tpu.core_type = #tpu.core_type<sc_vector_subcore>, window_params = [{transform_indices = #map}, {transform_indices = #map}, {transform_indices = #map1}, {transform_indices = #map}, {transform_indices = #map1}]} {
    %mul3A = arith.constant 160 : i32
    %mul3A_0 = arith.muli %arg1, %mul3A : i32
    %mul3A_1 = arith.constant 640 : i32
    %mul3A_2 = arith.muli %arg1, %mul3A_1 : i32
    "tpu.region"() ({
      %run_scoped3A = tpu.sem_alloc : memref<!tpu.dma_semaphore, #tpu.memory_space<semaphore_mem>>
      %dma_start3A_25 = arith.constant 0 : i32
      %dma_start3A_26 = tpu.memref_slice %arg13[%mul3A_2, %dma_start3A_25] : memref<10240x64xf32, #tpu.memory_space<vmem_shared>> -> memref<640x64xf32, #tpu.memory_space<vmem_shared>>
      tpu.enqueue_dma source(%arg5 : memref<640x64xf32, #tpu.memory_space<hbm>>) target(%dma_start3A_26 : memref<640x64xf32, #tpu.memory_space<vmem_shared>>) target_semaphore(%run_scoped3A : memref<!tpu.dma_semaphore, #tpu.memory_space<semaphore_mem>>)
      %dma_wait3A = arith.constant 0 : i32
      %dma_wait3A_27 = tpu.memref_slice %arg13[%mul3A_2, %dma_wait3A] : memref<10240x64xf32, #tpu.memory_space<vmem_shared>> -> memref<640x64xf32, #tpu.memory_space<vmem_shared>>
      tpu.wait_dma2 semaphore(%run_scoped3A : memref<!tpu.dma_semaphore, #tpu.memory_space<semaphore_mem>>) src(%arg5 : memref<640x64xf32, #tpu.memory_space<hbm>>) dst(%dma_wait3A_27 : memref<640x64xf32, #tpu.memory_space<vmem_shared>>)
      tpu.yield
    }) : () -> ()
    %dma_start3A = arith.constant 0 : i32
    %dma_start3A_3 = arith.constant 0 : i32
    %dma_start3A_4 = tpu.memref_slice %arg4[%mul3A_0, %dma_start3A, %dma_start3A_3] : memref<2560x2x128xi32, #tpu.memory_space<hbm>> -> memref<20x2x128xi32, #tpu.memory_space<hbm>>
    %dma_start3A_5 = arith.constant 0 : i32
    %dma_start3A_6 = arith.constant 0 : i32
    %dma_start3A_7 = tpu.memref_slice %arg4[%mul3A_0, %dma_start3A_5, %dma_start3A_6] : memref<2560x2x128xi32, #tpu.memory_space<hbm>> -> memref<20x2x128xi32, #tpu.memory_space<hbm>>
    tpu.enqueue_dma source(%dma_start3A_7 : memref<20x2x128xi32, #tpu.memory_space<hbm>>) target(%arg7 : memref<20x2x128xi32, #tpu.memory_space<vmem>>) target_semaphore(%arg23 : memref<!tpu.dma_semaphore, #tpu.memory_space<semaphore_mem>>)
    %eq3A = arith.constant 0 : i32
    %eq3A_8 = arith.cmpi eq, %arg0, %eq3A : i32
    %convert_element_type3A = arith.extui %eq3A_8 : i1 to i32
    %cond3A = arith.constant 0 : i32
    %cond3A_9 = arith.cmpi ne, %convert_element_type3A, %cond3A : i32
    scf.if %cond3A_9 {
      %mul3A_25 = arith.constant 640 : i32
      %mul3A_26 = arith.muli %arg1, %mul3A_25 : i32
      %mul3A_27 = arith.constant 640 : i32
      %mul3A_28 = arith.muli %arg1, %mul3A_27 : i32
      "tpu.region"() ({
        %run_scoped3A = tpu.sem_alloc : memref<!tpu.dma_semaphore, #tpu.memory_space<semaphore_mem>>
        %dma_start3A_29 = arith.constant 0 : i32
        %dma_start3A_30 = tpu.memref_slice %arg14[%mul3A_28, %dma_start3A_29] : memref<10240x64xf32, #tpu.memory_space<vmem_shared>> -> memref<640x64xf32, #tpu.memory_space<vmem_shared>>
        %dma_start3A_31 = arith.constant 0 : i32
        %dma_start3A_32 = tpu.memref_slice %arg2[%mul3A_26, %dma_start3A_31] : memref<10240x64xf32, #tpu.memory_space<hbm>> -> memref<640x64xf32, #tpu.memory_space<hbm>>
        tpu.enqueue_dma source(%dma_start3A_32 : memref<640x64xf32, #tpu.memory_space<hbm>>) target(%dma_start3A_30 : memref<640x64xf32, #tpu.memory_space<vmem_shared>>) target_semaphore(%run_scoped3A : memref<!tpu.dma_semaphore, #tpu.memory_space<semaphore_mem>>)
        %dma_wait3A = arith.constant 0 : i32
        %dma_wait3A_33 = tpu.memref_slice %arg14[%mul3A_28, %dma_wait3A] : memref<10240x64xf32, #tpu.memory_space<vmem_shared>> -> memref<640x64xf32, #tpu.memory_space<vmem_shared>>
        %dma_wait3A_34 = arith.constant 0 : i32
        %dma_wait3A_35 = tpu.memref_slice %arg2[%mul3A_26, %dma_wait3A_34] : memref<10240x64xf32, #tpu.memory_space<hbm>> -> memref<640x64xf32, #tpu.memory_space<hbm>>
        tpu.wait_dma2 semaphore(%run_scoped3A : memref<!tpu.dma_semaphore, #tpu.memory_space<semaphore_mem>>) src(%dma_wait3A_35 : memref<640x64xf32, #tpu.memory_space<hbm>>) dst(%dma_wait3A_33 : memref<640x64xf32, #tpu.memory_space<vmem_shared>>)
        tpu.yield
      }) : () -> ()
    } else {
    }
    %eq3A_10 = arith.constant 1 : i32
    %eq3A_11 = arith.cmpi eq, %arg0, %eq3A_10 : i32
    %convert_element_type3A_12 = arith.extui %eq3A_11 : i1 to i32
    %cond3A_13 = arith.constant 0 : i32
    %cond3A_14 = arith.cmpi ne, %convert_element_type3A_12, %cond3A_13 : i32
    scf.if %cond3A_14 {
      %mul3A_25 = arith.constant 640 : i32
      %mul3A_26 = arith.muli %arg1, %mul3A_25 : i32
      %mul3A_27 = arith.constant 640 : i32
      %mul3A_28 = arith.muli %arg1, %mul3A_27 : i32
      "tpu.region"() ({
        %run_scoped3A = tpu.sem_alloc : memref<!tpu.dma_semaphore, #tpu.memory_space<semaphore_mem>>
        %dma_start3A_29 = arith.constant 0 : i32
        %dma_start3A_30 = tpu.memref_slice %arg14[%mul3A_28, %dma_start3A_29] : memref<10240x64xf32, #tpu.memory_space<vmem_shared>> -> memref<640x64xf32, #tpu.memory_space<vmem_shared>>
        %dma_start3A_31 = arith.constant 0 : i32
        %dma_start3A_32 = tpu.memref_slice %arg3[%mul3A_26, %dma_start3A_31] : memref<10240x64xf32, #tpu.memory_space<hbm>> -> memref<640x64xf32, #tpu.memory_space<hbm>>
        tpu.enqueue_dma source(%dma_start3A_32 : memref<640x64xf32, #tpu.memory_space<hbm>>) target(%dma_start3A_30 : memref<640x64xf32, #tpu.memory_space<vmem_shared>>) target_semaphore(%run_scoped3A : memref<!tpu.dma_semaphore, #tpu.memory_space<semaphore_mem>>)
        %dma_wait3A = arith.constant 0 : i32
        %dma_wait3A_33 = tpu.memref_slice %arg14[%mul3A_28, %dma_wait3A] : memref<10240x64xf32, #tpu.memory_space<vmem_shared>> -> memref<640x64xf32, #tpu.memory_space<vmem_shared>>
        %dma_wait3A_34 = arith.constant 0 : i32
        %dma_wait3A_35 = tpu.memref_slice %arg3[%mul3A_26, %dma_wait3A_34] : memref<10240x64xf32, #tpu.memory_space<hbm>> -> memref<640x64xf32, #tpu.memory_space<hbm>>
        tpu.wait_dma2 semaphore(%run_scoped3A : memref<!tpu.dma_semaphore, #tpu.memory_space<semaphore_mem>>) src(%dma_wait3A_35 : memref<640x64xf32, #tpu.memory_space<hbm>>) dst(%dma_wait3A_33 : memref<640x64xf32, #tpu.memory_space<vmem_shared>>)
        tpu.yield
      }) : () -> ()
    } else {
    }
    %barrier3A = arith.constant 0 : index
    tpu.barrier barrier_id(%barrier3A)
    %scan3A = arith.constant 0 : i32
    %scan3A_15 = arith.constant 0 : i32
    %scan3A_16 = arith.constant 4 : i32
    %scan3A_17 = arith.addi %scan3A_15, %scan3A_16 : i32
    %scan3A_18 = arith.constant 1 : i32
    scf.for %scan3A_25 = %scan3A_15 to %scan3A_17 step %scan3A_18  : i32 {
      %mul3A_26 = arith.constant 2 : i32
      %mul3A_27 = arith.muli %scan3A_25, %mul3A_26 : i32
      %mul3A_28 = arith.constant 20 : i32
      %mul3A_29 = arith.muli %mul3A_27, %mul3A_28 : i32
      %add3A = arith.addi %mul3A_0, %mul3A_29 : i32
      %dma_wait3A = arith.constant 0 : i32
      %dma_wait3A_30 = arith.constant 0 : i32
      %dma_wait3A_31 = tpu.memref_slice %arg4[%add3A, %dma_wait3A, %dma_wait3A_30] : memref<2560x2x128xi32, #tpu.memory_space<hbm>> -> memref<20x2x128xi32, #tpu.memory_space<hbm>>
      %dma_wait3A_32 = arith.constant 0 : i32
      %dma_wait3A_33 = arith.constant 0 : i32
      %dma_wait3A_34 = tpu.memref_slice %arg4[%add3A, %dma_wait3A_32, %dma_wait3A_33] : memref<2560x2x128xi32, #tpu.memory_space<hbm>> -> memref<20x2x128xi32, #tpu.memory_space<hbm>>
      tpu.wait_dma2 semaphore(%arg23 : memref<!tpu.dma_semaphore, #tpu.memory_space<semaphore_mem>>) src(%dma_wait3A_34 : memref<20x2x128xi32, #tpu.memory_space<hbm>>) dst(%arg7 : memref<20x2x128xi32, #tpu.memory_space<vmem>>)
      %add3A_35 = arith.constant 20 : i32
      %add3A_36 = arith.addi %add3A, %add3A_35 : i32
      %dma_start3A_37 = arith.constant 0 : i32
      %dma_start3A_38 = arith.constant 0 : i32
      %dma_start3A_39 = tpu.memref_slice %arg4[%add3A_36, %dma_start3A_37, %dma_start3A_38] : memref<2560x2x128xi32, #tpu.memory_space<hbm>> -> memref<20x2x128xi32, #tpu.memory_space<hbm>>
      %dma_start3A_40 = arith.constant 0 : i32
      %dma_start3A_41 = arith.constant 0 : i32
      %dma_start3A_42 = tpu.memref_slice %arg4[%add3A_36, %dma_start3A_40, %dma_start3A_41] : memref<2560x2x128xi32, #tpu.memory_space<hbm>> -> memref<20x2x128xi32, #tpu.memory_space<hbm>>
      tpu.enqueue_dma source(%dma_start3A_42 : memref<20x2x128xi32, #tpu.memory_space<hbm>>) target(%arg8 : memref<20x2x128xi32, #tpu.memory_space<vmem>>) target_semaphore(%arg24 : memref<!tpu.dma_semaphore, #tpu.memory_space<semaphore_mem>>)
      %scan3A_43 = arith.constant 0 : i32
      %scan3A_44 = arith.constant 0 : i32
      %scan3A_45 = arith.constant 5 : i32
      %scan3A_46 = arith.addi %scan3A_44, %scan3A_45 : i32
      %scan3A_47 = arith.constant 1 : i32
      scf.for %scan3A_133 = %scan3A_44 to %scan3A_46 step %scan3A_47  : i32 {
        %mul3A_134 = arith.constant 4 : i32
        %mul3A_135 = arith.muli %scan3A_133, %mul3A_134 : i32
        %gt3A = arith.constant 0 : i32
        %gt3A_136 = arith.cmpi sgt, %scan3A_133, %gt3A : i32
        %convert_element_type3A_137 = arith.extui %gt3A_136 : i1 to i32
        %cond3A_138 = arith.constant 0 : i32
        %cond3A_139 = arith.cmpi ne, %convert_element_type3A_137, %cond3A_138 : i32
        scf.if %cond3A_139 {
          %sub3A = arith.constant 4 : i32
          %sub3A_255 = arith.subi %mul3A_135, %sub3A : i32
          %add3A_256 = arith.constant 0 : i32
          %add3A_257 = arith.addi %sub3A_255, %add3A_256 : i32
          %dma_wait3A_258 = arith.constant 1 : i32
          %dma_wait3A_259 = arith.constant 0 : i32
          %dma_wait3A_260 = tpu.memref_slice %arg7[%add3A_257, %dma_wait3A_258, %dma_wait3A_259] : memref<20x2x128xi32, #tpu.memory_space<vmem>> -> memref<1x1x128xi32, #tpu.memory_space<vmem>>
          %dma_wait3A_261 = tpu.memref_squeeze %dma_wait3A_260 : memref<1x1x128xi32, #tpu.memory_space<vmem>> -> memref<128xi32, #tpu.memory_space<vmem>>
          %dma_wait3A_262 = arith.constant 0 : i32
          %dma_wait3A_263 = arith.constant 0 : i32
          %dma_wait3A_264 = tpu.memref_slice %arg13[%dma_wait3A_262, %dma_wait3A_263] : memref<10240x64xf32, #tpu.memory_space<vmem_shared>> -> memref<10240x64xf32, #tpu.memory_space<vmem_shared>>
          tpu.wait_indirect_dma semaphore(%arg19 : memref<!tpu.dma_semaphore, #tpu.memory_space<semaphore_mem>>) src(%arg9 : memref<128x64xf32, #tpu.memory_space<vmem>>) dst(%dma_wait3A_264 : memref<10240x64xf32, #tpu.memory_space<vmem_shared>>)
        } else {
        }
        %add3A_140 = arith.constant 0 : i32
        %add3A_141 = arith.addi %mul3A_135, %add3A_140 : i32
        %dma_start3A_142 = arith.constant 0 : i32
        %dma_start3A_143 = arith.constant 0 : i32
        %dma_start3A_144 = tpu.memref_slice %arg7[%add3A_141, %dma_start3A_142, %dma_start3A_143] : memref<20x2x128xi32, #tpu.memory_space<vmem>> -> memref<1x1x128xi32, #tpu.memory_space<vmem>>
        %dma_start3A_145 = tpu.memref_squeeze %dma_start3A_144 : memref<1x1x128xi32, #tpu.memory_space<vmem>> -> memref<128xi32, #tpu.memory_space<vmem>>
        %dma_start3A_146 = arith.constant 0 : i32
        %dma_start3A_147 = arith.constant 0 : i32
        %dma_start3A_148 = tpu.memref_slice %arg14[%dma_start3A_146, %dma_start3A_147] : memref<10240x64xf32, #tpu.memory_space<vmem_shared>> -> memref<10240x64xf32, #tpu.memory_space<vmem_shared>>
        tpu.enqueue_indirect_dma source(%dma_start3A_148 : memref<10240x64xf32, #tpu.memory_space<vmem_shared>>) target(%arg9 : memref<128x64xf32, #tpu.memory_space<vmem>>) offsets(%dma_start3A_145 : memref<128xi32, #tpu.memory_space<vmem>>) semaphore(%arg15 : memref<!tpu.dma_semaphore, #tpu.memory_space<semaphore_mem>>)
        %gt3A_149 = arith.constant 0 : i32
        %gt3A_150 = arith.cmpi sgt, %scan3A_133, %gt3A_149 : i32
        %convert_element_type3A_151 = arith.extui %gt3A_150 : i1 to i32
        %cond3A_152 = arith.constant 0 : i32
        %cond3A_153 = arith.cmpi ne, %convert_element_type3A_151, %cond3A_152 : i32
        scf.if %cond3A_153 {
          %sub3A = arith.constant 4 : i32
          %sub3A_255 = arith.subi %mul3A_135, %sub3A : i32
          %add3A_256 = arith.constant 1 : i32
          %add3A_257 = arith.addi %sub3A_255, %add3A_256 : i32
          %dma_wait3A_258 = arith.constant 1 : i32
          %dma_wait3A_259 = arith.constant 0 : i32
          %dma_wait3A_260 = tpu.memref_slice %arg7[%add3A_257, %dma_wait3A_258, %dma_wait3A_259] : memref<20x2x128xi32, #tpu.memory_space<vmem>> -> memref<1x1x128xi32, #tpu.memory_space<vmem>>
          %dma_wait3A_261 = tpu.memref_squeeze %dma_wait3A_260 : memref<1x1x128xi32, #tpu.memory_space<vmem>> -> memref<128xi32, #tpu.memory_space<vmem>>
          %dma_wait3A_262 = arith.constant 0 : i32
          %dma_wait3A_263 = arith.constant 0 : i32
          %dma_wait3A_264 = tpu.memref_slice %arg13[%dma_wait3A_262, %dma_wait3A_263] : memref<10240x64xf32, #tpu.memory_space<vmem_shared>> -> memref<10240x64xf32, #tpu.memory_space<vmem_shared>>
          tpu.wait_indirect_dma semaphore(%arg20 : memref<!tpu.dma_semaphore, #tpu.memory_space<semaphore_mem>>) src(%arg10 : memref<128x64xf32, #tpu.memory_space<vmem>>) dst(%dma_wait3A_264 : memref<10240x64xf32, #tpu.memory_space<vmem_shared>>)
        } else {
        }
        %add3A_154 = arith.constant 1 : i32
        %add3A_155 = arith.addi %mul3A_135, %add3A_154 : i32
        %dma_start3A_156 = arith.constant 0 : i32
        %dma_start3A_157 = arith.constant 0 : i32
        %dma_start3A_158 = tpu.memref_slice %arg7[%add3A_155, %dma_start3A_156, %dma_start3A_157] : memref<20x2x128xi32, #tpu.memory_space<vmem>> -> memref<1x1x128xi32, #tpu.memory_space<vmem>>
        %dma_start3A_159 = tpu.memref_squeeze %dma_start3A_158 : memref<1x1x128xi32, #tpu.memory_space<vmem>> -> memref<128xi32, #tpu.memory_space<vmem>>
        %dma_start3A_160 = arith.constant 0 : i32
        %dma_start3A_161 = arith.constant 0 : i32
        %dma_start3A_162 = tpu.memref_slice %arg14[%dma_start3A_160, %dma_start3A_161] : memref<10240x64xf32, #tpu.memory_space<vmem_shared>> -> memref<10240x64xf32, #tpu.memory_space<vmem_shared>>
        tpu.enqueue_indirect_dma source(%dma_start3A_162 : memref<10240x64xf32, #tpu.memory_space<vmem_shared>>) target(%arg10 : memref<128x64xf32, #tpu.memory_space<vmem>>) offsets(%dma_start3A_159 : memref<128xi32, #tpu.memory_space<vmem>>) semaphore(%arg16 : memref<!tpu.dma_semaphore, #tpu.memory_space<semaphore_mem>>)
        %gt3A_163 = arith.constant 0 : i32
        %gt3A_164 = arith.cmpi sgt, %scan3A_133, %gt3A_163 : i32
        %convert_element_type3A_165 = arith.extui %gt3A_164 : i1 to i32
        %cond3A_166 = arith.constant 0 : i32
        %cond3A_167 = arith.cmpi ne, %convert_element_type3A_165, %cond3A_166 : i32
        scf.if %cond3A_167 {
          %sub3A = arith.constant 4 : i32
          %sub3A_255 = arith.subi %mul3A_135, %sub3A : i32
          %add3A_256 = arith.constant 2 : i32
          %add3A_257 = arith.addi %sub3A_255, %add3A_256 : i32
          %dma_wait3A_258 = arith.constant 1 : i32
          %dma_wait3A_259 = arith.constant 0 : i32
          %dma_wait3A_260 = tpu.memref_slice %arg7[%add3A_257, %dma_wait3A_258, %dma_wait3A_259] : memref<20x2x128xi32, #tpu.memory_space<vmem>> -> memref<1x1x128xi32, #tpu.memory_space<vmem>>
          %dma_wait3A_261 = tpu.memref_squeeze %dma_wait3A_260 : memref<1x1x128xi32, #tpu.memory_space<vmem>> -> memref<128xi32, #tpu.memory_space<vmem>>
          %dma_wait3A_262 = arith.constant 0 : i32
          %dma_wait3A_263 = arith.constant 0 : i32
          %dma_wait3A_264 = tpu.memref_slice %arg13[%dma_wait3A_262, %dma_wait3A_263] : memref<10240x64xf32, #tpu.memory_space<vmem_shared>> -> memref<10240x64xf32, #tpu.memory_space<vmem_shared>>
          tpu.wait_indirect_dma semaphore(%arg21 : memref<!tpu.dma_semaphore, #tpu.memory_space<semaphore_mem>>) src(%arg11 : memref<128x64xf32, #tpu.memory_space<vmem>>) dst(%dma_wait3A_264 : memref<10240x64xf32, #tpu.memory_space<vmem_shared>>)
        } else {
        }
        %add3A_168 = arith.constant 2 : i32
        %add3A_169 = arith.addi %mul3A_135, %add3A_168 : i32
        %dma_start3A_170 = arith.constant 0 : i32
        %dma_start3A_171 = arith.constant 0 : i32
        %dma_start3A_172 = tpu.memref_slice %arg7[%add3A_169, %dma_start3A_170, %dma_start3A_171] : memref<20x2x128xi32, #tpu.memory_space<vmem>> -> memref<1x1x128xi32, #tpu.memory_space<vmem>>
        %dma_start3A_173 = tpu.memref_squeeze %dma_start3A_172 : memref<1x1x128xi32, #tpu.memory_space<vmem>> -> memref<128xi32, #tpu.memory_space<vmem>>
        %dma_start3A_174 = arith.constant 0 : i32
        %dma_start3A_175 = arith.constant 0 : i32
        %dma_start3A_176 = tpu.memref_slice %arg14[%dma_start3A_174, %dma_start3A_175] : memref<10240x64xf32, #tpu.memory_space<vmem_shared>> -> memref<10240x64xf32, #tpu.memory_space<vmem_shared>>
        tpu.enqueue_indirect_dma source(%dma_start3A_176 : memref<10240x64xf32, #tpu.memory_space<vmem_shared>>) target(%arg11 : memref<128x64xf32, #tpu.memory_space<vmem>>) offsets(%dma_start3A_173 : memref<128xi32, #tpu.memory_space<vmem>>) semaphore(%arg17 : memref<!tpu.dma_semaphore, #tpu.memory_space<semaphore_mem>>)
        %gt3A_177 = arith.constant 0 : i32
        %gt3A_178 = arith.cmpi sgt, %scan3A_133, %gt3A_177 : i32
        %convert_element_type3A_179 = arith.extui %gt3A_178 : i1 to i32
        %cond3A_180 = arith.constant 0 : i32
        %cond3A_181 = arith.cmpi ne, %convert_element_type3A_179, %cond3A_180 : i32
        scf.if %cond3A_181 {
          %sub3A = arith.constant 4 : i32
          %sub3A_255 = arith.subi %mul3A_135, %sub3A : i32
          %add3A_256 = arith.constant 3 : i32
          %add3A_257 = arith.addi %sub3A_255, %add3A_256 : i32
          %dma_wait3A_258 = arith.constant 1 : i32
          %dma_wait3A_259 = arith.constant 0 : i32
          %dma_wait3A_260 = tpu.memref_slice %arg7[%add3A_257, %dma_wait3A_258, %dma_wait3A_259] : memref<20x2x128xi32, #tpu.memory_space<vmem>> -> memref<1x1x128xi32, #tpu.memory_space<vmem>>
          %dma_wait3A_261 = tpu.memref_squeeze %dma_wait3A_260 : memref<1x1x128xi32, #tpu.memory_space<vmem>> -> memref<128xi32, #tpu.memory_space<vmem>>
          %dma_wait3A_262 = arith.constant 0 : i32
          %dma_wait3A_263 = arith.constant 0 : i32
          %dma_wait3A_264 = tpu.memref_slice %arg13[%dma_wait3A_262, %dma_wait3A_263] : memref<10240x64xf32, #tpu.memory_space<vmem_shared>> -> memref<10240x64xf32, #tpu.memory_space<vmem_shared>>
          tpu.wait_indirect_dma semaphore(%arg22 : memref<!tpu.dma_semaphore, #tpu.memory_space<semaphore_mem>>) src(%arg12 : memref<128x64xf32, #tpu.memory_space<vmem>>) dst(%dma_wait3A_264 : memref<10240x64xf32, #tpu.memory_space<vmem_shared>>)
        } else {
        }
        %add3A_182 = arith.constant 3 : i32
        %add3A_183 = arith.addi %mul3A_135, %add3A_182 : i32
        %dma_start3A_184 = arith.constant 0 : i32
        %dma_start3A_185 = arith.constant 0 : i32
        %dma_start3A_186 = tpu.memref_slice %arg7[%add3A_183, %dma_start3A_184, %dma_start3A_185] : memref<20x2x128xi32, #tpu.memory_space<vmem>> -> memref<1x1x128xi32, #tpu.memory_space<vmem>>
        %dma_start3A_187 = tpu.memref_squeeze %dma_start3A_186 : memref<1x1x128xi32, #tpu.memory_space<vmem>> -> memref<128xi32, #tpu.memory_space<vmem>>
        %dma_start3A_188 = arith.constant 0 : i32
        %dma_start3A_189 = arith.constant 0 : i32
        %dma_start3A_190 = tpu.memref_slice %arg14[%dma_start3A_188, %dma_start3A_189] : memref<10240x64xf32, #tpu.memory_space<vmem_shared>> -> memref<10240x64xf32, #tpu.memory_space<vmem_shared>>
        tpu.enqueue_indirect_dma source(%dma_start3A_190 : memref<10240x64xf32, #tpu.memory_space<vmem_shared>>) target(%arg12 : memref<128x64xf32, #tpu.memory_space<vmem>>) offsets(%dma_start3A_187 : memref<128xi32, #tpu.memory_space<vmem>>) semaphore(%arg18 : memref<!tpu.dma_semaphore, #tpu.memory_space<semaphore_mem>>)
        %dma_wait3A_191 = arith.constant 0 : i32
        %dma_wait3A_192 = arith.constant 0 : i32
        %dma_wait3A_193 = tpu.memref_slice %arg7[%add3A_141, %dma_wait3A_191, %dma_wait3A_192] : memref<20x2x128xi32, #tpu.memory_space<vmem>> -> memref<1x1x128xi32, #tpu.memory_space<vmem>>
        %dma_wait3A_194 = tpu.memref_squeeze %dma_wait3A_193 : memref<1x1x128xi32, #tpu.memory_space<vmem>> -> memref<128xi32, #tpu.memory_space<vmem>>
        %dma_wait3A_195 = arith.constant 0 : i32
        %dma_wait3A_196 = arith.constant 0 : i32
        %dma_wait3A_197 = tpu.memref_slice %arg14[%dma_wait3A_195, %dma_wait3A_196] : memref<10240x64xf32, #tpu.memory_space<vmem_shared>> -> memref<10240x64xf32, #tpu.memory_space<vmem_shared>>
        tpu.wait_indirect_dma semaphore(%arg15 : memref<!tpu.dma_semaphore, #tpu.memory_space<semaphore_mem>>) src(%dma_wait3A_197 : memref<10240x64xf32, #tpu.memory_space<vmem_shared>>) dst(%arg9 : memref<128x64xf32, #tpu.memory_space<vmem>>)
        %add3A_198 = arith.constant 0 : i32
        %add3A_199 = arith.addi %mul3A_135, %add3A_198 : i32
        %dma_start3A_200 = arith.constant 1 : i32
        %dma_start3A_201 = arith.constant 0 : i32
        %dma_start3A_202 = tpu.memref_slice %arg7[%add3A_199, %dma_start3A_200, %dma_start3A_201] : memref<20x2x128xi32, #tpu.memory_space<vmem>> -> memref<1x1x128xi32, #tpu.memory_space<vmem>>
        %dma_start3A_203 = tpu.memref_squeeze %dma_start3A_202 : memref<1x1x128xi32, #tpu.memory_space<vmem>> -> memref<128xi32, #tpu.memory_space<vmem>>
        %dma_start3A_204 = arith.constant 0 : i32
        %dma_start3A_205 = arith.constant 0 : i32
        %dma_start3A_206 = tpu.memref_slice %arg13[%dma_start3A_204, %dma_start3A_205] : memref<10240x64xf32, #tpu.memory_space<vmem_shared>> -> memref<10240x64xf32, #tpu.memory_space<vmem_shared>>
        tpu.enqueue_indirect_dma source(%arg9 : memref<128x64xf32, #tpu.memory_space<vmem>>) target(%dma_start3A_206 : memref<10240x64xf32, #tpu.memory_space<vmem_shared>>) offsets(%dma_start3A_203 : memref<128xi32, #tpu.memory_space<vmem>>) semaphore(%arg19 : memref<!tpu.dma_semaphore, #tpu.memory_space<semaphore_mem>>) {add = true}
        %dma_wait3A_207 = arith.constant 0 : i32
        %dma_wait3A_208 = arith.constant 0 : i32
        %dma_wait3A_209 = tpu.memref_slice %arg7[%add3A_155, %dma_wait3A_207, %dma_wait3A_208] : memref<20x2x128xi32, #tpu.memory_space<vmem>> -> memref<1x1x128xi32, #tpu.memory_space<vmem>>
        %dma_wait3A_210 = tpu.memref_squeeze %dma_wait3A_209 : memref<1x1x128xi32, #tpu.memory_space<vmem>> -> memref<128xi32, #tpu.memory_space<vmem>>
        %dma_wait3A_211 = arith.constant 0 : i32
        %dma_wait3A_212 = arith.constant 0 : i32
        %dma_wait3A_213 = tpu.memref_slice %arg14[%dma_wait3A_211, %dma_wait3A_212] : memref<10240x64xf32, #tpu.memory_space<vmem_shared>> -> memref<10240x64xf32, #tpu.memory_space<vmem_shared>>
        tpu.wait_indirect_dma semaphore(%arg16 : memref<!tpu.dma_semaphore, #tpu.memory_space<semaphore_mem>>) src(%dma_wait3A_213 : memref<10240x64xf32, #tpu.memory_space<vmem_shared>>) dst(%arg10 : memref<128x64xf32, #tpu.memory_space<vmem>>)
        %add3A_214 = arith.constant 1 : i32
        %add3A_215 = arith.addi %mul3A_135, %add3A_214 : i32
        %dma_start3A_216 = arith.constant 1 : i32
        %dma_start3A_217 = arith.constant 0 : i32
        %dma_start3A_218 = tpu.memref_slice %arg7[%add3A_215, %dma_start3A_216, %dma_start3A_217] : memref<20x2x128xi32, #tpu.memory_space<vmem>> -> memref<1x1x128xi32, #tpu.memory_space<vmem>>
        %dma_start3A_219 = tpu.memref_squeeze %dma_start3A_218 : memref<1x1x128xi32, #tpu.memory_space<vmem>> -> memref<128xi32, #tpu.memory_space<vmem>>
        %dma_start3A_220 = arith.constant 0 : i32
        %dma_start3A_221 = arith.constant 0 : i32
        %dma_start3A_222 = tpu.memref_slice %arg13[%dma_start3A_220, %dma_start3A_221] : memref<10240x64xf32, #tpu.memory_space<vmem_shared>> -> memref<10240x64xf32, #tpu.memory_space<vmem_shared>>
        tpu.enqueue_indirect_dma source(%arg10 : memref<128x64xf32, #tpu.memory_space<vmem>>) target(%dma_start3A_222 : memref<10240x64xf32, #tpu.memory_space<vmem_shared>>) offsets(%dma_start3A_219 : memref<128xi32, #tpu.memory_space<vmem>>) semaphore(%arg20 : memref<!tpu.dma_semaphore, #tpu.memory_space<semaphore_mem>>) {add = true}
        %dma_wait3A_223 = arith.constant 0 : i32
        %dma_wait3A_224 = arith.constant 0 : i32
        %dma_wait3A_225 = tpu.memref_slice %arg7[%add3A_169, %dma_wait3A_223, %dma_wait3A_224] : memref<20x2x128xi32, #tpu.memory_space<vmem>> -> memref<1x1x128xi32, #tpu.memory_space<vmem>>
        %dma_wait3A_226 = tpu.memref_squeeze %dma_wait3A_225 : memref<1x1x128xi32, #tpu.memory_space<vmem>> -> memref<128xi32, #tpu.memory_space<vmem>>
        %dma_wait3A_227 = arith.constant 0 : i32
        %dma_wait3A_228 = arith.constant 0 : i32
        %dma_wait3A_229 = tpu.memref_slice %arg14[%dma_wait3A_227, %dma_wait3A_228] : memref<10240x64xf32, #tpu.memory_space<vmem_shared>> -> memref<10240x64xf32, #tpu.memory_space<vmem_shared>>
        tpu.wait_indirect_dma semaphore(%arg17 : memref<!tpu.dma_semaphore, #tpu.memory_space<semaphore_mem>>) src(%dma_wait3A_229 : memref<10240x64xf32, #tpu.memory_space<vmem_shared>>) dst(%arg11 : memref<128x64xf32, #tpu.memory_space<vmem>>)
        %add3A_230 = arith.constant 2 : i32
        %add3A_231 = arith.addi %mul3A_135, %add3A_230 : i32
        %dma_start3A_232 = arith.constant 1 : i32
        %dma_start3A_233 = arith.constant 0 : i32
        %dma_start3A_234 = tpu.memref_slice %arg7[%add3A_231, %dma_start3A_232, %dma_start3A_233] : memref<20x2x128xi32, #tpu.memory_space<vmem>> -> memref<1x1x128xi32, #tpu.memory_space<vmem>>
        %dma_start3A_235 = tpu.memref_squeeze %dma_start3A_234 : memref<1x1x128xi32, #tpu.memory_space<vmem>> -> memref<128xi32, #tpu.memory_space<vmem>>
        %dma_start3A_236 = arith.constant 0 : i32
        %dma_start3A_237 = arith.constant 0 : i32
        %dma_start3A_238 = tpu.memref_slice %arg13[%dma_start3A_236, %dma_start3A_237] : memref<10240x64xf32, #tpu.memory_space<vmem_shared>> -> memref<10240x64xf32, #tpu.memory_space<vmem_shared>>
        tpu.enqueue_indirect_dma source(%arg11 : memref<128x64xf32, #tpu.memory_space<vmem>>) target(%dma_start3A_238 : memref<10240x64xf32, #tpu.memory_space<vmem_shared>>) offsets(%dma_start3A_235 : memref<128xi32, #tpu.memory_space<vmem>>) semaphore(%arg21 : memref<!tpu.dma_semaphore, #tpu.memory_space<semaphore_mem>>) {add = true}
        %dma_wait3A_239 = arith.constant 0 : i32
        %dma_wait3A_240 = arith.constant 0 : i32
        %dma_wait3A_241 = tpu.memref_slice %arg7[%add3A_183, %dma_wait3A_239, %dma_wait3A_240] : memref<20x2x128xi32, #tpu.memory_space<vmem>> -> memref<1x1x128xi32, #tpu.memory_space<vmem>>
        %dma_wait3A_242 = tpu.memref_squeeze %dma_wait3A_241 : memref<1x1x128xi32, #tpu.memory_space<vmem>> -> memref<128xi32, #tpu.memory_space<vmem>>
        %dma_wait3A_243 = arith.constant 0 : i32
        %dma_wait3A_244 = arith.constant 0 : i32
        %dma_wait3A_245 = tpu.memref_slice %arg14[%dma_wait3A_243, %dma_wait3A_244] : memref<10240x64xf32, #tpu.memory_space<vmem_shared>> -> memref<10240x64xf32, #tpu.memory_space<vmem_shared>>
        tpu.wait_indirect_dma semaphore(%arg18 : memref<!tpu.dma_semaphore, #tpu.memory_space<semaphore_mem>>) src(%dma_wait3A_245 : memref<10240x64xf32, #tpu.memory_space<vmem_shared>>) dst(%arg12 : memref<128x64xf32, #tpu.memory_space<vmem>>)
        %add3A_246 = arith.constant 3 : i32
        %add3A_247 = arith.addi %mul3A_135, %add3A_246 : i32
        %dma_start3A_248 = arith.constant 1 : i32
        %dma_start3A_249 = arith.constant 0 : i32
        %dma_start3A_250 = tpu.memref_slice %arg7[%add3A_247, %dma_start3A_248, %dma_start3A_249] : memref<20x2x128xi32, #tpu.memory_space<vmem>> -> memref<1x1x128xi32, #tpu.memory_space<vmem>>
        %dma_start3A_251 = tpu.memref_squeeze %dma_start3A_250 : memref<1x1x128xi32, #tpu.memory_space<vmem>> -> memref<128xi32, #tpu.memory_space<vmem>>
        %dma_start3A_252 = arith.constant 0 : i32
        %dma_start3A_253 = arith.constant 0 : i32
        %dma_start3A_254 = tpu.memref_slice %arg13[%dma_start3A_252, %dma_start3A_253] : memref<10240x64xf32, #tpu.memory_space<vmem_shared>> -> memref<10240x64xf32, #tpu.memory_space<vmem_shared>>
        tpu.enqueue_indirect_dma source(%arg12 : memref<128x64xf32, #tpu.memory_space<vmem>>) target(%dma_start3A_254 : memref<10240x64xf32, #tpu.memory_space<vmem_shared>>) offsets(%dma_start3A_251 : memref<128xi32, #tpu.memory_space<vmem>>) semaphore(%arg22 : memref<!tpu.dma_semaphore, #tpu.memory_space<semaphore_mem>>) {add = true}
      }
      %scan3A_48 = arith.constant 5 : i32
      %dma_wait3A_49 = arith.constant 16 : i32
      %dma_wait3A_50 = arith.constant 1 : i32
      %dma_wait3A_51 = arith.constant 0 : i32
      %dma_wait3A_52 = tpu.memref_slice %arg7[%dma_wait3A_49, %dma_wait3A_50, %dma_wait3A_51] : memref<20x2x128xi32, #tpu.memory_space<vmem>> -> memref<1x1x128xi32, #tpu.memory_space<vmem>>
      %dma_wait3A_53 = tpu.memref_squeeze %dma_wait3A_52 : memref<1x1x128xi32, #tpu.memory_space<vmem>> -> memref<128xi32, #tpu.memory_space<vmem>>
      %dma_wait3A_54 = arith.constant 0 : i32
      %dma_wait3A_55 = arith.constant 0 : i32
      %dma_wait3A_56 = tpu.memref_slice %arg13[%dma_wait3A_54, %dma_wait3A_55] : memref<10240x64xf32, #tpu.memory_space<vmem_shared>> -> memref<10240x64xf32, #tpu.memory_space<vmem_shared>>
      tpu.wait_indirect_dma semaphore(%arg19 : memref<!tpu.dma_semaphore, #tpu.memory_space<semaphore_mem>>) src(%arg9 : memref<128x64xf32, #tpu.memory_space<vmem>>) dst(%dma_wait3A_56 : memref<10240x64xf32, #tpu.memory_space<vmem_shared>>)
      %dma_wait3A_57 = arith.constant 17 : i32
      %dma_wait3A_58 = arith.constant 1 : i32
      %dma_wait3A_59 = arith.constant 0 : i32
      %dma_wait3A_60 = tpu.memref_slice %arg7[%dma_wait3A_57, %dma_wait3A_58, %dma_wait3A_59] : memref<20x2x128xi32, #tpu.memory_space<vmem>> -> memref<1x1x128xi32, #tpu.memory_space<vmem>>
      %dma_wait3A_61 = tpu.memref_squeeze %dma_wait3A_60 : memref<1x1x128xi32, #tpu.memory_space<vmem>> -> memref<128xi32, #tpu.memory_space<vmem>>
      %dma_wait3A_62 = arith.constant 0 : i32
      %dma_wait3A_63 = arith.constant 0 : i32
      %dma_wait3A_64 = tpu.memref_slice %arg13[%dma_wait3A_62, %dma_wait3A_63] : memref<10240x64xf32, #tpu.memory_space<vmem_shared>> -> memref<10240x64xf32, #tpu.memory_space<vmem_shared>>
      tpu.wait_indirect_dma semaphore(%arg20 : memref<!tpu.dma_semaphore, #tpu.memory_space<semaphore_mem>>) src(%arg10 : memref<128x64xf32, #tpu.memory_space<vmem>>) dst(%dma_wait3A_64 : memref<10240x64xf32, #tpu.memory_space<vmem_shared>>)
      %dma_wait3A_65 = arith.constant 18 : i32
      %dma_wait3A_66 = arith.constant 1 : i32
      %dma_wait3A_67 = arith.constant 0 : i32
      %dma_wait3A_68 = tpu.memref_slice %arg7[%dma_wait3A_65, %dma_wait3A_66, %dma_wait3A_67] : memref<20x2x128xi32, #tpu.memory_space<vmem>> -> memref<1x1x128xi32, #tpu.memory_space<vmem>>
      %dma_wait3A_69 = tpu.memref_squeeze %dma_wait3A_68 : memref<1x1x128xi32, #tpu.memory_space<vmem>> -> memref<128xi32, #tpu.memory_space<vmem>>
      %dma_wait3A_70 = arith.constant 0 : i32
      %dma_wait3A_71 = arith.constant 0 : i32
      %dma_wait3A_72 = tpu.memref_slice %arg13[%dma_wait3A_70, %dma_wait3A_71] : memref<10240x64xf32, #tpu.memory_space<vmem_shared>> -> memref<10240x64xf32, #tpu.memory_space<vmem_shared>>
      tpu.wait_indirect_dma semaphore(%arg21 : memref<!tpu.dma_semaphore, #tpu.memory_space<semaphore_mem>>) src(%arg11 : memref<128x64xf32, #tpu.memory_space<vmem>>) dst(%dma_wait3A_72 : memref<10240x64xf32, #tpu.memory_space<vmem_shared>>)
      %dma_wait3A_73 = arith.constant 19 : i32
      %dma_wait3A_74 = arith.constant 1 : i32
      %dma_wait3A_75 = arith.constant 0 : i32
      %dma_wait3A_76 = tpu.memref_slice %arg7[%dma_wait3A_73, %dma_wait3A_74, %dma_wait3A_75] : memref<20x2x128xi32, #tpu.memory_space<vmem>> -> memref<1x1x128xi32, #tpu.memory_space<vmem>>
      %dma_wait3A_77 = tpu.memref_squeeze %dma_wait3A_76 : memref<1x1x128xi32, #tpu.memory_space<vmem>> -> memref<128xi32, #tpu.memory_space<vmem>>
      %dma_wait3A_78 = arith.constant 0 : i32
      %dma_wait3A_79 = arith.constant 0 : i32
      %dma_wait3A_80 = tpu.memref_slice %arg13[%dma_wait3A_78, %dma_wait3A_79] : memref<10240x64xf32, #tpu.memory_space<vmem_shared>> -> memref<10240x64xf32, #tpu.memory_space<vmem_shared>>
      tpu.wait_indirect_dma semaphore(%arg22 : memref<!tpu.dma_semaphore, #tpu.memory_space<semaphore_mem>>) src(%arg12 : memref<128x64xf32, #tpu.memory_space<vmem>>) dst(%dma_wait3A_80 : memref<10240x64xf32, #tpu.memory_space<vmem_shared>>)
      %add3A_81 = arith.constant 20 : i32
      %add3A_82 = arith.addi %add3A, %add3A_81 : i32
      %dma_wait3A_83 = arith.constant 0 : i32
      %dma_wait3A_84 = arith.constant 0 : i32
      %dma_wait3A_85 = tpu.memref_slice %arg4[%add3A_82, %dma_wait3A_83, %dma_wait3A_84] : memref<2560x2x128xi32, #tpu.memory_space<hbm>> -> memref<20x2x128xi32, #tpu.memory_space<hbm>>
      %dma_wait3A_86 = arith.constant 0 : i32
      %dma_wait3A_87 = arith.constant 0 : i32
      %dma_wait3A_88 = tpu.memref_slice %arg4[%add3A_82, %dma_wait3A_86, %dma_wait3A_87] : memref<2560x2x128xi32, #tpu.memory_space<hbm>> -> memref<20x2x128xi32, #tpu.memory_space<hbm>>
      tpu.wait_dma2 semaphore(%arg24 : memref<!tpu.dma_semaphore, #tpu.memory_space<semaphore_mem>>) src(%dma_wait3A_88 : memref<20x2x128xi32, #tpu.memory_space<hbm>>) dst(%arg8 : memref<20x2x128xi32, #tpu.memory_space<vmem>>)
      %add3A_89 = arith.constant 1 : i32
      %add3A_90 = arith.addi %scan3A_25, %add3A_89 : i32
      %lt3A = arith.constant 4 : i32
      %lt3A_91 = arith.cmpi slt, %add3A_90, %lt3A : i32
      %convert_element_type3A_92 = arith.extui %lt3A_91 : i1 to i32
      %cond3A_93 = arith.constant 0 : i32
      %cond3A_94 = arith.cmpi ne, %convert_element_type3A_92, %cond3A_93 : i32
      scf.if %cond3A_94 {
        %add3A_133 = arith.constant 40 : i32
        %add3A_134 = arith.addi %add3A, %add3A_133 : i32
        %dma_start3A_135 = arith.constant 0 : i32
        %dma_start3A_136 = arith.constant 0 : i32
        %dma_start3A_137 = tpu.memref_slice %arg4[%add3A_134, %dma_start3A_135, %dma_start3A_136] : memref<2560x2x128xi32, #tpu.memory_space<hbm>> -> memref<20x2x128xi32, #tpu.memory_space<hbm>>
        %dma_start3A_138 = arith.constant 0 : i32
        %dma_start3A_139 = arith.constant 0 : i32
        %dma_start3A_140 = tpu.memref_slice %arg4[%add3A_134, %dma_start3A_138, %dma_start3A_139] : memref<2560x2x128xi32, #tpu.memory_space<hbm>> -> memref<20x2x128xi32, #tpu.memory_space<hbm>>
        tpu.enqueue_dma source(%dma_start3A_140 : memref<20x2x128xi32, #tpu.memory_space<hbm>>) target(%arg7 : memref<20x2x128xi32, #tpu.memory_space<vmem>>) target_semaphore(%arg23 : memref<!tpu.dma_semaphore, #tpu.memory_space<semaphore_mem>>)
      } else {
      }
      %scan3A_95 = arith.constant 0 : i32
      %scan3A_96 = arith.constant 0 : i32
      %scan3A_97 = arith.constant 5 : i32
      %scan3A_98 = arith.addi %scan3A_96, %scan3A_97 : i32
      %scan3A_99 = arith.constant 1 : i32
      scf.for %scan3A_133 = %scan3A_96 to %scan3A_98 step %scan3A_99  : i32 {
        %mul3A_134 = arith.constant 4 : i32
        %mul3A_135 = arith.muli %scan3A_133, %mul3A_134 : i32
        %gt3A = arith.constant 0 : i32
        %gt3A_136 = arith.cmpi sgt, %scan3A_133, %gt3A : i32
        %convert_element_type3A_137 = arith.extui %gt3A_136 : i1 to i32
        %cond3A_138 = arith.constant 0 : i32
        %cond3A_139 = arith.cmpi ne, %convert_element_type3A_137, %cond3A_138 : i32
        scf.if %cond3A_139 {
          %sub3A = arith.constant 4 : i32
          %sub3A_255 = arith.subi %mul3A_135, %sub3A : i32
          %add3A_256 = arith.constant 0 : i32
          %add3A_257 = arith.addi %sub3A_255, %add3A_256 : i32
          %dma_wait3A_258 = arith.constant 1 : i32
          %dma_wait3A_259 = arith.constant 0 : i32
          %dma_wait3A_260 = tpu.memref_slice %arg8[%add3A_257, %dma_wait3A_258, %dma_wait3A_259] : memref<20x2x128xi32, #tpu.memory_space<vmem>> -> memref<1x1x128xi32, #tpu.memory_space<vmem>>
          %dma_wait3A_261 = tpu.memref_squeeze %dma_wait3A_260 : memref<1x1x128xi32, #tpu.memory_space<vmem>> -> memref<128xi32, #tpu.memory_space<vmem>>
          %dma_wait3A_262 = arith.constant 0 : i32
          %dma_wait3A_263 = arith.constant 0 : i32
          %dma_wait3A_264 = tpu.memref_slice %arg13[%dma_wait3A_262, %dma_wait3A_263] : memref<10240x64xf32, #tpu.memory_space<vmem_shared>> -> memref<10240x64xf32, #tpu.memory_space<vmem_shared>>
          tpu.wait_indirect_dma semaphore(%arg19 : memref<!tpu.dma_semaphore, #tpu.memory_space<semaphore_mem>>) src(%arg9 : memref<128x64xf32, #tpu.memory_space<vmem>>) dst(%dma_wait3A_264 : memref<10240x64xf32, #tpu.memory_space<vmem_shared>>)
        } else {
        }
        %add3A_140 = arith.constant 0 : i32
        %add3A_141 = arith.addi %mul3A_135, %add3A_140 : i32
        %dma_start3A_142 = arith.constant 0 : i32
        %dma_start3A_143 = arith.constant 0 : i32
        %dma_start3A_144 = tpu.memref_slice %arg8[%add3A_141, %dma_start3A_142, %dma_start3A_143] : memref<20x2x128xi32, #tpu.memory_space<vmem>> -> memref<1x1x128xi32, #tpu.memory_space<vmem>>
        %dma_start3A_145 = tpu.memref_squeeze %dma_start3A_144 : memref<1x1x128xi32, #tpu.memory_space<vmem>> -> memref<128xi32, #tpu.memory_space<vmem>>
        %dma_start3A_146 = arith.constant 0 : i32
        %dma_start3A_147 = arith.constant 0 : i32
        %dma_start3A_148 = tpu.memref_slice %arg14[%dma_start3A_146, %dma_start3A_147] : memref<10240x64xf32, #tpu.memory_space<vmem_shared>> -> memref<10240x64xf32, #tpu.memory_space<vmem_shared>>
        tpu.enqueue_indirect_dma source(%dma_start3A_148 : memref<10240x64xf32, #tpu.memory_space<vmem_shared>>) target(%arg9 : memref<128x64xf32, #tpu.memory_space<vmem>>) offsets(%dma_start3A_145 : memref<128xi32, #tpu.memory_space<vmem>>) semaphore(%arg15 : memref<!tpu.dma_semaphore, #tpu.memory_space<semaphore_mem>>)
        %gt3A_149 = arith.constant 0 : i32
        %gt3A_150 = arith.cmpi sgt, %scan3A_133, %gt3A_149 : i32
        %convert_element_type3A_151 = arith.extui %gt3A_150 : i1 to i32
        %cond3A_152 = arith.constant 0 : i32
        %cond3A_153 = arith.cmpi ne, %convert_element_type3A_151, %cond3A_152 : i32
        scf.if %cond3A_153 {
          %sub3A = arith.constant 4 : i32
          %sub3A_255 = arith.subi %mul3A_135, %sub3A : i32
          %add3A_256 = arith.constant 1 : i32
          %add3A_257 = arith.addi %sub3A_255, %add3A_256 : i32
          %dma_wait3A_258 = arith.constant 1 : i32
          %dma_wait3A_259 = arith.constant 0 : i32
          %dma_wait3A_260 = tpu.memref_slice %arg8[%add3A_257, %dma_wait3A_258, %dma_wait3A_259] : memref<20x2x128xi32, #tpu.memory_space<vmem>> -> memref<1x1x128xi32, #tpu.memory_space<vmem>>
          %dma_wait3A_261 = tpu.memref_squeeze %dma_wait3A_260 : memref<1x1x128xi32, #tpu.memory_space<vmem>> -> memref<128xi32, #tpu.memory_space<vmem>>
          %dma_wait3A_262 = arith.constant 0 : i32
          %dma_wait3A_263 = arith.constant 0 : i32
          %dma_wait3A_264 = tpu.memref_slice %arg13[%dma_wait3A_262, %dma_wait3A_263] : memref<10240x64xf32, #tpu.memory_space<vmem_shared>> -> memref<10240x64xf32, #tpu.memory_space<vmem_shared>>
          tpu.wait_indirect_dma semaphore(%arg20 : memref<!tpu.dma_semaphore, #tpu.memory_space<semaphore_mem>>) src(%arg10 : memref<128x64xf32, #tpu.memory_space<vmem>>) dst(%dma_wait3A_264 : memref<10240x64xf32, #tpu.memory_space<vmem_shared>>)
        } else {
        }
        %add3A_154 = arith.constant 1 : i32
        %add3A_155 = arith.addi %mul3A_135, %add3A_154 : i32
        %dma_start3A_156 = arith.constant 0 : i32
        %dma_start3A_157 = arith.constant 0 : i32
        %dma_start3A_158 = tpu.memref_slice %arg8[%add3A_155, %dma_start3A_156, %dma_start3A_157] : memref<20x2x128xi32, #tpu.memory_space<vmem>> -> memref<1x1x128xi32, #tpu.memory_space<vmem>>
        %dma_start3A_159 = tpu.memref_squeeze %dma_start3A_158 : memref<1x1x128xi32, #tpu.memory_space<vmem>> -> memref<128xi32, #tpu.memory_space<vmem>>
        %dma_start3A_160 = arith.constant 0 : i32
        %dma_start3A_161 = arith.constant 0 : i32
        %dma_start3A_162 = tpu.memref_slice %arg14[%dma_start3A_160, %dma_start3A_161] : memref<10240x64xf32, #tpu.memory_space<vmem_shared>> -> memref<10240x64xf32, #tpu.memory_space<vmem_shared>>
        tpu.enqueue_indirect_dma source(%dma_start3A_162 : memref<10240x64xf32, #tpu.memory_space<vmem_shared>>) target(%arg10 : memref<128x64xf32, #tpu.memory_space<vmem>>) offsets(%dma_start3A_159 : memref<128xi32, #tpu.memory_space<vmem>>) semaphore(%arg16 : memref<!tpu.dma_semaphore, #tpu.memory_space<semaphore_mem>>)
        %gt3A_163 = arith.constant 0 : i32
        %gt3A_164 = arith.cmpi sgt, %scan3A_133, %gt3A_163 : i32
        %convert_element_type3A_165 = arith.extui %gt3A_164 : i1 to i32
        %cond3A_166 = arith.constant 0 : i32
        %cond3A_167 = arith.cmpi ne, %convert_element_type3A_165, %cond3A_166 : i32
        scf.if %cond3A_167 {
          %sub3A = arith.constant 4 : i32
          %sub3A_255 = arith.subi %mul3A_135, %sub3A : i32
          %add3A_256 = arith.constant 2 : i32
          %add3A_257 = arith.addi %sub3A_255, %add3A_256 : i32
          %dma_wait3A_258 = arith.constant 1 : i32
          %dma_wait3A_259 = arith.constant 0 : i32
          %dma_wait3A_260 = tpu.memref_slice %arg8[%add3A_257, %dma_wait3A_258, %dma_wait3A_259] : memref<20x2x128xi32, #tpu.memory_space<vmem>> -> memref<1x1x128xi32, #tpu.memory_space<vmem>>
          %dma_wait3A_261 = tpu.memref_squeeze %dma_wait3A_260 : memref<1x1x128xi32, #tpu.memory_space<vmem>> -> memref<128xi32, #tpu.memory_space<vmem>>
          %dma_wait3A_262 = arith.constant 0 : i32
          %dma_wait3A_263 = arith.constant 0 : i32
          %dma_wait3A_264 = tpu.memref_slice %arg13[%dma_wait3A_262, %dma_wait3A_263] : memref<10240x64xf32, #tpu.memory_space<vmem_shared>> -> memref<10240x64xf32, #tpu.memory_space<vmem_shared>>
          tpu.wait_indirect_dma semaphore(%arg21 : memref<!tpu.dma_semaphore, #tpu.memory_space<semaphore_mem>>) src(%arg11 : memref<128x64xf32, #tpu.memory_space<vmem>>) dst(%dma_wait3A_264 : memref<10240x64xf32, #tpu.memory_space<vmem_shared>>)
        } else {
        }
        %add3A_168 = arith.constant 2 : i32
        %add3A_169 = arith.addi %mul3A_135, %add3A_168 : i32
        %dma_start3A_170 = arith.constant 0 : i32
        %dma_start3A_171 = arith.constant 0 : i32
        %dma_start3A_172 = tpu.memref_slice %arg8[%add3A_169, %dma_start3A_170, %dma_start3A_171] : memref<20x2x128xi32, #tpu.memory_space<vmem>> -> memref<1x1x128xi32, #tpu.memory_space<vmem>>
        %dma_start3A_173 = tpu.memref_squeeze %dma_start3A_172 : memref<1x1x128xi32, #tpu.memory_space<vmem>> -> memref<128xi32, #tpu.memory_space<vmem>>
        %dma_start3A_174 = arith.constant 0 : i32
        %dma_start3A_175 = arith.constant 0 : i32
        %dma_start3A_176 = tpu.memref_slice %arg14[%dma_start3A_174, %dma_start3A_175] : memref<10240x64xf32, #tpu.memory_space<vmem_shared>> -> memref<10240x64xf32, #tpu.memory_space<vmem_shared>>
        tpu.enqueue_indirect_dma source(%dma_start3A_176 : memref<10240x64xf32, #tpu.memory_space<vmem_shared>>) target(%arg11 : memref<128x64xf32, #tpu.memory_space<vmem>>) offsets(%dma_start3A_173 : memref<128xi32, #tpu.memory_space<vmem>>) semaphore(%arg17 : memref<!tpu.dma_semaphore, #tpu.memory_space<semaphore_mem>>)
        %gt3A_177 = arith.constant 0 : i32
        %gt3A_178 = arith.cmpi sgt, %scan3A_133, %gt3A_177 : i32
        %convert_element_type3A_179 = arith.extui %gt3A_178 : i1 to i32
        %cond3A_180 = arith.constant 0 : i32
        %cond3A_181 = arith.cmpi ne, %convert_element_type3A_179, %cond3A_180 : i32
        scf.if %cond3A_181 {
          %sub3A = arith.constant 4 : i32
          %sub3A_255 = arith.subi %mul3A_135, %sub3A : i32
          %add3A_256 = arith.constant 3 : i32
          %add3A_257 = arith.addi %sub3A_255, %add3A_256 : i32
          %dma_wait3A_258 = arith.constant 1 : i32
          %dma_wait3A_259 = arith.constant 0 : i32
          %dma_wait3A_260 = tpu.memref_slice %arg8[%add3A_257, %dma_wait3A_258, %dma_wait3A_259] : memref<20x2x128xi32, #tpu.memory_space<vmem>> -> memref<1x1x128xi32, #tpu.memory_space<vmem>>
          %dma_wait3A_261 = tpu.memref_squeeze %dma_wait3A_260 : memref<1x1x128xi32, #tpu.memory_space<vmem>> -> memref<128xi32, #tpu.memory_space<vmem>>
          %dma_wait3A_262 = arith.constant 0 : i32
          %dma_wait3A_263 = arith.constant 0 : i32
          %dma_wait3A_264 = tpu.memref_slice %arg13[%dma_wait3A_262, %dma_wait3A_263] : memref<10240x64xf32, #tpu.memory_space<vmem_shared>> -> memref<10240x64xf32, #tpu.memory_space<vmem_shared>>
          tpu.wait_indirect_dma semaphore(%arg22 : memref<!tpu.dma_semaphore, #tpu.memory_space<semaphore_mem>>) src(%arg12 : memref<128x64xf32, #tpu.memory_space<vmem>>) dst(%dma_wait3A_264 : memref<10240x64xf32, #tpu.memory_space<vmem_shared>>)
        } else {
        }
        %add3A_182 = arith.constant 3 : i32
        %add3A_183 = arith.addi %mul3A_135, %add3A_182 : i32
        %dma_start3A_184 = arith.constant 0 : i32
        %dma_start3A_185 = arith.constant 0 : i32
        %dma_start3A_186 = tpu.memref_slice %arg8[%add3A_183, %dma_start3A_184, %dma_start3A_185] : memref<20x2x128xi32, #tpu.memory_space<vmem>> -> memref<1x1x128xi32, #tpu.memory_space<vmem>>
        %dma_start3A_187 = tpu.memref_squeeze %dma_start3A_186 : memref<1x1x128xi32, #tpu.memory_space<vmem>> -> memref<128xi32, #tpu.memory_space<vmem>>
        %dma_start3A_188 = arith.constant 0 : i32
        %dma_start3A_189 = arith.constant 0 : i32
        %dma_start3A_190 = tpu.memref_slice %arg14[%dma_start3A_188, %dma_start3A_189] : memref<10240x64xf32, #tpu.memory_space<vmem_shared>> -> memref<10240x64xf32, #tpu.memory_space<vmem_shared>>
        tpu.enqueue_indirect_dma source(%dma_start3A_190 : memref<10240x64xf32, #tpu.memory_space<vmem_shared>>) target(%arg12 : memref<128x64xf32, #tpu.memory_space<vmem>>) offsets(%dma_start3A_187 : memref<128xi32, #tpu.memory_space<vmem>>) semaphore(%arg18 : memref<!tpu.dma_semaphore, #tpu.memory_space<semaphore_mem>>)
        %dma_wait3A_191 = arith.constant 0 : i32
        %dma_wait3A_192 = arith.constant 0 : i32
        %dma_wait3A_193 = tpu.memref_slice %arg8[%add3A_141, %dma_wait3A_191, %dma_wait3A_192] : memref<20x2x128xi32, #tpu.memory_space<vmem>> -> memref<1x1x128xi32, #tpu.memory_space<vmem>>
        %dma_wait3A_194 = tpu.memref_squeeze %dma_wait3A_193 : memref<1x1x128xi32, #tpu.memory_space<vmem>> -> memref<128xi32, #tpu.memory_space<vmem>>
        %dma_wait3A_195 = arith.constant 0 : i32
        %dma_wait3A_196 = arith.constant 0 : i32
        %dma_wait3A_197 = tpu.memref_slice %arg14[%dma_wait3A_195, %dma_wait3A_196] : memref<10240x64xf32, #tpu.memory_space<vmem_shared>> -> memref<10240x64xf32, #tpu.memory_space<vmem_shared>>
        tpu.wait_indirect_dma semaphore(%arg15 : memref<!tpu.dma_semaphore, #tpu.memory_space<semaphore_mem>>) src(%dma_wait3A_197 : memref<10240x64xf32, #tpu.memory_space<vmem_shared>>) dst(%arg9 : memref<128x64xf32, #tpu.memory_space<vmem>>)
        %add3A_198 = arith.constant 0 : i32
        %add3A_199 = arith.addi %mul3A_135, %add3A_198 : i32
        %dma_start3A_200 = arith.constant 1 : i32
        %dma_start3A_201 = arith.constant 0 : i32
        %dma_start3A_202 = tpu.memref_slice %arg8[%add3A_199, %dma_start3A_200, %dma_start3A_201] : memref<20x2x128xi32, #tpu.memory_space<vmem>> -> memref<1x1x128xi32, #tpu.memory_space<vmem>>
        %dma_start3A_203 = tpu.memref_squeeze %dma_start3A_202 : memref<1x1x128xi32, #tpu.memory_space<vmem>> -> memref<128xi32, #tpu.memory_space<vmem>>
        %dma_start3A_204 = arith.constant 0 : i32
        %dma_start3A_205 = arith.constant 0 : i32
        %dma_start3A_206 = tpu.memref_slice %arg13[%dma_start3A_204, %dma_start3A_205] : memref<10240x64xf32, #tpu.memory_space<vmem_shared>> -> memref<10240x64xf32, #tpu.memory_space<vmem_shared>>
        tpu.enqueue_indirect_dma source(%arg9 : memref<128x64xf32, #tpu.memory_space<vmem>>) target(%dma_start3A_206 : memref<10240x64xf32, #tpu.memory_space<vmem_shared>>) offsets(%dma_start3A_203 : memref<128xi32, #tpu.memory_space<vmem>>) semaphore(%arg19 : memref<!tpu.dma_semaphore, #tpu.memory_space<semaphore_mem>>) {add = true}
        %dma_wait3A_207 = arith.constant 0 : i32
        %dma_wait3A_208 = arith.constant 0 : i32
        %dma_wait3A_209 = tpu.memref_slice %arg8[%add3A_155, %dma_wait3A_207, %dma_wait3A_208] : memref<20x2x128xi32, #tpu.memory_space<vmem>> -> memref<1x1x128xi32, #tpu.memory_space<vmem>>
        %dma_wait3A_210 = tpu.memref_squeeze %dma_wait3A_209 : memref<1x1x128xi32, #tpu.memory_space<vmem>> -> memref<128xi32, #tpu.memory_space<vmem>>
        %dma_wait3A_211 = arith.constant 0 : i32
        %dma_wait3A_212 = arith.constant 0 : i32
        %dma_wait3A_213 = tpu.memref_slice %arg14[%dma_wait3A_211, %dma_wait3A_212] : memref<10240x64xf32, #tpu.memory_space<vmem_shared>> -> memref<10240x64xf32, #tpu.memory_space<vmem_shared>>
        tpu.wait_indirect_dma semaphore(%arg16 : memref<!tpu.dma_semaphore, #tpu.memory_space<semaphore_mem>>) src(%dma_wait3A_213 : memref<10240x64xf32, #tpu.memory_space<vmem_shared>>) dst(%arg10 : memref<128x64xf32, #tpu.memory_space<vmem>>)
        %add3A_214 = arith.constant 1 : i32
        %add3A_215 = arith.addi %mul3A_135, %add3A_214 : i32
        %dma_start3A_216 = arith.constant 1 : i32
        %dma_start3A_217 = arith.constant 0 : i32
        %dma_start3A_218 = tpu.memref_slice %arg8[%add3A_215, %dma_start3A_216, %dma_start3A_217] : memref<20x2x128xi32, #tpu.memory_space<vmem>> -> memref<1x1x128xi32, #tpu.memory_space<vmem>>
        %dma_start3A_219 = tpu.memref_squeeze %dma_start3A_218 : memref<1x1x128xi32, #tpu.memory_space<vmem>> -> memref<128xi32, #tpu.memory_space<vmem>>
        %dma_start3A_220 = arith.constant 0 : i32
        %dma_start3A_221 = arith.constant 0 : i32
        %dma_start3A_222 = tpu.memref_slice %arg13[%dma_start3A_220, %dma_start3A_221] : memref<10240x64xf32, #tpu.memory_space<vmem_shared>> -> memref<10240x64xf32, #tpu.memory_space<vmem_shared>>
        tpu.enqueue_indirect_dma source(%arg10 : memref<128x64xf32, #tpu.memory_space<vmem>>) target(%dma_start3A_222 : memref<10240x64xf32, #tpu.memory_space<vmem_shared>>) offsets(%dma_start3A_219 : memref<128xi32, #tpu.memory_space<vmem>>) semaphore(%arg20 : memref<!tpu.dma_semaphore, #tpu.memory_space<semaphore_mem>>) {add = true}
        %dma_wait3A_223 = arith.constant 0 : i32
        %dma_wait3A_224 = arith.constant 0 : i32
        %dma_wait3A_225 = tpu.memref_slice %arg8[%add3A_169, %dma_wait3A_223, %dma_wait3A_224] : memref<20x2x128xi32, #tpu.memory_space<vmem>> -> memref<1x1x128xi32, #tpu.memory_space<vmem>>
        %dma_wait3A_226 = tpu.memref_squeeze %dma_wait3A_225 : memref<1x1x128xi32, #tpu.memory_space<vmem>> -> memref<128xi32, #tpu.memory_space<vmem>>
        %dma_wait3A_227 = arith.constant 0 : i32
        %dma_wait3A_228 = arith.constant 0 : i32
        %dma_wait3A_229 = tpu.memref_slice %arg14[%dma_wait3A_227, %dma_wait3A_228] : memref<10240x64xf32, #tpu.memory_space<vmem_shared>> -> memref<10240x64xf32, #tpu.memory_space<vmem_shared>>
        tpu.wait_indirect_dma semaphore(%arg17 : memref<!tpu.dma_semaphore, #tpu.memory_space<semaphore_mem>>) src(%dma_wait3A_229 : memref<10240x64xf32, #tpu.memory_space<vmem_shared>>) dst(%arg11 : memref<128x64xf32, #tpu.memory_space<vmem>>)
        %add3A_230 = arith.constant 2 : i32
        %add3A_231 = arith.addi %mul3A_135, %add3A_230 : i32
        %dma_start3A_232 = arith.constant 1 : i32
        %dma_start3A_233 = arith.constant 0 : i32
        %dma_start3A_234 = tpu.memref_slice %arg8[%add3A_231, %dma_start3A_232, %dma_start3A_233] : memref<20x2x128xi32, #tpu.memory_space<vmem>> -> memref<1x1x128xi32, #tpu.memory_space<vmem>>
        %dma_start3A_235 = tpu.memref_squeeze %dma_start3A_234 : memref<1x1x128xi32, #tpu.memory_space<vmem>> -> memref<128xi32, #tpu.memory_space<vmem>>
        %dma_start3A_236 = arith.constant 0 : i32
        %dma_start3A_237 = arith.constant 0 : i32
        %dma_start3A_238 = tpu.memref_slice %arg13[%dma_start3A_236, %dma_start3A_237] : memref<10240x64xf32, #tpu.memory_space<vmem_shared>> -> memref<10240x64xf32, #tpu.memory_space<vmem_shared>>
        tpu.enqueue_indirect_dma source(%arg11 : memref<128x64xf32, #tpu.memory_space<vmem>>) target(%dma_start3A_238 : memref<10240x64xf32, #tpu.memory_space<vmem_shared>>) offsets(%dma_start3A_235 : memref<128xi32, #tpu.memory_space<vmem>>) semaphore(%arg21 : memref<!tpu.dma_semaphore, #tpu.memory_space<semaphore_mem>>) {add = true}
        %dma_wait3A_239 = arith.constant 0 : i32
        %dma_wait3A_240 = arith.constant 0 : i32
        %dma_wait3A_241 = tpu.memref_slice %arg8[%add3A_183, %dma_wait3A_239, %dma_wait3A_240] : memref<20x2x128xi32, #tpu.memory_space<vmem>> -> memref<1x1x128xi32, #tpu.memory_space<vmem>>
        %dma_wait3A_242 = tpu.memref_squeeze %dma_wait3A_241 : memref<1x1x128xi32, #tpu.memory_space<vmem>> -> memref<128xi32, #tpu.memory_space<vmem>>
        %dma_wait3A_243 = arith.constant 0 : i32
        %dma_wait3A_244 = arith.constant 0 : i32
        %dma_wait3A_245 = tpu.memref_slice %arg14[%dma_wait3A_243, %dma_wait3A_244] : memref<10240x64xf32, #tpu.memory_space<vmem_shared>> -> memref<10240x64xf32, #tpu.memory_space<vmem_shared>>
        tpu.wait_indirect_dma semaphore(%arg18 : memref<!tpu.dma_semaphore, #tpu.memory_space<semaphore_mem>>) src(%dma_wait3A_245 : memref<10240x64xf32, #tpu.memory_space<vmem_shared>>) dst(%arg12 : memref<128x64xf32, #tpu.memory_space<vmem>>)
        %add3A_246 = arith.constant 3 : i32
        %add3A_247 = arith.addi %mul3A_135, %add3A_246 : i32
        %dma_start3A_248 = arith.constant 1 : i32
        %dma_start3A_249 = arith.constant 0 : i32
        %dma_start3A_250 = tpu.memref_slice %arg8[%add3A_247, %dma_start3A_248, %dma_start3A_249] : memref<20x2x128xi32, #tpu.memory_space<vmem>> -> memref<1x1x128xi32, #tpu.memory_space<vmem>>
        %dma_start3A_251 = tpu.memref_squeeze %dma_start3A_250 : memref<1x1x128xi32, #tpu.memory_space<vmem>> -> memref<128xi32, #tpu.memory_space<vmem>>
        %dma_start3A_252 = arith.constant 0 : i32
        %dma_start3A_253 = arith.constant 0 : i32
        %dma_start3A_254 = tpu.memref_slice %arg13[%dma_start3A_252, %dma_start3A_253] : memref<10240x64xf32, #tpu.memory_space<vmem_shared>> -> memref<10240x64xf32, #tpu.memory_space<vmem_shared>>
        tpu.enqueue_indirect_dma source(%arg12 : memref<128x64xf32, #tpu.memory_space<vmem>>) target(%dma_start3A_254 : memref<10240x64xf32, #tpu.memory_space<vmem_shared>>) offsets(%dma_start3A_251 : memref<128xi32, #tpu.memory_space<vmem>>) semaphore(%arg22 : memref<!tpu.dma_semaphore, #tpu.memory_space<semaphore_mem>>) {add = true}
      }
      %scan3A_100 = arith.constant 5 : i32
      %dma_wait3A_101 = arith.constant 16 : i32
      %dma_wait3A_102 = arith.constant 1 : i32
      %dma_wait3A_103 = arith.constant 0 : i32
      %dma_wait3A_104 = tpu.memref_slice %arg8[%dma_wait3A_101, %dma_wait3A_102, %dma_wait3A_103] : memref<20x2x128xi32, #tpu.memory_space<vmem>> -> memref<1x1x128xi32, #tpu.memory_space<vmem>>
      %dma_wait3A_105 = tpu.memref_squeeze %dma_wait3A_104 : memref<1x1x128xi32, #tpu.memory_space<vmem>> -> memref<128xi32, #tpu.memory_space<vmem>>
      %dma_wait3A_106 = arith.constant 0 : i32
      %dma_wait3A_107 = arith.constant 0 : i32
      %dma_wait3A_108 = tpu.memref_slice %arg13[%dma_wait3A_106, %dma_wait3A_107] : memref<10240x64xf32, #tpu.memory_space<vmem_shared>> -> memref<10240x64xf32, #tpu.memory_space<vmem_shared>>
      tpu.wait_indirect_dma semaphore(%arg19 : memref<!tpu.dma_semaphore, #tpu.memory_space<semaphore_mem>>) src(%arg9 : memref<128x64xf32, #tpu.memory_space<vmem>>) dst(%dma_wait3A_108 : memref<10240x64xf32, #tpu.memory_space<vmem_shared>>)
      %dma_wait3A_109 = arith.constant 17 : i32
      %dma_wait3A_110 = arith.constant 1 : i32
      %dma_wait3A_111 = arith.constant 0 : i32
      %dma_wait3A_112 = tpu.memref_slice %arg8[%dma_wait3A_109, %dma_wait3A_110, %dma_wait3A_111] : memref<20x2x128xi32, #tpu.memory_space<vmem>> -> memref<1x1x128xi32, #tpu.memory_space<vmem>>
      %dma_wait3A_113 = tpu.memref_squeeze %dma_wait3A_112 : memref<1x1x128xi32, #tpu.memory_space<vmem>> -> memref<128xi32, #tpu.memory_space<vmem>>
      %dma_wait3A_114 = arith.constant 0 : i32
      %dma_wait3A_115 = arith.constant 0 : i32
      %dma_wait3A_116 = tpu.memref_slice %arg13[%dma_wait3A_114, %dma_wait3A_115] : memref<10240x64xf32, #tpu.memory_space<vmem_shared>> -> memref<10240x64xf32, #tpu.memory_space<vmem_shared>>
      tpu.wait_indirect_dma semaphore(%arg20 : memref<!tpu.dma_semaphore, #tpu.memory_space<semaphore_mem>>) src(%arg10 : memref<128x64xf32, #tpu.memory_space<vmem>>) dst(%dma_wait3A_116 : memref<10240x64xf32, #tpu.memory_space<vmem_shared>>)
      %dma_wait3A_117 = arith.constant 18 : i32
      %dma_wait3A_118 = arith.constant 1 : i32
      %dma_wait3A_119 = arith.constant 0 : i32
      %dma_wait3A_120 = tpu.memref_slice %arg8[%dma_wait3A_117, %dma_wait3A_118, %dma_wait3A_119] : memref<20x2x128xi32, #tpu.memory_space<vmem>> -> memref<1x1x128xi32, #tpu.memory_space<vmem>>
      %dma_wait3A_121 = tpu.memref_squeeze %dma_wait3A_120 : memref<1x1x128xi32, #tpu.memory_space<vmem>> -> memref<128xi32, #tpu.memory_space<vmem>>
      %dma_wait3A_122 = arith.constant 0 : i32
      %dma_wait3A_123 = arith.constant 0 : i32
      %dma_wait3A_124 = tpu.memref_slice %arg13[%dma_wait3A_122, %dma_wait3A_123] : memref<10240x64xf32, #tpu.memory_space<vmem_shared>> -> memref<10240x64xf32, #tpu.memory_space<vmem_shared>>
      tpu.wait_indirect_dma semaphore(%arg21 : memref<!tpu.dma_semaphore, #tpu.memory_space<semaphore_mem>>) src(%arg11 : memref<128x64xf32, #tpu.memory_space<vmem>>) dst(%dma_wait3A_124 : memref<10240x64xf32, #tpu.memory_space<vmem_shared>>)
      %dma_wait3A_125 = arith.constant 19 : i32
      %dma_wait3A_126 = arith.constant 1 : i32
      %dma_wait3A_127 = arith.constant 0 : i32
      %dma_wait3A_128 = tpu.memref_slice %arg8[%dma_wait3A_125, %dma_wait3A_126, %dma_wait3A_127] : memref<20x2x128xi32, #tpu.memory_space<vmem>> -> memref<1x1x128xi32, #tpu.memory_space<vmem>>
      %dma_wait3A_129 = tpu.memref_squeeze %dma_wait3A_128 : memref<1x1x128xi32, #tpu.memory_space<vmem>> -> memref<128xi32, #tpu.memory_space<vmem>>
      %dma_wait3A_130 = arith.constant 0 : i32
      %dma_wait3A_131 = arith.constant 0 : i32
      %dma_wait3A_132 = tpu.memref_slice %arg13[%dma_wait3A_130, %dma_wait3A_131] : memref<10240x64xf32, #tpu.memory_space<vmem_shared>> -> memref<10240x64xf32, #tpu.memory_space<vmem_shared>>
      tpu.wait_indirect_dma semaphore(%arg22 : memref<!tpu.dma_semaphore, #tpu.memory_space<semaphore_mem>>) src(%arg12 : memref<128x64xf32, #tpu.memory_space<vmem>>) dst(%dma_wait3A_132 : memref<10240x64xf32, #tpu.memory_space<vmem_shared>>)
    }
    %scan3A_19 = arith.constant 4 : i32
    %barrier3A_20 = arith.constant 0 : index
    tpu.barrier barrier_id(%barrier3A_20)
    %mul3A_21 = arith.constant 640 : i32
    %mul3A_22 = arith.muli %arg1, %mul3A_21 : i32
    %mul3A_23 = arith.constant 640 : i32
    %mul3A_24 = arith.muli %arg1, %mul3A_23 : i32
    "tpu.region"() ({
      %run_scoped3A = tpu.sem_alloc : memref<!tpu.dma_semaphore, #tpu.memory_space<semaphore_mem>>
      %dma_start3A_25 = arith.constant 0 : i32
      %dma_start3A_26 = tpu.memref_slice %arg6[%arg0, %mul3A_24, %dma_start3A_25] : memref<2x10240x64xf32, #tpu.memory_space<hbm>> -> memref<1x640x64xf32, #tpu.memory_space<hbm>>
      %dma_start3A_27 = tpu.memref_squeeze %dma_start3A_26 : memref<1x640x64xf32, #tpu.memory_space<hbm>> -> memref<640x64xf32, #tpu.memory_space<hbm>>
      %dma_start3A_28 = arith.constant 0 : i32
      %dma_start3A_29 = tpu.memref_slice %arg13[%mul3A_22, %dma_start3A_28] : memref<10240x64xf32, #tpu.memory_space<vmem_shared>> -> memref<640x64xf32, #tpu.memory_space<vmem_shared>>
      tpu.enqueue_dma source(%dma_start3A_29 : memref<640x64xf32, #tpu.memory_space<vmem_shared>>) target(%dma_start3A_27 : memref<640x64xf32, #tpu.memory_space<hbm>>) target_semaphore(%run_scoped3A : memref<!tpu.dma_semaphore, #tpu.memory_space<semaphore_mem>>)
      %dma_wait3A = arith.constant 0 : i32
      %dma_wait3A_30 = tpu.memref_slice %arg6[%arg0, %mul3A_24, %dma_wait3A] : memref<2x10240x64xf32, #tpu.memory_space<hbm>> -> memref<1x640x64xf32, #tpu.memory_space<hbm>>
      %dma_wait3A_31 = tpu.memref_squeeze %dma_wait3A_30 : memref<1x640x64xf32, #tpu.memory_space<hbm>> -> memref<640x64xf32, #tpu.memory_space<hbm>>
      %dma_wait3A_32 = arith.constant 0 : i32
      %dma_wait3A_33 = tpu.memref_slice %arg13[%mul3A_22, %dma_wait3A_32] : memref<10240x64xf32, #tpu.memory_space<vmem_shared>> -> memref<640x64xf32, #tpu.memory_space<vmem_shared>>
      tpu.wait_dma2 semaphore(%run_scoped3A : memref<!tpu.dma_semaphore, #tpu.memory_space<semaphore_mem>>) src(%dma_wait3A_33 : memref<640x64xf32, #tpu.memory_space<vmem_shared>>) dst(%dma_wait3A_31 : memref<640x64xf32, #tpu.memory_space<hbm>>)
      tpu.yield
    }) : () -> ()
    return
  }
}

#map = affine_map<(d0, d1) -> (0, 0)>
#map1 = affine_map<(d0, d1) -> (0, 0, 0)>
module attributes {stable_mosaic.version = 14 : i64} {
  func.func @scat_kernel(%arg0: i32, %arg1: i32, %arg2: memref<10240x64xf32, #tpu.memory_space<hbm>>, %arg3: memref<10240x64xf32, #tpu.memory_space<hbm>>, %arg4: memref<2560x2x128xi32, #tpu.memory_space<hbm>>, %arg5: memref<640x64xf32, #tpu.memory_space<hbm>>, %arg6: memref<2x10240x64xf32, #tpu.memory_space<hbm>>, %arg7: memref<20x2x128xi32, #tpu.memory_space<vmem>>, %arg8: memref<20x2x128xi32, #tpu.memory_space<vmem>>, %arg9: memref<128x64xf32, #tpu.memory_space<vmem>>, %arg10: memref<128x64xf32, #tpu.memory_space<vmem>>, %arg11: memref<128x64xf32, #tpu.memory_space<vmem>>, %arg12: memref<128x64xf32, #tpu.memory_space<vmem>>, %arg13: memref<10240x64xf32, #tpu.memory_space<vmem_shared>>, %arg14: memref<10240x64xf32, #tpu.memory_space<vmem_shared>>, %arg15: memref<!tpu.dma_semaphore, #tpu.memory_space<semaphore_mem>>, %arg16: memref<!tpu.dma_semaphore, #tpu.memory_space<semaphore_mem>>, %arg17: memref<!tpu.dma_semaphore, #tpu.memory_space<semaphore_mem>>, %arg18: memref<!tpu.dma_semaphore, #tpu.memory_space<semaphore_mem>>, %arg19: memref<!tpu.dma_semaphore, #tpu.memory_space<semaphore_mem>>, %arg20: memref<!tpu.dma_semaphore, #tpu.memory_space<semaphore_mem>>, %arg21: memref<!tpu.dma_semaphore, #tpu.memory_space<semaphore_mem>>, %arg22: memref<!tpu.dma_semaphore, #tpu.memory_space<semaphore_mem>>, %arg23: memref<!tpu.dma_semaphore, #tpu.memory_space<semaphore_mem>>, %arg24: memref<!tpu.dma_semaphore, #tpu.memory_space<semaphore_mem>>) attributes {dimension_semantics = [#tpu.dimension_semantics<core_parallel>, #tpu.dimension_semantics<subcore_parallel>], iteration_bounds = array<i64: 2, 16>, scalar_prefetch = 0 : i64, scratch_operands = 18 : i64, tpu.core_type = #tpu.core_type<sc_vector_subcore>, window_params = [{transform_indices = #map}, {transform_indices = #map}, {transform_indices = #map1}, {transform_indices = #map}, {transform_indices = #map1}]} {
    %mul3A = arith.constant 160 : i32
    %mul3A_0 = arith.muli %arg1, %mul3A : i32
    %mul3A_1 = arith.constant 640 : i32
    %mul3A_2 = arith.muli %arg1, %mul3A_1 : i32
    "tpu.region"() ({
      %run_scoped3A = tpu.sem_alloc : memref<!tpu.dma_semaphore, #tpu.memory_space<semaphore_mem>>
      %dma_start3A_25 = arith.constant 0 : i32
      %dma_start3A_26 = tpu.memref_slice %arg13[%mul3A_2, %dma_start3A_25] : memref<10240x64xf32, #tpu.memory_space<vmem_shared>> -> memref<640x64xf32, #tpu.memory_space<vmem_shared>>
      tpu.enqueue_dma source(%arg5 : memref<640x64xf32, #tpu.memory_space<hbm>>) target(%dma_start3A_26 : memref<640x64xf32, #tpu.memory_space<vmem_shared>>) target_semaphore(%run_scoped3A : memref<!tpu.dma_semaphore, #tpu.memory_space<semaphore_mem>>)
      %dma_wait3A = arith.constant 0 : i32
      %dma_wait3A_27 = tpu.memref_slice %arg13[%mul3A_2, %dma_wait3A] : memref<10240x64xf32, #tpu.memory_space<vmem_shared>> -> memref<640x64xf32, #tpu.memory_space<vmem_shared>>
      tpu.wait_dma2 semaphore(%run_scoped3A : memref<!tpu.dma_semaphore, #tpu.memory_space<semaphore_mem>>) src(%arg5 : memref<640x64xf32, #tpu.memory_space<hbm>>) dst(%dma_wait3A_27 : memref<640x64xf32, #tpu.memory_space<vmem_shared>>)
      tpu.yield
    }) : () -> ()
    %dma_start3A = arith.constant 0 : i32
    %dma_start3A_3 = arith.constant 0 : i32
    %dma_start3A_4 = tpu.memref_slice %arg4[%mul3A_0, %dma_start3A, %dma_start3A_3] : memref<2560x2x128xi32, #tpu.memory_space<hbm>> -> memref<20x2x128xi32, #tpu.memory_space<hbm>>
    %dma_start3A_5 = arith.constant 0 : i32
    %dma_start3A_6 = arith.constant 0 : i32
    %dma_start3A_7 = tpu.memref_slice %arg4[%mul3A_0, %dma_start3A_5, %dma_start3A_6] : memref<2560x2x128xi32, #tpu.memory_space<hbm>> -> memref<20x2x128xi32, #tpu.memory_space<hbm>>
    tpu.enqueue_dma source(%dma_start3A_7 : memref<20x2x128xi32, #tpu.memory_space<hbm>>) target(%arg7 : memref<20x2x128xi32, #tpu.memory_space<vmem>>) target_semaphore(%arg23 : memref<!tpu.dma_semaphore, #tpu.memory_space<semaphore_mem>>)
    %eq3A = arith.constant 0 : i32
    %eq3A_8 = arith.cmpi eq, %arg0, %eq3A : i32
    %convert_element_type3A = arith.extui %eq3A_8 : i1 to i32
    %cond3A = arith.constant 0 : i32
    %cond3A_9 = arith.cmpi ne, %convert_element_type3A, %cond3A : i32
    scf.if %cond3A_9 {
      %mul3A_25 = arith.constant 640 : i32
      %mul3A_26 = arith.muli %arg1, %mul3A_25 : i32
      %mul3A_27 = arith.constant 640 : i32
      %mul3A_28 = arith.muli %arg1, %mul3A_27 : i32
      "tpu.region"() ({
        %run_scoped3A = tpu.sem_alloc : memref<!tpu.dma_semaphore, #tpu.memory_space<semaphore_mem>>
        %dma_start3A_29 = arith.constant 0 : i32
        %dma_start3A_30 = tpu.memref_slice %arg14[%mul3A_28, %dma_start3A_29] : memref<10240x64xf32, #tpu.memory_space<vmem_shared>> -> memref<640x64xf32, #tpu.memory_space<vmem_shared>>
        %dma_start3A_31 = arith.constant 0 : i32
        %dma_start3A_32 = tpu.memref_slice %arg2[%mul3A_26, %dma_start3A_31] : memref<10240x64xf32, #tpu.memory_space<hbm>> -> memref<640x64xf32, #tpu.memory_space<hbm>>
        tpu.enqueue_dma source(%dma_start3A_32 : memref<640x64xf32, #tpu.memory_space<hbm>>) target(%dma_start3A_30 : memref<640x64xf32, #tpu.memory_space<vmem_shared>>) target_semaphore(%run_scoped3A : memref<!tpu.dma_semaphore, #tpu.memory_space<semaphore_mem>>)
        %dma_wait3A = arith.constant 0 : i32
        %dma_wait3A_33 = tpu.memref_slice %arg14[%mul3A_28, %dma_wait3A] : memref<10240x64xf32, #tpu.memory_space<vmem_shared>> -> memref<640x64xf32, #tpu.memory_space<vmem_shared>>
        %dma_wait3A_34 = arith.constant 0 : i32
        %dma_wait3A_35 = tpu.memref_slice %arg2[%mul3A_26, %dma_wait3A_34] : memref<10240x64xf32, #tpu.memory_space<hbm>> -> memref<640x64xf32, #tpu.memory_space<hbm>>
        tpu.wait_dma2 semaphore(%run_scoped3A : memref<!tpu.dma_semaphore, #tpu.memory_space<semaphore_mem>>) src(%dma_wait3A_35 : memref<640x64xf32, #tpu.memory_space<hbm>>) dst(%dma_wait3A_33 : memref<640x64xf32, #tpu.memory_space<vmem_shared>>)
        tpu.yield
      }) : () -> ()
    } else {
    }
    %eq3A_10 = arith.constant 1 : i32
    %eq3A_11 = arith.cmpi eq, %arg0, %eq3A_10 : i32
    %convert_element_type3A_12 = arith.extui %eq3A_11 : i1 to i32
    %cond3A_13 = arith.constant 0 : i32
    %cond3A_14 = arith.cmpi ne, %convert_element_type3A_12, %cond3A_13 : i32
    scf.if %cond3A_14 {
      %mul3A_25 = arith.constant 640 : i32
      %mul3A_26 = arith.muli %arg1, %mul3A_25 : i32
      %mul3A_27 = arith.constant 640 : i32
      %mul3A_28 = arith.muli %arg1, %mul3A_27 : i32
      "tpu.region"() ({
        %run_scoped3A = tpu.sem_alloc : memref<!tpu.dma_semaphore, #tpu.memory_space<semaphore_mem>>
        %dma_start3A_29 = arith.constant 0 : i32
        %dma_start3A_30 = tpu.memref_slice %arg14[%mul3A_28, %dma_start3A_29] : memref<10240x64xf32, #tpu.memory_space<vmem_shared>> -> memref<640x64xf32, #tpu.memory_space<vmem_shared>>
        %dma_start3A_31 = arith.constant 0 : i32
        %dma_start3A_32 = tpu.memref_slice %arg3[%mul3A_26, %dma_start3A_31] : memref<10240x64xf32, #tpu.memory_space<hbm>> -> memref<640x64xf32, #tpu.memory_space<hbm>>
        tpu.enqueue_dma source(%dma_start3A_32 : memref<640x64xf32, #tpu.memory_space<hbm>>) target(%dma_start3A_30 : memref<640x64xf32, #tpu.memory_space<vmem_shared>>) target_semaphore(%run_scoped3A : memref<!tpu.dma_semaphore, #tpu.memory_space<semaphore_mem>>)
        %dma_wait3A = arith.constant 0 : i32
        %dma_wait3A_33 = tpu.memref_slice %arg14[%mul3A_28, %dma_wait3A] : memref<10240x64xf32, #tpu.memory_space<vmem_shared>> -> memref<640x64xf32, #tpu.memory_space<vmem_shared>>
        %dma_wait3A_34 = arith.constant 0 : i32
        %dma_wait3A_35 = tpu.memref_slice %arg3[%mul3A_26, %dma_wait3A_34] : memref<10240x64xf32, #tpu.memory_space<hbm>> -> memref<640x64xf32, #tpu.memory_space<hbm>>
        tpu.wait_dma2 semaphore(%run_scoped3A : memref<!tpu.dma_semaphore, #tpu.memory_space<semaphore_mem>>) src(%dma_wait3A_35 : memref<640x64xf32, #tpu.memory_space<hbm>>) dst(%dma_wait3A_33 : memref<640x64xf32, #tpu.memory_space<vmem_shared>>)
        tpu.yield
      }) : () -> ()
    } else {
    }
    %barrier3A = arith.constant 0 : index
    tpu.barrier barrier_id(%barrier3A)
    %scan3A = arith.constant 0 : i32
    %scan3A_15 = arith.constant 0 : i32
    %scan3A_16 = arith.constant 4 : i32
    %scan3A_17 = arith.addi %scan3A_15, %scan3A_16 : i32
    %scan3A_18 = arith.constant 1 : i32
    scf.for %scan3A_25 = %scan3A_15 to %scan3A_17 step %scan3A_18  : i32 {
      %mul3A_26 = arith.constant 2 : i32
      %mul3A_27 = arith.muli %scan3A_25, %mul3A_26 : i32
      %mul3A_28 = arith.constant 20 : i32
      %mul3A_29 = arith.muli %mul3A_27, %mul3A_28 : i32
      %add3A = arith.addi %mul3A_0, %mul3A_29 : i32
      %dma_wait3A = arith.constant 0 : i32
      %dma_wait3A_30 = arith.constant 0 : i32
      %dma_wait3A_31 = tpu.memref_slice %arg4[%add3A, %dma_wait3A, %dma_wait3A_30] : memref<2560x2x128xi32, #tpu.memory_space<hbm>> -> memref<20x2x128xi32, #tpu.memory_space<hbm>>
      %dma_wait3A_32 = arith.constant 0 : i32
      %dma_wait3A_33 = arith.constant 0 : i32
      %dma_wait3A_34 = tpu.memref_slice %arg4[%add3A, %dma_wait3A_32, %dma_wait3A_33] : memref<2560x2x128xi32, #tpu.memory_space<hbm>> -> memref<20x2x128xi32, #tpu.memory_space<hbm>>
      tpu.wait_dma2 semaphore(%arg23 : memref<!tpu.dma_semaphore, #tpu.memory_space<semaphore_mem>>) src(%dma_wait3A_34 : memref<20x2x128xi32, #tpu.memory_space<hbm>>) dst(%arg7 : memref<20x2x128xi32, #tpu.memory_space<vmem>>)
      %add3A_35 = arith.constant 20 : i32
      %add3A_36 = arith.addi %add3A, %add3A_35 : i32
      %dma_start3A_37 = arith.constant 0 : i32
      %dma_start3A_38 = arith.constant 0 : i32
      %dma_start3A_39 = tpu.memref_slice %arg4[%add3A_36, %dma_start3A_37, %dma_start3A_38] : memref<2560x2x128xi32, #tpu.memory_space<hbm>> -> memref<20x2x128xi32, #tpu.memory_space<hbm>>
      %dma_start3A_40 = arith.constant 0 : i32
      %dma_start3A_41 = arith.constant 0 : i32
      %dma_start3A_42 = tpu.memref_slice %arg4[%add3A_36, %dma_start3A_40, %dma_start3A_41] : memref<2560x2x128xi32, #tpu.memory_space<hbm>> -> memref<20x2x128xi32, #tpu.memory_space<hbm>>
      tpu.enqueue_dma source(%dma_start3A_42 : memref<20x2x128xi32, #tpu.memory_space<hbm>>) target(%arg8 : memref<20x2x128xi32, #tpu.memory_space<vmem>>) target_semaphore(%arg24 : memref<!tpu.dma_semaphore, #tpu.memory_space<semaphore_mem>>)
      %scan3A_43 = arith.constant 0 : i32
      %scan3A_44 = arith.constant 0 : i32
      %scan3A_45 = arith.constant 5 : i32
      %scan3A_46 = arith.addi %scan3A_44, %scan3A_45 : i32
      %scan3A_47 = arith.constant 1 : i32
      scf.for %scan3A_133 = %scan3A_44 to %scan3A_46 step %scan3A_47  : i32 {
        %mul3A_134 = arith.constant 4 : i32
        %mul3A_135 = arith.muli %scan3A_133, %mul3A_134 : i32
        %gt3A = arith.constant 0 : i32
        %gt3A_136 = arith.cmpi sgt, %scan3A_133, %gt3A : i32
        %convert_element_type3A_137 = arith.extui %gt3A_136 : i1 to i32
        %cond3A_138 = arith.constant 0 : i32
        %cond3A_139 = arith.cmpi ne, %convert_element_type3A_137, %cond3A_138 : i32
        scf.if %cond3A_139 {
          %sub3A = arith.constant 4 : i32
          %sub3A_255 = arith.subi %mul3A_135, %sub3A : i32
          %add3A_256 = arith.constant 0 : i32
          %add3A_257 = arith.addi %sub3A_255, %add3A_256 : i32
          %dma_wait3A_258 = arith.constant 1 : i32
          %dma_wait3A_259 = arith.constant 0 : i32
          %dma_wait3A_260 = tpu.memref_slice %arg7[%add3A_257, %dma_wait3A_258, %dma_wait3A_259] : memref<20x2x128xi32, #tpu.memory_space<vmem>> -> memref<1x1x128xi32, #tpu.memory_space<vmem>>
          %dma_wait3A_261 = tpu.memref_squeeze %dma_wait3A_260 : memref<1x1x128xi32, #tpu.memory_space<vmem>> -> memref<128xi32, #tpu.memory_space<vmem>>
          %dma_wait3A_262 = arith.constant 0 : i32
          %dma_wait3A_263 = arith.constant 0 : i32
          %dma_wait3A_264 = tpu.memref_slice %arg13[%dma_wait3A_262, %dma_wait3A_263] : memref<10240x64xf32, #tpu.memory_space<vmem_shared>> -> memref<10240x64xf32, #tpu.memory_space<vmem_shared>>
          tpu.wait_indirect_dma semaphore(%arg19 : memref<!tpu.dma_semaphore, #tpu.memory_space<semaphore_mem>>) src(%arg9 : memref<128x64xf32, #tpu.memory_space<vmem>>) dst(%dma_wait3A_264 : memref<10240x64xf32, #tpu.memory_space<vmem_shared>>)
        } else {
        }
        %add3A_140 = arith.constant 0 : i32
        %add3A_141 = arith.addi %mul3A_135, %add3A_140 : i32
        %dma_start3A_142 = arith.constant 0 : i32
        %dma_start3A_143 = arith.constant 0 : i32
        %dma_start3A_144 = tpu.memref_slice %arg7[%add3A_141, %dma_start3A_142, %dma_start3A_143] : memref<20x2x128xi32, #tpu.memory_space<vmem>> -> memref<1x1x128xi32, #tpu.memory_space<vmem>>
        %dma_start3A_145 = tpu.memref_squeeze %dma_start3A_144 : memref<1x1x128xi32, #tpu.memory_space<vmem>> -> memref<128xi32, #tpu.memory_space<vmem>>
        %dma_start3A_146 = arith.constant 0 : i32
        %dma_start3A_147 = arith.constant 0 : i32
        %dma_start3A_148 = tpu.memref_slice %arg14[%dma_start3A_146, %dma_start3A_147] : memref<10240x64xf32, #tpu.memory_space<vmem_shared>> -> memref<10240x64xf32, #tpu.memory_space<vmem_shared>>
        tpu.enqueue_indirect_dma source(%dma_start3A_148 : memref<10240x64xf32, #tpu.memory_space<vmem_shared>>) target(%arg9 : memref<128x64xf32, #tpu.memory_space<vmem>>) offsets(%dma_start3A_145 : memref<128xi32, #tpu.memory_space<vmem>>) semaphore(%arg15 : memref<!tpu.dma_semaphore, #tpu.memory_space<semaphore_mem>>)
        %gt3A_149 = arith.constant 0 : i32
        %gt3A_150 = arith.cmpi sgt, %scan3A_133, %gt3A_149 : i32
        %convert_element_type3A_151 = arith.extui %gt3A_150 : i1 to i32
        %cond3A_152 = arith.constant 0 : i32
        %cond3A_153 = arith.cmpi ne, %convert_element_type3A_151, %cond3A_152 : i32
        scf.if %cond3A_153 {
          %sub3A = arith.constant 4 : i32
          %sub3A_255 = arith.subi %mul3A_135, %sub3A : i32
          %add3A_256 = arith.constant 1 : i32
          %add3A_257 = arith.addi %sub3A_255, %add3A_256 : i32
          %dma_wait3A_258 = arith.constant 1 : i32
          %dma_wait3A_259 = arith.constant 0 : i32
          %dma_wait3A_260 = tpu.memref_slice %arg7[%add3A_257, %dma_wait3A_258, %dma_wait3A_259] : memref<20x2x128xi32, #tpu.memory_space<vmem>> -> memref<1x1x128xi32, #tpu.memory_space<vmem>>
          %dma_wait3A_261 = tpu.memref_squeeze %dma_wait3A_260 : memref<1x1x128xi32, #tpu.memory_space<vmem>> -> memref<128xi32, #tpu.memory_space<vmem>>
          %dma_wait3A_262 = arith.constant 0 : i32
          %dma_wait3A_263 = arith.constant 0 : i32
          %dma_wait3A_264 = tpu.memref_slice %arg13[%dma_wait3A_262, %dma_wait3A_263] : memref<10240x64xf32, #tpu.memory_space<vmem_shared>> -> memref<10240x64xf32, #tpu.memory_space<vmem_shared>>
          tpu.wait_indirect_dma semaphore(%arg20 : memref<!tpu.dma_semaphore, #tpu.memory_space<semaphore_mem>>) src(%arg10 : memref<128x64xf32, #tpu.memory_space<vmem>>) dst(%dma_wait3A_264 : memref<10240x64xf32, #tpu.memory_space<vmem_shared>>)
        } else {
        }
        %add3A_154 = arith.constant 1 : i32
        %add3A_155 = arith.addi %mul3A_135, %add3A_154 : i32
        %dma_start3A_156 = arith.constant 0 : i32
        %dma_start3A_157 = arith.constant 0 : i32
        %dma_start3A_158 = tpu.memref_slice %arg7[%add3A_155, %dma_start3A_156, %dma_start3A_157] : memref<20x2x128xi32, #tpu.memory_space<vmem>> -> memref<1x1x128xi32, #tpu.memory_space<vmem>>
        %dma_start3A_159 = tpu.memref_squeeze %dma_start3A_158 : memref<1x1x128xi32, #tpu.memory_space<vmem>> -> memref<128xi32, #tpu.memory_space<vmem>>
        %dma_start3A_160 = arith.constant 0 : i32
        %dma_start3A_161 = arith.constant 0 : i32
        %dma_start3A_162 = tpu.memref_slice %arg14[%dma_start3A_160, %dma_start3A_161] : memref<10240x64xf32, #tpu.memory_space<vmem_shared>> -> memref<10240x64xf32, #tpu.memory_space<vmem_shared>>
        tpu.enqueue_indirect_dma source(%dma_start3A_162 : memref<10240x64xf32, #tpu.memory_space<vmem_shared>>) target(%arg10 : memref<128x64xf32, #tpu.memory_space<vmem>>) offsets(%dma_start3A_159 : memref<128xi32, #tpu.memory_space<vmem>>) semaphore(%arg16 : memref<!tpu.dma_semaphore, #tpu.memory_space<semaphore_mem>>)
        %gt3A_163 = arith.constant 0 : i32
        %gt3A_164 = arith.cmpi sgt, %scan3A_133, %gt3A_163 : i32
        %convert_element_type3A_165 = arith.extui %gt3A_164 : i1 to i32
        %cond3A_166 = arith.constant 0 : i32
        %cond3A_167 = arith.cmpi ne, %convert_element_type3A_165, %cond3A_166 : i32
        scf.if %cond3A_167 {
          %sub3A = arith.constant 4 : i32
          %sub3A_255 = arith.subi %mul3A_135, %sub3A : i32
          %add3A_256 = arith.constant 2 : i32
          %add3A_257 = arith.addi %sub3A_255, %add3A_256 : i32
          %dma_wait3A_258 = arith.constant 1 : i32
          %dma_wait3A_259 = arith.constant 0 : i32
          %dma_wait3A_260 = tpu.memref_slice %arg7[%add3A_257, %dma_wait3A_258, %dma_wait3A_259] : memref<20x2x128xi32, #tpu.memory_space<vmem>> -> memref<1x1x128xi32, #tpu.memory_space<vmem>>
          %dma_wait3A_261 = tpu.memref_squeeze %dma_wait3A_260 : memref<1x1x128xi32, #tpu.memory_space<vmem>> -> memref<128xi32, #tpu.memory_space<vmem>>
          %dma_wait3A_262 = arith.constant 0 : i32
          %dma_wait3A_263 = arith.constant 0 : i32
          %dma_wait3A_264 = tpu.memref_slice %arg13[%dma_wait3A_262, %dma_wait3A_263] : memref<10240x64xf32, #tpu.memory_space<vmem_shared>> -> memref<10240x64xf32, #tpu.memory_space<vmem_shared>>
          tpu.wait_indirect_dma semaphore(%arg21 : memref<!tpu.dma_semaphore, #tpu.memory_space<semaphore_mem>>) src(%arg11 : memref<128x64xf32, #tpu.memory_space<vmem>>) dst(%dma_wait3A_264 : memref<10240x64xf32, #tpu.memory_space<vmem_shared>>)
        } else {
        }
        %add3A_168 = arith.constant 2 : i32
        %add3A_169 = arith.addi %mul3A_135, %add3A_168 : i32
        %dma_start3A_170 = arith.constant 0 : i32
        %dma_start3A_171 = arith.constant 0 : i32
        %dma_start3A_172 = tpu.memref_slice %arg7[%add3A_169, %dma_start3A_170, %dma_start3A_171] : memref<20x2x128xi32, #tpu.memory_space<vmem>> -> memref<1x1x128xi32, #tpu.memory_space<vmem>>
        %dma_start3A_173 = tpu.memref_squeeze %dma_start3A_172 : memref<1x1x128xi32, #tpu.memory_space<vmem>> -> memref<128xi32, #tpu.memory_space<vmem>>
        %dma_start3A_174 = arith.constant 0 : i32
        %dma_start3A_175 = arith.constant 0 : i32
        %dma_start3A_176 = tpu.memref_slice %arg14[%dma_start3A_174, %dma_start3A_175] : memref<10240x64xf32, #tpu.memory_space<vmem_shared>> -> memref<10240x64xf32, #tpu.memory_space<vmem_shared>>
        tpu.enqueue_indirect_dma source(%dma_start3A_176 : memref<10240x64xf32, #tpu.memory_space<vmem_shared>>) target(%arg11 : memref<128x64xf32, #tpu.memory_space<vmem>>) offsets(%dma_start3A_173 : memref<128xi32, #tpu.memory_space<vmem>>) semaphore(%arg17 : memref<!tpu.dma_semaphore, #tpu.memory_space<semaphore_mem>>)
        %gt3A_177 = arith.constant 0 : i32
        %gt3A_178 = arith.cmpi sgt, %scan3A_133, %gt3A_177 : i32
        %convert_element_type3A_179 = arith.extui %gt3A_178 : i1 to i32
        %cond3A_180 = arith.constant 0 : i32
        %cond3A_181 = arith.cmpi ne, %convert_element_type3A_179, %cond3A_180 : i32
        scf.if %cond3A_181 {
          %sub3A = arith.constant 4 : i32
          %sub3A_255 = arith.subi %mul3A_135, %sub3A : i32
          %add3A_256 = arith.constant 3 : i32
          %add3A_257 = arith.addi %sub3A_255, %add3A_256 : i32
          %dma_wait3A_258 = arith.constant 1 : i32
          %dma_wait3A_259 = arith.constant 0 : i32
          %dma_wait3A_260 = tpu.memref_slice %arg7[%add3A_257, %dma_wait3A_258, %dma_wait3A_259] : memref<20x2x128xi32, #tpu.memory_space<vmem>> -> memref<1x1x128xi32, #tpu.memory_space<vmem>>
          %dma_wait3A_261 = tpu.memref_squeeze %dma_wait3A_260 : memref<1x1x128xi32, #tpu.memory_space<vmem>> -> memref<128xi32, #tpu.memory_space<vmem>>
          %dma_wait3A_262 = arith.constant 0 : i32
          %dma_wait3A_263 = arith.constant 0 : i32
          %dma_wait3A_264 = tpu.memref_slice %arg13[%dma_wait3A_262, %dma_wait3A_263] : memref<10240x64xf32, #tpu.memory_space<vmem_shared>> -> memref<10240x64xf32, #tpu.memory_space<vmem_shared>>
          tpu.wait_indirect_dma semaphore(%arg22 : memref<!tpu.dma_semaphore, #tpu.memory_space<semaphore_mem>>) src(%arg12 : memref<128x64xf32, #tpu.memory_space<vmem>>) dst(%dma_wait3A_264 : memref<10240x64xf32, #tpu.memory_space<vmem_shared>>)
        } else {
        }
        %add3A_182 = arith.constant 3 : i32
        %add3A_183 = arith.addi %mul3A_135, %add3A_182 : i32
        %dma_start3A_184 = arith.constant 0 : i32
        %dma_start3A_185 = arith.constant 0 : i32
        %dma_start3A_186 = tpu.memref_slice %arg7[%add3A_183, %dma_start3A_184, %dma_start3A_185] : memref<20x2x128xi32, #tpu.memory_space<vmem>> -> memref<1x1x128xi32, #tpu.memory_space<vmem>>
        %dma_start3A_187 = tpu.memref_squeeze %dma_start3A_186 : memref<1x1x128xi32, #tpu.memory_space<vmem>> -> memref<128xi32, #tpu.memory_space<vmem>>
        %dma_start3A_188 = arith.constant 0 : i32
        %dma_start3A_189 = arith.constant 0 : i32
        %dma_start3A_190 = tpu.memref_slice %arg14[%dma_start3A_188, %dma_start3A_189] : memref<10240x64xf32, #tpu.memory_space<vmem_shared>> -> memref<10240x64xf32, #tpu.memory_space<vmem_shared>>
        tpu.enqueue_indirect_dma source(%dma_start3A_190 : memref<10240x64xf32, #tpu.memory_space<vmem_shared>>) target(%arg12 : memref<128x64xf32, #tpu.memory_space<vmem>>) offsets(%dma_start3A_187 : memref<128xi32, #tpu.memory_space<vmem>>) semaphore(%arg18 : memref<!tpu.dma_semaphore, #tpu.memory_space<semaphore_mem>>)
        %dma_wait3A_191 = arith.constant 0 : i32
        %dma_wait3A_192 = arith.constant 0 : i32
        %dma_wait3A_193 = tpu.memref_slice %arg7[%add3A_141, %dma_wait3A_191, %dma_wait3A_192] : memref<20x2x128xi32, #tpu.memory_space<vmem>> -> memref<1x1x128xi32, #tpu.memory_space<vmem>>
        %dma_wait3A_194 = tpu.memref_squeeze %dma_wait3A_193 : memref<1x1x128xi32, #tpu.memory_space<vmem>> -> memref<128xi32, #tpu.memory_space<vmem>>
        %dma_wait3A_195 = arith.constant 0 : i32
        %dma_wait3A_196 = arith.constant 0 : i32
        %dma_wait3A_197 = tpu.memref_slice %arg14[%dma_wait3A_195, %dma_wait3A_196] : memref<10240x64xf32, #tpu.memory_space<vmem_shared>> -> memref<10240x64xf32, #tpu.memory_space<vmem_shared>>
        tpu.wait_indirect_dma semaphore(%arg15 : memref<!tpu.dma_semaphore, #tpu.memory_space<semaphore_mem>>) src(%dma_wait3A_197 : memref<10240x64xf32, #tpu.memory_space<vmem_shared>>) dst(%arg9 : memref<128x64xf32, #tpu.memory_space<vmem>>)
        %add3A_198 = arith.constant 0 : i32
        %add3A_199 = arith.addi %mul3A_135, %add3A_198 : i32
        %dma_start3A_200 = arith.constant 1 : i32
        %dma_start3A_201 = arith.constant 0 : i32
        %dma_start3A_202 = tpu.memref_slice %arg7[%add3A_199, %dma_start3A_200, %dma_start3A_201] : memref<20x2x128xi32, #tpu.memory_space<vmem>> -> memref<1x1x128xi32, #tpu.memory_space<vmem>>
        %dma_start3A_203 = tpu.memref_squeeze %dma_start3A_202 : memref<1x1x128xi32, #tpu.memory_space<vmem>> -> memref<128xi32, #tpu.memory_space<vmem>>
        %dma_start3A_204 = arith.constant 0 : i32
        %dma_start3A_205 = arith.constant 0 : i32
        %dma_start3A_206 = tpu.memref_slice %arg13[%dma_start3A_204, %dma_start3A_205] : memref<10240x64xf32, #tpu.memory_space<vmem_shared>> -> memref<10240x64xf32, #tpu.memory_space<vmem_shared>>
        tpu.enqueue_indirect_dma source(%arg9 : memref<128x64xf32, #tpu.memory_space<vmem>>) target(%dma_start3A_206 : memref<10240x64xf32, #tpu.memory_space<vmem_shared>>) offsets(%dma_start3A_203 : memref<128xi32, #tpu.memory_space<vmem>>) semaphore(%arg19 : memref<!tpu.dma_semaphore, #tpu.memory_space<semaphore_mem>>) {add = true}
        %dma_wait3A_207 = arith.constant 0 : i32
        %dma_wait3A_208 = arith.constant 0 : i32
        %dma_wait3A_209 = tpu.memref_slice %arg7[%add3A_155, %dma_wait3A_207, %dma_wait3A_208] : memref<20x2x128xi32, #tpu.memory_space<vmem>> -> memref<1x1x128xi32, #tpu.memory_space<vmem>>
        %dma_wait3A_210 = tpu.memref_squeeze %dma_wait3A_209 : memref<1x1x128xi32, #tpu.memory_space<vmem>> -> memref<128xi32, #tpu.memory_space<vmem>>
        %dma_wait3A_211 = arith.constant 0 : i32
        %dma_wait3A_212 = arith.constant 0 : i32
        %dma_wait3A_213 = tpu.memref_slice %arg14[%dma_wait3A_211, %dma_wait3A_212] : memref<10240x64xf32, #tpu.memory_space<vmem_shared>> -> memref<10240x64xf32, #tpu.memory_space<vmem_shared>>
        tpu.wait_indirect_dma semaphore(%arg16 : memref<!tpu.dma_semaphore, #tpu.memory_space<semaphore_mem>>) src(%dma_wait3A_213 : memref<10240x64xf32, #tpu.memory_space<vmem_shared>>) dst(%arg10 : memref<128x64xf32, #tpu.memory_space<vmem>>)
        %add3A_214 = arith.constant 1 : i32
        %add3A_215 = arith.addi %mul3A_135, %add3A_214 : i32
        %dma_start3A_216 = arith.constant 1 : i32
        %dma_start3A_217 = arith.constant 0 : i32
        %dma_start3A_218 = tpu.memref_slice %arg7[%add3A_215, %dma_start3A_216, %dma_start3A_217] : memref<20x2x128xi32, #tpu.memory_space<vmem>> -> memref<1x1x128xi32, #tpu.memory_space<vmem>>
        %dma_start3A_219 = tpu.memref_squeeze %dma_start3A_218 : memref<1x1x128xi32, #tpu.memory_space<vmem>> -> memref<128xi32, #tpu.memory_space<vmem>>
        %dma_start3A_220 = arith.constant 0 : i32
        %dma_start3A_221 = arith.constant 0 : i32
        %dma_start3A_222 = tpu.memref_slice %arg13[%dma_start3A_220, %dma_start3A_221] : memref<10240x64xf32, #tpu.memory_space<vmem_shared>> -> memref<10240x64xf32, #tpu.memory_space<vmem_shared>>
        tpu.enqueue_indirect_dma source(%arg10 : memref<128x64xf32, #tpu.memory_space<vmem>>) target(%dma_start3A_222 : memref<10240x64xf32, #tpu.memory_space<vmem_shared>>) offsets(%dma_start3A_219 : memref<128xi32, #tpu.memory_space<vmem>>) semaphore(%arg20 : memref<!tpu.dma_semaphore, #tpu.memory_space<semaphore_mem>>) {add = true}
        %dma_wait3A_223 = arith.constant 0 : i32
        %dma_wait3A_224 = arith.constant 0 : i32
        %dma_wait3A_225 = tpu.memref_slice %arg7[%add3A_169, %dma_wait3A_223, %dma_wait3A_224] : memref<20x2x128xi32, #tpu.memory_space<vmem>> -> memref<1x1x128xi32, #tpu.memory_space<vmem>>
        %dma_wait3A_226 = tpu.memref_squeeze %dma_wait3A_225 : memref<1x1x128xi32, #tpu.memory_space<vmem>> -> memref<128xi32, #tpu.memory_space<vmem>>
        %dma_wait3A_227 = arith.constant 0 : i32
        %dma_wait3A_228 = arith.constant 0 : i32
        %dma_wait3A_229 = tpu.memref_slice %arg14[%dma_wait3A_227, %dma_wait3A_228] : memref<10240x64xf32, #tpu.memory_space<vmem_shared>> -> memref<10240x64xf32, #tpu.memory_space<vmem_shared>>
        tpu.wait_indirect_dma semaphore(%arg17 : memref<!tpu.dma_semaphore, #tpu.memory_space<semaphore_mem>>) src(%dma_wait3A_229 : memref<10240x64xf32, #tpu.memory_space<vmem_shared>>) dst(%arg11 : memref<128x64xf32, #tpu.memory_space<vmem>>)
        %add3A_230 = arith.constant 2 : i32
        %add3A_231 = arith.addi %mul3A_135, %add3A_230 : i32
        %dma_start3A_232 = arith.constant 1 : i32
        %dma_start3A_233 = arith.constant 0 : i32
        %dma_start3A_234 = tpu.memref_slice %arg7[%add3A_231, %dma_start3A_232, %dma_start3A_233] : memref<20x2x128xi32, #tpu.memory_space<vmem>> -> memref<1x1x128xi32, #tpu.memory_space<vmem>>
        %dma_start3A_235 = tpu.memref_squeeze %dma_start3A_234 : memref<1x1x128xi32, #tpu.memory_space<vmem>> -> memref<128xi32, #tpu.memory_space<vmem>>
        %dma_start3A_236 = arith.constant 0 : i32
        %dma_start3A_237 = arith.constant 0 : i32
        %dma_start3A_238 = tpu.memref_slice %arg13[%dma_start3A_236, %dma_start3A_237] : memref<10240x64xf32, #tpu.memory_space<vmem_shared>> -> memref<10240x64xf32, #tpu.memory_space<vmem_shared>>
        tpu.enqueue_indirect_dma source(%arg11 : memref<128x64xf32, #tpu.memory_space<vmem>>) target(%dma_start3A_238 : memref<10240x64xf32, #tpu.memory_space<vmem_shared>>) offsets(%dma_start3A_235 : memref<128xi32, #tpu.memory_space<vmem>>) semaphore(%arg21 : memref<!tpu.dma_semaphore, #tpu.memory_space<semaphore_mem>>) {add = true}
        %dma_wait3A_239 = arith.constant 0 : i32
        %dma_wait3A_240 = arith.constant 0 : i32
        %dma_wait3A_241 = tpu.memref_slice %arg7[%add3A_183, %dma_wait3A_239, %dma_wait3A_240] : memref<20x2x128xi32, #tpu.memory_space<vmem>> -> memref<1x1x128xi32, #tpu.memory_space<vmem>>
        %dma_wait3A_242 = tpu.memref_squeeze %dma_wait3A_241 : memref<1x1x128xi32, #tpu.memory_space<vmem>> -> memref<128xi32, #tpu.memory_space<vmem>>
        %dma_wait3A_243 = arith.constant 0 : i32
        %dma_wait3A_244 = arith.constant 0 : i32
        %dma_wait3A_245 = tpu.memref_slice %arg14[%dma_wait3A_243, %dma_wait3A_244] : memref<10240x64xf32, #tpu.memory_space<vmem_shared>> -> memref<10240x64xf32, #tpu.memory_space<vmem_shared>>
        tpu.wait_indirect_dma semaphore(%arg18 : memref<!tpu.dma_semaphore, #tpu.memory_space<semaphore_mem>>) src(%dma_wait3A_245 : memref<10240x64xf32, #tpu.memory_space<vmem_shared>>) dst(%arg12 : memref<128x64xf32, #tpu.memory_space<vmem>>)
        %add3A_246 = arith.constant 3 : i32
        %add3A_247 = arith.addi %mul3A_135, %add3A_246 : i32
        %dma_start3A_248 = arith.constant 1 : i32
        %dma_start3A_249 = arith.constant 0 : i32
        %dma_start3A_250 = tpu.memref_slice %arg7[%add3A_247, %dma_start3A_248, %dma_start3A_249] : memref<20x2x128xi32, #tpu.memory_space<vmem>> -> memref<1x1x128xi32, #tpu.memory_space<vmem>>
        %dma_start3A_251 = tpu.memref_squeeze %dma_start3A_250 : memref<1x1x128xi32, #tpu.memory_space<vmem>> -> memref<128xi32, #tpu.memory_space<vmem>>
        %dma_start3A_252 = arith.constant 0 : i32
        %dma_start3A_253 = arith.constant 0 : i32
        %dma_start3A_254 = tpu.memref_slice %arg13[%dma_start3A_252, %dma_start3A_253] : memref<10240x64xf32, #tpu.memory_space<vmem_shared>> -> memref<10240x64xf32, #tpu.memory_space<vmem_shared>>
        tpu.enqueue_indirect_dma source(%arg12 : memref<128x64xf32, #tpu.memory_space<vmem>>) target(%dma_start3A_254 : memref<10240x64xf32, #tpu.memory_space<vmem_shared>>) offsets(%dma_start3A_251 : memref<128xi32, #tpu.memory_space<vmem>>) semaphore(%arg22 : memref<!tpu.dma_semaphore, #tpu.memory_space<semaphore_mem>>) {add = true}
      }
      %scan3A_48 = arith.constant 5 : i32
      %dma_wait3A_49 = arith.constant 16 : i32
      %dma_wait3A_50 = arith.constant 1 : i32
      %dma_wait3A_51 = arith.constant 0 : i32
      %dma_wait3A_52 = tpu.memref_slice %arg7[%dma_wait3A_49, %dma_wait3A_50, %dma_wait3A_51] : memref<20x2x128xi32, #tpu.memory_space<vmem>> -> memref<1x1x128xi32, #tpu.memory_space<vmem>>
      %dma_wait3A_53 = tpu.memref_squeeze %dma_wait3A_52 : memref<1x1x128xi32, #tpu.memory_space<vmem>> -> memref<128xi32, #tpu.memory_space<vmem>>
      %dma_wait3A_54 = arith.constant 0 : i32
      %dma_wait3A_55 = arith.constant 0 : i32
      %dma_wait3A_56 = tpu.memref_slice %arg13[%dma_wait3A_54, %dma_wait3A_55] : memref<10240x64xf32, #tpu.memory_space<vmem_shared>> -> memref<10240x64xf32, #tpu.memory_space<vmem_shared>>
      tpu.wait_indirect_dma semaphore(%arg19 : memref<!tpu.dma_semaphore, #tpu.memory_space<semaphore_mem>>) src(%arg9 : memref<128x64xf32, #tpu.memory_space<vmem>>) dst(%dma_wait3A_56 : memref<10240x64xf32, #tpu.memory_space<vmem_shared>>)
      %dma_wait3A_57 = arith.constant 17 : i32
      %dma_wait3A_58 = arith.constant 1 : i32
      %dma_wait3A_59 = arith.constant 0 : i32
      %dma_wait3A_60 = tpu.memref_slice %arg7[%dma_wait3A_57, %dma_wait3A_58, %dma_wait3A_59] : memref<20x2x128xi32, #tpu.memory_space<vmem>> -> memref<1x1x128xi32, #tpu.memory_space<vmem>>
      %dma_wait3A_61 = tpu.memref_squeeze %dma_wait3A_60 : memref<1x1x128xi32, #tpu.memory_space<vmem>> -> memref<128xi32, #tpu.memory_space<vmem>>
      %dma_wait3A_62 = arith.constant 0 : i32
      %dma_wait3A_63 = arith.constant 0 : i32
      %dma_wait3A_64 = tpu.memref_slice %arg13[%dma_wait3A_62, %dma_wait3A_63] : memref<10240x64xf32, #tpu.memory_space<vmem_shared>> -> memref<10240x64xf32, #tpu.memory_space<vmem_shared>>
      tpu.wait_indirect_dma semaphore(%arg20 : memref<!tpu.dma_semaphore, #tpu.memory_space<semaphore_mem>>) src(%arg10 : memref<128x64xf32, #tpu.memory_space<vmem>>) dst(%dma_wait3A_64 : memref<10240x64xf32, #tpu.memory_space<vmem_shared>>)
      %dma_wait3A_65 = arith.constant 18 : i32
      %dma_wait3A_66 = arith.constant 1 : i32
      %dma_wait3A_67 = arith.constant 0 : i32
      %dma_wait3A_68 = tpu.memref_slice %arg7[%dma_wait3A_65, %dma_wait3A_66, %dma_wait3A_67] : memref<20x2x128xi32, #tpu.memory_space<vmem>> -> memref<1x1x128xi32, #tpu.memory_space<vmem>>
      %dma_wait3A_69 = tpu.memref_squeeze %dma_wait3A_68 : memref<1x1x128xi32, #tpu.memory_space<vmem>> -> memref<128xi32, #tpu.memory_space<vmem>>
      %dma_wait3A_70 = arith.constant 0 : i32
      %dma_wait3A_71 = arith.constant 0 : i32
      %dma_wait3A_72 = tpu.memref_slice %arg13[%dma_wait3A_70, %dma_wait3A_71] : memref<10240x64xf32, #tpu.memory_space<vmem_shared>> -> memref<10240x64xf32, #tpu.memory_space<vmem_shared>>
      tpu.wait_indirect_dma semaphore(%arg21 : memref<!tpu.dma_semaphore, #tpu.memory_space<semaphore_mem>>) src(%arg11 : memref<128x64xf32, #tpu.memory_space<vmem>>) dst(%dma_wait3A_72 : memref<10240x64xf32, #tpu.memory_space<vmem_shared>>)
      %dma_wait3A_73 = arith.constant 19 : i32
      %dma_wait3A_74 = arith.constant 1 : i32
      %dma_wait3A_75 = arith.constant 0 : i32
      %dma_wait3A_76 = tpu.memref_slice %arg7[%dma_wait3A_73, %dma_wait3A_74, %dma_wait3A_75] : memref<20x2x128xi32, #tpu.memory_space<vmem>> -> memref<1x1x128xi32, #tpu.memory_space<vmem>>
      %dma_wait3A_77 = tpu.memref_squeeze %dma_wait3A_76 : memref<1x1x128xi32, #tpu.memory_space<vmem>> -> memref<128xi32, #tpu.memory_space<vmem>>
      %dma_wait3A_78 = arith.constant 0 : i32
      %dma_wait3A_79 = arith.constant 0 : i32
      %dma_wait3A_80 = tpu.memref_slice %arg13[%dma_wait3A_78, %dma_wait3A_79] : memref<10240x64xf32, #tpu.memory_space<vmem_shared>> -> memref<10240x64xf32, #tpu.memory_space<vmem_shared>>
      tpu.wait_indirect_dma semaphore(%arg22 : memref<!tpu.dma_semaphore, #tpu.memory_space<semaphore_mem>>) src(%arg12 : memref<128x64xf32, #tpu.memory_space<vmem>>) dst(%dma_wait3A_80 : memref<10240x64xf32, #tpu.memory_space<vmem_shared>>)
      %add3A_81 = arith.constant 20 : i32
      %add3A_82 = arith.addi %add3A, %add3A_81 : i32
      %dma_wait3A_83 = arith.constant 0 : i32
      %dma_wait3A_84 = arith.constant 0 : i32
      %dma_wait3A_85 = tpu.memref_slice %arg4[%add3A_82, %dma_wait3A_83, %dma_wait3A_84] : memref<2560x2x128xi32, #tpu.memory_space<hbm>> -> memref<20x2x128xi32, #tpu.memory_space<hbm>>
      %dma_wait3A_86 = arith.constant 0 : i32
      %dma_wait3A_87 = arith.constant 0 : i32
      %dma_wait3A_88 = tpu.memref_slice %arg4[%add3A_82, %dma_wait3A_86, %dma_wait3A_87] : memref<2560x2x128xi32, #tpu.memory_space<hbm>> -> memref<20x2x128xi32, #tpu.memory_space<hbm>>
      tpu.wait_dma2 semaphore(%arg24 : memref<!tpu.dma_semaphore, #tpu.memory_space<semaphore_mem>>) src(%dma_wait3A_88 : memref<20x2x128xi32, #tpu.memory_space<hbm>>) dst(%arg8 : memref<20x2x128xi32, #tpu.memory_space<vmem>>)
      %add3A_89 = arith.constant 1 : i32
      %add3A_90 = arith.addi %scan3A_25, %add3A_89 : i32
      %lt3A = arith.constant 4 : i32
      %lt3A_91 = arith.cmpi slt, %add3A_90, %lt3A : i32
      %convert_element_type3A_92 = arith.extui %lt3A_91 : i1 to i32
      %cond3A_93 = arith.constant 0 : i32
      %cond3A_94 = arith.cmpi ne, %convert_element_type3A_92, %cond3A_93 : i32
      scf.if %cond3A_94 {
        %add3A_133 = arith.constant 40 : i32
        %add3A_134 = arith.addi %add3A, %add3A_133 : i32
        %dma_start3A_135 = arith.constant 0 : i32
        %dma_start3A_136 = arith.constant 0 : i32
        %dma_start3A_137 = tpu.memref_slice %arg4[%add3A_134, %dma_start3A_135, %dma_start3A_136] : memref<2560x2x128xi32, #tpu.memory_space<hbm>> -> memref<20x2x128xi32, #tpu.memory_space<hbm>>
        %dma_start3A_138 = arith.constant 0 : i32
        %dma_start3A_139 = arith.constant 0 : i32
        %dma_start3A_140 = tpu.memref_slice %arg4[%add3A_134, %dma_start3A_138, %dma_start3A_139] : memref<2560x2x128xi32, #tpu.memory_space<hbm>> -> memref<20x2x128xi32, #tpu.memory_space<hbm>>
        tpu.enqueue_dma source(%dma_start3A_140 : memref<20x2x128xi32, #tpu.memory_space<hbm>>) target(%arg7 : memref<20x2x128xi32, #tpu.memory_space<vmem>>) target_semaphore(%arg23 : memref<!tpu.dma_semaphore, #tpu.memory_space<semaphore_mem>>)
      } else {
      }
      %scan3A_95 = arith.constant 0 : i32
      %scan3A_96 = arith.constant 0 : i32
      %scan3A_97 = arith.constant 5 : i32
      %scan3A_98 = arith.addi %scan3A_96, %scan3A_97 : i32
      %scan3A_99 = arith.constant 1 : i32
      scf.for %scan3A_133 = %scan3A_96 to %scan3A_98 step %scan3A_99  : i32 {
        %mul3A_134 = arith.constant 4 : i32
        %mul3A_135 = arith.muli %scan3A_133, %mul3A_134 : i32
        %gt3A = arith.constant 0 : i32
        %gt3A_136 = arith.cmpi sgt, %scan3A_133, %gt3A : i32
        %convert_element_type3A_137 = arith.extui %gt3A_136 : i1 to i32
        %cond3A_138 = arith.constant 0 : i32
        %cond3A_139 = arith.cmpi ne, %convert_element_type3A_137, %cond3A_138 : i32
        scf.if %cond3A_139 {
          %sub3A = arith.constant 4 : i32
          %sub3A_255 = arith.subi %mul3A_135, %sub3A : i32
          %add3A_256 = arith.constant 0 : i32
          %add3A_257 = arith.addi %sub3A_255, %add3A_256 : i32
          %dma_wait3A_258 = arith.constant 1 : i32
          %dma_wait3A_259 = arith.constant 0 : i32
          %dma_wait3A_260 = tpu.memref_slice %arg8[%add3A_257, %dma_wait3A_258, %dma_wait3A_259] : memref<20x2x128xi32, #tpu.memory_space<vmem>> -> memref<1x1x128xi32, #tpu.memory_space<vmem>>
          %dma_wait3A_261 = tpu.memref_squeeze %dma_wait3A_260 : memref<1x1x128xi32, #tpu.memory_space<vmem>> -> memref<128xi32, #tpu.memory_space<vmem>>
          %dma_wait3A_262 = arith.constant 0 : i32
          %dma_wait3A_263 = arith.constant 0 : i32
          %dma_wait3A_264 = tpu.memref_slice %arg13[%dma_wait3A_262, %dma_wait3A_263] : memref<10240x64xf32, #tpu.memory_space<vmem_shared>> -> memref<10240x64xf32, #tpu.memory_space<vmem_shared>>
          tpu.wait_indirect_dma semaphore(%arg19 : memref<!tpu.dma_semaphore, #tpu.memory_space<semaphore_mem>>) src(%arg9 : memref<128x64xf32, #tpu.memory_space<vmem>>) dst(%dma_wait3A_264 : memref<10240x64xf32, #tpu.memory_space<vmem_shared>>)
        } else {
        }
        %add3A_140 = arith.constant 0 : i32
        %add3A_141 = arith.addi %mul3A_135, %add3A_140 : i32
        %dma_start3A_142 = arith.constant 0 : i32
        %dma_start3A_143 = arith.constant 0 : i32
        %dma_start3A_144 = tpu.memref_slice %arg8[%add3A_141, %dma_start3A_142, %dma_start3A_143] : memref<20x2x128xi32, #tpu.memory_space<vmem>> -> memref<1x1x128xi32, #tpu.memory_space<vmem>>
        %dma_start3A_145 = tpu.memref_squeeze %dma_start3A_144 : memref<1x1x128xi32, #tpu.memory_space<vmem>> -> memref<128xi32, #tpu.memory_space<vmem>>
        %dma_start3A_146 = arith.constant 0 : i32
        %dma_start3A_147 = arith.constant 0 : i32
        %dma_start3A_148 = tpu.memref_slice %arg14[%dma_start3A_146, %dma_start3A_147] : memref<10240x64xf32, #tpu.memory_space<vmem_shared>> -> memref<10240x64xf32, #tpu.memory_space<vmem_shared>>
        tpu.enqueue_indirect_dma source(%dma_start3A_148 : memref<10240x64xf32, #tpu.memory_space<vmem_shared>>) target(%arg9 : memref<128x64xf32, #tpu.memory_space<vmem>>) offsets(%dma_start3A_145 : memref<128xi32, #tpu.memory_space<vmem>>) semaphore(%arg15 : memref<!tpu.dma_semaphore, #tpu.memory_space<semaphore_mem>>)
        %gt3A_149 = arith.constant 0 : i32
        %gt3A_150 = arith.cmpi sgt, %scan3A_133, %gt3A_149 : i32
        %convert_element_type3A_151 = arith.extui %gt3A_150 : i1 to i32
        %cond3A_152 = arith.constant 0 : i32
        %cond3A_153 = arith.cmpi ne, %convert_element_type3A_151, %cond3A_152 : i32
        scf.if %cond3A_153 {
          %sub3A = arith.constant 4 : i32
          %sub3A_255 = arith.subi %mul3A_135, %sub3A : i32
          %add3A_256 = arith.constant 1 : i32
          %add3A_257 = arith.addi %sub3A_255, %add3A_256 : i32
          %dma_wait3A_258 = arith.constant 1 : i32
          %dma_wait3A_259 = arith.constant 0 : i32
          %dma_wait3A_260 = tpu.memref_slice %arg8[%add3A_257, %dma_wait3A_258, %dma_wait3A_259] : memref<20x2x128xi32, #tpu.memory_space<vmem>> -> memref<1x1x128xi32, #tpu.memory_space<vmem>>
          %dma_wait3A_261 = tpu.memref_squeeze %dma_wait3A_260 : memref<1x1x128xi32, #tpu.memory_space<vmem>> -> memref<128xi32, #tpu.memory_space<vmem>>
          %dma_wait3A_262 = arith.constant 0 : i32
          %dma_wait3A_263 = arith.constant 0 : i32
          %dma_wait3A_264 = tpu.memref_slice %arg13[%dma_wait3A_262, %dma_wait3A_263] : memref<10240x64xf32, #tpu.memory_space<vmem_shared>> -> memref<10240x64xf32, #tpu.memory_space<vmem_shared>>
          tpu.wait_indirect_dma semaphore(%arg20 : memref<!tpu.dma_semaphore, #tpu.memory_space<semaphore_mem>>) src(%arg10 : memref<128x64xf32, #tpu.memory_space<vmem>>) dst(%dma_wait3A_264 : memref<10240x64xf32, #tpu.memory_space<vmem_shared>>)
        } else {
        }
        %add3A_154 = arith.constant 1 : i32
        %add3A_155 = arith.addi %mul3A_135, %add3A_154 : i32
        %dma_start3A_156 = arith.constant 0 : i32
        %dma_start3A_157 = arith.constant 0 : i32
        %dma_start3A_158 = tpu.memref_slice %arg8[%add3A_155, %dma_start3A_156, %dma_start3A_157] : memref<20x2x128xi32, #tpu.memory_space<vmem>> -> memref<1x1x128xi32, #tpu.memory_space<vmem>>
        %dma_start3A_159 = tpu.memref_squeeze %dma_start3A_158 : memref<1x1x128xi32, #tpu.memory_space<vmem>> -> memref<128xi32, #tpu.memory_space<vmem>>
        %dma_start3A_160 = arith.constant 0 : i32
        %dma_start3A_161 = arith.constant 0 : i32
        %dma_start3A_162 = tpu.memref_slice %arg14[%dma_start3A_160, %dma_start3A_161] : memref<10240x64xf32, #tpu.memory_space<vmem_shared>> -> memref<10240x64xf32, #tpu.memory_space<vmem_shared>>
        tpu.enqueue_indirect_dma source(%dma_start3A_162 : memref<10240x64xf32, #tpu.memory_space<vmem_shared>>) target(%arg10 : memref<128x64xf32, #tpu.memory_space<vmem>>) offsets(%dma_start3A_159 : memref<128xi32, #tpu.memory_space<vmem>>) semaphore(%arg16 : memref<!tpu.dma_semaphore, #tpu.memory_space<semaphore_mem>>)
        %gt3A_163 = arith.constant 0 : i32
        %gt3A_164 = arith.cmpi sgt, %scan3A_133, %gt3A_163 : i32
        %convert_element_type3A_165 = arith.extui %gt3A_164 : i1 to i32
        %cond3A_166 = arith.constant 0 : i32
        %cond3A_167 = arith.cmpi ne, %convert_element_type3A_165, %cond3A_166 : i32
        scf.if %cond3A_167 {
          %sub3A = arith.constant 4 : i32
          %sub3A_255 = arith.subi %mul3A_135, %sub3A : i32
          %add3A_256 = arith.constant 2 : i32
          %add3A_257 = arith.addi %sub3A_255, %add3A_256 : i32
          %dma_wait3A_258 = arith.constant 1 : i32
          %dma_wait3A_259 = arith.constant 0 : i32
          %dma_wait3A_260 = tpu.memref_slice %arg8[%add3A_257, %dma_wait3A_258, %dma_wait3A_259] : memref<20x2x128xi32, #tpu.memory_space<vmem>> -> memref<1x1x128xi32, #tpu.memory_space<vmem>>
          %dma_wait3A_261 = tpu.memref_squeeze %dma_wait3A_260 : memref<1x1x128xi32, #tpu.memory_space<vmem>> -> memref<128xi32, #tpu.memory_space<vmem>>
          %dma_wait3A_262 = arith.constant 0 : i32
          %dma_wait3A_263 = arith.constant 0 : i32
          %dma_wait3A_264 = tpu.memref_slice %arg13[%dma_wait3A_262, %dma_wait3A_263] : memref<10240x64xf32, #tpu.memory_space<vmem_shared>> -> memref<10240x64xf32, #tpu.memory_space<vmem_shared>>
          tpu.wait_indirect_dma semaphore(%arg21 : memref<!tpu.dma_semaphore, #tpu.memory_space<semaphore_mem>>) src(%arg11 : memref<128x64xf32, #tpu.memory_space<vmem>>) dst(%dma_wait3A_264 : memref<10240x64xf32, #tpu.memory_space<vmem_shared>>)
        } else {
        }
        %add3A_168 = arith.constant 2 : i32
        %add3A_169 = arith.addi %mul3A_135, %add3A_168 : i32
        %dma_start3A_170 = arith.constant 0 : i32
        %dma_start3A_171 = arith.constant 0 : i32
        %dma_start3A_172 = tpu.memref_slice %arg8[%add3A_169, %dma_start3A_170, %dma_start3A_171] : memref<20x2x128xi32, #tpu.memory_space<vmem>> -> memref<1x1x128xi32, #tpu.memory_space<vmem>>
        %dma_start3A_173 = tpu.memref_squeeze %dma_start3A_172 : memref<1x1x128xi32, #tpu.memory_space<vmem>> -> memref<128xi32, #tpu.memory_space<vmem>>
        %dma_start3A_174 = arith.constant 0 : i32
        %dma_start3A_175 = arith.constant 0 : i32
        %dma_start3A_176 = tpu.memref_slice %arg14[%dma_start3A_174, %dma_start3A_175] : memref<10240x64xf32, #tpu.memory_space<vmem_shared>> -> memref<10240x64xf32, #tpu.memory_space<vmem_shared>>
        tpu.enqueue_indirect_dma source(%dma_start3A_176 : memref<10240x64xf32, #tpu.memory_space<vmem_shared>>) target(%arg11 : memref<128x64xf32, #tpu.memory_space<vmem>>) offsets(%dma_start3A_173 : memref<128xi32, #tpu.memory_space<vmem>>) semaphore(%arg17 : memref<!tpu.dma_semaphore, #tpu.memory_space<semaphore_mem>>)
        %gt3A_177 = arith.constant 0 : i32
        %gt3A_178 = arith.cmpi sgt, %scan3A_133, %gt3A_177 : i32
        %convert_element_type3A_179 = arith.extui %gt3A_178 : i1 to i32
        %cond3A_180 = arith.constant 0 : i32
        %cond3A_181 = arith.cmpi ne, %convert_element_type3A_179, %cond3A_180 : i32
        scf.if %cond3A_181 {
          %sub3A = arith.constant 4 : i32
          %sub3A_255 = arith.subi %mul3A_135, %sub3A : i32
          %add3A_256 = arith.constant 3 : i32
          %add3A_257 = arith.addi %sub3A_255, %add3A_256 : i32
          %dma_wait3A_258 = arith.constant 1 : i32
          %dma_wait3A_259 = arith.constant 0 : i32
          %dma_wait3A_260 = tpu.memref_slice %arg8[%add3A_257, %dma_wait3A_258, %dma_wait3A_259] : memref<20x2x128xi32, #tpu.memory_space<vmem>> -> memref<1x1x128xi32, #tpu.memory_space<vmem>>
          %dma_wait3A_261 = tpu.memref_squeeze %dma_wait3A_260 : memref<1x1x128xi32, #tpu.memory_space<vmem>> -> memref<128xi32, #tpu.memory_space<vmem>>
          %dma_wait3A_262 = arith.constant 0 : i32
          %dma_wait3A_263 = arith.constant 0 : i32
          %dma_wait3A_264 = tpu.memref_slice %arg13[%dma_wait3A_262, %dma_wait3A_263] : memref<10240x64xf32, #tpu.memory_space<vmem_shared>> -> memref<10240x64xf32, #tpu.memory_space<vmem_shared>>
          tpu.wait_indirect_dma semaphore(%arg22 : memref<!tpu.dma_semaphore, #tpu.memory_space<semaphore_mem>>) src(%arg12 : memref<128x64xf32, #tpu.memory_space<vmem>>) dst(%dma_wait3A_264 : memref<10240x64xf32, #tpu.memory_space<vmem_shared>>)
        } else {
        }
        %add3A_182 = arith.constant 3 : i32
        %add3A_183 = arith.addi %mul3A_135, %add3A_182 : i32
        %dma_start3A_184 = arith.constant 0 : i32
        %dma_start3A_185 = arith.constant 0 : i32
        %dma_start3A_186 = tpu.memref_slice %arg8[%add3A_183, %dma_start3A_184, %dma_start3A_185] : memref<20x2x128xi32, #tpu.memory_space<vmem>> -> memref<1x1x128xi32, #tpu.memory_space<vmem>>
        %dma_start3A_187 = tpu.memref_squeeze %dma_start3A_186 : memref<1x1x128xi32, #tpu.memory_space<vmem>> -> memref<128xi32, #tpu.memory_space<vmem>>
        %dma_start3A_188 = arith.constant 0 : i32
        %dma_start3A_189 = arith.constant 0 : i32
        %dma_start3A_190 = tpu.memref_slice %arg14[%dma_start3A_188, %dma_start3A_189] : memref<10240x64xf32, #tpu.memory_space<vmem_shared>> -> memref<10240x64xf32, #tpu.memory_space<vmem_shared>>
        tpu.enqueue_indirect_dma source(%dma_start3A_190 : memref<10240x64xf32, #tpu.memory_space<vmem_shared>>) target(%arg12 : memref<128x64xf32, #tpu.memory_space<vmem>>) offsets(%dma_start3A_187 : memref<128xi32, #tpu.memory_space<vmem>>) semaphore(%arg18 : memref<!tpu.dma_semaphore, #tpu.memory_space<semaphore_mem>>)
        %dma_wait3A_191 = arith.constant 0 : i32
        %dma_wait3A_192 = arith.constant 0 : i32
        %dma_wait3A_193 = tpu.memref_slice %arg8[%add3A_141, %dma_wait3A_191, %dma_wait3A_192] : memref<20x2x128xi32, #tpu.memory_space<vmem>> -> memref<1x1x128xi32, #tpu.memory_space<vmem>>
        %dma_wait3A_194 = tpu.memref_squeeze %dma_wait3A_193 : memref<1x1x128xi32, #tpu.memory_space<vmem>> -> memref<128xi32, #tpu.memory_space<vmem>>
        %dma_wait3A_195 = arith.constant 0 : i32
        %dma_wait3A_196 = arith.constant 0 : i32
        %dma_wait3A_197 = tpu.memref_slice %arg14[%dma_wait3A_195, %dma_wait3A_196] : memref<10240x64xf32, #tpu.memory_space<vmem_shared>> -> memref<10240x64xf32, #tpu.memory_space<vmem_shared>>
        tpu.wait_indirect_dma semaphore(%arg15 : memref<!tpu.dma_semaphore, #tpu.memory_space<semaphore_mem>>) src(%dma_wait3A_197 : memref<10240x64xf32, #tpu.memory_space<vmem_shared>>) dst(%arg9 : memref<128x64xf32, #tpu.memory_space<vmem>>)
        %add3A_198 = arith.constant 0 : i32
        %add3A_199 = arith.addi %mul3A_135, %add3A_198 : i32
        %dma_start3A_200 = arith.constant 1 : i32
        %dma_start3A_201 = arith.constant 0 : i32
        %dma_start3A_202 = tpu.memref_slice %arg8[%add3A_199, %dma_start3A_200, %dma_start3A_201] : memref<20x2x128xi32, #tpu.memory_space<vmem>> -> memref<1x1x128xi32, #tpu.memory_space<vmem>>
        %dma_start3A_203 = tpu.memref_squeeze %dma_start3A_202 : memref<1x1x128xi32, #tpu.memory_space<vmem>> -> memref<128xi32, #tpu.memory_space<vmem>>
        %dma_start3A_204 = arith.constant 0 : i32
        %dma_start3A_205 = arith.constant 0 : i32
        %dma_start3A_206 = tpu.memref_slice %arg13[%dma_start3A_204, %dma_start3A_205] : memref<10240x64xf32, #tpu.memory_space<vmem_shared>> -> memref<10240x64xf32, #tpu.memory_space<vmem_shared>>
        tpu.enqueue_indirect_dma source(%arg9 : memref<128x64xf32, #tpu.memory_space<vmem>>) target(%dma_start3A_206 : memref<10240x64xf32, #tpu.memory_space<vmem_shared>>) offsets(%dma_start3A_203 : memref<128xi32, #tpu.memory_space<vmem>>) semaphore(%arg19 : memref<!tpu.dma_semaphore, #tpu.memory_space<semaphore_mem>>) {add = true}
        %dma_wait3A_207 = arith.constant 0 : i32
        %dma_wait3A_208 = arith.constant 0 : i32
        %dma_wait3A_209 = tpu.memref_slice %arg8[%add3A_155, %dma_wait3A_207, %dma_wait3A_208] : memref<20x2x128xi32, #tpu.memory_space<vmem>> -> memref<1x1x128xi32, #tpu.memory_space<vmem>>
        %dma_wait3A_210 = tpu.memref_squeeze %dma_wait3A_209 : memref<1x1x128xi32, #tpu.memory_space<vmem>> -> memref<128xi32, #tpu.memory_space<vmem>>
        %dma_wait3A_211 = arith.constant 0 : i32
        %dma_wait3A_212 = arith.constant 0 : i32
        %dma_wait3A_213 = tpu.memref_slice %arg14[%dma_wait3A_211, %dma_wait3A_212] : memref<10240x64xf32, #tpu.memory_space<vmem_shared>> -> memref<10240x64xf32, #tpu.memory_space<vmem_shared>>
        tpu.wait_indirect_dma semaphore(%arg16 : memref<!tpu.dma_semaphore, #tpu.memory_space<semaphore_mem>>) src(%dma_wait3A_213 : memref<10240x64xf32, #tpu.memory_space<vmem_shared>>) dst(%arg10 : memref<128x64xf32, #tpu.memory_space<vmem>>)
        %add3A_214 = arith.constant 1 : i32
        %add3A_215 = arith.addi %mul3A_135, %add3A_214 : i32
        %dma_start3A_216 = arith.constant 1 : i32
        %dma_start3A_217 = arith.constant 0 : i32
        %dma_start3A_218 = tpu.memref_slice %arg8[%add3A_215, %dma_start3A_216, %dma_start3A_217] : memref<20x2x128xi32, #tpu.memory_space<vmem>> -> memref<1x1x128xi32, #tpu.memory_space<vmem>>
        %dma_start3A_219 = tpu.memref_squeeze %dma_start3A_218 : memref<1x1x128xi32, #tpu.memory_space<vmem>> -> memref<128xi32, #tpu.memory_space<vmem>>
        %dma_start3A_220 = arith.constant 0 : i32
        %dma_start3A_221 = arith.constant 0 : i32
        %dma_start3A_222 = tpu.memref_slice %arg13[%dma_start3A_220, %dma_start3A_221] : memref<10240x64xf32, #tpu.memory_space<vmem_shared>> -> memref<10240x64xf32, #tpu.memory_space<vmem_shared>>
        tpu.enqueue_indirect_dma source(%arg10 : memref<128x64xf32, #tpu.memory_space<vmem>>) target(%dma_start3A_222 : memref<10240x64xf32, #tpu.memory_space<vmem_shared>>) offsets(%dma_start3A_219 : memref<128xi32, #tpu.memory_space<vmem>>) semaphore(%arg20 : memref<!tpu.dma_semaphore, #tpu.memory_space<semaphore_mem>>) {add = true}
        %dma_wait3A_223 = arith.constant 0 : i32
        %dma_wait3A_224 = arith.constant 0 : i32
        %dma_wait3A_225 = tpu.memref_slice %arg8[%add3A_169, %dma_wait3A_223, %dma_wait3A_224] : memref<20x2x128xi32, #tpu.memory_space<vmem>> -> memref<1x1x128xi32, #tpu.memory_space<vmem>>
        %dma_wait3A_226 = tpu.memref_squeeze %dma_wait3A_225 : memref<1x1x128xi32, #tpu.memory_space<vmem>> -> memref<128xi32, #tpu.memory_space<vmem>>
        %dma_wait3A_227 = arith.constant 0 : i32
        %dma_wait3A_228 = arith.constant 0 : i32
        %dma_wait3A_229 = tpu.memref_slice %arg14[%dma_wait3A_227, %dma_wait3A_228] : memref<10240x64xf32, #tpu.memory_space<vmem_shared>> -> memref<10240x64xf32, #tpu.memory_space<vmem_shared>>
        tpu.wait_indirect_dma semaphore(%arg17 : memref<!tpu.dma_semaphore, #tpu.memory_space<semaphore_mem>>) src(%dma_wait3A_229 : memref<10240x64xf32, #tpu.memory_space<vmem_shared>>) dst(%arg11 : memref<128x64xf32, #tpu.memory_space<vmem>>)
        %add3A_230 = arith.constant 2 : i32
        %add3A_231 = arith.addi %mul3A_135, %add3A_230 : i32
        %dma_start3A_232 = arith.constant 1 : i32
        %dma_start3A_233 = arith.constant 0 : i32
        %dma_start3A_234 = tpu.memref_slice %arg8[%add3A_231, %dma_start3A_232, %dma_start3A_233] : memref<20x2x128xi32, #tpu.memory_space<vmem>> -> memref<1x1x128xi32, #tpu.memory_space<vmem>>
        %dma_start3A_235 = tpu.memref_squeeze %dma_start3A_234 : memref<1x1x128xi32, #tpu.memory_space<vmem>> -> memref<128xi32, #tpu.memory_space<vmem>>
        %dma_start3A_236 = arith.constant 0 : i32
        %dma_start3A_237 = arith.constant 0 : i32
        %dma_start3A_238 = tpu.memref_slice %arg13[%dma_start3A_236, %dma_start3A_237] : memref<10240x64xf32, #tpu.memory_space<vmem_shared>> -> memref<10240x64xf32, #tpu.memory_space<vmem_shared>>
        tpu.enqueue_indirect_dma source(%arg11 : memref<128x64xf32, #tpu.memory_space<vmem>>) target(%dma_start3A_238 : memref<10240x64xf32, #tpu.memory_space<vmem_shared>>) offsets(%dma_start3A_235 : memref<128xi32, #tpu.memory_space<vmem>>) semaphore(%arg21 : memref<!tpu.dma_semaphore, #tpu.memory_space<semaphore_mem>>) {add = true}
        %dma_wait3A_239 = arith.constant 0 : i32
        %dma_wait3A_240 = arith.constant 0 : i32
        %dma_wait3A_241 = tpu.memref_slice %arg8[%add3A_183, %dma_wait3A_239, %dma_wait3A_240] : memref<20x2x128xi32, #tpu.memory_space<vmem>> -> memref<1x1x128xi32, #tpu.memory_space<vmem>>
        %dma_wait3A_242 = tpu.memref_squeeze %dma_wait3A_241 : memref<1x1x128xi32, #tpu.memory_space<vmem>> -> memref<128xi32, #tpu.memory_space<vmem>>
        %dma_wait3A_243 = arith.constant 0 : i32
        %dma_wait3A_244 = arith.constant 0 : i32
        %dma_wait3A_245 = tpu.memref_slice %arg14[%dma_wait3A_243, %dma_wait3A_244] : memref<10240x64xf32, #tpu.memory_space<vmem_shared>> -> memref<10240x64xf32, #tpu.memory_space<vmem_shared>>
        tpu.wait_indirect_dma semaphore(%arg18 : memref<!tpu.dma_semaphore, #tpu.memory_space<semaphore_mem>>) src(%dma_wait3A_245 : memref<10240x64xf32, #tpu.memory_space<vmem_shared>>) dst(%arg12 : memref<128x64xf32, #tpu.memory_space<vmem>>)
        %add3A_246 = arith.constant 3 : i32
        %add3A_247 = arith.addi %mul3A_135, %add3A_246 : i32
        %dma_start3A_248 = arith.constant 1 : i32
        %dma_start3A_249 = arith.constant 0 : i32
        %dma_start3A_250 = tpu.memref_slice %arg8[%add3A_247, %dma_start3A_248, %dma_start3A_249] : memref<20x2x128xi32, #tpu.memory_space<vmem>> -> memref<1x1x128xi32, #tpu.memory_space<vmem>>
        %dma_start3A_251 = tpu.memref_squeeze %dma_start3A_250 : memref<1x1x128xi32, #tpu.memory_space<vmem>> -> memref<128xi32, #tpu.memory_space<vmem>>
        %dma_start3A_252 = arith.constant 0 : i32
        %dma_start3A_253 = arith.constant 0 : i32
        %dma_start3A_254 = tpu.memref_slice %arg13[%dma_start3A_252, %dma_start3A_253] : memref<10240x64xf32, #tpu.memory_space<vmem_shared>> -> memref<10240x64xf32, #tpu.memory_space<vmem_shared>>
        tpu.enqueue_indirect_dma source(%arg12 : memref<128x64xf32, #tpu.memory_space<vmem>>) target(%dma_start3A_254 : memref<10240x64xf32, #tpu.memory_space<vmem_shared>>) offsets(%dma_start3A_251 : memref<128xi32, #tpu.memory_space<vmem>>) semaphore(%arg22 : memref<!tpu.dma_semaphore, #tpu.memory_space<semaphore_mem>>) {add = true}
      }
      %scan3A_100 = arith.constant 5 : i32
      %dma_wait3A_101 = arith.constant 16 : i32
      %dma_wait3A_102 = arith.constant 1 : i32
      %dma_wait3A_103 = arith.constant 0 : i32
      %dma_wait3A_104 = tpu.memref_slice %arg8[%dma_wait3A_101, %dma_wait3A_102, %dma_wait3A_103] : memref<20x2x128xi32, #tpu.memory_space<vmem>> -> memref<1x1x128xi32, #tpu.memory_space<vmem>>
      %dma_wait3A_105 = tpu.memref_squeeze %dma_wait3A_104 : memref<1x1x128xi32, #tpu.memory_space<vmem>> -> memref<128xi32, #tpu.memory_space<vmem>>
      %dma_wait3A_106 = arith.constant 0 : i32
      %dma_wait3A_107 = arith.constant 0 : i32
      %dma_wait3A_108 = tpu.memref_slice %arg13[%dma_wait3A_106, %dma_wait3A_107] : memref<10240x64xf32, #tpu.memory_space<vmem_shared>> -> memref<10240x64xf32, #tpu.memory_space<vmem_shared>>
      tpu.wait_indirect_dma semaphore(%arg19 : memref<!tpu.dma_semaphore, #tpu.memory_space<semaphore_mem>>) src(%arg9 : memref<128x64xf32, #tpu.memory_space<vmem>>) dst(%dma_wait3A_108 : memref<10240x64xf32, #tpu.memory_space<vmem_shared>>)
      %dma_wait3A_109 = arith.constant 17 : i32
      %dma_wait3A_110 = arith.constant 1 : i32
      %dma_wait3A_111 = arith.constant 0 : i32
      %dma_wait3A_112 = tpu.memref_slice %arg8[%dma_wait3A_109, %dma_wait3A_110, %dma_wait3A_111] : memref<20x2x128xi32, #tpu.memory_space<vmem>> -> memref<1x1x128xi32, #tpu.memory_space<vmem>>
      %dma_wait3A_113 = tpu.memref_squeeze %dma_wait3A_112 : memref<1x1x128xi32, #tpu.memory_space<vmem>> -> memref<128xi32, #tpu.memory_space<vmem>>
      %dma_wait3A_114 = arith.constant 0 : i32
      %dma_wait3A_115 = arith.constant 0 : i32
      %dma_wait3A_116 = tpu.memref_slice %arg13[%dma_wait3A_114, %dma_wait3A_115] : memref<10240x64xf32, #tpu.memory_space<vmem_shared>> -> memref<10240x64xf32, #tpu.memory_space<vmem_shared>>
      tpu.wait_indirect_dma semaphore(%arg20 : memref<!tpu.dma_semaphore, #tpu.memory_space<semaphore_mem>>) src(%arg10 : memref<128x64xf32, #tpu.memory_space<vmem>>) dst(%dma_wait3A_116 : memref<10240x64xf32, #tpu.memory_space<vmem_shared>>)
      %dma_wait3A_117 = arith.constant 18 : i32
      %dma_wait3A_118 = arith.constant 1 : i32
      %dma_wait3A_119 = arith.constant 0 : i32
      %dma_wait3A_120 = tpu.memref_slice %arg8[%dma_wait3A_117, %dma_wait3A_118, %dma_wait3A_119] : memref<20x2x128xi32, #tpu.memory_space<vmem>> -> memref<1x1x128xi32, #tpu.memory_space<vmem>>
      %dma_wait3A_121 = tpu.memref_squeeze %dma_wait3A_120 : memref<1x1x128xi32, #tpu.memory_space<vmem>> -> memref<128xi32, #tpu.memory_space<vmem>>
      %dma_wait3A_122 = arith.constant 0 : i32
      %dma_wait3A_123 = arith.constant 0 : i32
      %dma_wait3A_124 = tpu.memref_slice %arg13[%dma_wait3A_122, %dma_wait3A_123] : memref<10240x64xf32, #tpu.memory_space<vmem_shared>> -> memref<10240x64xf32, #tpu.memory_space<vmem_shared>>
      tpu.wait_indirect_dma semaphore(%arg21 : memref<!tpu.dma_semaphore, #tpu.memory_space<semaphore_mem>>) src(%arg11 : memref<128x64xf32, #tpu.memory_space<vmem>>) dst(%dma_wait3A_124 : memref<10240x64xf32, #tpu.memory_space<vmem_shared>>)
      %dma_wait3A_125 = arith.constant 19 : i32
      %dma_wait3A_126 = arith.constant 1 : i32
      %dma_wait3A_127 = arith.constant 0 : i32
      %dma_wait3A_128 = tpu.memref_slice %arg8[%dma_wait3A_125, %dma_wait3A_126, %dma_wait3A_127] : memref<20x2x128xi32, #tpu.memory_space<vmem>> -> memref<1x1x128xi32, #tpu.memory_space<vmem>>
      %dma_wait3A_129 = tpu.memref_squeeze %dma_wait3A_128 : memref<1x1x128xi32, #tpu.memory_space<vmem>> -> memref<128xi32, #tpu.memory_space<vmem>>
      %dma_wait3A_130 = arith.constant 0 : i32
      %dma_wait3A_131 = arith.constant 0 : i32
      %dma_wait3A_132 = tpu.memref_slice %arg13[%dma_wait3A_130, %dma_wait3A_131] : memref<10240x64xf32, #tpu.memory_space<vmem_shared>> -> memref<10240x64xf32, #tpu.memory_space<vmem_shared>>
      tpu.wait_indirect_dma semaphore(%arg22 : memref<!tpu.dma_semaphore, #tpu.memory_space<semaphore_mem>>) src(%arg12 : memref<128x64xf32, #tpu.memory_space<vmem>>) dst(%dma_wait3A_132 : memref<10240x64xf32, #tpu.memory_space<vmem_shared>>)
    }
    %scan3A_19 = arith.constant 4 : i32
    %barrier3A_20 = arith.constant 0 : index
    tpu.barrier barrier_id(%barrier3A_20)
    %mul3A_21 = arith.constant 640 : i32
    %mul3A_22 = arith.muli %arg1, %mul3A_21 : i32
    %mul3A_23 = arith.constant 640 : i32
    %mul3A_24 = arith.muli %arg1, %mul3A_23 : i32
    "tpu.region"() ({
      %run_scoped3A = tpu.sem_alloc : memref<!tpu.dma_semaphore, #tpu.memory_space<semaphore_mem>>
      %dma_start3A_25 = arith.constant 0 : i32
      %dma_start3A_26 = tpu.memref_slice %arg6[%arg0, %mul3A_24, %dma_start3A_25] : memref<2x10240x64xf32, #tpu.memory_space<hbm>> -> memref<1x640x64xf32, #tpu.memory_space<hbm>>
      %dma_start3A_27 = tpu.memref_squeeze %dma_start3A_26 : memref<1x640x64xf32, #tpu.memory_space<hbm>> -> memref<640x64xf32, #tpu.memory_space<hbm>>
      %dma_start3A_28 = arith.constant 0 : i32
      %dma_start3A_29 = tpu.memref_slice %arg13[%mul3A_22, %dma_start3A_28] : memref<10240x64xf32, #tpu.memory_space<vmem_shared>> -> memref<640x64xf32, #tpu.memory_space<vmem_shared>>
      tpu.enqueue_dma source(%dma_start3A_29 : memref<640x64xf32, #tpu.memory_space<vmem_shared>>) target(%dma_start3A_27 : memref<640x64xf32, #tpu.memory_space<hbm>>) target_semaphore(%run_scoped3A : memref<!tpu.dma_semaphore, #tpu.memory_space<semaphore_mem>>)
      %dma_wait3A = arith.constant 0 : i32
      %dma_wait3A_30 = tpu.memref_slice %arg6[%arg0, %mul3A_24, %dma_wait3A] : memref<2x10240x64xf32, #tpu.memory_space<hbm>> -> memref<1x640x64xf32, #tpu.memory_space<hbm>>
      %dma_wait3A_31 = tpu.memref_squeeze %dma_wait3A_30 : memref<1x640x64xf32, #tpu.memory_space<hbm>> -> memref<640x64xf32, #tpu.memory_space<hbm>>
      %dma_wait3A_32 = arith.constant 0 : i32
      %dma_wait3A_33 = tpu.memref_slice %arg13[%mul3A_22, %dma_wait3A_32] : memref<10240x64xf32, #tpu.memory_space<vmem_shared>> -> memref<640x64xf32, #tpu.memory_space<vmem_shared>>
      tpu.wait_dma2 semaphore(%run_scoped3A : memref<!tpu.dma_semaphore, #tpu.memory_space<semaphore_mem>>) src(%dma_wait3A_33 : memref<640x64xf32, #tpu.memory_space<vmem_shared>>) dst(%dma_wait3A_31 : memref<640x64xf32, #tpu.memory_space<hbm>>)
      tpu.yield
    }) : () -> ()
    return
  }
}

module attributes {stable_mosaic.version = 14 : i64} {
  func.func @body(%arg0: i32, %arg1: memref<256x128xf32, #tpu.memory_space<vmem>>, %arg2: memref<128x128xf32, #tpu.memory_space<vmem>>, %arg3: memref<2x256xf32, #tpu.memory_space<vmem>>, %arg4: memref<256x64xf32, #tpu.memory_space<vmem>>, %arg5: memref<256x64xf32, #tpu.memory_space<vmem>>) attributes {dimension_semantics = [#tpu.dimension_semantics<arbitrary>], iteration_bounds = array<i64: 40>, scalar_prefetch = 0 : i64, scratch_operands = 0 : i64, tpu.core_type = #tpu.core_type<tc>, window_params = [{transform_indices = @transform_0, window_bounds = array<i64: 256, 128>}, {pipeline_mode = #tpu.pipeline_mode<synchronous>, transform_indices = @transform_1, window_bounds = array<i64: 128, 128>}, {transform_indices = @transform_2, window_bounds = array<i64: 2, 256>}, {transform_indices = @transform_3, window_bounds = array<i64: 256, 64>}, {transform_indices = @transform_4, window_bounds = array<i64: 256, 64>}]} {
    %get3A = arith.constant 0 : index
    %get3A_0 = arith.constant 0 : index
    %get3A_1 = vector.load %arg3[%get3A, %get3A_0] : memref<2x256xf32, #tpu.memory_space<vmem>>, vector<2x256xf32>
    %slice3A = vector.extract_strided_slice %get3A_1 {offsets = [0, 0], sizes = [1, 256], strides = [1, 1]} : vector<2x256xf32> to vector<1x256xf32>
    %squeeze3A = vector.shape_cast %slice3A : vector<1x256xf32> to vector<256xf32>
    %slice3A_2 = vector.extract_strided_slice %get3A_1 {offsets = [1, 0], sizes = [1, 256], strides = [1, 1]} : vector<2x256xf32> to vector<1x256xf32>
    %squeeze3A_3 = vector.shape_cast %slice3A_2 : vector<1x256xf32> to vector<256xf32>
    %add3A = arith.addf %squeeze3A, %squeeze3A_3 : vector<256xf32>
    %add3A_4 = arith.constant 1.000000e+00 : f32
    %add3A_5 = vector.broadcast %add3A_4 : f32 to vector<256xf32>
    %add3A_6 = arith.addf %add3A, %add3A_5 : vector<256xf32>
    %rsqrt3A = math.rsqrt %add3A_6 : vector<256xf32>
    %get3A_7 = arith.constant 0 : index
    %get3A_8 = arith.constant 0 : index
    %get3A_9 = vector.load %arg1[%get3A_7, %get3A_8] : memref<256x128xf32, #tpu.memory_space<vmem>>, vector<256x128xf32>
    %get3A_10 = arith.constant 0 : index
    %get3A_11 = arith.constant 0 : index
    %get3A_12 = vector.load %arg2[%get3A_10, %get3A_11] : memref<128x128xf32, #tpu.memory_space<vmem>>, vector<128x128xf32>
    %dot_general3A = arith.constant dense<0.000000e+00> : vector<256x128xf32>
    %dot_general3A_13 = tpu.matmul %get3A_9, %get3A_12, %dot_general3A {dimension_numbers = #tpu.dot_dimension_numbers<[1], [0], [0], [1], [0, 0, 1, 1], [], []>, transpose_lhs_hint = false} : vector<256x128xf32>, vector<128x128xf32>, vector<256x128xf32> -> vector<256x128xf32>
    %broadcast_in_dim3A = vector.shape_cast %rsqrt3A : vector<256xf32> to vector<256x1xf32>
    %mul3A = vector.broadcast %broadcast_in_dim3A : vector<256x1xf32> to vector<256x128xf32>
    %mul3A_14 = arith.mulf %dot_general3A_13, %mul3A : vector<256x128xf32>
    %slice3A_15 = vector.extract_strided_slice %mul3A_14 {offsets = [0, 0], sizes = [256, 64], strides = [1, 1]} : vector<256x128xf32> to vector<256x64xf32>
    %swap3A = arith.constant 0 : index
    %swap3A_16 = arith.constant 0 : index
    %swap3A_17 = vector.load %arg4[%swap3A, %swap3A_16] : memref<256x64xf32, #tpu.memory_space<vmem>>, vector<256x64xf32>
    tpu.vector_store %arg4[%swap3A, %swap3A_16], %slice3A_15 {strides = array<i32>} : memref<256x64xf32, #tpu.memory_space<vmem>>, vector<256x64xf32>,
    %slice3A_18 = vector.extract_strided_slice %mul3A_14 {offsets = [0, 64], sizes = [256, 64], strides = [1, 1]} : vector<256x128xf32> to vector<256x64xf32>
    %swap3A_19 = arith.constant 0 : index
    %swap3A_20 = arith.constant 0 : index
    %swap3A_21 = vector.load %arg5[%swap3A_19, %swap3A_20] : memref<256x64xf32, #tpu.memory_space<vmem>>, vector<256x64xf32>
    tpu.vector_store %arg5[%swap3A_19, %swap3A_20], %slice3A_18 {strides = array<i32>} : memref<256x64xf32, #tpu.memory_space<vmem>>, vector<256x64xf32>,
    return
  }
  func.func @transform_0(%arg0: i32) -> (i32, i32) {
    %c0_i32 = arith.constant 0 : i32
    %c0_i32_0 = arith.constant 0 : i32
    return %arg0, %c0_i32 : i32, i32
  }
  func.func @transform_1(%arg0: i32) -> (i32, i32) {
    %c0_i32 = arith.constant 0 : i32
    %c0_i32_0 = arith.constant 0 : i32
    %c0_i32_1 = arith.constant 0 : i32
    return %c0_i32, %c0_i32_0 : i32, i32
  }
  func.func @transform_2(%arg0: i32) -> (i32, i32) {
    %c0_i32 = arith.constant 0 : i32
    %c0_i32_0 = arith.constant 0 : i32
    return %c0_i32, %arg0 : i32, i32
  }
  func.func @transform_3(%arg0: i32) -> (i32, i32) {
    %c0_i32 = arith.constant 0 : i32
    %c0_i32_0 = arith.constant 0 : i32
    return %arg0, %c0_i32 : i32, i32
  }
  func.func @transform_4(%arg0: i32) -> (i32, i32) {
    %c0_i32 = arith.constant 0 : i32
    %c0_i32_0 = arith.constant 0 : i32
    return %arg0, %c0_i32 : i32, i32
  }
}

module attributes {stable_mosaic.version = 14 : i64} {
  func.func @body(%arg0: i32, %arg1: memref<2x256x64xf32, #tpu.memory_space<vmem>>, %arg2: memref<256x64xf32, #tpu.memory_space<vmem>>, %arg3: memref<256x64xf32, #tpu.memory_space<vmem>>, %arg4: memref<2x256xf32, #tpu.memory_space<vmem>>, %arg5: memref<1x128xf32, #tpu.memory_space<vmem>>, %arg6: memref<256x128xf32, #tpu.memory_space<vmem>>, %arg7: memref<8x128xf32, #tpu.memory_space<vmem>>) attributes {dimension_semantics = [#tpu.dimension_semantics<arbitrary>], iteration_bounds = array<i64: 40>, scalar_prefetch = 0 : i64, scratch_operands = 0 : i64, tpu.core_type = #tpu.core_type<tc>, window_params = [{transform_indices = @transform_0, window_bounds = array<i64: 2, 256, 64>}, {transform_indices = @transform_1, window_bounds = array<i64: 256, 64>}, {transform_indices = @transform_2, window_bounds = array<i64: 256, 64>}, {transform_indices = @transform_3, window_bounds = array<i64: 2, 256>}, {pipeline_mode = #tpu.pipeline_mode<synchronous>, transform_indices = @transform_4, window_bounds = array<i64: 1, 128>}, {transform_indices = @transform_5, window_bounds = array<i64: 256, 128>}, {pipeline_mode = #tpu.pipeline_mode<synchronous>, transform_indices = @transform_6, window_bounds = array<i64: 8, 128>}]} {
    %get3A = arith.constant 0 : index
    %get3A_0 = arith.constant 0 : index
    %get3A_1 = vector.load %arg4[%get3A, %get3A_0] : memref<2x256xf32, #tpu.memory_space<vmem>>, vector<2x256xf32>
    %slice3A = vector.extract_strided_slice %get3A_1 {offsets = [0, 0], sizes = [1, 256], strides = [1, 1]} : vector<2x256xf32> to vector<1x256xf32>
    %squeeze3A = vector.shape_cast %slice3A : vector<1x256xf32> to vector<256xf32>
    %slice3A_2 = vector.extract_strided_slice %get3A_1 {offsets = [1, 0], sizes = [1, 256], strides = [1, 1]} : vector<2x256xf32> to vector<1x256xf32>
    %squeeze3A_3 = vector.shape_cast %slice3A_2 : vector<1x256xf32> to vector<256xf32>
    %add3A = arith.addf %squeeze3A, %squeeze3A_3 : vector<256xf32>
    %add3A_4 = arith.constant 1.000000e+00 : f32
    %add3A_5 = vector.broadcast %add3A_4 : f32 to vector<256xf32>
    %add3A_6 = arith.addf %add3A, %add3A_5 : vector<256xf32>
    %rsqrt3A = math.rsqrt %add3A_6 : vector<256xf32>
    %get3A_7 = arith.constant 0 : index
    %get3A_8 = arith.constant 0 : index
    %get3A_9 = arith.constant 0 : index
    %get3A_10 = vector.load %arg1[%get3A_7, %get3A_8, %get3A_9] : memref<2x256x64xf32, #tpu.memory_space<vmem>>, vector<1x256x64xf32>
    %get3A_11 = vector.shape_cast %get3A_10 : vector<1x256x64xf32> to vector<256x64xf32>
    %get3A_12 = arith.constant 0 : index
    %get3A_13 = arith.constant 0 : index
    %get3A_14 = vector.load %arg2[%get3A_12, %get3A_13] : memref<256x64xf32, #tpu.memory_space<vmem>>, vector<256x64xf32>
    %add3A_15 = arith.addf %get3A_11, %get3A_14 : vector<256x64xf32>
    %get3A_16 = arith.constant 1 : index
    %get3A_17 = arith.constant 0 : index
    %get3A_18 = arith.constant 0 : index
    %get3A_19 = vector.load %arg1[%get3A_16, %get3A_17, %get3A_18] : memref<2x256x64xf32, #tpu.memory_space<vmem>>, vector<1x256x64xf32>
    %get3A_20 = vector.shape_cast %get3A_19 : vector<1x256x64xf32> to vector<256x64xf32>
    %get3A_21 = arith.constant 0 : index
    %get3A_22 = arith.constant 0 : index
    %get3A_23 = vector.load %arg3[%get3A_21, %get3A_22] : memref<256x64xf32, #tpu.memory_space<vmem>>, vector<256x64xf32>
    %add3A_24 = arith.addf %get3A_20, %get3A_23 : vector<256x64xf32>
    %concatenate3A = tpu.concatenate %add3A_15, %add3A_24 in 1 : vector<256x64xf32>, vector<256x64xf32> -> vector<256x128xf32>
    %broadcast_in_dim3A = vector.shape_cast %rsqrt3A : vector<256xf32> to vector<256x1xf32>
    %mul3A = vector.broadcast %broadcast_in_dim3A : vector<256x1xf32> to vector<256x128xf32>
    %mul3A_25 = arith.mulf %concatenate3A, %mul3A : vector<256x128xf32>
    %get3A_26 = arith.constant 0 : index
    %get3A_27 = arith.constant 0 : index
    %get3A_28 = vector.load %arg5[%get3A_26, %get3A_27] : memref<1x128xf32, #tpu.memory_space<vmem>>, vector<1x128xf32>
    %add3A_29 = vector.broadcast %get3A_28 : vector<1x128xf32> to vector<256x128xf32>
    %add3A_30 = arith.addf %mul3A_25, %add3A_29 : vector<256x128xf32>
    %max3A = arith.constant 0.000000e+00 : f32
    %max3A_31 = vector.broadcast %max3A : f32 to vector<256x128xf32>
    %max3A_32 = arith.maximumf %add3A_30, %max3A_31 : vector<256x128xf32>
    %mul3A_33 = arith.constant 256 : i32
    %mul3A_34 = arith.muli %arg0, %mul3A_33 : i32
    %iota3A = tpu.iota {dimensions = array<i32: 0>} : vector<256x1xi32>
    %add3A_35 = vector.broadcast %mul3A_34 : i32 to vector<256x1xi32>
    %add3A_36 = arith.addi %add3A_35, %iota3A : vector<256x1xi32>
    %lt3A = arith.constant 10000 : i32
    %lt3A_37 = vector.broadcast %lt3A : i32 to vector<256x1xi32>
    %lt3A_38 = arith.cmpi slt, %add3A_36, %lt3A_37 : vector<256x1xi32>
    %jit3A = arith.constant 0.000000e+00 : f32
    %broadcast_in_dim3A_39 = vector.shape_cast %lt3A_38 : vector<256x1xi1> to vector<256x1xi1>
    %broadcast_in_dim3A_40 = vector.broadcast %broadcast_in_dim3A_39 : vector<256x1xi1> to vector<256x128xi1>
    %broadcast_in_dim3A_41 = vector.broadcast %jit3A : f32 to vector<256x128xf32>
    %select_n3A = arith.select %broadcast_in_dim3A_40, %max3A_32, %broadcast_in_dim3A_41 : vector<256x128xi1>, vector<256x128xf32>
    %swap3A = arith.constant 0 : index
    %swap3A_42 = arith.constant 0 : index
    %swap3A_43 = vector.load %arg6[%swap3A, %swap3A_42] : memref<256x128xf32, #tpu.memory_space<vmem>>, vector<256x128xf32>
    tpu.vector_store %arg6[%swap3A, %swap3A_42], %select_n3A {strides = array<i32>} : memref<256x128xf32, #tpu.memory_space<vmem>>, vector<256x128xf32>,
    %reduce_sum3A = arith.constant dense<0.000000e+00> : vector<128xf32>
    %reduce_sum3A_44 = vector.multi_reduction <add>, %select_n3A, %reduce_sum3A [0] : vector<256x128xf32> to vector<128xf32>
    %broadcast_in_dim3A_45 = vector.shape_cast %reduce_sum3A_44 : vector<128xf32> to vector<1x128xf32>
    %mul3A_46 = arith.mulf %select_n3A, %select_n3A : vector<256x128xf32>
    %reduce_sum3A_47 = arith.constant dense<0.000000e+00> : vector<128xf32>
    %reduce_sum3A_48 = vector.multi_reduction <add>, %mul3A_46, %reduce_sum3A_47 [0] : vector<256x128xf32> to vector<128xf32>
    %broadcast_in_dim3A_49 = vector.shape_cast %reduce_sum3A_48 : vector<128xf32> to vector<1x128xf32>
    %broadcast_in_dim3A_50 = arith.constant 0.000000e+00 : f32
    %broadcast_in_dim3A_51 = vector.broadcast %broadcast_in_dim3A_50 : f32 to vector<6x128xf32>
    %concatenate3A_52 = tpu.concatenate %broadcast_in_dim3A_45, %broadcast_in_dim3A_49, %broadcast_in_dim3A_51 in 0 : vector<1x128xf32>, vector<1x128xf32>, vector<6x128xf32> -> vector<8x128xf32>
    %eq3A = arith.constant 0 : i32
    %eq3A_53 = arith.cmpi eq, %arg0, %eq3A : i32
    %convert_element_type3A = arith.extui %eq3A_53 : i1 to i32
    %cond3A = arith.constant 0 : i32
    %cond3A_54 = arith.cmpi ne, %convert_element_type3A, %cond3A : i32
    scf.if %cond3A_54 {
      %swap3A_59 = arith.constant 0 : index
      %swap3A_60 = arith.constant 0 : index
      %swap3A_61 = vector.load %arg7[%swap3A_59, %swap3A_60] : memref<8x128xf32, #tpu.memory_space<vmem>>, vector<8x128xf32>
      tpu.vector_store %arg7[%swap3A_59, %swap3A_60], %concatenate3A_52 {strides = array<i32>} : memref<8x128xf32, #tpu.memory_space<vmem>>, vector<8x128xf32>,
    } else {
    }
    %gt3A = arith.constant 0 : i32
    %gt3A_55 = arith.cmpi sgt, %arg0, %gt3A : i32
    %convert_element_type3A_56 = arith.extui %gt3A_55 : i1 to i32
    %cond3A_57 = arith.constant 0 : i32
    %cond3A_58 = arith.cmpi ne, %convert_element_type3A_56, %cond3A_57 : i32
    scf.if %cond3A_58 {
      %get3A_59 = arith.constant 0 : index
      %get3A_60 = arith.constant 0 : index
      %get3A_61 = vector.load %arg7[%get3A_59, %get3A_60] : memref<8x128xf32, #tpu.memory_space<vmem>>, vector<8x128xf32>
      %add3A_62 = arith.addf %get3A_61, %concatenate3A_52 : vector<8x128xf32>
      %swap3A_63 = arith.constant 0 : index
      %swap3A_64 = arith.constant 0 : index
      %swap3A_65 = vector.load %arg7[%swap3A_63, %swap3A_64] : memref<8x128xf32, #tpu.memory_space<vmem>>, vector<8x128xf32>
      tpu.vector_store %arg7[%swap3A_63, %swap3A_64], %add3A_62 {strides = array<i32>} : memref<8x128xf32, #tpu.memory_space<vmem>>, vector<8x128xf32>,
    } else {
    }
    return
  }
  func.func @transform_0(%arg0: i32) -> (i32, i32, i32) {
    %c0_i32 = arith.constant 0 : i32
    %c0_i32_0 = arith.constant 0 : i32
    %c0_i32_1 = arith.constant 0 : i32
    return %c0_i32, %arg0, %c0_i32_0 : i32, i32, i32
  }
  func.func @transform_1(%arg0: i32) -> (i32, i32) {
    %c0_i32 = arith.constant 0 : i32
    %c0_i32_0 = arith.constant 0 : i32
    return %arg0, %c0_i32 : i32, i32
  }
  func.func @transform_2(%arg0: i32) -> (i32, i32) {
    %c0_i32 = arith.constant 0 : i32
    %c0_i32_0 = arith.constant 0 : i32
    return %arg0, %c0_i32 : i32, i32
  }
  func.func @transform_3(%arg0: i32) -> (i32, i32) {
    %c0_i32 = arith.constant 0 : i32
    %c0_i32_0 = arith.constant 0 : i32
    return %c0_i32, %arg0 : i32, i32
  }
  func.func @transform_4(%arg0: i32) -> (i32, i32) {
    %c0_i32 = arith.constant 0 : i32
    %c0_i32_0 = arith.constant 0 : i32
    %c0_i32_1 = arith.constant 0 : i32
    return %c0_i32, %c0_i32_0 : i32, i32
  }
  func.func @transform_5(%arg0: i32) -> (i32, i32) {
    %c0_i32 = arith.constant 0 : i32
    %c0_i32_0 = arith.constant 0 : i32
    return %arg0, %c0_i32 : i32, i32
  }
  func.func @transform_6(%arg0: i32) -> (i32, i32) {
    %c0_i32 = arith.constant 0 : i32
    %c0_i32_0 = arith.constant 0 : i32
    %c0_i32_1 = arith.constant 0 : i32
    return %c0_i32, %c0_i32_0 : i32, i32
  }
}

module attributes {stable_mosaic.version = 14 : i64} {
  func.func @body(%arg0: i32, %arg1: memref<256x128xf32, #tpu.memory_space<vmem>>, %arg2: memref<8x128xf32, #tpu.memory_space<vmem>>, %arg3: memref<1x128xf32, #tpu.memory_space<vmem>>, %arg4: memref<1x128xf32, #tpu.memory_space<vmem>>, %arg5: memref<128x128xf32, #tpu.memory_space<vmem>>, %arg6: memref<2x256xf32, #tpu.memory_space<vmem>>, %arg7: memref<256x128xf32, #tpu.memory_space<vmem>>, %arg8: memref<256x64xf32, #tpu.memory_space<vmem>>, %arg9: memref<256x64xf32, #tpu.memory_space<vmem>>) attributes {dimension_semantics = [#tpu.dimension_semantics<arbitrary>], iteration_bounds = array<i64: 40>, scalar_prefetch = 0 : i64, scratch_operands = 0 : i64, tpu.core_type = #tpu.core_type<tc>, window_params = [{transform_indices = @transform_0, window_bounds = array<i64: 256, 128>}, {pipeline_mode = #tpu.pipeline_mode<synchronous>, transform_indices = @transform_1, window_bounds = array<i64: 8, 128>}, {pipeline_mode = #tpu.pipeline_mode<synchronous>, transform_indices = @transform_2, window_bounds = array<i64: 1, 128>}, {pipeline_mode = #tpu.pipeline_mode<synchronous>, transform_indices = @transform_3, window_bounds = array<i64: 1, 128>}, {pipeline_mode = #tpu.pipeline_mode<synchronous>, transform_indices = @transform_4, window_bounds = array<i64: 128, 128>}, {transform_indices = @transform_5, window_bounds = array<i64: 2, 256>}, {transform_indices = @transform_6, window_bounds = array<i64: 256, 128>}, {transform_indices = @transform_7, window_bounds = array<i64: 256, 64>}, {transform_indices = @transform_8, window_bounds = array<i64: 256, 64>}]} {
    %mul3A = arith.constant 256 : i32
    %mul3A_0 = arith.muli %arg0, %mul3A : i32
    %iota3A = tpu.iota {dimensions = array<i32: 0>} : vector<256x1xi32>
    %add3A = vector.broadcast %mul3A_0 : i32 to vector<256x1xi32>
    %add3A_1 = arith.addi %add3A, %iota3A : vector<256x1xi32>
    %get3A = arith.constant 0 : index
    %get3A_2 = arith.constant 0 : index
    %get3A_3 = vector.load %arg1[%get3A, %get3A_2] : memref<256x128xf32, #tpu.memory_space<vmem>>, vector<256x128xf32>
    %get3A_4 = arith.constant 0 : index
    %get3A_5 = arith.constant 0 : index
    %get3A_6 = vector.load %arg2[%get3A_4, %get3A_5] : memref<8x128xf32, #tpu.memory_space<vmem>>, vector<8x128xf32>
    %get3A_7 = arith.constant 0 : index
    %get3A_8 = arith.constant 0 : index
    %get3A_9 = vector.load %arg3[%get3A_7, %get3A_8] : memref<1x128xf32, #tpu.memory_space<vmem>>, vector<1x128xf32>
    %get3A_10 = arith.constant 0 : index
    %get3A_11 = arith.constant 0 : index
    %get3A_12 = vector.load %arg4[%get3A_10, %get3A_11] : memref<1x128xf32, #tpu.memory_space<vmem>>, vector<1x128xf32>
    %slice3A = vector.extract_strided_slice %get3A_6 {offsets = [0, 0], sizes = [1, 128], strides = [1, 1]} : vector<8x128xf32> to vector<1x128xf32>
    %squeeze3A = vector.shape_cast %slice3A : vector<1x128xf32> to vector<128xf32>
    %mul3A_13 = arith.constant 9.99999974E-5 : f32
    %mul3A_14 = vector.broadcast %mul3A_13 : f32 to vector<128xf32>
    %mul3A_15 = arith.mulf %squeeze3A, %mul3A_14 : vector<128xf32>
    %slice3A_16 = vector.extract_strided_slice %get3A_6 {offsets = [1, 0], sizes = [1, 128], strides = [1, 1]} : vector<8x128xf32> to vector<1x128xf32>
    %squeeze3A_17 = vector.shape_cast %slice3A_16 : vector<1x128xf32> to vector<128xf32>
    %mul3A_18 = arith.constant 9.99999974E-5 : f32
    %mul3A_19 = vector.broadcast %mul3A_18 : f32 to vector<128xf32>
    %mul3A_20 = arith.mulf %squeeze3A_17, %mul3A_19 : vector<128xf32>
    %mul3A_21 = arith.mulf %mul3A_15, %mul3A_15 : vector<128xf32>
    %sub3A = arith.subf %mul3A_20, %mul3A_21 : vector<128xf32>
    %add3A_22 = arith.constant 9.99999974E-6 : f32
    %add3A_23 = vector.broadcast %add3A_22 : f32 to vector<128xf32>
    %add3A_24 = arith.addf %sub3A, %add3A_23 : vector<128xf32>
    %sqrt3A = math.sqrt %add3A_24 : vector<128xf32>
    %div3A = arith.constant 1.000000e+00 : f32
    %div3A_25 = vector.broadcast %div3A : f32 to vector<128xf32>
    %div3A_26 = arith.divf %div3A_25, %sqrt3A : vector<128xf32>
    %broadcast_in_dim3A = vector.shape_cast %mul3A_15 : vector<128xf32> to vector<1x128xf32>
    %sub3A_27 = vector.broadcast %broadcast_in_dim3A : vector<1x128xf32> to vector<256x128xf32>
    %sub3A_28 = arith.subf %get3A_3, %sub3A_27 : vector<256x128xf32>
    %mul3A_29 = vector.broadcast %get3A_9 : vector<1x128xf32> to vector<256x128xf32>
    %mul3A_30 = arith.mulf %mul3A_29, %sub3A_28 : vector<256x128xf32>
    %broadcast_in_dim3A_31 = vector.shape_cast %div3A_26 : vector<128xf32> to vector<1x128xf32>
    %mul3A_32 = vector.broadcast %broadcast_in_dim3A_31 : vector<1x128xf32> to vector<256x128xf32>
    %mul3A_33 = arith.mulf %mul3A_30, %mul3A_32 : vector<256x128xf32>
    %add3A_34 = vector.broadcast %get3A_12 : vector<1x128xf32> to vector<256x128xf32>
    %add3A_35 = arith.addf %mul3A_33, %add3A_34 : vector<256x128xf32>
    %lt3A = arith.constant 10000 : i32
    %lt3A_36 = vector.broadcast %lt3A : i32 to vector<256x1xi32>
    %lt3A_37 = arith.cmpi slt, %add3A_1, %lt3A_36 : vector<256x1xi32>
    %jit3A = arith.constant 0.000000e+00 : f32
    %broadcast_in_dim3A_38 = vector.shape_cast %lt3A_37 : vector<256x1xi1> to vector<256x1xi1>
    %broadcast_in_dim3A_39 = vector.broadcast %broadcast_in_dim3A_38 : vector<256x1xi1> to vector<256x128xi1>
    %broadcast_in_dim3A_40 = vector.broadcast %jit3A : f32 to vector<256x128xf32>
    %select_n3A = arith.select %broadcast_in_dim3A_39, %add3A_35, %broadcast_in_dim3A_40 : vector<256x128xi1>, vector<256x128xf32>
    %swap3A = arith.constant 0 : index
    %swap3A_41 = arith.constant 0 : index
    %swap3A_42 = vector.load %arg7[%swap3A, %swap3A_41] : memref<256x128xf32, #tpu.memory_space<vmem>>, vector<256x128xf32>
    tpu.vector_store %arg7[%swap3A, %swap3A_41], %select_n3A {strides = array<i32>} : memref<256x128xf32, #tpu.memory_space<vmem>>, vector<256x128xf32>,
    %get3A_43 = arith.constant 0 : index
    %get3A_44 = arith.constant 0 : index
    %get3A_45 = vector.load %arg6[%get3A_43, %get3A_44] : memref<2x256xf32, #tpu.memory_space<vmem>>, vector<2x256xf32>
    %slice3A_46 = vector.extract_strided_slice %get3A_45 {offsets = [0, 0], sizes = [1, 256], strides = [1, 1]} : vector<2x256xf32> to vector<1x256xf32>
    %squeeze3A_47 = vector.shape_cast %slice3A_46 : vector<1x256xf32> to vector<256xf32>
    %slice3A_48 = vector.extract_strided_slice %get3A_45 {offsets = [1, 0], sizes = [1, 256], strides = [1, 1]} : vector<2x256xf32> to vector<1x256xf32>
    %squeeze3A_49 = vector.shape_cast %slice3A_48 : vector<1x256xf32> to vector<256xf32>
    %add3A_50 = arith.addf %squeeze3A_47, %squeeze3A_49 : vector<256xf32>
    %add3A_51 = arith.constant 1.000000e+00 : f32
    %add3A_52 = vector.broadcast %add3A_51 : f32 to vector<256xf32>
    %add3A_53 = arith.addf %add3A_50, %add3A_52 : vector<256xf32>
    %rsqrt3A = math.rsqrt %add3A_53 : vector<256xf32>
    %get3A_54 = arith.constant 0 : index
    %get3A_55 = arith.constant 0 : index
    %get3A_56 = vector.load %arg5[%get3A_54, %get3A_55] : memref<128x128xf32, #tpu.memory_space<vmem>>, vector<128x128xf32>
    %dot_general3A = arith.constant dense<0.000000e+00> : vector<256x128xf32>
    %dot_general3A_57 = tpu.matmul %select_n3A, %get3A_56, %dot_general3A {dimension_numbers = #tpu.dot_dimension_numbers<[1], [0], [0], [1], [0, 0, 1, 1], [], []>, transpose_lhs_hint = false} : vector<256x128xf32>, vector<128x128xf32>, vector<256x128xf32> -> vector<256x128xf32>
    %broadcast_in_dim3A_58 = vector.shape_cast %rsqrt3A : vector<256xf32> to vector<256x1xf32>
    %mul3A_59 = vector.broadcast %broadcast_in_dim3A_58 : vector<256x1xf32> to vector<256x128xf32>
    %mul3A_60 = arith.mulf %dot_general3A_57, %mul3A_59 : vector<256x128xf32>
    %slice3A_61 = vector.extract_strided_slice %mul3A_60 {offsets = [0, 0], sizes = [256, 64], strides = [1, 1]} : vector<256x128xf32> to vector<256x64xf32>
    %swap3A_62 = arith.constant 0 : index
    %swap3A_63 = arith.constant 0 : index
    %swap3A_64 = vector.load %arg8[%swap3A_62, %swap3A_63] : memref<256x64xf32, #tpu.memory_space<vmem>>, vector<256x64xf32>
    tpu.vector_store %arg8[%swap3A_62, %swap3A_63], %slice3A_61 {strides = array<i32>} : memref<256x64xf32, #tpu.memory_space<vmem>>, vector<256x64xf32>,
    %slice3A_65 = vector.extract_strided_slice %mul3A_60 {offsets = [0, 64], sizes = [256, 64], strides = [1, 1]} : vector<256x128xf32> to vector<256x64xf32>
    %swap3A_66 = arith.constant 0 : index
    %swap3A_67 = arith.constant 0 : index
    %swap3A_68 = vector.load %arg9[%swap3A_66, %swap3A_67] : memref<256x64xf32, #tpu.memory_space<vmem>>, vector<256x64xf32>
    tpu.vector_store %arg9[%swap3A_66, %swap3A_67], %slice3A_65 {strides = array<i32>} : memref<256x64xf32, #tpu.memory_space<vmem>>, vector<256x64xf32>,
    return
  }
  func.func @transform_0(%arg0: i32) -> (i32, i32) {
    %c0_i32 = arith.constant 0 : i32
    %c0_i32_0 = arith.constant 0 : i32
    return %arg0, %c0_i32 : i32, i32
  }
  func.func @transform_1(%arg0: i32) -> (i32, i32) {
    %c0_i32 = arith.constant 0 : i32
    %c0_i32_0 = arith.constant 0 : i32
    %c0_i32_1 = arith.constant 0 : i32
    return %c0_i32, %c0_i32_0 : i32, i32
  }
  func.func @transform_2(%arg0: i32) -> (i32, i32) {
    %c0_i32 = arith.constant 0 : i32
    %c0_i32_0 = arith.constant 0 : i32
    %c0_i32_1 = arith.constant 0 : i32
    return %c0_i32, %c0_i32_0 : i32, i32
  }
  func.func @transform_3(%arg0: i32) -> (i32, i32) {
    %c0_i32 = arith.constant 0 : i32
    %c0_i32_0 = arith.constant 0 : i32
    %c0_i32_1 = arith.constant 0 : i32
    return %c0_i32, %c0_i32_0 : i32, i32
  }
  func.func @transform_4(%arg0: i32) -> (i32, i32) {
    %c0_i32 = arith.constant 0 : i32
    %c0_i32_0 = arith.constant 0 : i32
    %c0_i32_1 = arith.constant 0 : i32
    return %c0_i32, %c0_i32_0 : i32, i32
  }
  func.func @transform_5(%arg0: i32) -> (i32, i32) {
    %c0_i32 = arith.constant 0 : i32
    %c0_i32_0 = arith.constant 0 : i32
    return %c0_i32, %arg0 : i32, i32
  }
  func.func @transform_6(%arg0: i32) -> (i32, i32) {
    %c0_i32 = arith.constant 0 : i32
    %c0_i32_0 = arith.constant 0 : i32
    return %arg0, %c0_i32 : i32, i32
  }
  func.func @transform_7(%arg0: i32) -> (i32, i32) {
    %c0_i32 = arith.constant 0 : i32
    %c0_i32_0 = arith.constant 0 : i32
    return %arg0, %c0_i32 : i32, i32
  }
  func.func @transform_8(%arg0: i32) -> (i32, i32) {
    %c0_i32 = arith.constant 0 : i32
    %c0_i32_0 = arith.constant 0 : i32
    return %arg0, %c0_i32 : i32, i32
  }
}

module attributes {stable_mosaic.version = 14 : i64} {
  func.func @body(%arg0: i32, %arg1: memref<256x128xf32, #tpu.memory_space<vmem>>, %arg2: memref<8x128xf32, #tpu.memory_space<vmem>>, %arg3: memref<1x128xf32, #tpu.memory_space<vmem>>, %arg4: memref<1x128xf32, #tpu.memory_space<vmem>>, %arg5: memref<256x128xf32, #tpu.memory_space<vmem>>, %arg6: memref<256x128xf32, #tpu.memory_space<vmem>>, %arg7: memref<384x128xf32, #tpu.memory_space<vmem>>, %arg8: memref<1x128xf32, #tpu.memory_space<vmem>>, %arg9: memref<256x128xf32, #tpu.memory_space<vmem>>) attributes {dimension_semantics = [#tpu.dimension_semantics<arbitrary>], iteration_bounds = array<i64: 40>, scalar_prefetch = 0 : i64, scratch_operands = 0 : i64, tpu.core_type = #tpu.core_type<tc>, window_params = [{transform_indices = @transform_0, window_bounds = array<i64: 256, 128>}, {pipeline_mode = #tpu.pipeline_mode<synchronous>, transform_indices = @transform_1, window_bounds = array<i64: 8, 128>}, {pipeline_mode = #tpu.pipeline_mode<synchronous>, transform_indices = @transform_2, window_bounds = array<i64: 1, 128>}, {pipeline_mode = #tpu.pipeline_mode<synchronous>, transform_indices = @transform_3, window_bounds = array<i64: 1, 128>}, {transform_indices = @transform_4, window_bounds = array<i64: 256, 128>}, {transform_indices = @transform_5, window_bounds = array<i64: 256, 128>}, {pipeline_mode = #tpu.pipeline_mode<synchronous>, transform_indices = @transform_6, window_bounds = array<i64: 384, 128>}, {pipeline_mode = #tpu.pipeline_mode<synchronous>, transform_indices = @transform_7, window_bounds = array<i64: 1, 128>}, {transform_indices = @transform_8, window_bounds = array<i64: 256, 128>}]} {
    %mul3A = arith.constant 256 : i32
    %mul3A_0 = arith.muli %arg0, %mul3A : i32
    %iota3A = tpu.iota {dimensions = array<i32: 0>} : vector<256x1xi32>
    %add3A = vector.broadcast %mul3A_0 : i32 to vector<256x1xi32>
    %add3A_1 = arith.addi %add3A, %iota3A : vector<256x1xi32>
    %get3A = arith.constant 0 : index
    %get3A_2 = arith.constant 0 : index
    %get3A_3 = vector.load %arg1[%get3A, %get3A_2] : memref<256x128xf32, #tpu.memory_space<vmem>>, vector<256x128xf32>
    %get3A_4 = arith.constant 0 : index
    %get3A_5 = arith.constant 0 : index
    %get3A_6 = vector.load %arg2[%get3A_4, %get3A_5] : memref<8x128xf32, #tpu.memory_space<vmem>>, vector<8x128xf32>
    %get3A_7 = arith.constant 0 : index
    %get3A_8 = arith.constant 0 : index
    %get3A_9 = vector.load %arg3[%get3A_7, %get3A_8] : memref<1x128xf32, #tpu.memory_space<vmem>>, vector<1x128xf32>
    %get3A_10 = arith.constant 0 : index
    %get3A_11 = arith.constant 0 : index
    %get3A_12 = vector.load %arg4[%get3A_10, %get3A_11] : memref<1x128xf32, #tpu.memory_space<vmem>>, vector<1x128xf32>
    %slice3A = vector.extract_strided_slice %get3A_6 {offsets = [0, 0], sizes = [1, 128], strides = [1, 1]} : vector<8x128xf32> to vector<1x128xf32>
    %squeeze3A = vector.shape_cast %slice3A : vector<1x128xf32> to vector<128xf32>
    %mul3A_13 = arith.constant 9.99999974E-5 : f32
    %mul3A_14 = vector.broadcast %mul3A_13 : f32 to vector<128xf32>
    %mul3A_15 = arith.mulf %squeeze3A, %mul3A_14 : vector<128xf32>
    %slice3A_16 = vector.extract_strided_slice %get3A_6 {offsets = [1, 0], sizes = [1, 128], strides = [1, 1]} : vector<8x128xf32> to vector<1x128xf32>
    %squeeze3A_17 = vector.shape_cast %slice3A_16 : vector<1x128xf32> to vector<128xf32>
    %mul3A_18 = arith.constant 9.99999974E-5 : f32
    %mul3A_19 = vector.broadcast %mul3A_18 : f32 to vector<128xf32>
    %mul3A_20 = arith.mulf %squeeze3A_17, %mul3A_19 : vector<128xf32>
    %mul3A_21 = arith.mulf %mul3A_15, %mul3A_15 : vector<128xf32>
    %sub3A = arith.subf %mul3A_20, %mul3A_21 : vector<128xf32>
    %add3A_22 = arith.constant 9.99999974E-6 : f32
    %add3A_23 = vector.broadcast %add3A_22 : f32 to vector<128xf32>
    %add3A_24 = arith.addf %sub3A, %add3A_23 : vector<128xf32>
    %sqrt3A = math.sqrt %add3A_24 : vector<128xf32>
    %div3A = arith.constant 1.000000e+00 : f32
    %div3A_25 = vector.broadcast %div3A : f32 to vector<128xf32>
    %div3A_26 = arith.divf %div3A_25, %sqrt3A : vector<128xf32>
    %broadcast_in_dim3A = vector.shape_cast %mul3A_15 : vector<128xf32> to vector<1x128xf32>
    %sub3A_27 = vector.broadcast %broadcast_in_dim3A : vector<1x128xf32> to vector<256x128xf32>
    %sub3A_28 = arith.subf %get3A_3, %sub3A_27 : vector<256x128xf32>
    %mul3A_29 = vector.broadcast %get3A_9 : vector<1x128xf32> to vector<256x128xf32>
    %mul3A_30 = arith.mulf %mul3A_29, %sub3A_28 : vector<256x128xf32>
    %broadcast_in_dim3A_31 = vector.shape_cast %div3A_26 : vector<128xf32> to vector<1x128xf32>
    %mul3A_32 = vector.broadcast %broadcast_in_dim3A_31 : vector<1x128xf32> to vector<256x128xf32>
    %mul3A_33 = arith.mulf %mul3A_30, %mul3A_32 : vector<256x128xf32>
    %add3A_34 = vector.broadcast %get3A_12 : vector<1x128xf32> to vector<256x128xf32>
    %add3A_35 = arith.addf %mul3A_33, %add3A_34 : vector<256x128xf32>
    %lt3A = arith.constant 10000 : i32
    %lt3A_36 = vector.broadcast %lt3A : i32 to vector<256x1xi32>
    %lt3A_37 = arith.cmpi slt, %add3A_1, %lt3A_36 : vector<256x1xi32>
    %jit3A = arith.constant 0.000000e+00 : f32
    %broadcast_in_dim3A_38 = vector.shape_cast %lt3A_37 : vector<256x1xi1> to vector<256x1xi1>
    %broadcast_in_dim3A_39 = vector.broadcast %broadcast_in_dim3A_38 : vector<256x1xi1> to vector<256x128xi1>
    %broadcast_in_dim3A_40 = vector.broadcast %jit3A : f32 to vector<256x128xf32>
    %select_n3A = arith.select %broadcast_in_dim3A_39, %add3A_35, %broadcast_in_dim3A_40 : vector<256x128xi1>, vector<256x128xf32>
    %get3A_41 = arith.constant 0 : index
    %get3A_42 = arith.constant 0 : index
    %get3A_43 = vector.load %arg5[%get3A_41, %get3A_42] : memref<256x128xf32, #tpu.memory_space<vmem>>, vector<256x128xf32>
    %get3A_44 = arith.constant 0 : index
    %get3A_45 = arith.constant 0 : index
    %get3A_46 = vector.load %arg6[%get3A_44, %get3A_45] : memref<256x128xf32, #tpu.memory_space<vmem>>, vector<256x128xf32>
    %concatenate3A = tpu.concatenate %get3A_43, %get3A_46, %select_n3A in 1 : vector<256x128xf32>, vector<256x128xf32>, vector<256x128xf32> -> vector<256x384xf32>
    %get3A_47 = arith.constant 0 : index
    %get3A_48 = arith.constant 0 : index
    %get3A_49 = vector.load %arg7[%get3A_47, %get3A_48] : memref<384x128xf32, #tpu.memory_space<vmem>>, vector<384x128xf32>
    %dot_general3A = arith.constant dense<0.000000e+00> : vector<256x128xf32>
    %dot_general3A_50 = tpu.matmul %concatenate3A, %get3A_49, %dot_general3A {dimension_numbers = #tpu.dot_dimension_numbers<[1], [0], [0], [1], [0, 0, 1, 1], [], []>, transpose_lhs_hint = false} : vector<256x384xf32>, vector<384x128xf32>, vector<256x128xf32> -> vector<256x128xf32>
    %get3A_51 = arith.constant 0 : index
    %get3A_52 = arith.constant 0 : index
    %get3A_53 = vector.load %arg8[%get3A_51, %get3A_52] : memref<1x128xf32, #tpu.memory_space<vmem>>, vector<1x128xf32>
    %add3A_54 = vector.broadcast %get3A_53 : vector<1x128xf32> to vector<256x128xf32>
    %add3A_55 = arith.addf %dot_general3A_50, %add3A_54 : vector<256x128xf32>
    %max3A = arith.constant 0.000000e+00 : f32
    %max3A_56 = vector.broadcast %max3A : f32 to vector<256x128xf32>
    %max3A_57 = arith.maximumf %add3A_55, %max3A_56 : vector<256x128xf32>
    %swap3A = arith.constant 0 : index
    %swap3A_58 = arith.constant 0 : index
    %swap3A_59 = vector.load %arg9[%swap3A, %swap3A_58] : memref<256x128xf32, #tpu.memory_space<vmem>>, vector<256x128xf32>
    tpu.vector_store %arg9[%swap3A, %swap3A_58], %max3A_57 {strides = array<i32>} : memref<256x128xf32, #tpu.memory_space<vmem>>, vector<256x128xf32>,
    return
  }
  func.func @transform_0(%arg0: i32) -> (i32, i32) {
    %c0_i32 = arith.constant 0 : i32
    %c0_i32_0 = arith.constant 0 : i32
    return %arg0, %c0_i32 : i32, i32
  }
  func.func @transform_1(%arg0: i32) -> (i32, i32) {
    %c0_i32 = arith.constant 0 : i32
    %c0_i32_0 = arith.constant 0 : i32
    %c0_i32_1 = arith.constant 0 : i32
    return %c0_i32, %c0_i32_0 : i32, i32
  }
  func.func @transform_2(%arg0: i32) -> (i32, i32) {
    %c0_i32 = arith.constant 0 : i32
    %c0_i32_0 = arith.constant 0 : i32
    %c0_i32_1 = arith.constant 0 : i32
    return %c0_i32, %c0_i32_0 : i32, i32
  }
  func.func @transform_3(%arg0: i32) -> (i32, i32) {
    %c0_i32 = arith.constant 0 : i32
    %c0_i32_0 = arith.constant 0 : i32
    %c0_i32_1 = arith.constant 0 : i32
    return %c0_i32, %c0_i32_0 : i32, i32
  }
  func.func @transform_4(%arg0: i32) -> (i32, i32) {
    %c0_i32 = arith.constant 0 : i32
    %c0_i32_0 = arith.constant 0 : i32
    return %arg0, %c0_i32 : i32, i32
  }
  func.func @transform_5(%arg0: i32) -> (i32, i32) {
    %c0_i32 = arith.constant 0 : i32
    %c0_i32_0 = arith.constant 0 : i32
    return %arg0, %c0_i32 : i32, i32
  }
  func.func @transform_6(%arg0: i32) -> (i32, i32) {
    %c0_i32 = arith.constant 0 : i32
    %c0_i32_0 = arith.constant 0 : i32
    %c0_i32_1 = arith.constant 0 : i32
    return %c0_i32, %c0_i32_0 : i32, i32
  }
  func.func @transform_7(%arg0: i32) -> (i32, i32) {
    %c0_i32 = arith.constant 0 : i32
    %c0_i32_0 = arith.constant 0 : i32
    %c0_i32_1 = arith.constant 0 : i32
    return %c0_i32, %c0_i32_0 : i32, i32
  }
  func.func @transform_8(%arg0: i32) -> (i32, i32) {
    %c0_i32 = arith.constant 0 : i32
    %c0_i32_0 = arith.constant 0 : i32
    return %arg0, %c0_i32 : i32, i32
  }
}

</mosaic_0001>

<sc_bundles>
// kernel: kernel.13.cloned.1.call-start
scs
__scs_entry_jumppad:
0x0: {  	(pc) =	sbr.rel $0x88, $3  }
0x1: {  	(tag) =	ssettag $0x0;
	lr =	simm.s32 $0x1  }
0x2: {  	[smem:$0x3F91] =	sst lr;
	_ =	strace $0xD0000000  }
0x3: {  	_ = 	snop  }
0x4: {  	_ = 	snop  }
0x5: {  	_ = 	snop  }
0x6: {  	_ = 	snop  }
0x7: {  	_ = 	snop  }
__scs_overlays_trampoline_lowered:
0x8: {  	[smem:$0x3FA0] =	sst s0  }
0x9: {  	[smem:$0x3FA1] =	sst s1  }
0xa: {  	[smem:$0x3FA2] =	sst s2  }
0xb: {  	[smem:$0x3FA3] =	sst s3  }
0xc: {  	[smem:$0x3FA4] =	sst s4  }
0xd: {  	[smem:$0x3FA5] =	sst s5  }
0xe: {  	[smem:$0x3FA6] =	sst s6  }
0xf: {  	[smem:$0x3FA7] =	sst s7  }
0x10: {  	[smem:$0x3FA8] =	sst s8  }
0x11: {  	[smem:$0x3FA9] =	sst s9;
	s0 =	simm.s32 @!p0 $0x0  }
0x12: {  	s1 =	sld [smem:$0x3F8F];
	s0 =	simm.s32 @p0 $0x1  }
0x13: {  	[smem:$0x3FAA] =	sst s0;
	s0 =	simm.s32 @!p1 $0x0  }
0x14: {  	s2 =	sld [smem:$0x3F8E];
	s0 =	simm.s32 @p1 $0x1  }
0x15: {  	[smem:$0x3FAB] =	sst s0;
	s0 =	simm.s32 @!p2 $0x0  }
0x16: {  	s3 =	sld [smem:$0x3FDB];
	s0 =	simm.s32 @p2 $0x1  }
0x17: {  	s4 =	simm.s32 $0x1BF5;
	[smem:$0x3FAD] =	sst s0  }
0x18: {  	s0 =	sld [smem:$0x3F90];
	_ =	swait.ge [sflag:s4], $0x0  }
0x19: {  	s7 =	sld [smem:$0x3F91]  }
0x1a: {  	s8 =	sadd.s32 $0xFFFFE003, lr  }
0x1b: {  	s9 =	sadd.s32 $0xFFFFFEF7, lr;
	s5 =	simm.s32 $0xFFFFFFFF;
	p2 =	slt.u32 s8, $0xFFFFF086  }
0x1c: {  	p1 =	slt.u32 s9, $0xF7A;
	s5 =	simm.s32 @!p2 $0x0  }
0x1d: {  	s5 =	simm.s32 @p1 $0x1;
	p0 =	seq.s32 s7, s2  }
0x1e: {  	s7 =	smul.u32 @!p0 $0xF7A, s2;
	p2 =	seq.s32 @!p0 s5, $0x0  }
0x1f: {  	s9 =	smul.u32 $0xF7A, s1;
	s8 =	simm.s32 @!p0 $0x1BF5;
	p2 =	por !p2, p0  }
0x20: {  	[sflag:s8] =	ssyncset.s32 @!p0 $0xFFFFF086;
	s6 =	sadd.s32 @!p0 s3, s7;
	s7 =	simm.s32 @!p0 $0x108  }
0x21: {  	s3 =	sadd.s32 s3, s9;
	s6 =	sadd.s32 @!p0 $0x88, s6;
	s7 =	simm.s32 @p2 $0x1082  }
0x22: {  	[simem:s7], [sflag:s8] =	dma.local @!p0 [hbm:s6], $0xF7A  }
0x23: {  	s9 =	sor.u32 $0xD0000000, s2;
	s6 =	simm.s32 $0x108;
	_ =	swait.ge @!p0 [sflag:s8], $0x0  }
0x24: {  	s3 =	sadd.s32 $0x88, s3;
	s6 =	simm.s32 @!p1 $0x1082;
	[sflag:s4] =	ssyncset.s32 $0xFFFFF086  }
0x25: {  	[simem:s6], [sflag:s4] =	dma.local [hbm:s3], $0xF7A  }
0x26: {  	[smem:$0x3F91] =	sst s1;
	(tag) =	ssettag s2;
	_ =	strace s9  }
0x27: {  	s1 =	sld [smem:$0x3FA1]  }
0x28: {  	s2 =	sld [smem:$0x3FA2]  }
0x29: {  	s4 =	sld [smem:$0x3FA4]  }
0x2a: {  	p0 =	seq.s32 s5, $0x0;
	s5 =	sld [smem:$0x3FA5]  }
0x2b: {  	s6 =	sld [smem:$0x3FA6]  }
0x2c: {  	s7 =	sld [smem:$0x3FA7]  }
0x2d: {  	s3 =	simm.s32 $0x108;
	s8 =	sld [smem:$0x3FA8]  }
0x2e: {  	s3 =	simm.s32 @!p0 $0x1082;
	s9 =	sld [smem:$0x3FA9]  }
0x2f: {  	lr =	sadd.s32 s0, s3;
	s0 =	sld [smem:$0x3FA0]  }
0x30: {  	s3 =	sld [smem:$0x3FA3]  }
0x31: {  	[smem:$0x3FAC] =	sst s10  }
0x32: {  	s10 =	sld [smem:$0x3FAA];
	_ =	sdelay $0x3  }
0x33: {  	p0 =	seq.s32 s10, $0x1;
	s10 =	sld [smem:$0x3FAC];
	_ =	sdelay $0x3  }
0x34: {  	[smem:$0x3FAC] =	sst s10  }
0x35: {  	s10 =	sld [smem:$0x3FAB];
	_ =	sdelay $0x3  }
0x36: {  	p1 =	seq.s32 s10, $0x1;
	s10 =	sld [smem:$0x3FAC];
	_ =	sdelay $0x3  }
0x37: {  	[smem:$0x3FAC] =	sst s10  }
0x38: {  	s10 =	sld [smem:$0x3FAD]  }
0x39: {  	_ = 	snop;
	(pc) =	sbr.ind lr, $3  }
0x3a: {  	_ = 	snop  }
0x3b: {  	_ = 	snop  }
0x3c: {  	p2 =	seq.s32 s10, $0x1;
	s10 =	sld [smem:$0x3FAC]  }
0x3d: {  	_ =	shalt  }
0x3e: {  	_ =	shalt  }
0x3f: {  	_ =	shalt  }
0x40: {  	_ =	shalt  }
0x41: {  	_ =	shalt  }
0x42: {  	_ =	shalt  }
0x43: {  	_ =	shalt  }
0x44: {  	_ =	shalt  }
0x45: {  	_ =	shalt  }
0x46: {  	_ =	shalt  }
0x47: {  	_ =	shalt  }
0x48: {  	_ =	shalt  }
0x49: {  	_ =	shalt  }
0x4a: {  	_ =	shalt  }
0x4b: {  	_ =	shalt  }
0x4c: {  	_ =	shalt  }
0x4d: {  	_ =	shalt  }
0x4e: {  	_ =	shalt  }
0x4f: {  	_ =	shalt  }
0x50: {  	_ =	shalt  }
0x51: {  	_ =	shalt  }
0x52: {  	_ =	shalt  }
0x53: {  	_ =	shalt  }
0x54: {  	_ =	shalt  }
0x55: {  	_ =	shalt  }
0x56: {  	_ =	shalt  }
0x57: {  	_ =	shalt  }
0x58: {  	_ =	shalt  }
0x59: {  	_ =	shalt  }
0x5a: {  	_ =	shalt  }
0x5b: {  	_ =	shalt  }
0x5c: {  	_ =	shalt  }
0x5d: {  	_ =	shalt  }
0x5e: {  	_ =	shalt  }
0x5f: {  	_ =	shalt  }
0x60: {  	_ =	shalt  }
0x61: {  	_ =	shalt  }
0x62: {  	_ =	shalt  }
0x63: {  	_ =	shalt  }
0x64: {  	_ =	shalt  }
0x65: {  	_ =	shalt  }
0x66: {  	_ =	shalt  }
0x67: {  	_ =	shalt  }
0x68: {  	_ =	shalt  }
0x69: {  	_ =	shalt  }
0x6a: {  	_ =	shalt  }
0x6b: {  	_ =	shalt  }
0x6c: {  	_ =	shalt  }
0x6d: {  	_ =	shalt  }
0x6e: {  	_ =	shalt  }
0x6f: {  	_ =	shalt  }
0x70: {  	_ =	shalt  }
0x71: {  	_ =	shalt  }
0x72: {  	_ =	shalt  }
0x73: {  	_ =	shalt  }
0x74: {  	_ =	shalt  }
0x75: {  	_ =	shalt  }
0x76: {  	_ =	shalt  }
0x77: {  	_ =	shalt  }
0x78: {  	_ =	shalt  }
0x79: {  	_ =	shalt  }
0x7a: {  	_ =	shalt  }
0x7b: {  	_ =	shalt  }
0x7c: {  	_ =	shalt  }
0x7d: {  	_ =	shalt  }
0x7e: {  	_ =	shalt  }
0x7f: {  	_ =	shalt  }
0x80: {  	_ =	shalt  }
0x81: {  	_ =	shalt  }
0x82: {  	_ =	shalt  }
0x83: {  	_ =	shalt  }
0x84: {  	_ =	shalt  }
0x85: {  	_ =	shalt  }
0x86: {  	_ =	shalt  }
0x87: {  	_ =	shalt  }
.Lfunc_end0:
.L_simem_size_0:
called_computation_lowered:
.L_overlay_start_0:
0x88: {  	s2 =	sld [smem:$0x3FD9]  }
0x89: {  	s3 =	sld [smem:$0x3FFE];
	_ =	sdelay $0x1  }
0x8a: {  	s1 =	srdreg.scid  }
0x8b: {  	s0 =	sand.u32 $0x1, s1  }
0x8c: {  	s17 =	sshll.u32 s0, $0xA;
	s2 =	sadd.s32 s3, s2  }
0x8d: {  	s2 =	sadd.s32 s2, s17  }
0x8e: {  	[smem:$0x3FB8] =	sst s2  }
0x8f: {  	_ = 	snop  }
0x90: {  	s2 =	sld [smem:$0x3FD0];
	(tm) =	ssettm $0x1  }
0x91: {  	s18 =	sld [smem:$0x3FFB];
	_ =	sdelay $0x3  }
0x92: {  	_ =	strace s18  }
0x93: {  	s3 =	sld [smem:$0x3FFC];
	_ =	sdelay $0x3  }
0x94: {  	_ =	strace s3  }
0x95: {  	s3 =	sld [smem:$0x3FFD];
	_ =	sdelay $0x3  }
0x96: {  	_ =	strace s3  }
0x97: {  	_ =	strace $0x8FFFFFFF  }
0x98: {  	s19 =	sld [smem:$0x3FDB];
	_ =	sdelay $0x1  }
0x99: {  	s4 =	simm.s32 $_scs_section_size  }
0x9a: {  	s5 =	simm.s32 $_size__tile_overlayer_lowered;
	s6 =	simm.s32 $_tile_overlayer_lowered  }
0x9b: {  	s22 =	simm.s32 $0x1BFF;
	s21 =	sshll.u32 s6, $0x1;
	s3 =	sadd.s32 s4, s19  }
0x9c: {  	s7 =	simm.s32 $0x0;
	s20 =	sshll.u32 s5, $0x1;
	s5 =	sadd.s32 s21, s3  }
0x9d: {  	[timem:s7], [sflag:s22] =	dma.local [hbm:s5], s20  }
0x9e: {  	_ =	swait.ge [sflag:s22], s20  }
0x9f: {  	s4 =	ssub.s32 $0x0, s20;
	[sflag:s22] =	ssyncset.done $0x0  }
0xa0: {  	[sflag:s22] =	ssyncadd.s32 s4;
	_ =	sdelay $0x1  }
0xa1: {  	s23 =	simm.s32 $0x1B8B  }
0xa2: {  	_ =	swait.ge [sflag:s23], $0x1  }
0xa3: {  	[sflag:s23] =	ssyncset.done $0x0  }
0xa4: {  	s25 =	simm.s32 $0x1B8E;
	s24 =	sld [smem:$0x3FFE];
	[sflag:s23] =	ssyncadd.s32 $0xFFFFFFFF  }
0xa5: {  	s26 =	simm.s32 $execute0_lowered;
	[smem:$0x3FD2] =	sst s25  }
0xa6: {  	s5 =	sshll.u32 s26, $0x1;
	_ =	strace $0x80000046;
	[dreg:$0x1] =	wrdreg $0xFFFFFFFF  }
0xa7: {  	s28 =	simm.s32 $_size_execute0_lowered;
	s3 =	sadd.s32 s3, s5;
	[dreg:$0x0] =	wrdreg $0x0  }
0xa8: {  	s5 =	sshll.u32 s28, $0x1;
	[dreg:$0x2] =	wrdreg s3  }
0xa9: {  	[dreg:$0x3] =	wrdreg s5  }
0xaa: {  	[dreg:$0x4] =	wrdreg $0xC0  }
0xab: {  	_ =	task [dreg:s7], $0x5FFFF  }
0xac: {  	[dreg:$0x1] =	wrdreg $0xFFFFFFFF  }
0xad: {  	[dreg:$0x0] =	wrdreg $0x60  }
0xae: {  	[dreg:$0x2] =	wrdreg s2  }
0xaf: {  	[dreg:$0x3] =	wrdreg s24  }
0xb0: {  	[dreg:$0x4] =	wrdreg $0x29000  }
0xb1: {  	[dreg:$0x5] =	wrdreg $0x9  }
0xb2: {  	_ =	task.clear_ibuf [dreg:s7], $0x6FFFF;
	_ =	strace $0x90000046  }
0xb3: {  	s29 =	simm.s32 $0x9;
	_ =	strace $0x80000048  }
0xb4: {  	_ =	swait.ge [sflag:s29], $0x1  }
0xb5: {  	[sflag:s29] =	ssyncadd.s32 $0xFFFFFFFF  }
0xb6: {  	_ =	strace $0x90000048  }
0xb7: {  	_ =	sfence  }
0xb8: {  	s30 =	sld [smem:$0x0];
	_ =	sdelay $0x2  }
0xb9: {  	s31 =	sshll.u32 s1, $0xD;
	s1 =	sshrl.u32 s1, $0x2  }
0xba: {  	s3 =	sand.u32 $0x4000, s31;
	s1 =	sadd.s32 s1, s30  }
0xbb: {  	s0 =	sor.u32 s3, s0;
	s1 =	sshll.u32 s1, $0x11  }
0xbc: {  	s0 =	sor.u32 s1, s0  }
0xbd: {  	s0 =	sadd.s32 $0x8F2B, s0  }
0xbe: {  	[sflag:s0] =	ssyncadd.remote.s32 $0x1  }
0xbf: {  	_ =	sfence.sel $0xFFFF  }
0xc0: {  	[dreg:$0x0] =	wrdreg $0xFFFFFFFF;
	(pc) =	sbr.abs _section_cstart, $3  }
0xc1: {  	[dreg:$0x1] =	wrdreg $0xFFFFFFFF  }
0xc2: {  	_ =	task.clear_ibuf [dreg:s7], $0x2FFFF;
	_ =	strace $0x9FFFFFFF  }
0xc3: {  	(tm) =	ssettm $0x7FFFFFFF  }
tec
execute0_lowered:
.L_overlay_start_1:
0x0: {  	(tag) =	ssettag $0x1  }
0x1: {  	s5 =	rddreg [dreg:$0x0]  }
0x2: {  	s4 =	rddreg [dreg:$0x1]  }
0x3: {  	s2 =	rddreg [dreg:$0x2]  }
0x4: {  	s0 =	rddreg [dreg:$0x3]  }
0x5: {  	s6 =	srdreg.scid;
	s1 =	stileid.u32;
	s3 =	simm.s32 $0x0  }
0x6: {  	s13 =	simm.s32 $0x2880;
	s14 =	simm.s32 $0x80;
	s15 =	simm.s32 $0x2800  }
0x7: {  	s18 =	simm.s32 $0x0;
	s6 =	sand.u32 $0x1, s6;
	s7 =	smul.u32 $0x280, s1  }
0x8: {  	[smem:$0x7FF] =	sst s3;
	s9 =	sshll.u32 s1, $0x1;
	s8 =	smul.u32 $0x2800, s6  }
0x9: {  	s16 =	sshll.u32 s1, $0x6;
	_ =	strace $0x80000047;
	s10 =	ssub.s32 $0x2, s6  }
0xa: {  	s6 =	sor.u32 s6, s9;
	s16 =	sor.u32 $0x1C01, s16;
	s8 =	sadd.s32 s7, s8  }
0xb: {  	s31 =	sshrl.u32 s10, $0x1;
	s6 =	smul.u32 $0x500, s6;
	s8 =	sshrl.u32 s8, $0x3  }
0xc: {  	s12 =	ssub.s32 s10, s31;
	s11 =	sadd.s32 s8, s4;
	s4 =	sadd.s32 s7, s2  }
0xd: {  	s5 =	sadd.s32 s5, s6;
	s6 =	sadd.s32 $0x80, s4;
	s7 =	sadd.s32 $0x100, s4  }
0xe: {  	s8 =	sadd.s32 $0x180, s4;
	s9 =	sadd.s32 $0x200, s4;
	s10 =	sadd.s32 $0x4400, s11  }
0xf: {  	v0 =	vimm.f32 $1.000000000e+00;
	v1 =	vimm.f32 $0.0e+00;
	s11 =	smax.u32 s12, $0x1;
	s12 =	simm.s32 $0x1;
	s17 =	sshrl.u32 s4, $0x3  }
.LBB2_1:
0x10: {  	[tilespmem:$0x2800] =	vst v0  }
0x11: {  	[tilespmem:$0x2880] =	vst v1  }
0x12: {  	[tilespmem:$0x2810] =	vst v0  }
0x13: {  	[tilespmem:$0x2890] =	vst v1  }
0x14: {  	[tilespmem:$0x2820] =	vst v0  }
0x15: {  	[tilespmem:$0x28A0] =	vst v1  }
0x16: {  	[tilespmem:$0x2830] =	vst v0  }
0x17: {  	[tilespmem:$0x28B0] =	vst v1  }
0x18: {  	[tilespmem:$0x2840] =	vst v0  }
0x19: {  	[tilespmem:$0x28C0] =	vst v1  }
0x1a: {  	[tilespmem:$0x2850] =	vst v0  }
0x1b: {  	[tilespmem:$0x28D0] =	vst v1  }
0x1c: {  	[tilespmem:$0x2860] =	vst v0  }
0x1d: {  	[tilespmem:$0x28E0] =	vst v1  }
0x1e: {  	[tilespmem:$0x2870] =	vst v0  }
0x1f: {  	[tilespmem:$0x28F0] =	vst v1  }
0x20: {  	[tilespmem:s3], [sflag:$0x1] =	stream.linear.gather [hbm4b:s5+s3], $0x2800, $0x38;
	[tilespmem:$0x2B80] =	vst v63  }
0x21: {  	_ =	swait.ge [sflag:s12], $0x2800  }
0x22: {  	[sflag:s12] =	ssyncset.done $0x0  }
0x23: {  	[sflag:s12] =	ssyncadd.s32 $0xFFFFD800  }
0x24: {  	[spmem:s4] =	stream.linear.scatter [tilespmem:s13], [sflag:$0x1], $0x80, $0x38;
	[tilespmem:$0x2B80] =	vst v63  }
0x25: {  	_ =	swait.ge [sflag:s12], $0x80  }
0x26: {  	[sflag:s12] =	ssyncset.done $0x0  }
0x27: {  	[sflag:s12] =	ssyncadd.s32 $0xFFFFFF80  }
0x28: {  	[spmem:s6] =	stream.linear.scatter [tilespmem:s13], [sflag:$0x1], $0x80, $0x38;
	[tilespmem:$0x2B80] =	vst v63  }
0x29: {  	_ =	swait.ge [sflag:s12], $0x80  }
0x2a: {  	[sflag:s12] =	ssyncset.done $0x0  }
0x2b: {  	[sflag:s12] =	ssyncadd.s32 $0xFFFFFF80  }
0x2c: {  	[spmem:s7] =	stream.linear.scatter [tilespmem:s13], [sflag:$0x1], $0x80, $0x38;
	[tilespmem:$0x2B80] =	vst v63  }
0x2d: {  	_ =	swait.ge [sflag:s12], $0x80  }
0x2e: {  	[sflag:s12] =	ssyncset.done $0x0  }
0x2f: {  	[sflag:s12] =	ssyncadd.s32 $0xFFFFFF80  }
0x30: {  	[spmem:s8] =	stream.linear.scatter [tilespmem:s13], [sflag:$0x1], $0x80, $0x38;
	[tilespmem:$0x2B80] =	vst v63  }
0x31: {  	_ =	swait.ge [sflag:s12], $0x80  }
0x32: {  	[sflag:s12] =	ssyncset.done $0x0  }
0x33: {  	[sflag:s12] =	ssyncadd.s32 $0xFFFFFF80  }
0x34: {  	[spmem:s9] =	stream.linear.scatter [tilespmem:s13], [sflag:$0x1], $0x80, $0x38;
	[tilespmem:$0x2B80] =	vst v63  }
0x35: {  	_ =	swait.ge [sflag:s12], $0x80  }
0x36: {  	[sflag:s12] =	ssyncset.done $0x0  }
0x37: {  	[sflag:s12] =	ssyncadd.s32 $0xFFFFFF80  }
0x38: {  	s19 =	simm.s32 $0x0;
	[bflag:$0x0] =	sbarrier.arrive $0xFFFF  }
0x39: {  	[spmem:s2] =	stream.indirect.scatter.add.f32 [tilespmem:s15], [sflag:$0x1], $0x1, s19, s14, $0xb8;
	[tilespmem:$0x2B80] =	vst v63  }
0x3a: {  	_ =	swait.ge [sflag:s12], $0x80  }
0x3b: {  	s19 =	simm.s32 $0x200;
	[sflag:s12] =	ssyncset.done $0x0  }
.LBB2_2:
0x3c: {  	s20 =	sshra.s32 s19, $0x2;
	[sflag:s12] =	ssyncadd.s32 $0xFFFFFF80;
	p0 =	sne.s32 s19, $0x9E00  }
0x3d: {  	[spmem:s2] =	stream.indirect.scatter.add.f32 [tilespmem:s15], [sflag:$0x1], $0x1, s20, s14, $0xb8;
	[tilespmem:$0x2B80] =	vst v63  }
.Ltmp0:
0x3e: {  	_ = 	snop;
	(pc) =	sbr.rel @p0 .LBB2_2-.Ltmp0, $4  }
0x3f: {  	_ = 	snop  }
0x40: {  	s19 =	sadd.s32 $0x200, s19  }
0x41: {  	_ =	swait.ge [sflag:s12], $0x80  }
0x42: {  	[sflag:s12] =	ssyncset.done $0x0  }
0x43: {  	s18 =	sadd.s32 $0x1, s18  }
0x44: {  	[sflag:s12] =	ssyncadd.s32 $0xFFFFFF80;
	p0 =	sne.s32 s18, s11  }
.Ltmp1:
0x45: {  	[bflag:$0x0] =	sbarrier.arrive $0xFFFF;
	(pc) =	sbr.rel @p0 .LBB2_1-.Ltmp1, $4  }
0x46: {  	[hbm:s10], [sflag:s16] =	dma.local [spmem:s17], $0x50  }
0x47: {  	_ =	swait.ge [sflag:s12], $0x50  }
0x48: {  	[sflag:s12] =	ssyncset.done $0x0  }
0x49: {  	[sflag:s12] =	ssyncadd.s32 $0xFFFFFFB0  }
0x4a: {  	_ =	sfence.sel $0x180000  }
0x4b: {  	[bflag:$0x0] =	sbarrier.arrive $0xFFFF  }
0x4c: {  	p0 =	sne.s32 s1, $0x0;
	_ =	strace $0x90000047  }
0x4d: {  	s0 =	sadd.s32 @!p0 $0x100000, s0;
	[bflag:$0x2] =	sbarrier.arrive $0xFFFF  }
0x4e: {  	[sflag:s0] =	ssyncadd.tile.s32 @!p0 $0x1;
	_ =	shalt  }
.Lfunc_end2:
_tile_overlayer_lowered:
.L_overlay_start_2:
0x4f: {  	(tag) =	ssettag $0x2  }
0x50: {  	s0 =	rddreg [dreg:$0x0];
	s2 =	stileid.u32  }
0x51: {  	s1 =	rddreg [dreg:$0x1];
	p0 =	sne.s32 s2, $0x0  }
0x52: {  	s3 =	rddreg [dreg:$0x2];
	[bflag:$0x3] =	sbarrier.arrive $0xFFFF;
	s2 =	simm.s32 @!p0 $0x1C01  }
0x53: {  	[timem:s3], [sflag:s2] =	dma.local @!p0 [hbm:s0], s1  }
0x54: {  	s0 =	simm.s32 @!p0 $0x1  }
0x55: {  	_ =	swait.ge @!p0 [sflag:s0], s1  }
0x56: {  	s1 =	ssub.s32 @!p0 $0x0, s1;
	[sflag:s0] =	ssyncset.done @!p0 $0x0  }
0x57: {  	[sflag:s0] =	ssyncadd.s32 @!p0 s1  }
0x58: {  	[bflag:$0x3] =	sbarrier.arrive $0xFFFF  }
0x59: {  	_ =	shalt  }

// kernel: kernel.16.cloned.1.call-start
scs
__scs_entry_jumppad:
0x0: {  	(pc) =	sbr.rel $0x88, $3  }
0x1: {  	(tag) =	ssettag $0x0;
	lr =	simm.s32 $0x1  }
0x2: {  	[smem:$0x3F91] =	sst lr;
	_ =	strace $0xD0000000  }
0x3: {  	_ = 	snop  }
0x4: {  	_ = 	snop  }
0x5: {  	_ = 	snop  }
0x6: {  	_ = 	snop  }
0x7: {  	_ = 	snop  }
__scs_overlays_trampoline_lowered:
0x8: {  	[smem:$0x3FA0] =	sst s0  }
0x9: {  	[smem:$0x3FA1] =	sst s1  }
0xa: {  	[smem:$0x3FA2] =	sst s2  }
0xb: {  	[smem:$0x3FA3] =	sst s3  }
0xc: {  	[smem:$0x3FA4] =	sst s4  }
0xd: {  	[smem:$0x3FA5] =	sst s5  }
0xe: {  	[smem:$0x3FA6] =	sst s6  }
0xf: {  	[smem:$0x3FA7] =	sst s7  }
0x10: {  	[smem:$0x3FA8] =	sst s8  }
0x11: {  	[smem:$0x3FA9] =	sst s9;
	s0 =	simm.s32 @!p0 $0x0  }
0x12: {  	s1 =	sld [smem:$0x3F8F];
	s0 =	simm.s32 @p0 $0x1  }
0x13: {  	[smem:$0x3FAA] =	sst s0;
	s0 =	simm.s32 @!p1 $0x0  }
0x14: {  	s2 =	sld [smem:$0x3F8E];
	s0 =	simm.s32 @p1 $0x1  }
0x15: {  	[smem:$0x3FAB] =	sst s0;
	s0 =	simm.s32 @!p2 $0x0  }
0x16: {  	s3 =	sld [smem:$0x3FDB];
	s0 =	simm.s32 @p2 $0x1  }
0x17: {  	s4 =	simm.s32 $0x1BF5;
	[smem:$0x3FAD] =	sst s0  }
0x18: {  	s0 =	sld [smem:$0x3F90];
	_ =	swait.ge [sflag:s4], $0x0  }
0x19: {  	s7 =	sld [smem:$0x3F91]  }
0x1a: {  	s8 =	sadd.s32 $0xFFFFE003, lr  }
0x1b: {  	s9 =	sadd.s32 $0xFFFFFEF7, lr;
	s5 =	simm.s32 $0xFFFFFFFF;
	p2 =	slt.u32 s8, $0xFFFFF086  }
0x1c: {  	p1 =	slt.u32 s9, $0xF7A;
	s5 =	simm.s32 @!p2 $0x0  }
0x1d: {  	s5 =	simm.s32 @p1 $0x1;
	p0 =	seq.s32 s7, s2  }
0x1e: {  	s7 =	smul.u32 @!p0 $0xF7A, s2;
	p2 =	seq.s32 @!p0 s5, $0x0  }
0x1f: {  	s9 =	smul.u32 $0xF7A, s1;
	s8 =	simm.s32 @!p0 $0x1BF5;
	p2 =	por !p2, p0  }
0x20: {  	[sflag:s8] =	ssyncset.s32 @!p0 $0xFFFFF086;
	s6 =	sadd.s32 @!p0 s3, s7;
	s7 =	simm.s32 @!p0 $0x108  }
0x21: {  	s3 =	sadd.s32 s3, s9;
	s6 =	sadd.s32 @!p0 $0x88, s6;
	s7 =	simm.s32 @p2 $0x1082  }
0x22: {  	[simem:s7], [sflag:s8] =	dma.local @!p0 [hbm:s6], $0xF7A  }
0x23: {  	s9 =	sor.u32 $0xD0000000, s2;
	s6 =	simm.s32 $0x108;
	_ =	swait.ge @!p0 [sflag:s8], $0x0  }
0x24: {  	s3 =	sadd.s32 $0x88, s3;
	s6 =	simm.s32 @!p1 $0x1082;
	[sflag:s4] =	ssyncset.s32 $0xFFFFF086  }
0x25: {  	[simem:s6], [sflag:s4] =	dma.local [hbm:s3], $0xF7A  }
0x26: {  	[smem:$0x3F91] =	sst s1;
	(tag) =	ssettag s2;
	_ =	strace s9  }
0x27: {  	s1 =	sld [smem:$0x3FA1]  }
0x28: {  	s2 =	sld [smem:$0x3FA2]  }
0x29: {  	s4 =	sld [smem:$0x3FA4]  }
0x2a: {  	p0 =	seq.s32 s5, $0x0;
	s5 =	sld [smem:$0x3FA5]  }
0x2b: {  	s6 =	sld [smem:$0x3FA6]  }
0x2c: {  	s7 =	sld [smem:$0x3FA7]  }
0x2d: {  	s3 =	simm.s32 $0x108;
	s8 =	sld [smem:$0x3FA8]  }
0x2e: {  	s3 =	simm.s32 @!p0 $0x1082;
	s9 =	sld [smem:$0x3FA9]  }
0x2f: {  	lr =	sadd.s32 s0, s3;
	s0 =	sld [smem:$0x3FA0]  }
0x30: {  	s3 =	sld [smem:$0x3FA3]  }
0x31: {  	[smem:$0x3FAC] =	sst s10  }
0x32: {  	s10 =	sld [smem:$0x3FAA];
	_ =	sdelay $0x3  }
0x33: {  	p0 =	seq.s32 s10, $0x1;
	s10 =	sld [smem:$0x3FAC];
	_ =	sdelay $0x3  }
0x34: {  	[smem:$0x3FAC] =	sst s10  }
0x35: {  	s10 =	sld [smem:$0x3FAB];
	_ =	sdelay $0x3  }
0x36: {  	p1 =	seq.s32 s10, $0x1;
	s10 =	sld [smem:$0x3FAC];
	_ =	sdelay $0x3  }
0x37: {  	[smem:$0x3FAC] =	sst s10  }
0x38: {  	s10 =	sld [smem:$0x3FAD]  }
0x39: {  	_ = 	snop;
	(pc) =	sbr.ind lr, $3  }
0x3a: {  	_ = 	snop  }
0x3b: {  	_ = 	snop  }
0x3c: {  	p2 =	seq.s32 s10, $0x1;
	s10 =	sld [smem:$0x3FAC]  }
0x3d: {  	_ =	shalt  }
0x3e: {  	_ =	shalt  }
0x3f: {  	_ =	shalt  }
0x40: {  	_ =	shalt  }
0x41: {  	_ =	shalt  }
0x42: {  	_ =	shalt  }
0x43: {  	_ =	shalt  }
0x44: {  	_ =	shalt  }
0x45: {  	_ =	shalt  }
0x46: {  	_ =	shalt  }
0x47: {  	_ =	shalt  }
0x48: {  	_ =	shalt  }
0x49: {  	_ =	shalt  }
0x4a: {  	_ =	shalt  }
0x4b: {  	_ =	shalt  }
0x4c: {  	_ =	shalt  }
0x4d: {  	_ =	shalt  }
0x4e: {  	_ =	shalt  }
0x4f: {  	_ =	shalt  }
0x50: {  	_ =	shalt  }
0x51: {  	_ =	shalt  }
0x52: {  	_ =	shalt  }
0x53: {  	_ =	shalt  }
0x54: {  	_ =	shalt  }
0x55: {  	_ =	shalt  }
0x56: {  	_ =	shalt  }
0x57: {  	_ =	shalt  }
0x58: {  	_ =	shalt  }
0x59: {  	_ =	shalt  }
0x5a: {  	_ =	shalt  }
0x5b: {  	_ =	shalt  }
0x5c: {  	_ =	shalt  }
0x5d: {  	_ =	shalt  }
0x5e: {  	_ =	shalt  }
0x5f: {  	_ =	shalt  }
0x60: {  	_ =	shalt  }
0x61: {  	_ =	shalt  }
0x62: {  	_ =	shalt  }
0x63: {  	_ =	shalt  }
0x64: {  	_ =	shalt  }
0x65: {  	_ =	shalt  }
0x66: {  	_ =	shalt  }
0x67: {  	_ =	shalt  }
0x68: {  	_ =	shalt  }
0x69: {  	_ =	shalt  }
0x6a: {  	_ =	shalt  }
0x6b: {  	_ =	shalt  }
0x6c: {  	_ =	shalt  }
0x6d: {  	_ =	shalt  }
0x6e: {  	_ =	shalt  }
0x6f: {  	_ =	shalt  }
0x70: {  	_ =	shalt  }
0x71: {  	_ =	shalt  }
0x72: {  	_ =	shalt  }
0x73: {  	_ =	shalt  }
0x74: {  	_ =	shalt  }
0x75: {  	_ =	shalt  }
0x76: {  	_ =	shalt  }
0x77: {  	_ =	shalt  }
0x78: {  	_ =	shalt  }
0x79: {  	_ =	shalt  }
0x7a: {  	_ =	shalt  }
0x7b: {  	_ =	shalt  }
0x7c: {  	_ =	shalt  }
0x7d: {  	_ =	shalt  }
0x7e: {  	_ =	shalt  }
0x7f: {  	_ =	shalt  }
0x80: {  	_ =	shalt  }
0x81: {  	_ =	shalt  }
0x82: {  	_ =	shalt  }
0x83: {  	_ =	shalt  }
0x84: {  	_ =	shalt  }
0x85: {  	_ =	shalt  }
0x86: {  	_ =	shalt  }
0x87: {  	_ =	shalt  }
.Lfunc_end0:
.L_simem_size_0:
called_computation.1_lowered:
.L_overlay_start_0:
0x88: {  	s2 =	sld [smem:$0x3FD9]  }
0x89: {  	s3 =	sld [smem:$0x3FFE];
	_ =	sdelay $0x1  }
0x8a: {  	s1 =	srdreg.scid  }
0x8b: {  	s0 =	sand.u32 $0x1, s1  }
0x8c: {  	s17 =	sshll.u32 s0, $0xA;
	s2 =	sadd.s32 s3, s2  }
0x8d: {  	s2 =	sadd.s32 s2, s17  }
0x8e: {  	[smem:$0x3FB8] =	sst s2  }
0x8f: {  	_ = 	snop  }
0x90: {  	s2 =	sld [smem:$0x3FD0];
	(tm) =	ssettm $0x1  }
0x91: {  	s18 =	sld [smem:$0x3FFB];
	_ =	sdelay $0x3  }
0x92: {  	_ =	strace s18  }
0x93: {  	s3 =	sld [smem:$0x3FFC];
	_ =	sdelay $0x3  }
0x94: {  	_ =	strace s3  }
0x95: {  	s3 =	sld [smem:$0x3FFD];
	_ =	sdelay $0x3  }
0x96: {  	_ =	strace s3  }
0x97: {  	_ =	strace $0x8FFFFFFF  }
0x98: {  	s19 =	sld [smem:$0x3FDB];
	_ =	sdelay $0x1  }
0x99: {  	s4 =	simm.s32 $_scs_section_size  }
0x9a: {  	s5 =	simm.s32 $_size__tile_overlayer_lowered;
	s6 =	simm.s32 $_tile_overlayer_lowered  }
0x9b: {  	s22 =	simm.s32 $0x1BFF;
	s21 =	sshll.u32 s6, $0x1;
	s3 =	sadd.s32 s4, s19  }
0x9c: {  	s7 =	simm.s32 $0x0;
	s20 =	sshll.u32 s5, $0x1;
	s5 =	sadd.s32 s21, s3  }
0x9d: {  	[timem:s7], [sflag:s22] =	dma.local [hbm:s5], s20  }
0x9e: {  	_ =	swait.ge [sflag:s22], s20  }
0x9f: {  	s4 =	ssub.s32 $0x0, s20;
	[sflag:s22] =	ssyncset.done $0x0  }
0xa0: {  	[sflag:s22] =	ssyncadd.s32 s4;
	_ =	sdelay $0x1  }
0xa1: {  	s23 =	simm.s32 $0x1B8B  }
0xa2: {  	_ =	swait.ge [sflag:s23], $0x1  }
0xa3: {  	[sflag:s23] =	ssyncset.done $0x0  }
0xa4: {  	s25 =	simm.s32 $0x1B8E;
	s24 =	sld [smem:$0x3FFE];
	[sflag:s23] =	ssyncadd.s32 $0xFFFFFFFF  }
0xa5: {  	s26 =	simm.s32 $execute0_lowered;
	[smem:$0x3FD2] =	sst s25  }
0xa6: {  	s5 =	sshll.u32 s26, $0x1;
	_ =	strace $0x80000049;
	[dreg:$0x1] =	wrdreg $0xFFFFFFFF  }
0xa7: {  	s28 =	simm.s32 $_size_execute0_lowered;
	s3 =	sadd.s32 s3, s5;
	[dreg:$0x0] =	wrdreg $0x0  }
0xa8: {  	s5 =	sshll.u32 s28, $0x1;
	[dreg:$0x2] =	wrdreg s3  }
0xa9: {  	[dreg:$0x3] =	wrdreg s5  }
0xaa: {  	[dreg:$0x4] =	wrdreg $0xC0  }
0xab: {  	_ =	task [dreg:s7], $0x5FFFF  }
0xac: {  	[dreg:$0x1] =	wrdreg $0xFFFFFFFF  }
0xad: {  	[dreg:$0x0] =	wrdreg $0x60  }
0xae: {  	[dreg:$0x2] =	wrdreg s2  }
0xaf: {  	[dreg:$0x3] =	wrdreg s24  }
0xb0: {  	[dreg:$0x4] =	wrdreg $0xA8000  }
0xb1: {  	[dreg:$0x5] =	wrdreg $0x148000  }
0xb2: {  	[dreg:$0x6] =	wrdreg $0x9  }
0xb3: {  	_ =	task.clear_ibuf [dreg:s7], $0x7FFFF;
	_ =	strace $0x90000049  }
0xb4: {  	s29 =	simm.s32 $0x9;
	_ =	strace $0x8000004B  }
0xb5: {  	_ =	swait.ge [sflag:s29], $0x1  }
0xb6: {  	[sflag:s29] =	ssyncadd.s32 $0xFFFFFFFF  }
0xb7: {  	_ =	strace $0x9000004B  }
0xb8: {  	_ =	sfence  }
0xb9: {  	s30 =	sld [smem:$0x0];
	_ =	sdelay $0x2  }
0xba: {  	s31 =	sshll.u32 s1, $0xD;
	s1 =	sshrl.u32 s1, $0x2  }
0xbb: {  	s3 =	sand.u32 $0x4000, s31;
	s1 =	sadd.s32 s1, s30  }
0xbc: {  	s0 =	sor.u32 s3, s0;
	s1 =	sshll.u32 s1, $0x11  }
0xbd: {  	s0 =	sor.u32 s1, s0  }
0xbe: {  	s0 =	sadd.s32 $0x8F2B, s0  }
0xbf: {  	[sflag:s0] =	ssyncadd.remote.s32 $0x1  }
0xc0: {  	_ =	sfence.sel $0xFFFF  }
0xc1: {  	[dreg:$0x0] =	wrdreg $0xFFFFFFFF;
	(pc) =	sbr.abs _section_cstart, $3  }
0xc2: {  	[dreg:$0x1] =	wrdreg $0xFFFFFFFF  }
0xc3: {  	_ =	task.clear_ibuf [dreg:s7], $0x2FFFF;
	_ =	strace $0x9FFFFFFF  }
0xc4: {  	(tm) =	ssettm $0x7FFFFFFF  }
0xc5: {  	_ =	shalt  }
tec
execute0_lowered:
.L_overlay_start_1:
0x0: {  	(tag) =	ssettag $0x1  }
0x1: {  	s0 =	rddreg [dreg:$0x0]  }
0x2: {  	s4 =	rddreg [dreg:$0x1]  }
0x3: {  	s1 =	rddreg [dreg:$0x2]  }
0x4: {  	s2 =	rddreg [dreg:$0x3];
	s3 =	simm.s32 $0x0  }
0x5: {  	s5 =	simm.s32 $0x100;
	[smem:$0x7FF] =	sst s3  }
0x6: {  	s21 =	simm.s32 $0x200;
	_ =	strace $0x8000004A;
	[dreg:$0x5] =	wrdreg s5  }
0x7: {  	s22 =	simm.s32 $0x300;
	[dreg:$0x6] =	wrdreg s21  }
0x8: {  	s23 =	simm.s32 $0x180;
	[dreg:$0x7] =	wrdreg s22  }
0x9: {  	s24 =	simm.s32 $0x280;
	[dreg:$0x8] =	wrdreg s23  }
0xa: {  	s25 =	simm.s32 $0x380;
	[dreg:$0x9] =	wrdreg s24  }
0xb: {  	s26 =	simm.s32 $0x400;
	[dreg:$0xa] =	wrdreg s25  }
0xc: {  	s6 =	simm.s32 $0x500;
	[dreg:$0xb] =	wrdreg s26  }
0xd: {  	s7 =	simm.s32 $0x600;
	[dreg:$0xc] =	wrdreg s6  }
0xe: {  	s8 =	simm.s32 $0x700;
	[dreg:$0xd] =	wrdreg s7  }
0xf: {  	s9 =	simm.s32 $0x480;
	[dreg:$0xe] =	wrdreg s8  }
0x10: {  	s10 =	simm.s32 $0x580;
	[dreg:$0xf] =	wrdreg s9  }
0x11: {  	s11 =	simm.s32 $0x680;
	[dreg:$0x10] =	wrdreg s10  }
0x12: {  	s12 =	simm.s32 $0x780;
	[dreg:$0x11] =	wrdreg s11  }
0x13: {  	s13 =	simm.s32 $0x800;
	[dreg:$0x12] =	wrdreg s12  }
0x14: {  	s14 =	simm.s32 $0x900;
	[dreg:$0x13] =	wrdreg s13  }
0x15: {  	s15 =	simm.s32 $0xA00;
	[dreg:$0x14] =	wrdreg s14  }
0x16: {  	s16 =	simm.s32 $0xB00;
	[dreg:$0x15] =	wrdreg s15  }
0x17: {  	s17 =	simm.s32 $0x880;
	[dreg:$0x16] =	wrdreg s16  }
0x18: {  	s18 =	simm.s32 $0x980;
	[dreg:$0x17] =	wrdreg s17  }
0x19: {  	s19 =	simm.s32 $0xA80;
	[dreg:$0x18] =	wrdreg s18  }
0x1a: {  	s20 =	simm.s32 $0xB80;
	[dreg:$0x19] =	wrdreg s19  }
0x1b: {  	[dreg:$0x1a] =	wrdreg s20;
	s21 =	simm.s32 $0xC00  }
0x1c: {  	s22 =	simm.s32 $0xD00;
	[dreg:$0x1b] =	wrdreg s21  }
0x1d: {  	s23 =	simm.s32 $0xE00;
	[dreg:$0x1c] =	wrdreg s22  }
0x1e: {  	s24 =	simm.s32 $0xF00;
	[dreg:$0x1d] =	wrdreg s23  }
0x1f: {  	s25 =	simm.s32 $0xC80;
	[dreg:$0x1e] =	wrdreg s24  }
0x20: {  	s26 =	simm.s32 $0xD80;
	[dreg:$0x1f] =	wrdreg s25  }
0x21: {  	s6 =	simm.s32 $0xE80;
	[smem:$0x7CA] =	sst s26  }
0x22: {  	s7 =	simm.s32 $0xF80;
	[smem:$0x7CB] =	sst s6  }
0x23: {  	s8 =	simm.s32 $0x1000;
	[smem:$0x7CC] =	sst s7  }
0x24: {  	s9 =	simm.s32 $0x1100;
	[smem:$0x7CD] =	sst s8  }
0x25: {  	s10 =	simm.s32 $0x1200;
	[smem:$0x7CE] =	sst s9  }
0x26: {  	s11 =	simm.s32 $0x1080;
	[smem:$0x7CF] =	sst s10  }
0x27: {  	s12 =	simm.s32 $0x1180;
	[smem:$0x7D1] =	sst s11  }
0x28: {  	s15 =	simm.s32 $0x1280;
	[smem:$0x7D2] =	sst s12  }
0x29: {  	s16 =	simm.s32 $0x1380;
	[smem:$0x7D3] =	sst s15  }
0x2a: {  	s17 =	simm.s32 $0x1500;
	[smem:$0x7D4] =	sst s16  }
0x2b: {  	s18 =	simm.s32 $0x1600;
	[smem:$0x7D5] =	sst s17  }
0x2c: {  	s28 =	simm.s32 $0x7;
	s19 =	simm.s32 $0x1700;
	[smem:$0x7D7] =	sst s18  }
0x2d: {  	s29 =	simm.s32 $0x8;
	s20 =	simm.s32 $0x1480;
	[smem:$0x7D8] =	sst s19  }
0x2e: {  	s30 =	simm.s32 $0xA;
	s7 =	simm.s32 $0x1300;
	[smem:$0x7D9] =	sst s20  }
0x2f: {  	s31 =	simm.s32 $0x2700;
	s11 =	sadd.s32 $0x2CE00, s4;
	[smem:$0x7D0] =	sst s7  }
0x30: {  	s13 =	stileid.u32;
	s21 =	simm.s32 $0x1580;
	[smem:$0x7D6] =	sst s11  }
0x31: {  	s5 =	sadd.s32 $0x18E00, s4;
	s22 =	simm.s32 $0x1680;
	[smem:$0x7DA] =	sst s21  }
0x32: {  	s14 =	srdreg.scid;
	s24 =	simm.s32 $0x1780;
	[smem:$0x7DB] =	sst s22  }
0x33: {  	s6 =	smul.u32 $0x1400, s13;
	s26 =	simm.s32 $0x1800;
	[smem:$0x7DC] =	sst s24  }
0x34: {  	s9 =	sand.u32 $0x1, s14;
	s14 =	simm.s32 $0x1A00;
	[smem:$0x7DD] =	sst s26  }
0x35: {  	s10 =	smul.u32 $0xA000, s13;
	s16 =	simm.s32 $0x1B00;
	[smem:$0x7DF] =	sst s14  }
0x36: {  	s15 =	sshll.u32 s13, $0x6;
	s17 =	simm.s32 $0x1880;
	[smem:$0x7E0] =	sst s16  }
0x37: {  	s18 =	simm.s32 $0x1980;
	s19 =	simm.s32 $0x1A80;
	[smem:$0x7E1] =	sst s17  }
0x38: {  	s13 =	simm.s32 $0x1E80;
	s7 =	smul.u32 $0xA0000, s9;
	[smem:$0x7E2] =	sst s18  }
0x39: {  	s23 =	ssub.s32 $0x2, s9;
	p0 =	seq.s32 s9, $0x1;
	[smem:$0x7E3] =	sst s19  }
0x3a: {  	s21 =	simm.s32 $0x1B80;
	s22 =	simm.s32 $0x1C00;
	s26 =	simm.s32 $0x1F00  }
0x3b: {  	[smem:$0x7EF] =	sst s13;
	s16 =	simm.s32 $0x2000;
	s17 =	simm.s32 $0x2100  }
0x3c: {  	s18 =	simm.s32 $0x2200;
	s19 =	simm.s32 $0x2300;
	[smem:$0x7E4] =	sst s21  }
0x3d: {  	s9 =	simm.s32 $0x0;
	s8 =	sadd.s32 s6, s4;
	[smem:$0x7E6] =	sst s22  }
0x3e: {  	s25 =	sshrl.u32 s23, $0x1;
	s12 =	sadd.s32 s10, s1;
	[smem:$0x7EB] =	sst s26  }
0x3f: {  	s6 =	sor.u32 $0x1C0B, s15;
	s20 =	sadd.s32 s10, s2;
	[smem:$0x7F1] =	sst s16  }
0x40: {  	s0 =	smov.u32 @p0 s5;
	s5 =	simm.s32 $0x1C80;
	[smem:$0x7F2] =	sst s17  }
0x41: {  	s15 =	simm.s32 $0x1F80;
	s16 =	simm.s32 $0x80;
	[smem:$0x7F3] =	sst s18  }
0x42: {  	s17 =	simm.s32 $0x2800;
	s18 =	simm.s32 $0x4800;
	[smem:$0x7F4] =	sst s19  }
0x43: {  	s19 =	simm.s32 $0x6800;
	s21 =	simm.s32 $0x2180;
	[smem:$0x7EC] =	sst s5  }
0x44: {  	s22 =	simm.s32 $0x2280;
	s26 =	simm.s32 $0x2600;
	[smem:$0x7F0] =	sst s15  }
0x45: {  	s7 =	sadd.s32 s10, s7;
	s11 =	ssub.s32 s23, s25;
	[smem:$0x7F6] =	sst s21  }
0x46: {  	s10 =	sshrl.u32 s10, $0x3;
	s23 =	simm.s32 $0x1D00;
	[smem:$0x7F7] =	sst s22  }
0x47: {  	s25 =	simm.s32 $0x1E00;
	s14 =	sshrl.u32 s20, $0x3;
	[smem:$0x7FB] =	sst s26  }
0x48: {  	s15 =	simm.s32 $0x1400;
	s20 =	simm.s32 $0x2080;
	[smem:$0x7FC] =	sst s6  }
0x49: {  	s21 =	simm.s32 $0x1;
	s22 =	simm.s32 $0x2;
	[smem:$0x7E8] =	sst s23  }
0x4a: {  	s26 =	simm.s32 $0x6;
	s5 =	simm.s32 $0x2680;
	[smem:$0x7E9] =	sst s25  }
0x4b: {  	s7 =	sshrl.u32 s7, $0x3;
	s24 =	smax.u32 s11, $0x1;
	[smem:$0x7EE] =	sst s14  }
0x4c: {  	s0 =	sadd.s32 s0, s10;
	s10 =	smov.u32 s6;
	[smem:$0x7F5] =	sst s20  }
0x4d: {  	s11 =	sshrl.u32 s12, $0x3;
	s12 =	simm.s32 $0xB;
	[smem:$0x7E7] =	sst s24  }
0x4e: {  	s14 =	simm.s32 $0x9;
	s23 =	simm.s32 $0x2380;
	[smem:$0x7EA] =	sst s0  }
0x4f: {  	s20 =	simm.s32 $0x8800;
	s25 =	simm.s32 $0x2500;
	[smem:$0x7F8] =	sst s23  }
0x50: {  	s4 =	sadd.s32 s7, s4;
	s7 =	simm.s32 $0x1900;
	[smem:$0x7FA] =	sst s25  }
0x51: {  	s24 =	simm.s32 $0x2400;
	s23 =	simm.s32 $0x3;
	[smem:$0x7FD] =	sst s11  }
0x52: {  	s25 =	simm.s32 $0x5;
	s0 =	simm.s32 $0x2480;
	[smem:$0x7DE] =	sst s7  }
0x53: {  	s7 =	sadd.s32 $0x4E00, s8;
	s4 =	sadd.s32 $0x2E200, s4;
	[smem:$0x7F9] =	sst s24  }
0x54: {  	s8 =	simm.s32 $0x1D80;
	s24 =	simm.s32 $0x4;
	[smem:$0x7E5] =	sst s4  }
0x55: {  	[smem:$0x7ED] =	sst s8;
	s4 =	simm.s32 $0x2580;
	s8 =	simm.s32 $0x2780  }
.LBB2_1:
0x56: {  	s6 =	sld [smem:$0x7D6];
	_ =	sdelay $0x2  }
0x57: {  	[spmem:s11], [sflag:s10] =	dma.local [hbm:s6], $0x1400  }
0x58: {  	_ =	swait.ge [sflag:s12], $0x1400  }
0x59: {  	s11 =	sld [smem:$0x7EA]  }
0x5a: {  	[sflag:s12] =	ssyncset.done $0x0;
	s13 =	sld [smem:$0x7EE]  }
0x5b: {  	[sflag:s12] =	ssyncadd.s32 $0xFFFFEC00  }
0x5c: {  	[tilespmem:s3], [sflag:$0x9] =	stream.linear.gather [hbm4b:s7+s3], $0x1400, $0x38;
	[tilespmem:$0x1E800] =	vst v63  }
0x5d: {  	[spmem:s13], [sflag:s10] =	dma.local [hbm:s11], $0x1400  }
0x5e: {  	_ =	swait.ge [sflag:s12], $0x1400  }
0x5f: {  	[sflag:s12] =	ssyncset.done $0x0  }
0x60: {  	[sflag:s12] =	ssyncadd.s32 $0xFFFFEC00  }
0x61: {  	[bflag:$0x0] =	sbarrier.arrive $0xFFFF  }
0x62: {  	_ =	swait.ge [sflag:s14], $0x1400  }
0x63: {  	s13 =	sadd.s32 $0xFFFFEC00, s7;
	[sflag:s14] =	ssyncset.done $0x0  }
0x64: {  	s10 =	sadd.s32 $0x1680, s13;
	[sflag:s14] =	ssyncadd.s32 $0xFFFFEC00  }
0x65: {  	[tilespmem:s15], [sflag:$0xA] =	stream.linear.gather [hbm4b:s10+s3], $0x1400, $0x38;
	[tilespmem:$0x1E800] =	vst v63  }
0x66: {  	_ = 	snop  }
0x67: {  	[tilespmem:s17], [sflag:$0x1] =	stream.indirect.gather [spmem:s2], $0x40, s3, s16, $0xb8;
	[tilespmem:$0x1E800] =	vst v63  }
0x68: {  	s6 =	rddreg [dreg:$0x5]  }
0x69: {  	[tilespmem:s18], [sflag:$0x2] =	stream.indirect.gather [spmem:s2], $0x40, s6, s16, $0xb8;
	[tilespmem:$0x1E800] =	vst v63  }
0x6a: {  	s13 =	rddreg [dreg:$0x6]  }
0x6b: {  	[tilespmem:s19], [sflag:$0x3] =	stream.indirect.gather [spmem:s2], $0x40, s13, s16, $0xb8;
	[tilespmem:$0x1E800] =	vst v63  }
0x6c: {  	s11 =	rddreg [dreg:$0x7]  }
0x6d: {  	[tilespmem:s20], [sflag:$0x4] =	stream.indirect.gather [spmem:s2], $0x40, s11, s16, $0xb8;
	[tilespmem:$0x1E800] =	vst v63  }
0x6e: {  	_ =	swait.ge [sflag:s21], $0x2000  }
0x6f: {  	[sflag:s21] =	ssyncset.done $0x0  }
0x70: {  	[sflag:s21] =	ssyncadd.s32 $0xFFFFE000  }
0x71: {  	[spmem:s1] =	stream.indirect.scatter.add.f32 [tilespmem:s17], [sflag:$0x5], $0x40, s16, s16, $0xb8;
	[tilespmem:$0x1E800] =	vst v63  }
0x72: {  	_ =	swait.ge [sflag:s22], $0x2000  }
0x73: {  	[sflag:s22] =	ssyncset.done $0x0  }
0x74: {  	s6 =	rddreg [dreg:$0x8];
	[sflag:s22] =	ssyncadd.s32 $0xFFFFE000  }
0x75: {  	[spmem:s1] =	stream.indirect.scatter.add.f32 [tilespmem:s18], [sflag:$0x6], $0x40, s6, s16, $0xb8;
	[tilespmem:$0x1E800] =	vst v63  }
0x76: {  	_ =	swait.ge [sflag:s23], $0x2000  }
0x77: {  	[sflag:s23] =	ssyncset.done $0x0  }
0x78: {  	s11 =	rddreg [dreg:$0x9];
	[sflag:s23] =	ssyncadd.s32 $0xFFFFE000  }
0x79: {  	[spmem:s1] =	stream.indirect.scatter.add.f32 [tilespmem:s19], [sflag:$0x7], $0x40, s11, s16, $0xb8;
	[tilespmem:$0x1E800] =	vst v63  }
0x7a: {  	_ =	swait.ge [sflag:s24], $0x2000  }
0x7b: {  	[sflag:s24] =	ssyncset.done $0x0  }
0x7c: {  	s13 =	rddreg [dreg:$0xa];
	[sflag:s24] =	ssyncadd.s32 $0xFFFFE000  }
0x7d: {  	[spmem:s1] =	stream.indirect.scatter.add.f32 [tilespmem:s20], [sflag:$0x8], $0x40, s13, s16, $0xb8;
	[tilespmem:$0x1E800] =	vst v63  }
0x7e: {  	_ =	swait.ge [sflag:s25], $0x2000  }
0x7f: {  	[sflag:s25] =	ssyncset.done $0x0  }
0x80: {  	s6 =	rddreg [dreg:$0xb];
	[sflag:s25] =	ssyncadd.s32 $0xFFFFE000  }
0x81: {  	[tilespmem:s17], [sflag:$0x1] =	stream.indirect.gather [spmem:s2], $0x40, s6, s16, $0xb8;
	[tilespmem:$0x1E800] =	vst v63  }
0x82: {  	_ =	swait.ge [sflag:s26], $0x2000  }
0x83: {  	[sflag:s26] =	ssyncset.done $0x0  }
0x84: {  	s11 =	rddreg [dreg:$0xc];
	[sflag:s26] =	ssyncadd.s32 $0xFFFFE000  }
0x85: {  	[tilespmem:s18], [sflag:$0x2] =	stream.indirect.gather [spmem:s2], $0x40, s11, s16, $0xb8;
	[tilespmem:$0x1E800] =	vst v63  }
0x86: {  	_ =	swait.ge [sflag:s28], $0x2000  }
0x87: {  	[sflag:s28] =	ssyncset.done $0x0  }
0x88: {  	s13 =	rddreg [dreg:$0xd];
	[sflag:s28] =	ssyncadd.s32 $0xFFFFE000  }
0x89: {  	[tilespmem:s19], [sflag:$0x3] =	stream.indirect.gather [spmem:s2], $0x40, s13, s16, $0xb8;
	[tilespmem:$0x1E800] =	vst v63  }
0x8a: {  	_ =	swait.ge [sflag:s29], $0x2000  }
0x8b: {  	[sflag:s29] =	ssyncset.done $0x0  }
0x8c: {  	s6 =	rddreg [dreg:$0xe];
	[sflag:s29] =	ssyncadd.s32 $0xFFFFE000  }
0x8d: {  	[tilespmem:s20], [sflag:$0x4] =	stream.indirect.gather [spmem:s2], $0x40, s6, s16, $0xb8;
	[tilespmem:$0x1E800] =	vst v63  }
0x8e: {  	_ =	swait.ge [sflag:s21], $0x2000  }
0x8f: {  	[sflag:s21] =	ssyncset.done $0x0  }
0x90: {  	s11 =	rddreg [dreg:$0xf];
	[sflag:s21] =	ssyncadd.s32 $0xFFFFE000  }
0x91: {  	[spmem:s1] =	stream.indirect.scatter.add.f32 [tilespmem:s17], [sflag:$0x5], $0x40, s11, s16, $0xb8;
	[tilespmem:$0x1E800] =	vst v63  }
0x92: {  	_ =	swait.ge [sflag:s22], $0x2000  }
0x93: {  	[sflag:s22] =	ssyncset.done $0x0  }
0x94: {  	s13 =	rddreg [dreg:$0x10];
	[sflag:s22] =	ssyncadd.s32 $0xFFFFE000  }
0x95: {  	[spmem:s1] =	stream.indirect.scatter.add.f32 [tilespmem:s18], [sflag:$0x6], $0x40, s13, s16, $0xb8;
	[tilespmem:$0x1E800] =	vst v63  }
0x96: {  	_ =	swait.ge [sflag:s23], $0x2000  }
0x97: {  	[sflag:s23] =	ssyncset.done $0x0  }
0x98: {  	s6 =	rddreg [dreg:$0x11];
	[sflag:s23] =	ssyncadd.s32 $0xFFFFE000  }
0x99: {  	[spmem:s1] =	stream.indirect.scatter.add.f32 [tilespmem:s19], [sflag:$0x7], $0x40, s6, s16, $0xb8;
	[tilespmem:$0x1E800] =	vst v63  }
0x9a: {  	_ =	swait.ge [sflag:s24], $0x2000  }
0x9b: {  	[sflag:s24] =	ssyncset.done $0x0  }
0x9c: {  	s11 =	rddreg [dreg:$0x12];
	[sflag:s24] =	ssyncadd.s32 $0xFFFFE000  }
0x9d: {  	[spmem:s1] =	stream.indirect.scatter.add.f32 [tilespmem:s20], [sflag:$0x8], $0x40, s11, s16, $0xb8;
	[tilespmem:$0x1E800] =	vst v63  }
0x9e: {  	_ =	swait.ge [sflag:s25], $0x2000  }
0x9f: {  	[sflag:s25] =	ssyncset.done $0x0  }
0xa0: {  	s13 =	rddreg [dreg:$0x13];
	[sflag:s25] =	ssyncadd.s32 $0xFFFFE000  }
0xa1: {  	[tilespmem:s17], [sflag:$0x1] =	stream.indirect.gather [spmem:s2], $0x40, s13, s16, $0xb8;
	[tilespmem:$0x1E800] =	vst v63  }
0xa2: {  	_ =	swait.ge [sflag:s26], $0x2000  }
0xa3: {  	[sflag:s26] =	ssyncset.done $0x0  }
0xa4: {  	s6 =	rddreg [dreg:$0x14];
	[sflag:s26] =	ssyncadd.s32 $0xFFFFE000  }
0xa5: {  	[tilespmem:s18], [sflag:$0x2] =	stream.indirect.gather [spmem:s2], $0x40, s6, s16, $0xb8;
	[tilespmem:$0x1E800] =	vst v63  }
0xa6: {  	_ =	swait.ge [sflag:s28], $0x2000  }
0xa7: {  	[sflag:s28] =	ssyncset.done $0x0  }
0xa8: {  	s11 =	rddreg [dreg:$0x15];
	[sflag:s28] =	ssyncadd.s32 $0xFFFFE000  }
0xa9: {  	[tilespmem:s19], [sflag:$0x3] =	stream.indirect.gather [spmem:s2], $0x40, s11, s16, $0xb8;
	[tilespmem:$0x1E800] =	vst v63  }
0xaa: {  	_ =	swait.ge [sflag:s29], $0x2000  }
0xab: {  	[sflag:s29] =	ssyncset.done $0x0  }
0xac: {  	s13 =	rddreg [dreg:$0x16];
	[sflag:s29] =	ssyncadd.s32 $0xFFFFE000  }
0xad: {  	[tilespmem:s20], [sflag:$0x4] =	stream.indirect.gather [spmem:s2], $0x40, s13, s16, $0xb8;
	[tilespmem:$0x1E800] =	vst v63  }
0xae: {  	_ =	swait.ge [sflag:s21], $0x2000  }
0xaf: {  	[sflag:s21] =	ssyncset.done $0x0  }
0xb0: {  	s6 =	rddreg [dreg:$0x17];
	[sflag:s21] =	ssyncadd.s32 $0xFFFFE000  }
0xb1: {  	[spmem:s1] =	stream.indirect.scatter.add.f32 [tilespmem:s17], [sflag:$0x5], $0x40, s6, s16, $0xb8;
	[tilespmem:$0x1E800] =	vst v63  }
0xb2: {  	_ =	swait.ge [sflag:s22], $0x2000  }
0xb3: {  	[sflag:s22] =	ssyncset.done $0x0  }
0xb4: {  	s11 =	rddreg [dreg:$0x18];
	[sflag:s22] =	ssyncadd.s32 $0xFFFFE000  }
0xb5: {  	[spmem:s1] =	stream.indirect.scatter.add.f32 [tilespmem:s18], [sflag:$0x6], $0x40, s11, s16, $0xb8;
	[tilespmem:$0x1E800] =	vst v63  }
0xb6: {  	_ =	swait.ge [sflag:s23], $0x2000  }
0xb7: {  	[sflag:s23] =	ssyncset.done $0x0  }
0xb8: {  	s13 =	rddreg [dreg:$0x19];
	[sflag:s23] =	ssyncadd.s32 $0xFFFFE000  }
0xb9: {  	[spmem:s1] =	stream.indirect.scatter.add.f32 [tilespmem:s19], [sflag:$0x7], $0x40, s13, s16, $0xb8;
	[tilespmem:$0x1E800] =	vst v63  }
0xba: {  	_ =	swait.ge [sflag:s24], $0x2000  }
0xbb: {  	[sflag:s24] =	ssyncset.done $0x0  }
0xbc: {  	s6 =	rddreg [dreg:$0x1a];
	[sflag:s24] =	ssyncadd.s32 $0xFFFFE000  }
0xbd: {  	[spmem:s1] =	stream.indirect.scatter.add.f32 [tilespmem:s20], [sflag:$0x8], $0x40, s6, s16, $0xb8;
	[tilespmem:$0x1E800] =	vst v63  }
0xbe: {  	_ =	swait.ge [sflag:s25], $0x2000  }
0xbf: {  	[sflag:s25] =	ssyncset.done $0x0  }
0xc0: {  	s11 =	rddreg [dreg:$0x1b];
	[sflag:s25] =	ssyncadd.s32 $0xFFFFE000  }
0xc1: {  	[tilespmem:s17], [sflag:$0x1] =	stream.indirect.gather [spmem:s2], $0x40, s11, s16, $0xb8;
	[tilespmem:$0x1E800] =	vst v63  }
0xc2: {  	_ =	swait.ge [sflag:s26], $0x2000  }
0xc3: {  	[sflag:s26] =	ssyncset.done $0x0  }
0xc4: {  	s13 =	rddreg [dreg:$0x1c];
	[sflag:s26] =	ssyncadd.s32 $0xFFFFE000  }
0xc5: {  	[tilespmem:s18], [sflag:$0x2] =	stream.indirect.gather [spmem:s2], $0x40, s13, s16, $0xb8;
	[tilespmem:$0x1E800] =	vst v63  }
0xc6: {  	_ =	swait.ge [sflag:s28], $0x2000  }
0xc7: {  	[sflag:s28] =	ssyncset.done $0x0  }
0xc8: {  	s6 =	rddreg [dreg:$0x1d];
	[sflag:s28] =	ssyncadd.s32 $0xFFFFE000  }
0xc9: {  	[tilespmem:s19], [sflag:$0x3] =	stream.indirect.gather [spmem:s2], $0x40, s6, s16, $0xb8;
	[tilespmem:$0x1E800] =	vst v63  }
0xca: {  	_ =	swait.ge [sflag:s29], $0x2000  }
0xcb: {  	[sflag:s29] =	ssyncset.done $0x0  }
0xcc: {  	s11 =	rddreg [dreg:$0x1e];
	[sflag:s29] =	ssyncadd.s32 $0xFFFFE000  }
0xcd: {  	[tilespmem:s20], [sflag:$0x4] =	stream.indirect.gather [spmem:s2], $0x40, s11, s16, $0xb8;
	[tilespmem:$0x1E800] =	vst v63  }
0xce: {  	_ =	swait.ge [sflag:s21], $0x2000  }
0xcf: {  	[sflag:s21] =	ssyncset.done $0x0  }
0xd0: {  	s13 =	rddreg [dreg:$0x1f];
	[sflag:s21] =	ssyncadd.s32 $0xFFFFE000  }
0xd1: {  	[spmem:s1] =	stream.indirect.scatter.add.f32 [tilespmem:s17], [sflag:$0x5], $0x40, s13, s16, $0xb8;
	[tilespmem:$0x1E800] =	vst v63  }
0xd2: {  	_ =	swait.ge [sflag:s22], $0x2000  }
0xd3: {  	s6 =	sld [smem:$0x7CA]  }
0xd4: {  	[sflag:s22] =	ssyncset.done $0x0  }
0xd5: {  	[sflag:s22] =	ssyncadd.s32 $0xFFFFE000  }
0xd6: {  	[spmem:s1] =	stream.indirect.scatter.add.f32 [tilespmem:s18], [sflag:$0x6], $0x40, s6, s16, $0xb8;
	[tilespmem:$0x1E800] =	vst v63  }
0xd7: {  	_ =	swait.ge [sflag:s23], $0x2000  }
0xd8: {  	s11 =	sld [smem:$0x7CB]  }
0xd9: {  	[sflag:s23] =	ssyncset.done $0x0  }
0xda: {  	[sflag:s23] =	ssyncadd.s32 $0xFFFFE000  }
0xdb: {  	[spmem:s1] =	stream.indirect.scatter.add.f32 [tilespmem:s19], [sflag:$0x7], $0x40, s11, s16, $0xb8;
	[tilespmem:$0x1E800] =	vst v63  }
0xdc: {  	_ =	swait.ge [sflag:s24], $0x2000  }
0xdd: {  	s13 =	sld [smem:$0x7CC]  }
0xde: {  	[sflag:s24] =	ssyncset.done $0x0  }
0xdf: {  	[sflag:s24] =	ssyncadd.s32 $0xFFFFE000  }
0xe0: {  	[spmem:s1] =	stream.indirect.scatter.add.f32 [tilespmem:s20], [sflag:$0x8], $0x40, s13, s16, $0xb8;
	[tilespmem:$0x1E800] =	vst v63  }
0xe1: {  	_ =	swait.ge [sflag:s25], $0x2000  }
0xe2: {  	s6 =	sld [smem:$0x7CD]  }
0xe3: {  	[sflag:s25] =	ssyncset.done $0x0  }
0xe4: {  	[sflag:s25] =	ssyncadd.s32 $0xFFFFE000  }
0xe5: {  	[tilespmem:s17], [sflag:$0x1] =	stream.indirect.gather [spmem:s2], $0x40, s6, s16, $0xb8;
	[tilespmem:$0x1E800] =	vst v63  }
0xe6: {  	_ =	swait.ge [sflag:s26], $0x2000  }
0xe7: {  	s11 =	sld [smem:$0x7CE]  }
0xe8: {  	[sflag:s26] =	ssyncset.done $0x0  }
0xe9: {  	[sflag:s26] =	ssyncadd.s32 $0xFFFFE000  }
0xea: {  	[tilespmem:s18], [sflag:$0x2] =	stream.indirect.gather [spmem:s2], $0x40, s11, s16, $0xb8;
	[tilespmem:$0x1E800] =	vst v63  }
0xeb: {  	_ =	swait.ge [sflag:s28], $0x2000  }
0xec: {  	s13 =	sld [smem:$0x7CF]  }
0xed: {  	[sflag:s28] =	ssyncset.done $0x0  }
0xee: {  	[sflag:s28] =	ssyncadd.s32 $0xFFFFE000  }
0xef: {  	[tilespmem:s19], [sflag:$0x3] =	stream.indirect.gather [spmem:s2], $0x40, s13, s16, $0xb8;
	[tilespmem:$0x1E800] =	vst v63  }
0xf0: {  	_ =	swait.ge [sflag:s29], $0x2000  }
0xf1: {  	s6 =	sld [smem:$0x7D0]  }
0xf2: {  	[sflag:s29] =	ssyncset.done $0x0  }
0xf3: {  	[sflag:s29] =	ssyncadd.s32 $0xFFFFE000  }
0xf4: {  	[tilespmem:s20], [sflag:$0x4] =	stream.indirect.gather [spmem:s2], $0x40, s6, s16, $0xb8;
	[tilespmem:$0x1E800] =	vst v63  }
0xf5: {  	_ =	swait.ge [sflag:s21], $0x2000  }
0xf6: {  	s11 =	sld [smem:$0x7D1]  }
0xf7: {  	[sflag:s21] =	ssyncset.done $0x0  }
0xf8: {  	[sflag:s21] =	ssyncadd.s32 $0xFFFFE000  }
0xf9: {  	[spmem:s1] =	stream.indirect.scatter.add.f32 [tilespmem:s17], [sflag:$0x5], $0x40, s11, s16, $0xb8;
	[tilespmem:$0x1E800] =	vst v63  }
0xfa: {  	_ =	swait.ge [sflag:s22], $0x2000  }
0xfb: {  	s13 =	sld [smem:$0x7D2]  }
0xfc: {  	[sflag:s22] =	ssyncset.done $0x0  }
0xfd: {  	[sflag:s22] =	ssyncadd.s32 $0xFFFFE000  }
0xfe: {  	[spmem:s1] =	stream.indirect.scatter.add.f32 [tilespmem:s18], [sflag:$0x6], $0x40, s13, s16, $0xb8;
	[tilespmem:$0x1E800] =	vst v63  }
0xff: {  	_ =	swait.ge [sflag:s23], $0x2000  }
0x100: {  	s6 =	sld [smem:$0x7D3]  }
0x101: {  	[sflag:s23] =	ssyncset.done $0x0  }
0x102: {  	[sflag:s23] =	ssyncadd.s32 $0xFFFFE000  }
0x103: {  	[spmem:s1] =	stream.indirect.scatter.add.f32 [tilespmem:s19], [sflag:$0x7], $0x40, s6, s16, $0xb8;
	[tilespmem:$0x1E800] =	vst v63  }
0x104: {  	_ =	swait.ge [sflag:s24], $0x2000  }
0x105: {  	s11 =	sld [smem:$0x7D4]  }
0x106: {  	[sflag:s24] =	ssyncset.done $0x0  }
0x107: {  	[sflag:s24] =	ssyncadd.s32 $0xFFFFE000  }
0x108: {  	[spmem:s1] =	stream.indirect.scatter.add.f32 [tilespmem:s20], [sflag:$0x8], $0x40, s11, s16, $0xb8;
	[tilespmem:$0x1E800] =	vst v63  }
0x109: {  	_ =	swait.ge [sflag:s25], $0x2000  }
0x10a: {  	[sflag:s25] =	ssyncset.done $0x0  }
0x10b: {  	[sflag:s25] =	ssyncadd.s32 $0xFFFFE000  }
0x10c: {  	_ =	swait.ge [sflag:s26], $0x2000  }
0x10d: {  	[sflag:s26] =	ssyncset.done $0x0  }
0x10e: {  	[sflag:s26] =	ssyncadd.s32 $0xFFFFE000  }
0x10f: {  	_ =	swait.ge [sflag:s28], $0x2000  }
0x110: {  	[sflag:s28] =	ssyncset.done $0x0  }
0x111: {  	[sflag:s28] =	ssyncadd.s32 $0xFFFFE000  }
0x112: {  	_ =	swait.ge [sflag:s29], $0x2000  }
0x113: {  	[sflag:s29] =	ssyncset.done $0x0  }
0x114: {  	[sflag:s29] =	ssyncadd.s32 $0xFFFFE000  }
0x115: {  	p0 =	por $0x0, $0x0;
	_ =	swait.ge [sflag:s30], $0x1400  }
0x116: {  	s10 =	sadd.s32 @!p0 $0xFFFFEC00, s7;
	[sflag:s30] =	ssyncset.done $0x0  }
0x117: {  	s10 =	sadd.s32 @!p0 $0x1900, s10;
	s13 =	simm.s32 @!p0 $0x0;
	[sflag:s30] =	ssyncadd.s32 $0xFFFFEC00  }
0x118: {  	[tilespmem:s13], [sflag:$0x9] =	stream.linear.gather @!p0 [hbm4b:s10+s13], $0x1400, $0x38;
	[tilespmem:$0x1E800] =	vst v63  }
0x119: {  	s13 =	sld [smem:$0x7D5]  }
0x11a: {  	[tilespmem:s17], [sflag:$0x1] =	stream.indirect.gather [spmem:s2], $0x40, s15, s16, $0xb8;
	[tilespmem:$0x1E800] =	vst v63  }
0x11b: {  	s6 =	sld [smem:$0x7D7]  }
0x11c: {  	[tilespmem:s18], [sflag:$0x2] =	stream.indirect.gather [spmem:s2], $0x40, s13, s16, $0xb8;
	[tilespmem:$0x1E800] =	vst v63  }
0x11d: {  	s11 =	sld [smem:$0x7D8]  }
0x11e: {  	[tilespmem:s19], [sflag:$0x3] =	stream.indirect.gather [spmem:s2], $0x40, s6, s16, $0xb8;
	[tilespmem:$0x1E800] =	vst v63  }
0x11f: {  	_ = 	snop  }
0x120: {  	[tilespmem:s20], [sflag:$0x4] =	stream.indirect.gather [spmem:s2], $0x40, s11, s16, $0xb8;
	[tilespmem:$0x1E800] =	vst v63  }
0x121: {  	_ =	swait.ge [sflag:s21], $0x2000  }
0x122: {  	s13 =	sld [smem:$0x7D9]  }
0x123: {  	[sflag:s21] =	ssyncset.done $0x0  }
0x124: {  	[sflag:s21] =	ssyncadd.s32 $0xFFFFE000  }
0x125: {  	[spmem:s1] =	stream.indirect.scatter.add.f32 [tilespmem:s17], [sflag:$0x5], $0x40, s13, s16, $0xb8;
	[tilespmem:$0x1E800] =	vst v63  }
0x126: {  	_ =	swait.ge [sflag:s22], $0x2000  }
0x127: {  	s6 =	sld [smem:$0x7DA]  }
0x128: {  	[sflag:s22] =	ssyncset.done $0x0  }
0x129: {  	[sflag:s22] =	ssyncadd.s32 $0xFFFFE000  }
0x12a: {  	[spmem:s1] =	stream.indirect.scatter.add.f32 [tilespmem:s18], [sflag:$0x6], $0x40, s6, s16, $0xb8;
	[tilespmem:$0x1E800] =	vst v63  }
0x12b: {  	_ =	swait.ge [sflag:s23], $0x2000  }
0x12c: {  	s11 =	sld [smem:$0x7DB]  }
0x12d: {  	[sflag:s23] =	ssyncset.done $0x0  }
0x12e: {  	[sflag:s23] =	ssyncadd.s32 $0xFFFFE000  }
0x12f: {  	[spmem:s1] =	stream.indirect.scatter.add.f32 [tilespmem:s19], [sflag:$0x7], $0x40, s11, s16, $0xb8;
	[tilespmem:$0x1E800] =	vst v63  }
0x130: {  	_ =	swait.ge [sflag:s24], $0x2000  }
0x131: {  	s13 =	sld [smem:$0x7DC]  }
0x132: {  	[sflag:s24] =	ssyncset.done $0x0  }
0x133: {  	[sflag:s24] =	ssyncadd.s32 $0xFFFFE000  }
0x134: {  	[spmem:s1] =	stream.indirect.scatter.add.f32 [tilespmem:s20], [sflag:$0x8], $0x40, s13, s16, $0xb8;
	[tilespmem:$0x1E800] =	vst v63  }
0x135: {  	_ =	swait.ge [sflag:s25], $0x2000  }
0x136: {  	s6 =	sld [smem:$0x7DD]  }
0x137: {  	[sflag:s25] =	ssyncset.done $0x0  }
0x138: {  	[sflag:s25] =	ssyncadd.s32 $0xFFFFE000  }
0x139: {  	[tilespmem:s17], [sflag:$0x1] =	stream.indirect.gather [spmem:s2], $0x40, s6, s16, $0xb8;
	[tilespmem:$0x1E800] =	vst v63  }
0x13a: {  	_ =	swait.ge [sflag:s26], $0x2000  }
0x13b: {  	s11 =	sld [smem:$0x7DE]  }
0x13c: {  	[sflag:s26] =	ssyncset.done $0x0  }
0x13d: {  	[sflag:s26] =	ssyncadd.s32 $0xFFFFE000  }
0x13e: {  	[tilespmem:s18], [sflag:$0x2] =	stream.indirect.gather [spmem:s2], $0x40, s11, s16, $0xb8;
	[tilespmem:$0x1E800] =	vst v63  }
0x13f: {  	_ =	swait.ge [sflag:s28], $0x2000  }
0x140: {  	s13 =	sld [smem:$0x7DF]  }
0x141: {  	[sflag:s28] =	ssyncset.done $0x0  }
0x142: {  	[sflag:s28] =	ssyncadd.s32 $0xFFFFE000  }
0x143: {  	[tilespmem:s19], [sflag:$0x3] =	stream.indirect.gather [spmem:s2], $0x40, s13, s16, $0xb8;
	[tilespmem:$0x1E800] =	vst v63  }
0x144: {  	_ =	swait.ge [sflag:s29], $0x2000  }
0x145: {  	s6 =	sld [smem:$0x7E0]  }
0x146: {  	[sflag:s29] =	ssyncset.done $0x0  }
0x147: {  	[sflag:s29] =	ssyncadd.s32 $0xFFFFE000  }
0x148: {  	[tilespmem:s20], [sflag:$0x4] =	stream.indirect.gather [spmem:s2], $0x40, s6, s16, $0xb8;
	[tilespmem:$0x1E800] =	vst v63  }
0x149: {  	_ =	swait.ge [sflag:s21], $0x2000  }
0x14a: {  	s11 =	sld [smem:$0x7E1]  }
0x14b: {  	[sflag:s21] =	ssyncset.done $0x0  }
0x14c: {  	[sflag:s21] =	ssyncadd.s32 $0xFFFFE000  }
0x14d: {  	[spmem:s1] =	stream.indirect.scatter.add.f32 [tilespmem:s17], [sflag:$0x5], $0x40, s11, s16, $0xb8;
	[tilespmem:$0x1E800] =	vst v63  }
0x14e: {  	_ =	swait.ge [sflag:s22], $0x2000  }
0x14f: {  	s13 =	sld [smem:$0x7E2]  }
0x150: {  	[sflag:s22] =	ssyncset.done $0x0  }
0x151: {  	[sflag:s22] =	ssyncadd.s32 $0xFFFFE000  }
0x152: {  	[spmem:s1] =	stream.indirect.scatter.add.f32 [tilespmem:s18], [sflag:$0x6], $0x40, s13, s16, $0xb8;
	[tilespmem:$0x1E800] =	vst v63  }
0x153: {  	_ =	swait.ge [sflag:s23], $0x2000  }
0x154: {  	s6 =	sld [smem:$0x7E3]  }
0x155: {  	[sflag:s23] =	ssyncset.done $0x0  }
0x156: {  	[sflag:s23] =	ssyncadd.s32 $0xFFFFE000  }
0x157: {  	[spmem:s1] =	stream.indirect.scatter.add.f32 [tilespmem:s19], [sflag:$0x7], $0x40, s6, s16, $0xb8;
	[tilespmem:$0x1E800] =	vst v63  }
0x158: {  	_ =	swait.ge [sflag:s24], $0x2000  }
0x159: {  	s11 =	sld [smem:$0x7E4]  }
0x15a: {  	[sflag:s24] =	ssyncset.done $0x0  }
0x15b: {  	[sflag:s24] =	ssyncadd.s32 $0xFFFFE000  }
0x15c: {  	[spmem:s1] =	stream.indirect.scatter.add.f32 [tilespmem:s20], [sflag:$0x8], $0x40, s11, s16, $0xb8;
	[tilespmem:$0x1E800] =	vst v63  }
0x15d: {  	_ =	swait.ge [sflag:s25], $0x2000  }
0x15e: {  	s13 =	sld [smem:$0x7E6]  }
0x15f: {  	[sflag:s25] =	ssyncset.done $0x0  }
0x160: {  	[sflag:s25] =	ssyncadd.s32 $0xFFFFE000  }
0x161: {  	[tilespmem:s17], [sflag:$0x1] =	stream.indirect.gather [spmem:s2], $0x40, s13, s16, $0xb8;
	[tilespmem:$0x1E800] =	vst v63  }
0x162: {  	_ =	swait.ge [sflag:s26], $0x2000  }
0x163: {  	s6 =	sld [smem:$0x7E8]  }
0x164: {  	[sflag:s26] =	ssyncset.done $0x0  }
0x165: {  	[sflag:s26] =	ssyncadd.s32 $0xFFFFE000  }
0x166: {  	[tilespmem:s18], [sflag:$0x2] =	stream.indirect.gather [spmem:s2], $0x40, s6, s16, $0xb8;
	[tilespmem:$0x1E800] =	vst v63  }
0x167: {  	_ =	swait.ge [sflag:s28], $0x2000  }
0x168: {  	s11 =	sld [smem:$0x7E9]  }
0x169: {  	[sflag:s28] =	ssyncset.done $0x0  }
0x16a: {  	[sflag:s28] =	ssyncadd.s32 $0xFFFFE000  }
0x16b: {  	[tilespmem:s19], [sflag:$0x3] =	stream.indirect.gather [spmem:s2], $0x40, s11, s16, $0xb8;
	[tilespmem:$0x1E800] =	vst v63  }
0x16c: {  	_ =	swait.ge [sflag:s29], $0x2000  }
0x16d: {  	s13 =	sld [smem:$0x7EB]  }
0x16e: {  	[sflag:s29] =	ssyncset.done $0x0  }
0x16f: {  	[sflag:s29] =	ssyncadd.s32 $0xFFFFE000  }
0x170: {  	[tilespmem:s20], [sflag:$0x4] =	stream.indirect.gather [spmem:s2], $0x40, s13, s16, $0xb8;
	[tilespmem:$0x1E800] =	vst v63  }
0x171: {  	_ =	swait.ge [sflag:s21], $0x2000  }
0x172: {  	s6 =	sld [smem:$0x7EC]  }
0x173: {  	[sflag:s21] =	ssyncset.done $0x0  }
0x174: {  	[sflag:s21] =	ssyncadd.s32 $0xFFFFE000  }
0x175: {  	[spmem:s1] =	stream.indirect.scatter.add.f32 [tilespmem:s17], [sflag:$0x5], $0x40, s6, s16, $0xb8;
	[tilespmem:$0x1E800] =	vst v63  }
0x176: {  	_ =	swait.ge [sflag:s22], $0x2000  }
0x177: {  	s11 =	sld [smem:$0x7ED]  }
0x178: {  	[sflag:s22] =	ssyncset.done $0x0  }
0x179: {  	[sflag:s22] =	ssyncadd.s32 $0xFFFFE000  }
0x17a: {  	[spmem:s1] =	stream.indirect.scatter.add.f32 [tilespmem:s18], [sflag:$0x6], $0x40, s11, s16, $0xb8;
	[tilespmem:$0x1E800] =	vst v63  }
0x17b: {  	_ =	swait.ge [sflag:s23], $0x2000  }
0x17c: {  	s13 =	sld [smem:$0x7EF]  }
0x17d: {  	[sflag:s23] =	ssyncset.done $0x0  }
0x17e: {  	[sflag:s23] =	ssyncadd.s32 $0xFFFFE000  }
0x17f: {  	[spmem:s1] =	stream.indirect.scatter.add.f32 [tilespmem:s19], [sflag:$0x7], $0x40, s13, s16, $0xb8;
	[tilespmem:$0x1E800] =	vst v63  }
0x180: {  	_ =	swait.ge [sflag:s24], $0x2000  }
0x181: {  	s6 =	sld [smem:$0x7F0]  }
0x182: {  	[sflag:s24] =	ssyncset.done $0x0  }
0x183: {  	[sflag:s24] =	ssyncadd.s32 $0xFFFFE000  }
0x184: {  	[spmem:s1] =	stream.indirect.scatter.add.f32 [tilespmem:s20], [sflag:$0x8], $0x40, s6, s16, $0xb8;
	[tilespmem:$0x1E800] =	vst v63  }
0x185: {  	_ =	swait.ge [sflag:s25], $0x2000  }
0x186: {  	s11 =	sld [smem:$0x7F1]  }
0x187: {  	[sflag:s25] =	ssyncset.done $0x0  }
0x188: {  	[sflag:s25] =	ssyncadd.s32 $0xFFFFE000  }
0x189: {  	[tilespmem:s17], [sflag:$0x1] =	stream.indirect.gather [spmem:s2], $0x40, s11, s16, $0xb8;
	[tilespmem:$0x1E800] =	vst v63  }
0x18a: {  	_ =	swait.ge [sflag:s26], $0x2000  }
0x18b: {  	s13 =	sld [smem:$0x7F2]  }
0x18c: {  	[sflag:s26] =	ssyncset.done $0x0  }
0x18d: {  	[sflag:s26] =	ssyncadd.s32 $0xFFFFE000  }
0x18e: {  	[tilespmem:s18], [sflag:$0x2] =	stream.indirect.gather [spmem:s2], $0x40, s13, s16, $0xb8;
	[tilespmem:$0x1E800] =	vst v63  }
0x18f: {  	_ =	swait.ge [sflag:s28], $0x2000  }
0x190: {  	s6 =	sld [smem:$0x7F3]  }
0x191: {  	[sflag:s28] =	ssyncset.done $0x0  }
0x192: {  	[sflag:s28] =	ssyncadd.s32 $0xFFFFE000  }
0x193: {  	[tilespmem:s19], [sflag:$0x3] =	stream.indirect.gather [spmem:s2], $0x40, s6, s16, $0xb8;
	[tilespmem:$0x1E800] =	vst v63  }
0x194: {  	_ =	swait.ge [sflag:s29], $0x2000  }
0x195: {  	s11 =	sld [smem:$0x7F4]  }
0x196: {  	[sflag:s29] =	ssyncset.done $0x0  }
0x197: {  	[sflag:s29] =	ssyncadd.s32 $0xFFFFE000  }
0x198: {  	[tilespmem:s20], [sflag:$0x4] =	stream.indirect.gather [spmem:s2], $0x40, s11, s16, $0xb8;
	[tilespmem:$0x1E800] =	vst v63  }
0x199: {  	_ =	swait.ge [sflag:s21], $0x2000  }
0x19a: {  	s13 =	sld [smem:$0x7F5]  }
0x19b: {  	[sflag:s21] =	ssyncset.done $0x0  }
0x19c: {  	[sflag:s21] =	ssyncadd.s32 $0xFFFFE000  }
0x19d: {  	[spmem:s1] =	stream.indirect.scatter.add.f32 [tilespmem:s17], [sflag:$0x5], $0x40, s13, s16, $0xb8;
	[tilespmem:$0x1E800] =	vst v63  }
0x19e: {  	_ =	swait.ge [sflag:s22], $0x2000  }
0x19f: {  	s6 =	sld [smem:$0x7F6]  }
0x1a0: {  	[sflag:s22] =	ssyncset.done $0x0  }
0x1a1: {  	[sflag:s22] =	ssyncadd.s32 $0xFFFFE000  }
0x1a2: {  	[spmem:s1] =	stream.indirect.scatter.add.f32 [tilespmem:s18], [sflag:$0x6], $0x40, s6, s16, $0xb8;
	[tilespmem:$0x1E800] =	vst v63  }
0x1a3: {  	_ =	swait.ge [sflag:s23], $0x2000  }
0x1a4: {  	s11 =	sld [smem:$0x7F7]  }
0x1a5: {  	[sflag:s23] =	ssyncset.done $0x0  }
0x1a6: {  	[sflag:s23] =	ssyncadd.s32 $0xFFFFE000  }
0x1a7: {  	[spmem:s1] =	stream.indirect.scatter.add.f32 [tilespmem:s19], [sflag:$0x7], $0x40, s11, s16, $0xb8;
	[tilespmem:$0x1E800] =	vst v63  }
0x1a8: {  	_ =	swait.ge [sflag:s24], $0x2000  }
0x1a9: {  	s13 =	sld [smem:$0x7F8]  }
0x1aa: {  	[sflag:s24] =	ssyncset.done $0x0  }
0x1ab: {  	[sflag:s24] =	ssyncadd.s32 $0xFFFFE000  }
0x1ac: {  	[spmem:s1] =	stream.indirect.scatter.add.f32 [tilespmem:s20], [sflag:$0x8], $0x40, s13, s16, $0xb8;
	[tilespmem:$0x1E800] =	vst v63  }
0x1ad: {  	_ =	swait.ge [sflag:s25], $0x2000  }
0x1ae: {  	s6 =	sld [smem:$0x7F9]  }
0x1af: {  	[sflag:s25] =	ssyncset.done $0x0  }
0x1b0: {  	[sflag:s25] =	ssyncadd.s32 $0xFFFFE000  }
0x1b1: {  	[tilespmem:s17], [sflag:$0x1] =	stream.indirect.gather [spmem:s2], $0x40, s6, s16, $0xb8;
	[tilespmem:$0x1E800] =	vst v63  }
0x1b2: {  	_ =	swait.ge [sflag:s26], $0x2000  }
0x1b3: {  	s11 =	sld [smem:$0x7FA]  }
0x1b4: {  	[sflag:s26] =	ssyncset.done $0x0  }
0x1b5: {  	[sflag:s26] =	ssyncadd.s32 $0xFFFFE000  }
0x1b6: {  	[tilespmem:s18], [sflag:$0x2] =	stream.indirect.gather [spmem:s2], $0x40, s11, s16, $0xb8;
	[tilespmem:$0x1E800] =	vst v63  }
0x1b7: {  	_ =	swait.ge [sflag:s28], $0x2000  }
0x1b8: {  	s13 =	sld [smem:$0x7FB]  }
0x1b9: {  	[sflag:s28] =	ssyncset.done $0x0  }
0x1ba: {  	[sflag:s28] =	ssyncadd.s32 $0xFFFFE000  }
0x1bb: {  	[tilespmem:s19], [sflag:$0x3] =	stream.indirect.gather [spmem:s2], $0x40, s13, s16, $0xb8;
	[tilespmem:$0x1E800] =	vst v63  }
0x1bc: {  	_ =	swait.ge [sflag:s29], $0x2000  }
0x1bd: {  	[sflag:s29] =	ssyncset.done $0x0  }
0x1be: {  	[sflag:s29] =	ssyncadd.s32 $0xFFFFE000  }
0x1bf: {  	[tilespmem:s20], [sflag:$0x4] =	stream.indirect.gather [spmem:s2], $0x40, s31, s16, $0xb8;
	[tilespmem:$0x1E800] =	vst v63  }
0x1c0: {  	_ =	swait.ge [sflag:s21], $0x2000  }
0x1c1: {  	[sflag:s21] =	ssyncset.done $0x0  }
0x1c2: {  	[sflag:s21] =	ssyncadd.s32 $0xFFFFE000  }
0x1c3: {  	[spmem:s1] =	stream.indirect.scatter.add.f32 [tilespmem:s17], [sflag:$0x5], $0x40, s0, s16, $0xb8;
	[tilespmem:$0x1E800] =	vst v63  }
0x1c4: {  	_ =	swait.ge [sflag:s22], $0x2000  }
0x1c5: {  	[sflag:s22] =	ssyncset.done $0x0  }
0x1c6: {  	[sflag:s22] =	ssyncadd.s32 $0xFFFFE000  }
0x1c7: {  	[spmem:s1] =	stream.indirect.scatter.add.f32 [tilespmem:s18], [sflag:$0x6], $0x40, s4, s16, $0xb8;
	[tilespmem:$0x1E800] =	vst v63  }
0x1c8: {  	_ =	swait.ge [sflag:s23], $0x2000  }
0x1c9: {  	[sflag:s23] =	ssyncset.done $0x0  }
0x1ca: {  	[sflag:s23] =	ssyncadd.s32 $0xFFFFE000  }
0x1cb: {  	[spmem:s1] =	stream.indirect.scatter.add.f32 [tilespmem:s19], [sflag:$0x7], $0x40, s5, s16, $0xb8;
	[tilespmem:$0x1E800] =	vst v63  }
0x1cc: {  	_ =	swait.ge [sflag:s24], $0x2000  }
0x1cd: {  	[sflag:s24] =	ssyncset.done $0x0  }
0x1ce: {  	[sflag:s24] =	ssyncadd.s32 $0xFFFFE000  }
0x1cf: {  	[spmem:s1] =	stream.indirect.scatter.add.f32 [tilespmem:s20], [sflag:$0x8], $0x40, s8, s16, $0xb8;
	[tilespmem:$0x1E800] =	vst v63  }
0x1d0: {  	_ =	swait.ge [sflag:s25], $0x2000  }
0x1d1: {  	[sflag:s25] =	ssyncset.done $0x0  }
0x1d2: {  	[sflag:s25] =	ssyncadd.s32 $0xFFFFE000  }
0x1d3: {  	_ =	swait.ge [sflag:s26], $0x2000  }
0x1d4: {  	[sflag:s26] =	ssyncset.done $0x0  }
0x1d5: {  	[sflag:s26] =	ssyncadd.s32 $0xFFFFE000  }
0x1d6: {  	_ =	swait.ge [sflag:s28], $0x2000  }
0x1d7: {  	[sflag:s28] =	ssyncset.done $0x0  }
0x1d8: {  	[sflag:s28] =	ssyncadd.s32 $0xFFFFE000  }
0x1d9: {  	_ =	swait.ge [sflag:s29], $0x2000  }
0x1da: {  	s10 =	simm.s32 $0xFFFFF100;
	[sflag:s29] =	ssyncset.done $0x0  }
.LBB2_2:
0x1db: {  	[sflag:s29] =	ssyncadd.s32 $0xFFFFE000  }
0x1dc: {  	s13 =	smov.u32 s10;
	_ =	swait.ge [sflag:s14], $0x1400  }
0x1dd: {  	s11 =	sadd.s32 s13, s7;
	[sflag:s14] =	ssyncset.done $0x0  }
0x1de: {  	s11 =	sadd.s32 $0x1680, s11;
	[sflag:s14] =	ssyncadd.s32 $0xFFFFEC00  }
0x1df: {  	[tilespmem:s15], [sflag:$0xA] =	stream.linear.gather [hbm4b:s11+s3], $0x1400, $0x38;
	[tilespmem:$0x1E800] =	vst v63  }
0x1e0: {  	_ = 	snop  }
0x1e1: {  	[tilespmem:s17], [sflag:$0x1] =	stream.indirect.gather [spmem:s2], $0x40, s3, s16, $0xb8;
	[tilespmem:$0x1E800] =	vst v63  }
0x1e2: {  	s11 =	rddreg [dreg:$0x5]  }
0x1e3: {  	[tilespmem:s18], [sflag:$0x2] =	stream.indirect.gather [spmem:s2], $0x40, s11, s16, $0xb8;
	[tilespmem:$0x1E800] =	vst v63  }
0x1e4: {  	s6 =	rddreg [dreg:$0x6]  }
0x1e5: {  	[tilespmem:s19], [sflag:$0x3] =	stream.indirect.gather [spmem:s2], $0x40, s6, s16, $0xb8;
	[tilespmem:$0x1E800] =	vst v63  }
0x1e6: {  	s11 =	rddreg [dreg:$0x7]  }
0x1e7: {  	[tilespmem:s20], [sflag:$0x4] =	stream.indirect.gather [spmem:s2], $0x40, s11, s16, $0xb8;
	[tilespmem:$0x1E800] =	vst v63  }
0x1e8: {  	_ =	swait.ge [sflag:s21], $0x2000  }
0x1e9: {  	[sflag:s21] =	ssyncset.done $0x0  }
0x1ea: {  	[sflag:s21] =	ssyncadd.s32 $0xFFFFE000  }
0x1eb: {  	[spmem:s1] =	stream.indirect.scatter.add.f32 [tilespmem:s17], [sflag:$0x5], $0x40, s16, s16, $0xb8;
	[tilespmem:$0x1E800] =	vst v63  }
0x1ec: {  	_ =	swait.ge [sflag:s22], $0x2000  }
0x1ed: {  	[sflag:s22] =	ssyncset.done $0x0  }
0x1ee: {  	s11 =	rddreg [dreg:$0x8];
	[sflag:s22] =	ssyncadd.s32 $0xFFFFE000  }
0x1ef: {  	[spmem:s1] =	stream.indirect.scatter.add.f32 [tilespmem:s18], [sflag:$0x6], $0x40, s11, s16, $0xb8;
	[tilespmem:$0x1E800] =	vst v63  }
0x1f0: {  	_ =	swait.ge [sflag:s23], $0x2000  }
0x1f1: {  	[sflag:s23] =	ssyncset.done $0x0  }
0x1f2: {  	s11 =	rddreg [dreg:$0x9];
	[sflag:s23] =	ssyncadd.s32 $0xFFFFE000  }
0x1f3: {  	[spmem:s1] =	stream.indirect.scatter.add.f32 [tilespmem:s19], [sflag:$0x7], $0x40, s11, s16, $0xb8;
	[tilespmem:$0x1E800] =	vst v63  }
0x1f4: {  	_ =	swait.ge [sflag:s24], $0x2000  }
0x1f5: {  	[sflag:s24] =	ssyncset.done $0x0  }
0x1f6: {  	s11 =	rddreg [dreg:$0xa];
	[sflag:s24] =	ssyncadd.s32 $0xFFFFE000  }
0x1f7: {  	[spmem:s1] =	stream.indirect.scatter.add.f32 [tilespmem:s20], [sflag:$0x8], $0x40, s11, s16, $0xb8;
	[tilespmem:$0x1E800] =	vst v63  }
0x1f8: {  	_ =	swait.ge [sflag:s25], $0x2000  }
0x1f9: {  	[sflag:s25] =	ssyncset.done $0x0  }
0x1fa: {  	s11 =	rddreg [dreg:$0xb];
	[sflag:s25] =	ssyncadd.s32 $0xFFFFE000  }
0x1fb: {  	[tilespmem:s17], [sflag:$0x1] =	stream.indirect.gather [spmem:s2], $0x40, s11, s16, $0xb8;
	[tilespmem:$0x1E800] =	vst v63  }
0x1fc: {  	_ =	swait.ge [sflag:s26], $0x2000  }
0x1fd: {  	[sflag:s26] =	ssyncset.done $0x0  }
0x1fe: {  	s11 =	rddreg [dreg:$0xc];
	[sflag:s26] =	ssyncadd.s32 $0xFFFFE000  }
0x1ff: {  	[tilespmem:s18], [sflag:$0x2] =	stream.indirect.gather [spmem:s2], $0x40, s11, s16, $0xb8;
	[tilespmem:$0x1E800] =	vst v63  }
0x200: {  	_ =	swait.ge [sflag:s28], $0x2000  }
0x201: {  	[sflag:s28] =	ssyncset.done $0x0  }
0x202: {  	s11 =	rddreg [dreg:$0xd];
	[sflag:s28] =	ssyncadd.s32 $0xFFFFE000  }
0x203: {  	[tilespmem:s19], [sflag:$0x3] =	stream.indirect.gather [spmem:s2], $0x40, s11, s16, $0xb8;
	[tilespmem:$0x1E800] =	vst v63  }
0x204: {  	_ =	swait.ge [sflag:s29], $0x2000  }
0x205: {  	[sflag:s29] =	ssyncset.done $0x0  }
0x206: {  	s11 =	rddreg [dreg:$0xe];
	[sflag:s29] =	ssyncadd.s32 $0xFFFFE000  }
0x207: {  	[tilespmem:s20], [sflag:$0x4] =	stream.indirect.gather [spmem:s2], $0x40, s11, s16, $0xb8;
	[tilespmem:$0x1E800] =	vst v63  }
0x208: {  	_ =	swait.ge [sflag:s21], $0x2000  }
0x209: {  	[sflag:s21] =	ssyncset.done $0x0  }
0x20a: {  	s11 =	rddreg [dreg:$0xf];
	[sflag:s21] =	ssyncadd.s32 $0xFFFFE000  }
0x20b: {  	[spmem:s1] =	stream.indirect.scatter.add.f32 [tilespmem:s17], [sflag:$0x5], $0x40, s11, s16, $0xb8;
	[tilespmem:$0x1E800] =	vst v63  }
0x20c: {  	_ =	swait.ge [sflag:s22], $0x2000  }
0x20d: {  	[sflag:s22] =	ssyncset.done $0x0  }
0x20e: {  	s11 =	rddreg [dreg:$0x10];
	[sflag:s22] =	ssyncadd.s32 $0xFFFFE000  }
0x20f: {  	[spmem:s1] =	stream.indirect.scatter.add.f32 [tilespmem:s18], [sflag:$0x6], $0x40, s11, s16, $0xb8;
	[tilespmem:$0x1E800] =	vst v63  }
0x210: {  	_ =	swait.ge [sflag:s23], $0x2000  }
0x211: {  	[sflag:s23] =	ssyncset.done $0x0  }
0x212: {  	s11 =	rddreg [dreg:$0x11];
	[sflag:s23] =	ssyncadd.s32 $0xFFFFE000  }
0x213: {  	[spmem:s1] =	stream.indirect.scatter.add.f32 [tilespmem:s19], [sflag:$0x7], $0x40, s11, s16, $0xb8;
	[tilespmem:$0x1E800] =	vst v63  }
0x214: {  	_ =	swait.ge [sflag:s24], $0x2000  }
0x215: {  	[sflag:s24] =	ssyncset.done $0x0  }
0x216: {  	s11 =	rddreg [dreg:$0x12];
	[sflag:s24] =	ssyncadd.s32 $0xFFFFE000  }
0x217: {  	[spmem:s1] =	stream.indirect.scatter.add.f32 [tilespmem:s20], [sflag:$0x8], $0x40, s11, s16, $0xb8;
	[tilespmem:$0x1E800] =	vst v63  }
0x218: {  	_ =	swait.ge [sflag:s25], $0x2000  }
0x219: {  	[sflag:s25] =	ssyncset.done $0x0  }
0x21a: {  	s11 =	rddreg [dreg:$0x13];
	[sflag:s25] =	ssyncadd.s32 $0xFFFFE000  }
0x21b: {  	[tilespmem:s17], [sflag:$0x1] =	stream.indirect.gather [spmem:s2], $0x40, s11, s16, $0xb8;
	[tilespmem:$0x1E800] =	vst v63  }
0x21c: {  	_ =	swait.ge [sflag:s26], $0x2000  }
0x21d: {  	[sflag:s26] =	ssyncset.done $0x0  }
0x21e: {  	s11 =	rddreg [dreg:$0x14];
	[sflag:s26] =	ssyncadd.s32 $0xFFFFE000  }
0x21f: {  	[tilespmem:s18], [sflag:$0x2] =	stream.indirect.gather [spmem:s2], $0x40, s11, s16, $0xb8;
	[tilespmem:$0x1E800] =	vst v63  }
0x220: {  	_ =	swait.ge [sflag:s28], $0x2000  }
0x221: {  	[sflag:s28] =	ssyncset.done $0x0  }
0x222: {  	s11 =	rddreg [dreg:$0x15];
	[sflag:s28] =	ssyncadd.s32 $0xFFFFE000  }
0x223: {  	[tilespmem:s19], [sflag:$0x3] =	stream.indirect.gather [spmem:s2], $0x40, s11, s16, $0xb8;
	[tilespmem:$0x1E800] =	vst v63  }
0x224: {  	_ =	swait.ge [sflag:s29], $0x2000  }
0x225: {  	[sflag:s29] =	ssyncset.done $0x0  }
0x226: {  	s11 =	rddreg [dreg:$0x16];
	[sflag:s29] =	ssyncadd.s32 $0xFFFFE000  }
0x227: {  	[tilespmem:s20], [sflag:$0x4] =	stream.indirect.gather [spmem:s2], $0x40, s11, s16, $0xb8;
	[tilespmem:$0x1E800] =	vst v63  }
0x228: {  	_ =	swait.ge [sflag:s21], $0x2000  }
0x229: {  	[sflag:s21] =	ssyncset.done $0x0  }
0x22a: {  	s11 =	rddreg [dreg:$0x17];
	[sflag:s21] =	ssyncadd.s32 $0xFFFFE000  }
0x22b: {  	[spmem:s1] =	stream.indirect.scatter.add.f32 [tilespmem:s17], [sflag:$0x5], $0x40, s11, s16, $0xb8;
	[tilespmem:$0x1E800] =	vst v63  }
0x22c: {  	_ =	swait.ge [sflag:s22], $0x2000  }
0x22d: {  	[sflag:s22] =	ssyncset.done $0x0  }
0x22e: {  	s11 =	rddreg [dreg:$0x18];
	[sflag:s22] =	ssyncadd.s32 $0xFFFFE000  }
0x22f: {  	[spmem:s1] =	stream.indirect.scatter.add.f32 [tilespmem:s18], [sflag:$0x6], $0x40, s11, s16, $0xb8;
	[tilespmem:$0x1E800] =	vst v63  }
0x230: {  	_ =	swait.ge [sflag:s23], $0x2000  }
0x231: {  	[sflag:s23] =	ssyncset.done $0x0  }
0x232: {  	s11 =	rddreg [dreg:$0x19];
	[sflag:s23] =	ssyncadd.s32 $0xFFFFE000  }
0x233: {  	[spmem:s1] =	stream.indirect.scatter.add.f32 [tilespmem:s19], [sflag:$0x7], $0x40, s11, s16, $0xb8;
	[tilespmem:$0x1E800] =	vst v63  }
0x234: {  	_ =	swait.ge [sflag:s24], $0x2000  }
0x235: {  	[sflag:s24] =	ssyncset.done $0x0  }
0x236: {  	s11 =	rddreg [dreg:$0x1a];
	[sflag:s24] =	ssyncadd.s32 $0xFFFFE000  }
0x237: {  	[spmem:s1] =	stream.indirect.scatter.add.f32 [tilespmem:s20], [sflag:$0x8], $0x40, s11, s16, $0xb8;
	[tilespmem:$0x1E800] =	vst v63  }
0x238: {  	_ =	swait.ge [sflag:s25], $0x2000  }
0x239: {  	[sflag:s25] =	ssyncset.done $0x0  }
0x23a: {  	s11 =	rddreg [dreg:$0x1b];
	[sflag:s25] =	ssyncadd.s32 $0xFFFFE000  }
0x23b: {  	[tilespmem:s17], [sflag:$0x1] =	stream.indirect.gather [spmem:s2], $0x40, s11, s16, $0xb8;
	[tilespmem:$0x1E800] =	vst v63  }
0x23c: {  	_ =	swait.ge [sflag:s26], $0x2000  }
0x23d: {  	[sflag:s26] =	ssyncset.done $0x0  }
0x23e: {  	s11 =	rddreg [dreg:$0x1c];
	[sflag:s26] =	ssyncadd.s32 $0xFFFFE000  }
0x23f: {  	[tilespmem:s18], [sflag:$0x2] =	stream.indirect.gather [spmem:s2], $0x40, s11, s16, $0xb8;
	[tilespmem:$0x1E800] =	vst v63  }
0x240: {  	_ =	swait.ge [sflag:s28], $0x2000  }
0x241: {  	[sflag:s28] =	ssyncset.done $0x0  }
0x242: {  	s11 =	rddreg [dreg:$0x1d];
	[sflag:s28] =	ssyncadd.s32 $0xFFFFE000  }
0x243: {  	[tilespmem:s19], [sflag:$0x3] =	stream.indirect.gather [spmem:s2], $0x40, s11, s16, $0xb8;
	[tilespmem:$0x1E800] =	vst v63  }
0x244: {  	_ =	swait.ge [sflag:s29], $0x2000  }
0x245: {  	[sflag:s29] =	ssyncset.done $0x0  }
0x246: {  	s11 =	rddreg [dreg:$0x1e];
	[sflag:s29] =	ssyncadd.s32 $0xFFFFE000  }
0x247: {  	[tilespmem:s20], [sflag:$0x4] =	stream.indirect.gather [spmem:s2], $0x40, s11, s16, $0xb8;
	[tilespmem:$0x1E800] =	vst v63  }
0x248: {  	_ =	swait.ge [sflag:s21], $0x2000  }
0x249: {  	[sflag:s21] =	ssyncset.done $0x0  }
0x24a: {  	s11 =	rddreg [dreg:$0x1f];
	[sflag:s21] =	ssyncadd.s32 $0xFFFFE000  }
0x24b: {  	[spmem:s1] =	stream.indirect.scatter.add.f32 [tilespmem:s17], [sflag:$0x5], $0x40, s11, s16, $0xb8;
	[tilespmem:$0x1E800] =	vst v63  }
0x24c: {  	_ =	swait.ge [sflag:s22], $0x2000  }
0x24d: {  	s11 =	sld [smem:$0x7CA]  }
0x24e: {  	[sflag:s22] =	ssyncset.done $0x0  }
0x24f: {  	[sflag:s22] =	ssyncadd.s32 $0xFFFFE000  }
0x250: {  	[spmem:s1] =	stream.indirect.scatter.add.f32 [tilespmem:s18], [sflag:$0x6], $0x40, s11, s16, $0xb8;
	[tilespmem:$0x1E800] =	vst v63  }
0x251: {  	_ =	swait.ge [sflag:s23], $0x2000  }
0x252: {  	s11 =	sld [smem:$0x7CB]  }
0x253: {  	[sflag:s23] =	ssyncset.done $0x0  }
0x254: {  	[sflag:s23] =	ssyncadd.s32 $0xFFFFE000  }
0x255: {  	[spmem:s1] =	stream.indirect.scatter.add.f32 [tilespmem:s19], [sflag:$0x7], $0x40, s11, s16, $0xb8;
	[tilespmem:$0x1E800] =	vst v63  }
0x256: {  	_ =	swait.ge [sflag:s24], $0x2000  }
0x257: {  	s11 =	sld [smem:$0x7CC]  }
0x258: {  	[sflag:s24] =	ssyncset.done $0x0  }
0x259: {  	[sflag:s24] =	ssyncadd.s32 $0xFFFFE000  }
0x25a: {  	[spmem:s1] =	stream.indirect.scatter.add.f32 [tilespmem:s20], [sflag:$0x8], $0x40, s11, s16, $0xb8;
	[tilespmem:$0x1E800] =	vst v63  }
0x25b: {  	_ =	swait.ge [sflag:s25], $0x2000  }
0x25c: {  	s11 =	sld [smem:$0x7CD]  }
0x25d: {  	[sflag:s25] =	ssyncset.done $0x0  }
0x25e: {  	[sflag:s25] =	ssyncadd.s32 $0xFFFFE000  }
0x25f: {  	[tilespmem:s17], [sflag:$0x1] =	stream.indirect.gather [spmem:s2], $0x40, s11, s16, $0xb8;
	[tilespmem:$0x1E800] =	vst v63  }
0x260: {  	_ =	swait.ge [sflag:s26], $0x2000  }
0x261: {  	s11 =	sld [smem:$0x7CE]  }
0x262: {  	[sflag:s26] =	ssyncset.done $0x0  }
0x263: {  	[sflag:s26] =	ssyncadd.s32 $0xFFFFE000  }
0x264: {  	[tilespmem:s18], [sflag:$0x2] =	stream.indirect.gather [spmem:s2], $0x40, s11, s16, $0xb8;
	[tilespmem:$0x1E800] =	vst v63  }
0x265: {  	_ =	swait.ge [sflag:s28], $0x2000  }
0x266: {  	s11 =	sld [smem:$0x7CF]  }
0x267: {  	[sflag:s28] =	ssyncset.done $0x0  }
0x268: {  	[sflag:s28] =	ssyncadd.s32 $0xFFFFE000  }
0x269: {  	[tilespmem:s19], [sflag:$0x3] =	stream.indirect.gather [spmem:s2], $0x40, s11, s16, $0xb8;
	[tilespmem:$0x1E800] =	vst v63  }
0x26a: {  	_ =	swait.ge [sflag:s29], $0x2000  }
0x26b: {  	s11 =	sld [smem:$0x7D0]  }
0x26c: {  	[sflag:s29] =	ssyncset.done $0x0  }
0x26d: {  	[sflag:s29] =	ssyncadd.s32 $0xFFFFE000  }
0x26e: {  	[tilespmem:s20], [sflag:$0x4] =	stream.indirect.gather [spmem:s2], $0x40, s11, s16, $0xb8;
	[tilespmem:$0x1E800] =	vst v63  }
0x26f: {  	_ =	swait.ge [sflag:s21], $0x2000  }
0x270: {  	s11 =	sld [smem:$0x7D1]  }
0x271: {  	[sflag:s21] =	ssyncset.done $0x0  }
0x272: {  	[sflag:s21] =	ssyncadd.s32 $0xFFFFE000  }
0x273: {  	[spmem:s1] =	stream.indirect.scatter.add.f32 [tilespmem:s17], [sflag:$0x5], $0x40, s11, s16, $0xb8;
	[tilespmem:$0x1E800] =	vst v63  }
0x274: {  	_ =	swait.ge [sflag:s22], $0x2000  }
0x275: {  	s11 =	sld [smem:$0x7D2]  }
0x276: {  	[sflag:s22] =	ssyncset.done $0x0  }
0x277: {  	[sflag:s22] =	ssyncadd.s32 $0xFFFFE000  }
0x278: {  	[spmem:s1] =	stream.indirect.scatter.add.f32 [tilespmem:s18], [sflag:$0x6], $0x40, s11, s16, $0xb8;
	[tilespmem:$0x1E800] =	vst v63  }
0x279: {  	_ =	swait.ge [sflag:s23], $0x2000  }
0x27a: {  	s11 =	sld [smem:$0x7D3]  }
0x27b: {  	[sflag:s23] =	ssyncset.done $0x0  }
0x27c: {  	[sflag:s23] =	ssyncadd.s32 $0xFFFFE000  }
0x27d: {  	[spmem:s1] =	stream.indirect.scatter.add.f32 [tilespmem:s19], [sflag:$0x7], $0x40, s11, s16, $0xb8;
	[tilespmem:$0x1E800] =	vst v63  }
0x27e: {  	_ =	swait.ge [sflag:s24], $0x2000  }
0x27f: {  	s11 =	sld [smem:$0x7D4]  }
0x280: {  	[sflag:s24] =	ssyncset.done $0x0  }
0x281: {  	[sflag:s24] =	ssyncadd.s32 $0xFFFFE000  }
0x282: {  	[spmem:s1] =	stream.indirect.scatter.add.f32 [tilespmem:s20], [sflag:$0x8], $0x40, s11, s16, $0xb8;
	[tilespmem:$0x1E800] =	vst v63  }
0x283: {  	_ =	swait.ge [sflag:s25], $0x2000  }
0x284: {  	[sflag:s25] =	ssyncset.done $0x0  }
0x285: {  	[sflag:s25] =	ssyncadd.s32 $0xFFFFE000  }
0x286: {  	_ =	swait.ge [sflag:s26], $0x2000  }
0x287: {  	[sflag:s26] =	ssyncset.done $0x0  }
0x288: {  	[sflag:s26] =	ssyncadd.s32 $0xFFFFE000  }
0x289: {  	_ =	swait.ge [sflag:s28], $0x2000  }
0x28a: {  	[sflag:s28] =	ssyncset.done $0x0  }
0x28b: {  	[sflag:s28] =	ssyncadd.s32 $0xFFFFE000  }
0x28c: {  	_ =	swait.ge [sflag:s29], $0x2000  }
0x28d: {  	[sflag:s29] =	ssyncset.done $0x0  }
0x28e: {  	[sflag:s29] =	ssyncadd.s32 $0xFFFFE000  }
0x28f: {  	p1 =	seq.s32 s13, $0xFFFFFB00;
	_ =	swait.ge [sflag:s30], $0x1400  }
0x290: {  	s6 =	sadd.s32 @!p1 s13, s7;
	[sflag:s30] =	ssyncset.done $0x0  }
0x291: {  	s6 =	sadd.s32 @!p1 $0x1900, s6;
	s11 =	simm.s32 @!p1 $0x0;
	[sflag:s30] =	ssyncadd.s32 $0xFFFFEC00  }
0x292: {  	[tilespmem:s11], [sflag:$0x9] =	stream.linear.gather @!p1 [hbm4b:s6+s11], $0x1400, $0x38;
	[tilespmem:$0x1E800] =	vst v63  }
0x293: {  	s13 =	sld [smem:$0x7D5]  }
0x294: {  	[tilespmem:s17], [sflag:$0x1] =	stream.indirect.gather [spmem:s2], $0x40, s15, s16, $0xb8;
	[tilespmem:$0x1E800] =	vst v63  }
0x295: {  	s11 =	sld [smem:$0x7D7]  }
0x296: {  	[tilespmem:s18], [sflag:$0x2] =	stream.indirect.gather [spmem:s2], $0x40, s13, s16, $0xb8;
	[tilespmem:$0x1E800] =	vst v63  }
0x297: {  	s13 =	sld [smem:$0x7D8]  }
0x298: {  	[tilespmem:s19], [sflag:$0x3] =	stream.indirect.gather [spmem:s2], $0x40, s11, s16, $0xb8;
	[tilespmem:$0x1E800] =	vst v63  }
0x299: {  	_ = 	snop  }
0x29a: {  	[tilespmem:s20], [sflag:$0x4] =	stream.indirect.gather [spmem:s2], $0x40, s13, s16, $0xb8;
	[tilespmem:$0x1E800] =	vst v63  }
0x29b: {  	_ =	swait.ge [sflag:s21], $0x2000  }
0x29c: {  	s13 =	sld [smem:$0x7D9]  }
0x29d: {  	[sflag:s21] =	ssyncset.done $0x0  }
0x29e: {  	[sflag:s21] =	ssyncadd.s32 $0xFFFFE000  }
0x29f: {  	[spmem:s1] =	stream.indirect.scatter.add.f32 [tilespmem:s17], [sflag:$0x5], $0x40, s13, s16, $0xb8;
	[tilespmem:$0x1E800] =	vst v63  }
0x2a0: {  	_ =	swait.ge [sflag:s22], $0x2000  }
0x2a1: {  	s11 =	sld [smem:$0x7DA]  }
0x2a2: {  	[sflag:s22] =	ssyncset.done $0x0  }
0x2a3: {  	[sflag:s22] =	ssyncadd.s32 $0xFFFFE000  }
0x2a4: {  	[spmem:s1] =	stream.indirect.scatter.add.f32 [tilespmem:s18], [sflag:$0x6], $0x40, s11, s16, $0xb8;
	[tilespmem:$0x1E800] =	vst v63  }
0x2a5: {  	_ =	swait.ge [sflag:s23], $0x2000  }
0x2a6: {  	s13 =	sld [smem:$0x7DB]  }
0x2a7: {  	[sflag:s23] =	ssyncset.done $0x0  }
0x2a8: {  	[sflag:s23] =	ssyncadd.s32 $0xFFFFE000  }
0x2a9: {  	[spmem:s1] =	stream.indirect.scatter.add.f32 [tilespmem:s19], [sflag:$0x7], $0x40, s13, s16, $0xb8;
	[tilespmem:$0x1E800] =	vst v63  }
0x2aa: {  	_ =	swait.ge [sflag:s24], $0x2000  }
0x2ab: {  	s11 =	sld [smem:$0x7DC]  }
0x2ac: {  	[sflag:s24] =	ssyncset.done $0x0  }
0x2ad: {  	[sflag:s24] =	ssyncadd.s32 $0xFFFFE000  }
0x2ae: {  	[spmem:s1] =	stream.indirect.scatter.add.f32 [tilespmem:s20], [sflag:$0x8], $0x40, s11, s16, $0xb8;
	[tilespmem:$0x1E800] =	vst v63  }
0x2af: {  	_ =	swait.ge [sflag:s25], $0x2000  }
0x2b0: {  	s13 =	sld [smem:$0x7DD]  }
0x2b1: {  	[sflag:s25] =	ssyncset.done $0x0  }
0x2b2: {  	[sflag:s25] =	ssyncadd.s32 $0xFFFFE000  }
0x2b3: {  	[tilespmem:s17], [sflag:$0x1] =	stream.indirect.gather [spmem:s2], $0x40, s13, s16, $0xb8;
	[tilespmem:$0x1E800] =	vst v63  }
0x2b4: {  	_ =	swait.ge [sflag:s26], $0x2000  }
0x2b5: {  	s11 =	sld [smem:$0x7DE]  }
0x2b6: {  	[sflag:s26] =	ssyncset.done $0x0  }
0x2b7: {  	[sflag:s26] =	ssyncadd.s32 $0xFFFFE000  }
0x2b8: {  	[tilespmem:s18], [sflag:$0x2] =	stream.indirect.gather [spmem:s2], $0x40, s11, s16, $0xb8;
	[tilespmem:$0x1E800] =	vst v63  }
0x2b9: {  	_ =	swait.ge [sflag:s28], $0x2000  }
0x2ba: {  	s13 =	sld [smem:$0x7DF]  }
0x2bb: {  	[sflag:s28] =	ssyncset.done $0x0  }
0x2bc: {  	[sflag:s28] =	ssyncadd.s32 $0xFFFFE000  }
0x2bd: {  	[tilespmem:s19], [sflag:$0x3] =	stream.indirect.gather [spmem:s2], $0x40, s13, s16, $0xb8;
	[tilespmem:$0x1E800] =	vst v63  }
0x2be: {  	_ =	swait.ge [sflag:s29], $0x2000  }
0x2bf: {  	s11 =	sld [smem:$0x7E0]  }
0x2c0: {  	[sflag:s29] =	ssyncset.done $0x0  }
0x2c1: {  	[sflag:s29] =	ssyncadd.s32 $0xFFFFE000  }
0x2c2: {  	[tilespmem:s20], [sflag:$0x4] =	stream.indirect.gather [spmem:s2], $0x40, s11, s16, $0xb8;
	[tilespmem:$0x1E800] =	vst v63  }
0x2c3: {  	_ =	swait.ge [sflag:s21], $0x2000  }
0x2c4: {  	s13 =	sld [smem:$0x7E1]  }
0x2c5: {  	[sflag:s21] =	ssyncset.done $0x0  }
0x2c6: {  	[sflag:s21] =	ssyncadd.s32 $0xFFFFE000  }
0x2c7: {  	[spmem:s1] =	stream.indirect.scatter.add.f32 [tilespmem:s17], [sflag:$0x5], $0x40, s13, s16, $0xb8;
	[tilespmem:$0x1E800] =	vst v63  }
0x2c8: {  	_ =	swait.ge [sflag:s22], $0x2000  }
0x2c9: {  	s11 =	sld [smem:$0x7E2]  }
0x2ca: {  	[sflag:s22] =	ssyncset.done $0x0  }
0x2cb: {  	[sflag:s22] =	ssyncadd.s32 $0xFFFFE000  }
0x2cc: {  	[spmem:s1] =	stream.indirect.scatter.add.f32 [tilespmem:s18], [sflag:$0x6], $0x40, s11, s16, $0xb8;
	[tilespmem:$0x1E800] =	vst v63  }
0x2cd: {  	_ =	swait.ge [sflag:s23], $0x2000  }
0x2ce: {  	s13 =	sld [smem:$0x7E3]  }
0x2cf: {  	[sflag:s23] =	ssyncset.done $0x0  }
0x2d0: {  	[sflag:s23] =	ssyncadd.s32 $0xFFFFE000  }
0x2d1: {  	[spmem:s1] =	stream.indirect.scatter.add.f32 [tilespmem:s19], [sflag:$0x7], $0x40, s13, s16, $0xb8;
	[tilespmem:$0x1E800] =	vst v63  }
0x2d2: {  	_ =	swait.ge [sflag:s24], $0x2000  }
0x2d3: {  	s11 =	sld [smem:$0x7E4]  }
0x2d4: {  	[sflag:s24] =	ssyncset.done $0x0  }
0x2d5: {  	[sflag:s24] =	ssyncadd.s32 $0xFFFFE000  }
0x2d6: {  	[spmem:s1] =	stream.indirect.scatter.add.f32 [tilespmem:s20], [sflag:$0x8], $0x40, s11, s16, $0xb8;
	[tilespmem:$0x1E800] =	vst v63  }
0x2d7: {  	_ =	swait.ge [sflag:s25], $0x2000  }
0x2d8: {  	s13 =	sld [smem:$0x7E6]  }
0x2d9: {  	[sflag:s25] =	ssyncset.done $0x0  }
0x2da: {  	[sflag:s25] =	ssyncadd.s32 $0xFFFFE000  }
0x2db: {  	[tilespmem:s17], [sflag:$0x1] =	stream.indirect.gather [spmem:s2], $0x40, s13, s16, $0xb8;
	[tilespmem:$0x1E800] =	vst v63  }
0x2dc: {  	_ =	swait.ge [sflag:s26], $0x2000  }
0x2dd: {  	s11 =	sld [smem:$0x7E8]  }
0x2de: {  	[sflag:s26] =	ssyncset.done $0x0  }
0x2df: {  	[sflag:s26] =	ssyncadd.s32 $0xFFFFE000  }
0x2e0: {  	[tilespmem:s18], [sflag:$0x2] =	stream.indirect.gather [spmem:s2], $0x40, s11, s16, $0xb8;
	[tilespmem:$0x1E800] =	vst v63  }
0x2e1: {  	_ =	swait.ge [sflag:s28], $0x2000  }
0x2e2: {  	s13 =	sld [smem:$0x7E9]  }
0x2e3: {  	[sflag:s28] =	ssyncset.done $0x0  }
0x2e4: {  	[sflag:s28] =	ssyncadd.s32 $0xFFFFE000  }
0x2e5: {  	[tilespmem:s19], [sflag:$0x3] =	stream.indirect.gather [spmem:s2], $0x40, s13, s16, $0xb8;
	[tilespmem:$0x1E800] =	vst v63  }
0x2e6: {  	_ =	swait.ge [sflag:s29], $0x2000  }
0x2e7: {  	s11 =	sld [smem:$0x7EB]  }
0x2e8: {  	[sflag:s29] =	ssyncset.done $0x0  }
0x2e9: {  	[sflag:s29] =	ssyncadd.s32 $0xFFFFE000  }
0x2ea: {  	[tilespmem:s20], [sflag:$0x4] =	stream.indirect.gather [spmem:s2], $0x40, s11, s16, $0xb8;
	[tilespmem:$0x1E800] =	vst v63  }
0x2eb: {  	_ =	swait.ge [sflag:s21], $0x2000  }
0x2ec: {  	s13 =	sld [smem:$0x7EC]  }
0x2ed: {  	[sflag:s21] =	ssyncset.done $0x0  }
0x2ee: {  	[sflag:s21] =	ssyncadd.s32 $0xFFFFE000  }
0x2ef: {  	[spmem:s1] =	stream.indirect.scatter.add.f32 [tilespmem:s17], [sflag:$0x5], $0x40, s13, s16, $0xb8;
	[tilespmem:$0x1E800] =	vst v63  }
0x2f0: {  	_ =	swait.ge [sflag:s22], $0x2000  }
0x2f1: {  	s11 =	sld [smem:$0x7ED]  }
0x2f2: {  	[sflag:s22] =	ssyncset.done $0x0  }
0x2f3: {  	[sflag:s22] =	ssyncadd.s32 $0xFFFFE000  }
0x2f4: {  	[spmem:s1] =	stream.indirect.scatter.add.f32 [tilespmem:s18], [sflag:$0x6], $0x40, s11, s16, $0xb8;
	[tilespmem:$0x1E800] =	vst v63  }
0x2f5: {  	_ =	swait.ge [sflag:s23], $0x2000  }
0x2f6: {  	s13 =	sld [smem:$0x7EF]  }
0x2f7: {  	[sflag:s23] =	ssyncset.done $0x0  }
0x2f8: {  	[sflag:s23] =	ssyncadd.s32 $0xFFFFE000  }
0x2f9: {  	[spmem:s1] =	stream.indirect.scatter.add.f32 [tilespmem:s19], [sflag:$0x7], $0x40, s13, s16, $0xb8;
	[tilespmem:$0x1E800] =	vst v63  }
0x2fa: {  	_ =	swait.ge [sflag:s24], $0x2000  }
0x2fb: {  	s11 =	sld [smem:$0x7F0]  }
0x2fc: {  	[sflag:s24] =	ssyncset.done $0x0  }
0x2fd: {  	[sflag:s24] =	ssyncadd.s32 $0xFFFFE000  }
0x2fe: {  	[spmem:s1] =	stream.indirect.scatter.add.f32 [tilespmem:s20], [sflag:$0x8], $0x40, s11, s16, $0xb8;
	[tilespmem:$0x1E800] =	vst v63  }
0x2ff: {  	_ =	swait.ge [sflag:s25], $0x2000  }
0x300: {  	s13 =	sld [smem:$0x7F1]  }
0x301: {  	[sflag:s25] =	ssyncset.done $0x0  }
0x302: {  	[sflag:s25] =	ssyncadd.s32 $0xFFFFE000  }
0x303: {  	[tilespmem:s17], [sflag:$0x1] =	stream.indirect.gather [spmem:s2], $0x40, s13, s16, $0xb8;
	[tilespmem:$0x1E800] =	vst v63  }
0x304: {  	_ =	swait.ge [sflag:s26], $0x2000  }
0x305: {  	s11 =	sld [smem:$0x7F2]  }
0x306: {  	[sflag:s26] =	ssyncset.done $0x0  }
0x307: {  	[sflag:s26] =	ssyncadd.s32 $0xFFFFE000  }
0x308: {  	[tilespmem:s18], [sflag:$0x2] =	stream.indirect.gather [spmem:s2], $0x40, s11, s16, $0xb8;
	[tilespmem:$0x1E800] =	vst v63  }
0x309: {  	_ =	swait.ge [sflag:s28], $0x2000  }
0x30a: {  	s13 =	sld [smem:$0x7F3]  }
0x30b: {  	[sflag:s28] =	ssyncset.done $0x0  }
0x30c: {  	[sflag:s28] =	ssyncadd.s32 $0xFFFFE000  }
0x30d: {  	[tilespmem:s19], [sflag:$0x3] =	stream.indirect.gather [spmem:s2], $0x40, s13, s16, $0xb8;
	[tilespmem:$0x1E800] =	vst v63  }
0x30e: {  	_ =	swait.ge [sflag:s29], $0x2000  }
0x30f: {  	s11 =	sld [smem:$0x7F4]  }
0x310: {  	[sflag:s29] =	ssyncset.done $0x0  }
0x311: {  	[sflag:s29] =	ssyncadd.s32 $0xFFFFE000  }
0x312: {  	[tilespmem:s20], [sflag:$0x4] =	stream.indirect.gather [spmem:s2], $0x40, s11, s16, $0xb8;
	[tilespmem:$0x1E800] =	vst v63  }
0x313: {  	_ =	swait.ge [sflag:s21], $0x2000  }
0x314: {  	s13 =	sld [smem:$0x7F5]  }
0x315: {  	[sflag:s21] =	ssyncset.done $0x0  }
0x316: {  	[sflag:s21] =	ssyncadd.s32 $0xFFFFE000  }
0x317: {  	[spmem:s1] =	stream.indirect.scatter.add.f32 [tilespmem:s17], [sflag:$0x5], $0x40, s13, s16, $0xb8;
	[tilespmem:$0x1E800] =	vst v63  }
0x318: {  	_ =	swait.ge [sflag:s22], $0x2000  }
0x319: {  	s11 =	sld [smem:$0x7F6]  }
0x31a: {  	[sflag:s22] =	ssyncset.done $0x0  }
0x31b: {  	[sflag:s22] =	ssyncadd.s32 $0xFFFFE000  }
0x31c: {  	[spmem:s1] =	stream.indirect.scatter.add.f32 [tilespmem:s18], [sflag:$0x6], $0x40, s11, s16, $0xb8;
	[tilespmem:$0x1E800] =	vst v63  }
0x31d: {  	_ =	swait.ge [sflag:s23], $0x2000  }
0x31e: {  	s13 =	sld [smem:$0x7F7]  }
0x31f: {  	[sflag:s23] =	ssyncset.done $0x0  }
0x320: {  	[sflag:s23] =	ssyncadd.s32 $0xFFFFE000  }
0x321: {  	[spmem:s1] =	stream.indirect.scatter.add.f32 [tilespmem:s19], [sflag:$0x7], $0x40, s13, s16, $0xb8;
	[tilespmem:$0x1E800] =	vst v63  }
0x322: {  	_ =	swait.ge [sflag:s24], $0x2000  }
0x323: {  	s11 =	sld [smem:$0x7F8]  }
0x324: {  	[sflag:s24] =	ssyncset.done $0x0  }
0x325: {  	[sflag:s24] =	ssyncadd.s32 $0xFFFFE000  }
0x326: {  	[spmem:s1] =	stream.indirect.scatter.add.f32 [tilespmem:s20], [sflag:$0x8], $0x40, s11, s16, $0xb8;
	[tilespmem:$0x1E800] =	vst v63  }
0x327: {  	_ =	swait.ge [sflag:s25], $0x2000  }
0x328: {  	s13 =	sld [smem:$0x7F9]  }
0x329: {  	[sflag:s25] =	ssyncset.done $0x0  }
0x32a: {  	[sflag:s25] =	ssyncadd.s32 $0xFFFFE000  }
0x32b: {  	[tilespmem:s17], [sflag:$0x1] =	stream.indirect.gather [spmem:s2], $0x40, s13, s16, $0xb8;
	[tilespmem:$0x1E800] =	vst v63  }
0x32c: {  	_ =	swait.ge [sflag:s26], $0x2000  }
0x32d: {  	s11 =	sld [smem:$0x7FA]  }
0x32e: {  	[sflag:s26] =	ssyncset.done $0x0  }
0x32f: {  	[sflag:s26] =	ssyncadd.s32 $0xFFFFE000  }
0x330: {  	[tilespmem:s18], [sflag:$0x2] =	stream.indirect.gather [spmem:s2], $0x40, s11, s16, $0xb8;
	[tilespmem:$0x1E800] =	vst v63  }
0x331: {  	_ =	swait.ge [sflag:s28], $0x2000  }
0x332: {  	s13 =	sld [smem:$0x7FB]  }
0x333: {  	[sflag:s28] =	ssyncset.done $0x0  }
0x334: {  	[sflag:s28] =	ssyncadd.s32 $0xFFFFE000  }
0x335: {  	[tilespmem:s19], [sflag:$0x3] =	stream.indirect.gather [spmem:s2], $0x40, s13, s16, $0xb8;
	[tilespmem:$0x1E800] =	vst v63  }
0x336: {  	_ =	swait.ge [sflag:s29], $0x2000  }
0x337: {  	[sflag:s29] =	ssyncset.done $0x0  }
0x338: {  	[sflag:s29] =	ssyncadd.s32 $0xFFFFE000  }
0x339: {  	[tilespmem:s20], [sflag:$0x4] =	stream.indirect.gather [spmem:s2], $0x40, s31, s16, $0xb8;
	[tilespmem:$0x1E800] =	vst v63  }
0x33a: {  	_ =	swait.ge [sflag:s21], $0x2000  }
0x33b: {  	[sflag:s21] =	ssyncset.done $0x0  }
0x33c: {  	[sflag:s21] =	ssyncadd.s32 $0xFFFFE000  }
0x33d: {  	[spmem:s1] =	stream.indirect.scatter.add.f32 [tilespmem:s17], [sflag:$0x5], $0x40, s0, s16, $0xb8;
	[tilespmem:$0x1E800] =	vst v63  }
0x33e: {  	_ =	swait.ge [sflag:s22], $0x2000  }
0x33f: {  	[sflag:s22] =	ssyncset.done $0x0  }
0x340: {  	[sflag:s22] =	ssyncadd.s32 $0xFFFFE000  }
0x341: {  	[spmem:s1] =	stream.indirect.scatter.add.f32 [tilespmem:s18], [sflag:$0x6], $0x40, s4, s16, $0xb8;
	[tilespmem:$0x1E800] =	vst v63  }
0x342: {  	_ =	swait.ge [sflag:s23], $0x2000  }
0x343: {  	[sflag:s23] =	ssyncset.done $0x0  }
0x344: {  	[sflag:s23] =	ssyncadd.s32 $0xFFFFE000  }
0x345: {  	[spmem:s1] =	stream.indirect.scatter.add.f32 [tilespmem:s19], [sflag:$0x7], $0x40, s5, s16, $0xb8;
	[tilespmem:$0x1E800] =	vst v63  }
0x346: {  	_ =	swait.ge [sflag:s24], $0x2000  }
0x347: {  	[sflag:s24] =	ssyncset.done $0x0  }
0x348: {  	[sflag:s24] =	ssyncadd.s32 $0xFFFFE000  }
0x349: {  	[spmem:s1] =	stream.indirect.scatter.add.f32 [tilespmem:s20], [sflag:$0x8], $0x40, s8, s16, $0xb8;
	[tilespmem:$0x1E800] =	vst v63  }
0x34a: {  	_ =	swait.ge [sflag:s25], $0x2000  }
0x34b: {  	[sflag:s25] =	ssyncset.done $0x0  }
0x34c: {  	[sflag:s25] =	ssyncadd.s32 $0xFFFFE000  }
0x34d: {  	_ =	swait.ge [sflag:s26], $0x2000  }
0x34e: {  	s10 =	sadd.s32 $0x500, s10;
	[sflag:s26] =	ssyncset.done $0x0  }
0x34f: {  	p0 =	sne.s32 s10, $0x0;
	[sflag:s26] =	ssyncadd.s32 $0xFFFFE000  }
.Ltmp0:
0x350: {  	_ =	swait.ge [sflag:s28], $0x2000;
	(pc) =	sbr.rel @p0 .LBB2_2-.Ltmp0, $4  }
0x351: {  	[sflag:s28] =	ssyncset.done $0x0  }
0x352: {  	[sflag:s28] =	ssyncadd.s32 $0xFFFFE000  }
0x353: {  	_ =	swait.ge [sflag:s29], $0x2000  }
0x354: {  	[sflag:s29] =	ssyncset.done $0x0  }
0x355: {  	[sflag:s29] =	ssyncadd.s32 $0xFFFFE000  }
0x356: {  	[bflag:$0x0] =	sbarrier.arrive $0xFFFF  }
0x357: {  	s10 =	sld [smem:$0x7FC]  }
0x358: {  	s6 =	sld [smem:$0x7E5]  }
0x359: {  	s11 =	sld [smem:$0x7FD];
	_ =	sdelay $0x2  }
0x35a: {  	[hbm:s6], [sflag:s10] =	dma.local [spmem:s11], $0x1400  }
0x35b: {  	_ =	swait.ge [sflag:s12], $0x1400  }
0x35c: {  	s13 =	sld [smem:$0x7E7];
	_ =	sdelay $0x1  }
0x35d: {  	s9 =	sadd.s32 $0x1, s9  }
0x35e: {  	p0 =	sne.s32 s9, s13  }
.Ltmp1:
0x35f: {  	_ = 	snop;
	(pc) =	sbr.rel @p0 .LBB2_1-.Ltmp1, $3  }
0x360: {  	_ =	sdelay $0x1  }
0x361: {  	[sflag:s12] =	ssyncset.done $0x0  }
0x362: {  	[sflag:s12] =	ssyncadd.s32 $0xFFFFEC00  }
0x363: {  	_ =	sfence.sel $0x180000  }
0x364: {  	[bflag:$0x0] =	sbarrier.arrive $0xFFFF  }
0x365: {  	_ =	strace $0x9000004A  }
0x366: {  	s0 =	stileid.u32;
	[bflag:$0x2] =	sbarrier.arrive $0xFFFF  }
0x367: {  	p0 =	sne.s32 s0, $0x0;
	s0 =	rddreg [dreg:$0x4]  }
0x368: {  	s0 =	sadd.s32 @!p0 $0x100000, s0  }
0x369: {  	[sflag:s0] =	ssyncadd.tile.s32 @!p0 $0x1;
	_ =	shalt  }
.Lfunc_end2:
_tile_overlayer_lowered:
.L_overlay_start_2:
0x36a: {  	(tag) =	ssettag $0x2  }
0x36b: {  	s0 =	rddreg [dreg:$0x0];
	s2 =	stileid.u32  }
0x36c: {  	s1 =	rddreg [dreg:$0x1];
	p0 =	sne.s32 s2, $0x0  }
0x36d: {  	s3 =	rddreg [dreg:$0x2];
	[bflag:$0x3] =	sbarrier.arrive $0xFFFF;
	s2 =	simm.s32 @!p0 $0x1C0B  }
0x36e: {  	[timem:s3], [sflag:s2] =	dma.local @!p0 [hbm:s0], s1  }
0x36f: {  	s0 =	simm.s32 @!p0 $0xB  }
0x370: {  	_ =	swait.ge @!p0 [sflag:s0], s1  }
0x371: {  	s1 =	ssub.s32 @!p0 $0x0, s1;
	[sflag:s0] =	ssyncset.done @!p0 $0x0  }
0x372: {  	[sflag:s0] =	ssyncadd.s32 @!p0 s1  }
0x373: {  	[bflag:$0x3] =	sbarrier.arrive $0xFFFF  }
0x374: {  	_ =	shalt  }

// kernel: kernel.19.cloned.1.call-start
scs
__scs_entry_jumppad:
0x0: {  	(pc) =	sbr.rel $0x88, $3  }
0x1: {  	(tag) =	ssettag $0x0;
	lr =	simm.s32 $0x1  }
0x2: {  	[smem:$0x3F91] =	sst lr;
	_ =	strace $0xD0000000  }
0x3: {  	_ = 	snop  }
0x4: {  	_ = 	snop  }
0x5: {  	_ = 	snop  }
0x6: {  	_ = 	snop  }
0x7: {  	_ = 	snop  }
__scs_overlays_trampoline_lowered:
0x8: {  	[smem:$0x3FA0] =	sst s0  }
0x9: {  	[smem:$0x3FA1] =	sst s1  }
0xa: {  	[smem:$0x3FA2] =	sst s2  }
0xb: {  	[smem:$0x3FA3] =	sst s3  }
0xc: {  	[smem:$0x3FA4] =	sst s4  }
0xd: {  	[smem:$0x3FA5] =	sst s5  }
0xe: {  	[smem:$0x3FA6] =	sst s6  }
0xf: {  	[smem:$0x3FA7] =	sst s7  }
0x10: {  	[smem:$0x3FA8] =	sst s8  }
0x11: {  	[smem:$0x3FA9] =	sst s9;
	s0 =	simm.s32 @!p0 $0x0  }
0x12: {  	s1 =	sld [smem:$0x3F8F];
	s0 =	simm.s32 @p0 $0x1  }
0x13: {  	[smem:$0x3FAA] =	sst s0;
	s0 =	simm.s32 @!p1 $0x0  }
0x14: {  	s2 =	sld [smem:$0x3F8E];
	s0 =	simm.s32 @p1 $0x1  }
0x15: {  	[smem:$0x3FAB] =	sst s0;
	s0 =	simm.s32 @!p2 $0x0  }
0x16: {  	s3 =	sld [smem:$0x3FDB];
	s0 =	simm.s32 @p2 $0x1  }
0x17: {  	s4 =	simm.s32 $0x1BF5;
	[smem:$0x3FAD] =	sst s0  }
0x18: {  	s0 =	sld [smem:$0x3F90];
	_ =	swait.ge [sflag:s4], $0x0  }
0x19: {  	s7 =	sld [smem:$0x3F91]  }
0x1a: {  	s8 =	sadd.s32 $0xFFFFE003, lr  }
0x1b: {  	s9 =	sadd.s32 $0xFFFFFEF7, lr;
	s5 =	simm.s32 $0xFFFFFFFF;
	p2 =	slt.u32 s8, $0xFFFFF086  }
0x1c: {  	p1 =	slt.u32 s9, $0xF7A;
	s5 =	simm.s32 @!p2 $0x0  }
0x1d: {  	s5 =	simm.s32 @p1 $0x1;
	p0 =	seq.s32 s7, s2  }
0x1e: {  	s7 =	smul.u32 @!p0 $0xF7A, s2;
	p2 =	seq.s32 @!p0 s5, $0x0  }
0x1f: {  	s9 =	smul.u32 $0xF7A, s1;
	s8 =	simm.s32 @!p0 $0x1BF5;
	p2 =	por !p2, p0  }
0x20: {  	[sflag:s8] =	ssyncset.s32 @!p0 $0xFFFFF086;
	s6 =	sadd.s32 @!p0 s3, s7;
	s7 =	simm.s32 @!p0 $0x108  }
0x21: {  	s3 =	sadd.s32 s3, s9;
	s6 =	sadd.s32 @!p0 $0x88, s6;
	s7 =	simm.s32 @p2 $0x1082  }
0x22: {  	[simem:s7], [sflag:s8] =	dma.local @!p0 [hbm:s6], $0xF7A  }
0x23: {  	s9 =	sor.u32 $0xD0000000, s2;
	s6 =	simm.s32 $0x108;
	_ =	swait.ge @!p0 [sflag:s8], $0x0  }
0x24: {  	s3 =	sadd.s32 $0x88, s3;
	s6 =	simm.s32 @!p1 $0x1082;
	[sflag:s4] =	ssyncset.s32 $0xFFFFF086  }
0x25: {  	[simem:s6], [sflag:s4] =	dma.local [hbm:s3], $0xF7A  }
0x26: {  	[smem:$0x3F91] =	sst s1;
	(tag) =	ssettag s2;
	_ =	strace s9  }
0x27: {  	s1 =	sld [smem:$0x3FA1]  }
0x28: {  	s2 =	sld [smem:$0x3FA2]  }
0x29: {  	s4 =	sld [smem:$0x3FA4]  }
0x2a: {  	p0 =	seq.s32 s5, $0x0;
	s5 =	sld [smem:$0x3FA5]  }
0x2b: {  	s6 =	sld [smem:$0x3FA6]  }
0x2c: {  	s7 =	sld [smem:$0x3FA7]  }
0x2d: {  	s3 =	simm.s32 $0x108;
	s8 =	sld [smem:$0x3FA8]  }
0x2e: {  	s3 =	simm.s32 @!p0 $0x1082;
	s9 =	sld [smem:$0x3FA9]  }
0x2f: {  	lr =	sadd.s32 s0, s3;
	s0 =	sld [smem:$0x3FA0]  }
0x30: {  	s3 =	sld [smem:$0x3FA3]  }
0x31: {  	[smem:$0x3FAC] =	sst s10  }
0x32: {  	s10 =	sld [smem:$0x3FAA];
	_ =	sdelay $0x3  }
0x33: {  	p0 =	seq.s32 s10, $0x1;
	s10 =	sld [smem:$0x3FAC];
	_ =	sdelay $0x3  }
0x34: {  	[smem:$0x3FAC] =	sst s10  }
0x35: {  	s10 =	sld [smem:$0x3FAB];
	_ =	sdelay $0x3  }
0x36: {  	p1 =	seq.s32 s10, $0x1;
	s10 =	sld [smem:$0x3FAC];
	_ =	sdelay $0x3  }
0x37: {  	[smem:$0x3FAC] =	sst s10  }
0x38: {  	s10 =	sld [smem:$0x3FAD]  }
0x39: {  	_ = 	snop;
	(pc) =	sbr.ind lr, $3  }
0x3a: {  	_ = 	snop  }
0x3b: {  	_ = 	snop  }
0x3c: {  	p2 =	seq.s32 s10, $0x1;
	s10 =	sld [smem:$0x3FAC]  }
0x3d: {  	_ =	shalt  }
0x3e: {  	_ =	shalt  }
0x3f: {  	_ =	shalt  }
0x40: {  	_ =	shalt  }
0x41: {  	_ =	shalt  }
0x42: {  	_ =	shalt  }
0x43: {  	_ =	shalt  }
0x44: {  	_ =	shalt  }
0x45: {  	_ =	shalt  }
0x46: {  	_ =	shalt  }
0x47: {  	_ =	shalt  }
0x48: {  	_ =	shalt  }
0x49: {  	_ =	shalt  }
0x4a: {  	_ =	shalt  }
0x4b: {  	_ =	shalt  }
0x4c: {  	_ =	shalt  }
0x4d: {  	_ =	shalt  }
0x4e: {  	_ =	shalt  }
0x4f: {  	_ =	shalt  }
0x50: {  	_ =	shalt  }
0x51: {  	_ =	shalt  }
0x52: {  	_ =	shalt  }
0x53: {  	_ =	shalt  }
0x54: {  	_ =	shalt  }
0x55: {  	_ =	shalt  }
0x56: {  	_ =	shalt  }
0x57: {  	_ =	shalt  }
0x58: {  	_ =	shalt  }
0x59: {  	_ =	shalt  }
0x5a: {  	_ =	shalt  }
0x5b: {  	_ =	shalt  }
0x5c: {  	_ =	shalt  }
0x5d: {  	_ =	shalt  }
0x5e: {  	_ =	shalt  }
0x5f: {  	_ =	shalt  }
0x60: {  	_ =	shalt  }
0x61: {  	_ =	shalt  }
0x62: {  	_ =	shalt  }
0x63: {  	_ =	shalt  }
0x64: {  	_ =	shalt  }
0x65: {  	_ =	shalt  }
0x66: {  	_ =	shalt  }
0x67: {  	_ =	shalt  }
0x68: {  	_ =	shalt  }
0x69: {  	_ =	shalt  }
0x6a: {  	_ =	shalt  }
0x6b: {  	_ =	shalt  }
0x6c: {  	_ =	shalt  }
0x6d: {  	_ =	shalt  }
0x6e: {  	_ =	shalt  }
0x6f: {  	_ =	shalt  }
0x70: {  	_ =	shalt  }
0x71: {  	_ =	shalt  }
0x72: {  	_ =	shalt  }
0x73: {  	_ =	shalt  }
0x74: {  	_ =	shalt  }
0x75: {  	_ =	shalt  }
0x76: {  	_ =	shalt  }
0x77: {  	_ =	shalt  }
0x78: {  	_ =	shalt  }
0x79: {  	_ =	shalt  }
0x7a: {  	_ =	shalt  }
0x7b: {  	_ =	shalt  }
0x7c: {  	_ =	shalt  }
0x7d: {  	_ =	shalt  }
0x7e: {  	_ =	shalt  }
0x7f: {  	_ =	shalt  }
0x80: {  	_ =	shalt  }
0x81: {  	_ =	shalt  }
0x82: {  	_ =	shalt  }
0x83: {  	_ =	shalt  }
0x84: {  	_ =	shalt  }
0x85: {  	_ =	shalt  }
0x86: {  	_ =	shalt  }
0x87: {  	_ =	shalt  }
.Lfunc_end0:
.L_simem_size_0:
called_computation.2_lowered:
.L_overlay_start_0:
0x88: {  	s2 =	sld [smem:$0x3FD9]  }
0x89: {  	s3 =	sld [smem:$0x3FFE];
	_ =	sdelay $0x1  }
0x8a: {  	s1 =	srdreg.scid  }
0x8b: {  	s0 =	sand.u32 $0x1, s1  }
0x8c: {  	s17 =	sshll.u32 s0, $0xA;
	s2 =	sadd.s32 s3, s2  }
0x8d: {  	s2 =	sadd.s32 s2, s17  }
0x8e: {  	[smem:$0x3FB8] =	sst s2  }
0x8f: {  	_ = 	snop  }
0x90: {  	s2 =	sld [smem:$0x3FD0];
	(tm) =	ssettm $0x1  }
0x91: {  	s18 =	sld [smem:$0x3FFB];
	_ =	sdelay $0x3  }
0x92: {  	_ =	strace s18  }
0x93: {  	s3 =	sld [smem:$0x3FFC];
	_ =	sdelay $0x3  }
0x94: {  	_ =	strace s3  }
0x95: {  	s3 =	sld [smem:$0x3FFD];
	_ =	sdelay $0x3  }
0x96: {  	_ =	strace s3  }
0x97: {  	_ =	strace $0x8FFFFFFF  }
0x98: {  	s19 =	sld [smem:$0x3FDB];
	_ =	sdelay $0x1  }
0x99: {  	s4 =	simm.s32 $_scs_section_size  }
0x9a: {  	s5 =	simm.s32 $_size__tile_overlayer_lowered;
	s6 =	simm.s32 $_tile_overlayer_lowered  }
0x9b: {  	s22 =	simm.s32 $0x1BFF;
	s21 =	sshll.u32 s6, $0x1;
	s3 =	sadd.s32 s4, s19  }
0x9c: {  	s7 =	simm.s32 $0x0;
	s20 =	sshll.u32 s5, $0x1;
	s5 =	sadd.s32 s21, s3  }
0x9d: {  	[timem:s7], [sflag:s22] =	dma.local [hbm:s5], s20  }
0x9e: {  	_ =	swait.ge [sflag:s22], s20  }
0x9f: {  	s4 =	ssub.s32 $0x0, s20;
	[sflag:s22] =	ssyncset.done $0x0  }
0xa0: {  	[sflag:s22] =	ssyncadd.s32 s4;
	_ =	sdelay $0x1  }
0xa1: {  	s23 =	simm.s32 $0x1B8B  }
0xa2: {  	_ =	swait.ge [sflag:s23], $0x1  }
0xa3: {  	[sflag:s23] =	ssyncset.done $0x0  }
0xa4: {  	s25 =	simm.s32 $0x1B8E;
	s24 =	sld [smem:$0x3FFE];
	[sflag:s23] =	ssyncadd.s32 $0xFFFFFFFF  }
0xa5: {  	s26 =	simm.s32 $execute0_lowered;
	[smem:$0x3FD2] =	sst s25  }
0xa6: {  	s5 =	sshll.u32 s26, $0x1;
	_ =	strace $0x8000004C;
	[dreg:$0x1] =	wrdreg $0xFFFFFFFF  }
0xa7: {  	s28 =	simm.s32 $_size_execute0_lowered;
	s3 =	sadd.s32 s3, s5;
	[dreg:$0x0] =	wrdreg $0x0  }
0xa8: {  	s5 =	sshll.u32 s28, $0x1;
	[dreg:$0x2] =	wrdreg s3  }
0xa9: {  	[dreg:$0x3] =	wrdreg s5  }
0xaa: {  	[dreg:$0x4] =	wrdreg $0xC0  }
0xab: {  	_ =	task [dreg:s7], $0x5FFFF  }
0xac: {  	[dreg:$0x1] =	wrdreg $0xFFFFFFFF  }
0xad: {  	[dreg:$0x0] =	wrdreg $0x60  }
0xae: {  	[dreg:$0x2] =	wrdreg s2  }
0xaf: {  	[dreg:$0x3] =	wrdreg s24  }
0xb0: {  	[dreg:$0x4] =	wrdreg $0xA8000  }
0xb1: {  	[dreg:$0x5] =	wrdreg $0x148000  }
0xb2: {  	[dreg:$0x6] =	wrdreg $0x9  }
0xb3: {  	_ =	task.clear_ibuf [dreg:s7], $0x7FFFF;
	_ =	strace $0x9000004C  }
0xb4: {  	s29 =	simm.s32 $0x9;
	_ =	strace $0x8000004E  }
0xb5: {  	_ =	swait.ge [sflag:s29], $0x1  }
0xb6: {  	[sflag:s29] =	ssyncadd.s32 $0xFFFFFFFF  }
0xb7: {  	_ =	strace $0x9000004E  }
0xb8: {  	_ =	sfence  }
0xb9: {  	s30 =	sld [smem:$0x0];
	_ =	sdelay $0x2  }
0xba: {  	s31 =	sshll.u32 s1, $0xD;
	s1 =	sshrl.u32 s1, $0x2  }
0xbb: {  	s3 =	sand.u32 $0x4000, s31;
	s1 =	sadd.s32 s1, s30  }
0xbc: {  	s0 =	sor.u32 s3, s0;
	s1 =	sshll.u32 s1, $0x11  }
0xbd: {  	s0 =	sor.u32 s1, s0  }
0xbe: {  	s0 =	sadd.s32 $0x8F2B, s0  }
0xbf: {  	[sflag:s0] =	ssyncadd.remote.s32 $0x1  }
0xc0: {  	_ =	sfence.sel $0xFFFF  }
0xc1: {  	[dreg:$0x0] =	wrdreg $0xFFFFFFFF;
	(pc) =	sbr.abs _section_cstart, $3  }
0xc2: {  	[dreg:$0x1] =	wrdreg $0xFFFFFFFF  }
0xc3: {  	_ =	task.clear_ibuf [dreg:s7], $0x2FFFF;
	_ =	strace $0x9FFFFFFF  }
0xc4: {  	(tm) =	ssettm $0x7FFFFFFF  }
0xc5: {  	_ =	shalt  }
tec
execute0_lowered:
.L_overlay_start_1:
0x0: {  	(tag) =	ssettag $0x1  }
0x1: {  	s0 =	rddreg [dreg:$0x0]  }
0x2: {  	s4 =	rddreg [dreg:$0x1]  }
0x3: {  	s1 =	rddreg [dreg:$0x2]  }
0x4: {  	s2 =	rddreg [dreg:$0x3];
	s3 =	simm.s32 $0x0  }
0x5: {  	s5 =	simm.s32 $0x100;
	[smem:$0x7FF] =	sst s3  }
0x6: {  	s21 =	simm.s32 $0x200;
	_ =	strace $0x8000004D;
	[dreg:$0x5] =	wrdreg s5  }
0x7: {  	s22 =	simm.s32 $0x300;
	[dreg:$0x6] =	wrdreg s21  }
0x8: {  	s23 =	simm.s32 $0x180;
	[dreg:$0x7] =	wrdreg s22  }
0x9: {  	s24 =	simm.s32 $0x280;
	[dreg:$0x8] =	wrdreg s23  }
0xa: {  	s25 =	simm.s32 $0x380;
	[dreg:$0x9] =	wrdreg s24  }
0xb: {  	s26 =	simm.s32 $0x400;
	[dreg:$0xa] =	wrdreg s25  }
0xc: {  	s6 =	simm.s32 $0x500;
	[dreg:$0xb] =	wrdreg s26  }
0xd: {  	s7 =	simm.s32 $0x600;
	[dreg:$0xc] =	wrdreg s6  }
0xe: {  	s8 =	simm.s32 $0x700;
	[dreg:$0xd] =	wrdreg s7  }
0xf: {  	s9 =	simm.s32 $0x480;
	[dreg:$0xe] =	wrdreg s8  }
0x10: {  	s10 =	simm.s32 $0x580;
	[dreg:$0xf] =	wrdreg s9  }
0x11: {  	s11 =	simm.s32 $0x680;
	[dreg:$0x10] =	wrdreg s10  }
0x12: {  	s12 =	simm.s32 $0x780;
	[dreg:$0x11] =	wrdreg s11  }
0x13: {  	s13 =	simm.s32 $0x800;
	[dreg:$0x12] =	wrdreg s12  }
0x14: {  	s14 =	simm.s32 $0x900;
	[dreg:$0x13] =	wrdreg s13  }
0x15: {  	s15 =	simm.s32 $0xA00;
	[dreg:$0x14] =	wrdreg s14  }
0x16: {  	s16 =	simm.s32 $0xB00;
	[dreg:$0x15] =	wrdreg s15  }
0x17: {  	s17 =	simm.s32 $0x880;
	[dreg:$0x16] =	wrdreg s16  }
0x18: {  	s18 =	simm.s32 $0x980;
	[dreg:$0x17] =	wrdreg s17  }
0x19: {  	s19 =	simm.s32 $0xA80;
	[dreg:$0x18] =	wrdreg s18  }
0x1a: {  	s20 =	simm.s32 $0xB80;
	[dreg:$0x19] =	wrdreg s19  }
0x1b: {  	[dreg:$0x1a] =	wrdreg s20;
	s21 =	simm.s32 $0xC00  }
0x1c: {  	s22 =	simm.s32 $0xD00;
	[dreg:$0x1b] =	wrdreg s21  }
0x1d: {  	s23 =	simm.s32 $0xE00;
	[dreg:$0x1c] =	wrdreg s22  }
0x1e: {  	s24 =	simm.s32 $0xF00;
	[dreg:$0x1d] =	wrdreg s23  }
0x1f: {  	s25 =	simm.s32 $0xC80;
	[dreg:$0x1e] =	wrdreg s24  }
0x20: {  	s26 =	simm.s32 $0xD80;
	[dreg:$0x1f] =	wrdreg s25  }
0x21: {  	s6 =	simm.s32 $0xE80;
	[smem:$0x7CA] =	sst s26  }
0x22: {  	s7 =	simm.s32 $0xF80;
	[smem:$0x7CB] =	sst s6  }
0x23: {  	s8 =	simm.s32 $0x1000;
	[smem:$0x7CC] =	sst s7  }
0x24: {  	s9 =	simm.s32 $0x1100;
	[smem:$0x7CD] =	sst s8  }
0x25: {  	s10 =	simm.s32 $0x1200;
	[smem:$0x7CE] =	sst s9  }
0x26: {  	s11 =	simm.s32 $0x1080;
	[smem:$0x7CF] =	sst s10  }
0x27: {  	s12 =	simm.s32 $0x1180;
	[smem:$0x7D1] =	sst s11  }
0x28: {  	s15 =	simm.s32 $0x1280;
	[smem:$0x7D2] =	sst s12  }
0x29: {  	s16 =	simm.s32 $0x1380;
	[smem:$0x7D3] =	sst s15  }
0x2a: {  	s17 =	simm.s32 $0x1500;
	[smem:$0x7D4] =	sst s16  }
0x2b: {  	s18 =	simm.s32 $0x1600;
	[smem:$0x7D5] =	sst s17  }
0x2c: {  	s28 =	simm.s32 $0x7;
	s19 =	simm.s32 $0x1700;
	[smem:$0x7D7] =	sst s18  }
0x2d: {  	s29 =	simm.s32 $0x8;
	s20 =	simm.s32 $0x1480;
	[smem:$0x7D8] =	sst s19  }
0x2e: {  	s30 =	simm.s32 $0xA;
	s7 =	simm.s32 $0x1300;
	[smem:$0x7D9] =	sst s20  }
0x2f: {  	s31 =	simm.s32 $0x2700;
	s11 =	sadd.s32 $0x2CE00, s4;
	[smem:$0x7D0] =	sst s7  }
0x30: {  	s13 =	stileid.u32;
	s21 =	simm.s32 $0x1580;
	[smem:$0x7D6] =	sst s11  }
0x31: {  	s5 =	sadd.s32 $0x18E00, s4;
	s22 =	simm.s32 $0x1680;
	[smem:$0x7DA] =	sst s21  }
0x32: {  	s14 =	srdreg.scid;
	s24 =	simm.s32 $0x1780;
	[smem:$0x7DB] =	sst s22  }
0x33: {  	s6 =	smul.u32 $0x1400, s13;
	s26 =	simm.s32 $0x1800;
	[smem:$0x7DC] =	sst s24  }
0x34: {  	s9 =	sand.u32 $0x1, s14;
	s14 =	simm.s32 $0x1A00;
	[smem:$0x7DD] =	sst s26  }
0x35: {  	s10 =	smul.u32 $0xA000, s13;
	s16 =	simm.s32 $0x1B00;
	[smem:$0x7DF] =	sst s14  }
0x36: {  	s15 =	sshll.u32 s13, $0x6;
	s17 =	simm.s32 $0x1880;
	[smem:$0x7E0] =	sst s16  }
0x37: {  	s18 =	simm.s32 $0x1980;
	s19 =	simm.s32 $0x1A80;
	[smem:$0x7E1] =	sst s17  }
0x38: {  	s13 =	simm.s32 $0x1E80;
	s7 =	smul.u32 $0xA0000, s9;
	[smem:$0x7E2] =	sst s18  }
0x39: {  	s23 =	ssub.s32 $0x2, s9;
	p0 =	seq.s32 s9, $0x1;
	[smem:$0x7E3] =	sst s19  }
0x3a: {  	s21 =	simm.s32 $0x1B80;
	s22 =	simm.s32 $0x1C00;
	s26 =	simm.s32 $0x1F00  }
0x3b: {  	[smem:$0x7EF] =	sst s13;
	s16 =	simm.s32 $0x2000;
	s17 =	simm.s32 $0x2100  }
0x3c: {  	s18 =	simm.s32 $0x2200;
	s19 =	simm.s32 $0x2300;
	[smem:$0x7E4] =	sst s21  }
0x3d: {  	s9 =	simm.s32 $0x0;
	s8 =	sadd.s32 s6, s4;
	[smem:$0x7E6] =	sst s22  }
0x3e: {  	s25 =	sshrl.u32 s23, $0x1;
	s12 =	sadd.s32 s10, s1;
	[smem:$0x7EB] =	sst s26  }
0x3f: {  	s6 =	sor.u32 $0x1C0B, s15;
	s20 =	sadd.s32 s10, s2;
	[smem:$0x7F1] =	sst s16  }
0x40: {  	s0 =	smov.u32 @p0 s5;
	s5 =	simm.s32 $0x1C80;
	[smem:$0x7F2] =	sst s17  }
0x41: {  	s15 =	simm.s32 $0x1F80;
	s16 =	simm.s32 $0x80;
	[smem:$0x7F3] =	sst s18  }
0x42: {  	s17 =	simm.s32 $0x2800;
	s18 =	simm.s32 $0x4800;
	[smem:$0x7F4] =	sst s19  }
0x43: {  	s19 =	simm.s32 $0x6800;
	s21 =	simm.s32 $0x2180;
	[smem:$0x7EC] =	sst s5  }
0x44: {  	s22 =	simm.s32 $0x2280;
	s26 =	simm.s32 $0x2600;
	[smem:$0x7F0] =	sst s15  }
0x45: {  	s7 =	sadd.s32 s10, s7;
	s11 =	ssub.s32 s23, s25;
	[smem:$0x7F6] =	sst s21  }
0x46: {  	s10 =	sshrl.u32 s10, $0x3;
	s23 =	simm.s32 $0x1D00;
	[smem:$0x7F7] =	sst s22  }
0x47: {  	s25 =	simm.s32 $0x1E00;
	s14 =	sshrl.u32 s20, $0x3;
	[smem:$0x7FB] =	sst s26  }
0x48: {  	s15 =	simm.s32 $0x1400;
	s20 =	simm.s32 $0x2080;
	[smem:$0x7FC] =	sst s6  }
0x49: {  	s21 =	simm.s32 $0x1;
	s22 =	simm.s32 $0x2;
	[smem:$0x7E8] =	sst s23  }
0x4a: {  	s26 =	simm.s32 $0x6;
	s5 =	simm.s32 $0x2680;
	[smem:$0x7E9] =	sst s25  }
0x4b: {  	s7 =	sshrl.u32 s7, $0x3;
	s24 =	smax.u32 s11, $0x1;
	[smem:$0x7EE] =	sst s14  }
0x4c: {  	s0 =	sadd.s32 s0, s10;
	s10 =	smov.u32 s6;
	[smem:$0x7F5] =	sst s20  }
0x4d: {  	s11 =	sshrl.u32 s12, $0x3;
	s12 =	simm.s32 $0xB;
	[smem:$0x7E7] =	sst s24  }
0x4e: {  	s14 =	simm.s32 $0x9;
	s23 =	simm.s32 $0x2380;
	[smem:$0x7EA] =	sst s0  }
0x4f: {  	s20 =	simm.s32 $0x8800;
	s25 =	simm.s32 $0x2500;
	[smem:$0x7F8] =	sst s23  }
0x50: {  	s4 =	sadd.s32 s7, s4;
	s7 =	simm.s32 $0x1900;
	[smem:$0x7FA] =	sst s25  }
0x51: {  	s24 =	simm.s32 $0x2400;
	s23 =	simm.s32 $0x3;
	[smem:$0x7FD] =	sst s11  }
0x52: {  	s25 =	simm.s32 $0x5;
	s0 =	simm.s32 $0x2480;
	[smem:$0x7DE] =	sst s7  }
0x53: {  	s7 =	sadd.s32 $0x4E00, s8;
	s4 =	sadd.s32 $0x2E200, s4;
	[smem:$0x7F9] =	sst s24  }
0x54: {  	s8 =	simm.s32 $0x1D80;
	s24 =	simm.s32 $0x4;
	[smem:$0x7E5] =	sst s4  }
0x55: {  	[smem:$0x7ED] =	sst s8;
	s4 =	simm.s32 $0x2580;
	s8 =	simm.s32 $0x2780  }
.LBB2_1:
0x56: {  	s6 =	sld [smem:$0x7D6];
	_ =	sdelay $0x2  }
0x57: {  	[spmem:s11], [sflag:s10] =	dma.local [hbm:s6], $0x1400  }
0x58: {  	_ =	swait.ge [sflag:s12], $0x1400  }
0x59: {  	s11 =	sld [smem:$0x7EA]  }
0x5a: {  	[sflag:s12] =	ssyncset.done $0x0;
	s13 =	sld [smem:$0x7EE]  }
0x5b: {  	[sflag:s12] =	ssyncadd.s32 $0xFFFFEC00  }
0x5c: {  	[tilespmem:s3], [sflag:$0x9] =	stream.linear.gather [hbm4b:s7+s3], $0x1400, $0x38;
	[tilespmem:$0x1E800] =	vst v63  }
0x5d: {  	[spmem:s13], [sflag:s10] =	dma.local [hbm:s11], $0x1400  }
0x5e: {  	_ =	swait.ge [sflag:s12], $0x1400  }
0x5f: {  	[sflag:s12] =	ssyncset.done $0x0  }
0x60: {  	[sflag:s12] =	ssyncadd.s32 $0xFFFFEC00  }
0x61: {  	[bflag:$0x0] =	sbarrier.arrive $0xFFFF  }
0x62: {  	_ =	swait.ge [sflag:s14], $0x1400  }
0x63: {  	s13 =	sadd.s32 $0xFFFFEC00, s7;
	[sflag:s14] =	ssyncset.done $0x0  }
0x64: {  	s10 =	sadd.s32 $0x1680, s13;
	[sflag:s14] =	ssyncadd.s32 $0xFFFFEC00  }
0x65: {  	[tilespmem:s15], [sflag:$0xA] =	stream.linear.gather [hbm4b:s10+s3], $0x1400, $0x38;
	[tilespmem:$0x1E800] =	vst v63  }
0x66: {  	_ = 	snop  }
0x67: {  	[tilespmem:s17], [sflag:$0x1] =	stream.indirect.gather [spmem:s2], $0x40, s3, s16, $0xb8;
	[tilespmem:$0x1E800] =	vst v63  }
0x68: {  	s6 =	rddreg [dreg:$0x5]  }
0x69: {  	[tilespmem:s18], [sflag:$0x2] =	stream.indirect.gather [spmem:s2], $0x40, s6, s16, $0xb8;
	[tilespmem:$0x1E800] =	vst v63  }
0x6a: {  	s13 =	rddreg [dreg:$0x6]  }
0x6b: {  	[tilespmem:s19], [sflag:$0x3] =	stream.indirect.gather [spmem:s2], $0x40, s13, s16, $0xb8;
	[tilespmem:$0x1E800] =	vst v63  }
0x6c: {  	s11 =	rddreg [dreg:$0x7]  }
0x6d: {  	[tilespmem:s20], [sflag:$0x4] =	stream.indirect.gather [spmem:s2], $0x40, s11, s16, $0xb8;
	[tilespmem:$0x1E800] =	vst v63  }
0x6e: {  	_ =	swait.ge [sflag:s21], $0x2000  }
0x6f: {  	[sflag:s21] =	ssyncset.done $0x0  }
0x70: {  	[sflag:s21] =	ssyncadd.s32 $0xFFFFE000  }
0x71: {  	[spmem:s1] =	stream.indirect.scatter.add.f32 [tilespmem:s17], [sflag:$0x5], $0x40, s16, s16, $0xb8;
	[tilespmem:$0x1E800] =	vst v63  }
0x72: {  	_ =	swait.ge [sflag:s22], $0x2000  }
0x73: {  	[sflag:s22] =	ssyncset.done $0x0  }
0x74: {  	s6 =	rddreg [dreg:$0x8];
	[sflag:s22] =	ssyncadd.s32 $0xFFFFE000  }
0x75: {  	[spmem:s1] =	stream.indirect.scatter.add.f32 [tilespmem:s18], [sflag:$0x6], $0x40, s6, s16, $0xb8;
	[tilespmem:$0x1E800] =	vst v63  }
0x76: {  	_ =	swait.ge [sflag:s23], $0x2000  }
0x77: {  	[sflag:s23] =	ssyncset.done $0x0  }
0x78: {  	s11 =	rddreg [dreg:$0x9];
	[sflag:s23] =	ssyncadd.s32 $0xFFFFE000  }
0x79: {  	[spmem:s1] =	stream.indirect.scatter.add.f32 [tilespmem:s19], [sflag:$0x7], $0x40, s11, s16, $0xb8;
	[tilespmem:$0x1E800] =	vst v63  }
0x7a: {  	_ =	swait.ge [sflag:s24], $0x2000  }
0x7b: {  	[sflag:s24] =	ssyncset.done $0x0  }
0x7c: {  	s13 =	rddreg [dreg:$0xa];
	[sflag:s24] =	ssyncadd.s32 $0xFFFFE000  }
0x7d: {  	[spmem:s1] =	stream.indirect.scatter.add.f32 [tilespmem:s20], [sflag:$0x8], $0x40, s13, s16, $0xb8;
	[tilespmem:$0x1E800] =	vst v63  }
0x7e: {  	_ =	swait.ge [sflag:s25], $0x2000  }
0x7f: {  	[sflag:s25] =	ssyncset.done $0x0  }
0x80: {  	s6 =	rddreg [dreg:$0xb];
	[sflag:s25] =	ssyncadd.s32 $0xFFFFE000  }
0x81: {  	[tilespmem:s17], [sflag:$0x1] =	stream.indirect.gather [spmem:s2], $0x40, s6, s16, $0xb8;
	[tilespmem:$0x1E800] =	vst v63  }
0x82: {  	_ =	swait.ge [sflag:s26], $0x2000  }
0x83: {  	[sflag:s26] =	ssyncset.done $0x0  }
0x84: {  	s11 =	rddreg [dreg:$0xc];
	[sflag:s26] =	ssyncadd.s32 $0xFFFFE000  }
0x85: {  	[tilespmem:s18], [sflag:$0x2] =	stream.indirect.gather [spmem:s2], $0x40, s11, s16, $0xb8;
	[tilespmem:$0x1E800] =	vst v63  }
0x86: {  	_ =	swait.ge [sflag:s28], $0x2000  }
0x87: {  	[sflag:s28] =	ssyncset.done $0x0  }
0x88: {  	s13 =	rddreg [dreg:$0xd];
	[sflag:s28] =	ssyncadd.s32 $0xFFFFE000  }
0x89: {  	[tilespmem:s19], [sflag:$0x3] =	stream.indirect.gather [spmem:s2], $0x40, s13, s16, $0xb8;
	[tilespmem:$0x1E800] =	vst v63  }
0x8a: {  	_ =	swait.ge [sflag:s29], $0x2000  }
0x8b: {  	[sflag:s29] =	ssyncset.done $0x0  }
0x8c: {  	s6 =	rddreg [dreg:$0xe];
	[sflag:s29] =	ssyncadd.s32 $0xFFFFE000  }
0x8d: {  	[tilespmem:s20], [sflag:$0x4] =	stream.indirect.gather [spmem:s2], $0x40, s6, s16, $0xb8;
	[tilespmem:$0x1E800] =	vst v63  }
0x8e: {  	_ =	swait.ge [sflag:s21], $0x2000  }
0x8f: {  	[sflag:s21] =	ssyncset.done $0x0  }
0x90: {  	s11 =	rddreg [dreg:$0xf];
	[sflag:s21] =	ssyncadd.s32 $0xFFFFE000  }
0x91: {  	[spmem:s1] =	stream.indirect.scatter.add.f32 [tilespmem:s17], [sflag:$0x5], $0x40, s11, s16, $0xb8;
	[tilespmem:$0x1E800] =	vst v63  }
0x92: {  	_ =	swait.ge [sflag:s22], $0x2000  }
0x93: {  	[sflag:s22] =	ssyncset.done $0x0  }
0x94: {  	s13 =	rddreg [dreg:$0x10];
	[sflag:s22] =	ssyncadd.s32 $0xFFFFE000  }
0x95: {  	[spmem:s1] =	stream.indirect.scatter.add.f32 [tilespmem:s18], [sflag:$0x6], $0x40, s13, s16, $0xb8;
	[tilespmem:$0x1E800] =	vst v63  }
0x96: {  	_ =	swait.ge [sflag:s23], $0x2000  }
0x97: {  	[sflag:s23] =	ssyncset.done $0x0  }
0x98: {  	s6 =	rddreg [dreg:$0x11];
	[sflag:s23] =	ssyncadd.s32 $0xFFFFE000  }
0x99: {  	[spmem:s1] =	stream.indirect.scatter.add.f32 [tilespmem:s19], [sflag:$0x7], $0x40, s6, s16, $0xb8;
	[tilespmem:$0x1E800] =	vst v63  }
0x9a: {  	_ =	swait.ge [sflag:s24], $0x2000  }
0x9b: {  	[sflag:s24] =	ssyncset.done $0x0  }
0x9c: {  	s11 =	rddreg [dreg:$0x12];
	[sflag:s24] =	ssyncadd.s32 $0xFFFFE000  }
0x9d: {  	[spmem:s1] =	stream.indirect.scatter.add.f32 [tilespmem:s20], [sflag:$0x8], $0x40, s11, s16, $0xb8;
	[tilespmem:$0x1E800] =	vst v63  }
0x9e: {  	_ =	swait.ge [sflag:s25], $0x2000  }
0x9f: {  	[sflag:s25] =	ssyncset.done $0x0  }
0xa0: {  	s13 =	rddreg [dreg:$0x13];
	[sflag:s25] =	ssyncadd.s32 $0xFFFFE000  }
0xa1: {  	[tilespmem:s17], [sflag:$0x1] =	stream.indirect.gather [spmem:s2], $0x40, s13, s16, $0xb8;
	[tilespmem:$0x1E800] =	vst v63  }
0xa2: {  	_ =	swait.ge [sflag:s26], $0x2000  }
0xa3: {  	[sflag:s26] =	ssyncset.done $0x0  }
0xa4: {  	s6 =	rddreg [dreg:$0x14];
	[sflag:s26] =	ssyncadd.s32 $0xFFFFE000  }
0xa5: {  	[tilespmem:s18], [sflag:$0x2] =	stream.indirect.gather [spmem:s2], $0x40, s6, s16, $0xb8;
	[tilespmem:$0x1E800] =	vst v63  }
0xa6: {  	_ =	swait.ge [sflag:s28], $0x2000  }
0xa7: {  	[sflag:s28] =	ssyncset.done $0x0  }
0xa8: {  	s11 =	rddreg [dreg:$0x15];
	[sflag:s28] =	ssyncadd.s32 $0xFFFFE000  }
0xa9: {  	[tilespmem:s19], [sflag:$0x3] =	stream.indirect.gather [spmem:s2], $0x40, s11, s16, $0xb8;
	[tilespmem:$0x1E800] =	vst v63  }
0xaa: {  	_ =	swait.ge [sflag:s29], $0x2000  }
0xab: {  	[sflag:s29] =	ssyncset.done $0x0  }
0xac: {  	s13 =	rddreg [dreg:$0x16];
	[sflag:s29] =	ssyncadd.s32 $0xFFFFE000  }
0xad: {  	[tilespmem:s20], [sflag:$0x4] =	stream.indirect.gather [spmem:s2], $0x40, s13, s16, $0xb8;
	[tilespmem:$0x1E800] =	vst v63  }
0xae: {  	_ =	swait.ge [sflag:s21], $0x2000  }
0xaf: {  	[sflag:s21] =	ssyncset.done $0x0  }
0xb0: {  	s6 =	rddreg [dreg:$0x17];
	[sflag:s21] =	ssyncadd.s32 $0xFFFFE000  }
0xb1: {  	[spmem:s1] =	stream.indirect.scatter.add.f32 [tilespmem:s17], [sflag:$0x5], $0x40, s6, s16, $0xb8;
	[tilespmem:$0x1E800] =	vst v63  }
0xb2: {  	_ =	swait.ge [sflag:s22], $0x2000  }
0xb3: {  	[sflag:s22] =	ssyncset.done $0x0  }
0xb4: {  	s11 =	rddreg [dreg:$0x18];
	[sflag:s22] =	ssyncadd.s32 $0xFFFFE000  }
0xb5: {  	[spmem:s1] =	stream.indirect.scatter.add.f32 [tilespmem:s18], [sflag:$0x6], $0x40, s11, s16, $0xb8;
	[tilespmem:$0x1E800] =	vst v63  }
0xb6: {  	_ =	swait.ge [sflag:s23], $0x2000  }
0xb7: {  	[sflag:s23] =	ssyncset.done $0x0  }
0xb8: {  	s13 =	rddreg [dreg:$0x19];
	[sflag:s23] =	ssyncadd.s32 $0xFFFFE000  }
0xb9: {  	[spmem:s1] =	stream.indirect.scatter.add.f32 [tilespmem:s19], [sflag:$0x7], $0x40, s13, s16, $0xb8;
	[tilespmem:$0x1E800] =	vst v63  }
0xba: {  	_ =	swait.ge [sflag:s24], $0x2000  }
0xbb: {  	[sflag:s24] =	ssyncset.done $0x0  }
0xbc: {  	s6 =	rddreg [dreg:$0x1a];
	[sflag:s24] =	ssyncadd.s32 $0xFFFFE000  }
0xbd: {  	[spmem:s1] =	stream.indirect.scatter.add.f32 [tilespmem:s20], [sflag:$0x8], $0x40, s6, s16, $0xb8;
	[tilespmem:$0x1E800] =	vst v63  }
0xbe: {  	_ =	swait.ge [sflag:s25], $0x2000  }
0xbf: {  	[sflag:s25] =	ssyncset.done $0x0  }
0xc0: {  	s11 =	rddreg [dreg:$0x1b];
	[sflag:s25] =	ssyncadd.s32 $0xFFFFE000  }
0xc1: {  	[tilespmem:s17], [sflag:$0x1] =	stream.indirect.gather [spmem:s2], $0x40, s11, s16, $0xb8;
	[tilespmem:$0x1E800] =	vst v63  }
0xc2: {  	_ =	swait.ge [sflag:s26], $0x2000  }
0xc3: {  	[sflag:s26] =	ssyncset.done $0x0  }
0xc4: {  	s13 =	rddreg [dreg:$0x1c];
	[sflag:s26] =	ssyncadd.s32 $0xFFFFE000  }
0xc5: {  	[tilespmem:s18], [sflag:$0x2] =	stream.indirect.gather [spmem:s2], $0x40, s13, s16, $0xb8;
	[tilespmem:$0x1E800] =	vst v63  }
0xc6: {  	_ =	swait.ge [sflag:s28], $0x2000  }
0xc7: {  	[sflag:s28] =	ssyncset.done $0x0  }
0xc8: {  	s6 =	rddreg [dreg:$0x1d];
	[sflag:s28] =	ssyncadd.s32 $0xFFFFE000  }
0xc9: {  	[tilespmem:s19], [sflag:$0x3] =	stream.indirect.gather [spmem:s2], $0x40, s6, s16, $0xb8;
	[tilespmem:$0x1E800] =	vst v63  }
0xca: {  	_ =	swait.ge [sflag:s29], $0x2000  }
0xcb: {  	[sflag:s29] =	ssyncset.done $0x0  }
0xcc: {  	s11 =	rddreg [dreg:$0x1e];
	[sflag:s29] =	ssyncadd.s32 $0xFFFFE000  }
0xcd: {  	[tilespmem:s20], [sflag:$0x4] =	stream.indirect.gather [spmem:s2], $0x40, s11, s16, $0xb8;
	[tilespmem:$0x1E800] =	vst v63  }
0xce: {  	_ =	swait.ge [sflag:s21], $0x2000  }
0xcf: {  	[sflag:s21] =	ssyncset.done $0x0  }
0xd0: {  	s13 =	rddreg [dreg:$0x1f];
	[sflag:s21] =	ssyncadd.s32 $0xFFFFE000  }
0xd1: {  	[spmem:s1] =	stream.indirect.scatter.add.f32 [tilespmem:s17], [sflag:$0x5], $0x40, s13, s16, $0xb8;
	[tilespmem:$0x1E800] =	vst v63  }
0xd2: {  	_ =	swait.ge [sflag:s22], $0x2000  }
0xd3: {  	s6 =	sld [smem:$0x7CA]  }
0xd4: {  	[sflag:s22] =	ssyncset.done $0x0  }
0xd5: {  	[sflag:s22] =	ssyncadd.s32 $0xFFFFE000  }
0xd6: {  	[spmem:s1] =	stream.indirect.scatter.add.f32 [tilespmem:s18], [sflag:$0x6], $0x40, s6, s16, $0xb8;
	[tilespmem:$0x1E800] =	vst v63  }
0xd7: {  	_ =	swait.ge [sflag:s23], $0x2000  }
0xd8: {  	s11 =	sld [smem:$0x7CB]  }
0xd9: {  	[sflag:s23] =	ssyncset.done $0x0  }
0xda: {  	[sflag:s23] =	ssyncadd.s32 $0xFFFFE000  }
0xdb: {  	[spmem:s1] =	stream.indirect.scatter.add.f32 [tilespmem:s19], [sflag:$0x7], $0x40, s11, s16, $0xb8;
	[tilespmem:$0x1E800] =	vst v63  }
0xdc: {  	_ =	swait.ge [sflag:s24], $0x2000  }
0xdd: {  	s13 =	sld [smem:$0x7CC]  }
0xde: {  	[sflag:s24] =	ssyncset.done $0x0  }
0xdf: {  	[sflag:s24] =	ssyncadd.s32 $0xFFFFE000  }
0xe0: {  	[spmem:s1] =	stream.indirect.scatter.add.f32 [tilespmem:s20], [sflag:$0x8], $0x40, s13, s16, $0xb8;
	[tilespmem:$0x1E800] =	vst v63  }
0xe1: {  	_ =	swait.ge [sflag:s25], $0x2000  }
0xe2: {  	s6 =	sld [smem:$0x7CD]  }
0xe3: {  	[sflag:s25] =	ssyncset.done $0x0  }
0xe4: {  	[sflag:s25] =	ssyncadd.s32 $0xFFFFE000  }
0xe5: {  	[tilespmem:s17], [sflag:$0x1] =	stream.indirect.gather [spmem:s2], $0x40, s6, s16, $0xb8;
	[tilespmem:$0x1E800] =	vst v63  }
0xe6: {  	_ =	swait.ge [sflag:s26], $0x2000  }
0xe7: {  	s11 =	sld [smem:$0x7CE]  }
0xe8: {  	[sflag:s26] =	ssyncset.done $0x0  }
0xe9: {  	[sflag:s26] =	ssyncadd.s32 $0xFFFFE000  }
0xea: {  	[tilespmem:s18], [sflag:$0x2] =	stream.indirect.gather [spmem:s2], $0x40, s11, s16, $0xb8;
	[tilespmem:$0x1E800] =	vst v63  }
0xeb: {  	_ =	swait.ge [sflag:s28], $0x2000  }
0xec: {  	s13 =	sld [smem:$0x7CF]  }
0xed: {  	[sflag:s28] =	ssyncset.done $0x0  }
0xee: {  	[sflag:s28] =	ssyncadd.s32 $0xFFFFE000  }
0xef: {  	[tilespmem:s19], [sflag:$0x3] =	stream.indirect.gather [spmem:s2], $0x40, s13, s16, $0xb8;
	[tilespmem:$0x1E800] =	vst v63  }
0xf0: {  	_ =	swait.ge [sflag:s29], $0x2000  }
0xf1: {  	s6 =	sld [smem:$0x7D0]  }
0xf2: {  	[sflag:s29] =	ssyncset.done $0x0  }
0xf3: {  	[sflag:s29] =	ssyncadd.s32 $0xFFFFE000  }
0xf4: {  	[tilespmem:s20], [sflag:$0x4] =	stream.indirect.gather [spmem:s2], $0x40, s6, s16, $0xb8;
	[tilespmem:$0x1E800] =	vst v63  }
0xf5: {  	_ =	swait.ge [sflag:s21], $0x2000  }
0xf6: {  	s11 =	sld [smem:$0x7D1]  }
0xf7: {  	[sflag:s21] =	ssyncset.done $0x0  }
0xf8: {  	[sflag:s21] =	ssyncadd.s32 $0xFFFFE000  }
0xf9: {  	[spmem:s1] =	stream.indirect.scatter.add.f32 [tilespmem:s17], [sflag:$0x5], $0x40, s11, s16, $0xb8;
	[tilespmem:$0x1E800] =	vst v63  }
0xfa: {  	_ =	swait.ge [sflag:s22], $0x2000  }
0xfb: {  	s13 =	sld [smem:$0x7D2]  }
0xfc: {  	[sflag:s22] =	ssyncset.done $0x0  }
0xfd: {  	[sflag:s22] =	ssyncadd.s32 $0xFFFFE000  }
0xfe: {  	[spmem:s1] =	stream.indirect.scatter.add.f32 [tilespmem:s18], [sflag:$0x6], $0x40, s13, s16, $0xb8;
	[tilespmem:$0x1E800] =	vst v63  }
0xff: {  	_ =	swait.ge [sflag:s23], $0x2000  }
0x100: {  	s6 =	sld [smem:$0x7D3]  }
0x101: {  	[sflag:s23] =	ssyncset.done $0x0  }
0x102: {  	[sflag:s23] =	ssyncadd.s32 $0xFFFFE000  }
0x103: {  	[spmem:s1] =	stream.indirect.scatter.add.f32 [tilespmem:s19], [sflag:$0x7], $0x40, s6, s16, $0xb8;
	[tilespmem:$0x1E800] =	vst v63  }
0x104: {  	_ =	swait.ge [sflag:s24], $0x2000  }
0x105: {  	s11 =	sld [smem:$0x7D4]  }
0x106: {  	[sflag:s24] =	ssyncset.done $0x0  }
0x107: {  	[sflag:s24] =	ssyncadd.s32 $0xFFFFE000  }
0x108: {  	[spmem:s1] =	stream.indirect.scatter.add.f32 [tilespmem:s20], [sflag:$0x8], $0x40, s11, s16, $0xb8;
	[tilespmem:$0x1E800] =	vst v63  }
0x109: {  	_ =	swait.ge [sflag:s25], $0x2000  }
0x10a: {  	[sflag:s25] =	ssyncset.done $0x0  }
0x10b: {  	[sflag:s25] =	ssyncadd.s32 $0xFFFFE000  }
0x10c: {  	_ =	swait.ge [sflag:s26], $0x2000  }
0x10d: {  	[sflag:s26] =	ssyncset.done $0x0  }
0x10e: {  	[sflag:s26] =	ssyncadd.s32 $0xFFFFE000  }
0x10f: {  	_ =	swait.ge [sflag:s28], $0x2000  }
0x110: {  	[sflag:s28] =	ssyncset.done $0x0  }
0x111: {  	[sflag:s28] =	ssyncadd.s32 $0xFFFFE000  }
0x112: {  	_ =	swait.ge [sflag:s29], $0x2000  }
0x113: {  	[sflag:s29] =	ssyncset.done $0x0  }
0x114: {  	[sflag:s29] =	ssyncadd.s32 $0xFFFFE000  }
0x115: {  	p0 =	por $0x0, $0x0;
	_ =	swait.ge [sflag:s30], $0x1400  }
0x116: {  	s10 =	sadd.s32 @!p0 $0xFFFFEC00, s7;
	[sflag:s30] =	ssyncset.done $0x0  }
0x117: {  	s10 =	sadd.s32 @!p0 $0x1900, s10;
	s13 =	simm.s32 @!p0 $0x0;
	[sflag:s30] =	ssyncadd.s32 $0xFFFFEC00  }
0x118: {  	[tilespmem:s13], [sflag:$0x9] =	stream.linear.gather @!p0 [hbm4b:s10+s13], $0x1400, $0x38;
	[tilespmem:$0x1E800] =	vst v63  }
0x119: {  	s13 =	sld [smem:$0x7D5]  }
0x11a: {  	[tilespmem:s17], [sflag:$0x1] =	stream.indirect.gather [spmem:s2], $0x40, s15, s16, $0xb8;
	[tilespmem:$0x1E800] =	vst v63  }
0x11b: {  	s6 =	sld [smem:$0x7D7]  }
0x11c: {  	[tilespmem:s18], [sflag:$0x2] =	stream.indirect.gather [spmem:s2], $0x40, s13, s16, $0xb8;
	[tilespmem:$0x1E800] =	vst v63  }
0x11d: {  	s11 =	sld [smem:$0x7D8]  }
0x11e: {  	[tilespmem:s19], [sflag:$0x3] =	stream.indirect.gather [spmem:s2], $0x40, s6, s16, $0xb8;
	[tilespmem:$0x1E800] =	vst v63  }
0x11f: {  	_ = 	snop  }
0x120: {  	[tilespmem:s20], [sflag:$0x4] =	stream.indirect.gather [spmem:s2], $0x40, s11, s16, $0xb8;
	[tilespmem:$0x1E800] =	vst v63  }
0x121: {  	_ =	swait.ge [sflag:s21], $0x2000  }
0x122: {  	s13 =	sld [smem:$0x7D9]  }
0x123: {  	[sflag:s21] =	ssyncset.done $0x0  }
0x124: {  	[sflag:s21] =	ssyncadd.s32 $0xFFFFE000  }
0x125: {  	[spmem:s1] =	stream.indirect.scatter.add.f32 [tilespmem:s17], [sflag:$0x5], $0x40, s13, s16, $0xb8;
	[tilespmem:$0x1E800] =	vst v63  }
0x126: {  	_ =	swait.ge [sflag:s22], $0x2000  }
0x127: {  	s6 =	sld [smem:$0x7DA]  }
0x128: {  	[sflag:s22] =	ssyncset.done $0x0  }
0x129: {  	[sflag:s22] =	ssyncadd.s32 $0xFFFFE000  }
0x12a: {  	[spmem:s1] =	stream.indirect.scatter.add.f32 [tilespmem:s18], [sflag:$0x6], $0x40, s6, s16, $0xb8;
	[tilespmem:$0x1E800] =	vst v63  }
0x12b: {  	_ =	swait.ge [sflag:s23], $0x2000  }
0x12c: {  	s11 =	sld [smem:$0x7DB]  }
0x12d: {  	[sflag:s23] =	ssyncset.done $0x0  }
0x12e: {  	[sflag:s23] =	ssyncadd.s32 $0xFFFFE000  }
0x12f: {  	[spmem:s1] =	stream.indirect.scatter.add.f32 [tilespmem:s19], [sflag:$0x7], $0x40, s11, s16, $0xb8;
	[tilespmem:$0x1E800] =	vst v63  }
0x130: {  	_ =	swait.ge [sflag:s24], $0x2000  }
0x131: {  	s13 =	sld [smem:$0x7DC]  }
0x132: {  	[sflag:s24] =	ssyncset.done $0x0  }
0x133: {  	[sflag:s24] =	ssyncadd.s32 $0xFFFFE000  }
0x134: {  	[spmem:s1] =	stream.indirect.scatter.add.f32 [tilespmem:s20], [sflag:$0x8], $0x40, s13, s16, $0xb8;
	[tilespmem:$0x1E800] =	vst v63  }
0x135: {  	_ =	swait.ge [sflag:s25], $0x2000  }
0x136: {  	s6 =	sld [smem:$0x7DD]  }
0x137: {  	[sflag:s25] =	ssyncset.done $0x0  }
0x138: {  	[sflag:s25] =	ssyncadd.s32 $0xFFFFE000  }
0x139: {  	[tilespmem:s17], [sflag:$0x1] =	stream.indirect.gather [spmem:s2], $0x40, s6, s16, $0xb8;
	[tilespmem:$0x1E800] =	vst v63  }
0x13a: {  	_ =	swait.ge [sflag:s26], $0x2000  }
0x13b: {  	s11 =	sld [smem:$0x7DE]  }
0x13c: {  	[sflag:s26] =	ssyncset.done $0x0  }
0x13d: {  	[sflag:s26] =	ssyncadd.s32 $0xFFFFE000  }
0x13e: {  	[tilespmem:s18], [sflag:$0x2] =	stream.indirect.gather [spmem:s2], $0x40, s11, s16, $0xb8;
	[tilespmem:$0x1E800] =	vst v63  }
0x13f: {  	_ =	swait.ge [sflag:s28], $0x2000  }
0x140: {  	s13 =	sld [smem:$0x7DF]  }
0x141: {  	[sflag:s28] =	ssyncset.done $0x0  }
0x142: {  	[sflag:s28] =	ssyncadd.s32 $0xFFFFE000  }
0x143: {  	[tilespmem:s19], [sflag:$0x3] =	stream.indirect.gather [spmem:s2], $0x40, s13, s16, $0xb8;
	[tilespmem:$0x1E800] =	vst v63  }
0x144: {  	_ =	swait.ge [sflag:s29], $0x2000  }
0x145: {  	s6 =	sld [smem:$0x7E0]  }
0x146: {  	[sflag:s29] =	ssyncset.done $0x0  }
0x147: {  	[sflag:s29] =	ssyncadd.s32 $0xFFFFE000  }
0x148: {  	[tilespmem:s20], [sflag:$0x4] =	stream.indirect.gather [spmem:s2], $0x40, s6, s16, $0xb8;
	[tilespmem:$0x1E800] =	vst v63  }
0x149: {  	_ =	swait.ge [sflag:s21], $0x2000  }
0x14a: {  	s11 =	sld [smem:$0x7E1]  }
0x14b: {  	[sflag:s21] =	ssyncset.done $0x0  }
0x14c: {  	[sflag:s21] =	ssyncadd.s32 $0xFFFFE000  }
0x14d: {  	[spmem:s1] =	stream.indirect.scatter.add.f32 [tilespmem:s17], [sflag:$0x5], $0x40, s11, s16, $0xb8;
	[tilespmem:$0x1E800] =	vst v63  }
0x14e: {  	_ =	swait.ge [sflag:s22], $0x2000  }
0x14f: {  	s13 =	sld [smem:$0x7E2]  }
0x150: {  	[sflag:s22] =	ssyncset.done $0x0  }
0x151: {  	[sflag:s22] =	ssyncadd.s32 $0xFFFFE000  }
0x152: {  	[spmem:s1] =	stream.indirect.scatter.add.f32 [tilespmem:s18], [sflag:$0x6], $0x40, s13, s16, $0xb8;
	[tilespmem:$0x1E800] =	vst v63  }
0x153: {  	_ =	swait.ge [sflag:s23], $0x2000  }
0x154: {  	s6 =	sld [smem:$0x7E3]  }
0x155: {  	[sflag:s23] =	ssyncset.done $0x0  }
0x156: {  	[sflag:s23] =	ssyncadd.s32 $0xFFFFE000  }
0x157: {  	[spmem:s1] =	stream.indirect.scatter.add.f32 [tilespmem:s19], [sflag:$0x7], $0x40, s6, s16, $0xb8;
	[tilespmem:$0x1E800] =	vst v63  }
0x158: {  	_ =	swait.ge [sflag:s24], $0x2000  }
0x159: {  	s11 =	sld [smem:$0x7E4]  }
0x15a: {  	[sflag:s24] =	ssyncset.done $0x0  }
0x15b: {  	[sflag:s24] =	ssyncadd.s32 $0xFFFFE000  }
0x15c: {  	[spmem:s1] =	stream.indirect.scatter.add.f32 [tilespmem:s20], [sflag:$0x8], $0x40, s11, s16, $0xb8;
	[tilespmem:$0x1E800] =	vst v63  }
0x15d: {  	_ =	swait.ge [sflag:s25], $0x2000  }
0x15e: {  	s13 =	sld [smem:$0x7E6]  }
0x15f: {  	[sflag:s25] =	ssyncset.done $0x0  }
0x160: {  	[sflag:s25] =	ssyncadd.s32 $0xFFFFE000  }
0x161: {  	[tilespmem:s17], [sflag:$0x1] =	stream.indirect.gather [spmem:s2], $0x40, s13, s16, $0xb8;
	[tilespmem:$0x1E800] =	vst v63  }
0x162: {  	_ =	swait.ge [sflag:s26], $0x2000  }
0x163: {  	s6 =	sld [smem:$0x7E8]  }
0x164: {  	[sflag:s26] =	ssyncset.done $0x0  }
0x165: {  	[sflag:s26] =	ssyncadd.s32 $0xFFFFE000  }
0x166: {  	[tilespmem:s18], [sflag:$0x2] =	stream.indirect.gather [spmem:s2], $0x40, s6, s16, $0xb8;
	[tilespmem:$0x1E800] =	vst v63  }
0x167: {  	_ =	swait.ge [sflag:s28], $0x2000  }
0x168: {  	s11 =	sld [smem:$0x7E9]  }
0x169: {  	[sflag:s28] =	ssyncset.done $0x0  }
0x16a: {  	[sflag:s28] =	ssyncadd.s32 $0xFFFFE000  }
0x16b: {  	[tilespmem:s19], [sflag:$0x3] =	stream.indirect.gather [spmem:s2], $0x40, s11, s16, $0xb8;
	[tilespmem:$0x1E800] =	vst v63  }
0x16c: {  	_ =	swait.ge [sflag:s29], $0x2000  }
0x16d: {  	s13 =	sld [smem:$0x7EB]  }
0x16e: {  	[sflag:s29] =	ssyncset.done $0x0  }
0x16f: {  	[sflag:s29] =	ssyncadd.s32 $0xFFFFE000  }
0x170: {  	[tilespmem:s20], [sflag:$0x4] =	stream.indirect.gather [spmem:s2], $0x40, s13, s16, $0xb8;
	[tilespmem:$0x1E800] =	vst v63  }
0x171: {  	_ =	swait.ge [sflag:s21], $0x2000  }
0x172: {  	s6 =	sld [smem:$0x7EC]  }
0x173: {  	[sflag:s21] =	ssyncset.done $0x0  }
0x174: {  	[sflag:s21] =	ssyncadd.s32 $0xFFFFE000  }
0x175: {  	[spmem:s1] =	stream.indirect.scatter.add.f32 [tilespmem:s17], [sflag:$0x5], $0x40, s6, s16, $0xb8;
	[tilespmem:$0x1E800] =	vst v63  }
0x176: {  	_ =	swait.ge [sflag:s22], $0x2000  }
0x177: {  	s11 =	sld [smem:$0x7ED]  }
0x178: {  	[sflag:s22] =	ssyncset.done $0x0  }
0x179: {  	[sflag:s22] =	ssyncadd.s32 $0xFFFFE000  }
0x17a: {  	[spmem:s1] =	stream.indirect.scatter.add.f32 [tilespmem:s18], [sflag:$0x6], $0x40, s11, s16, $0xb8;
	[tilespmem:$0x1E800] =	vst v63  }
0x17b: {  	_ =	swait.ge [sflag:s23], $0x2000  }
0x17c: {  	s13 =	sld [smem:$0x7EF]  }
0x17d: {  	[sflag:s23] =	ssyncset.done $0x0  }
0x17e: {  	[sflag:s23] =	ssyncadd.s32 $0xFFFFE000  }
0x17f: {  	[spmem:s1] =	stream.indirect.scatter.add.f32 [tilespmem:s19], [sflag:$0x7], $0x40, s13, s16, $0xb8;
	[tilespmem:$0x1E800] =	vst v63  }
0x180: {  	_ =	swait.ge [sflag:s24], $0x2000  }
0x181: {  	s6 =	sld [smem:$0x7F0]  }
0x182: {  	[sflag:s24] =	ssyncset.done $0x0  }
0x183: {  	[sflag:s24] =	ssyncadd.s32 $0xFFFFE000  }
0x184: {  	[spmem:s1] =	stream.indirect.scatter.add.f32 [tilespmem:s20], [sflag:$0x8], $0x40, s6, s16, $0xb8;
	[tilespmem:$0x1E800] =	vst v63  }
0x185: {  	_ =	swait.ge [sflag:s25], $0x2000  }
0x186: {  	s11 =	sld [smem:$0x7F1]  }
0x187: {  	[sflag:s25] =	ssyncset.done $0x0  }
0x188: {  	[sflag:s25] =	ssyncadd.s32 $0xFFFFE000  }
0x189: {  	[tilespmem:s17], [sflag:$0x1] =	stream.indirect.gather [spmem:s2], $0x40, s11, s16, $0xb8;
	[tilespmem:$0x1E800] =	vst v63  }
0x18a: {  	_ =	swait.ge [sflag:s26], $0x2000  }
0x18b: {  	s13 =	sld [smem:$0x7F2]  }
0x18c: {  	[sflag:s26] =	ssyncset.done $0x0  }
0x18d: {  	[sflag:s26] =	ssyncadd.s32 $0xFFFFE000  }
0x18e: {  	[tilespmem:s18], [sflag:$0x2] =	stream.indirect.gather [spmem:s2], $0x40, s13, s16, $0xb8;
	[tilespmem:$0x1E800] =	vst v63  }
0x18f: {  	_ =	swait.ge [sflag:s28], $0x2000  }
0x190: {  	s6 =	sld [smem:$0x7F3]  }
0x191: {  	[sflag:s28] =	ssyncset.done $0x0  }
0x192: {  	[sflag:s28] =	ssyncadd.s32 $0xFFFFE000  }
0x193: {  	[tilespmem:s19], [sflag:$0x3] =	stream.indirect.gather [spmem:s2], $0x40, s6, s16, $0xb8;
	[tilespmem:$0x1E800] =	vst v63  }
0x194: {  	_ =	swait.ge [sflag:s29], $0x2000  }
0x195: {  	s11 =	sld [smem:$0x7F4]  }
0x196: {  	[sflag:s29] =	ssyncset.done $0x0  }
0x197: {  	[sflag:s29] =	ssyncadd.s32 $0xFFFFE000  }
0x198: {  	[tilespmem:s20], [sflag:$0x4] =	stream.indirect.gather [spmem:s2], $0x40, s11, s16, $0xb8;
	[tilespmem:$0x1E800] =	vst v63  }
0x199: {  	_ =	swait.ge [sflag:s21], $0x2000  }
0x19a: {  	s13 =	sld [smem:$0x7F5]  }
0x19b: {  	[sflag:s21] =	ssyncset.done $0x0  }
0x19c: {  	[sflag:s21] =	ssyncadd.s32 $0xFFFFE000  }
0x19d: {  	[spmem:s1] =	stream.indirect.scatter.add.f32 [tilespmem:s17], [sflag:$0x5], $0x40, s13, s16, $0xb8;
	[tilespmem:$0x1E800] =	vst v63  }
0x19e: {  	_ =	swait.ge [sflag:s22], $0x2000  }
0x19f: {  	s6 =	sld [smem:$0x7F6]  }
0x1a0: {  	[sflag:s22] =	ssyncset.done $0x0  }
0x1a1: {  	[sflag:s22] =	ssyncadd.s32 $0xFFFFE000  }
0x1a2: {  	[spmem:s1] =	stream.indirect.scatter.add.f32 [tilespmem:s18], [sflag:$0x6], $0x40, s6, s16, $0xb8;
	[tilespmem:$0x1E800] =	vst v63  }
0x1a3: {  	_ =	swait.ge [sflag:s23], $0x2000  }
0x1a4: {  	s11 =	sld [smem:$0x7F7]  }
0x1a5: {  	[sflag:s23] =	ssyncset.done $0x0  }
0x1a6: {  	[sflag:s23] =	ssyncadd.s32 $0xFFFFE000  }
0x1a7: {  	[spmem:s1] =	stream.indirect.scatter.add.f32 [tilespmem:s19], [sflag:$0x7], $0x40, s11, s16, $0xb8;
	[tilespmem:$0x1E800] =	vst v63  }
0x1a8: {  	_ =	swait.ge [sflag:s24], $0x2000  }
0x1a9: {  	s13 =	sld [smem:$0x7F8]  }
0x1aa: {  	[sflag:s24] =	ssyncset.done $0x0  }
0x1ab: {  	[sflag:s24] =	ssyncadd.s32 $0xFFFFE000  }
0x1ac: {  	[spmem:s1] =	stream.indirect.scatter.add.f32 [tilespmem:s20], [sflag:$0x8], $0x40, s13, s16, $0xb8;
	[tilespmem:$0x1E800] =	vst v63  }
0x1ad: {  	_ =	swait.ge [sflag:s25], $0x2000  }
0x1ae: {  	s6 =	sld [smem:$0x7F9]  }
0x1af: {  	[sflag:s25] =	ssyncset.done $0x0  }
0x1b0: {  	[sflag:s25] =	ssyncadd.s32 $0xFFFFE000  }
0x1b1: {  	[tilespmem:s17], [sflag:$0x1] =	stream.indirect.gather [spmem:s2], $0x40, s6, s16, $0xb8;
	[tilespmem:$0x1E800] =	vst v63  }
0x1b2: {  	_ =	swait.ge [sflag:s26], $0x2000  }
0x1b3: {  	s11 =	sld [smem:$0x7FA]  }
0x1b4: {  	[sflag:s26] =	ssyncset.done $0x0  }
0x1b5: {  	[sflag:s26] =	ssyncadd.s32 $0xFFFFE000  }
0x1b6: {  	[tilespmem:s18], [sflag:$0x2] =	stream.indirect.gather [spmem:s2], $0x40, s11, s16, $0xb8;
	[tilespmem:$0x1E800] =	vst v63  }
0x1b7: {  	_ =	swait.ge [sflag:s28], $0x2000  }
0x1b8: {  	s13 =	sld [smem:$0x7FB]  }
0x1b9: {  	[sflag:s28] =	ssyncset.done $0x0  }
0x1ba: {  	[sflag:s28] =	ssyncadd.s32 $0xFFFFE000  }
0x1bb: {  	[tilespmem:s19], [sflag:$0x3] =	stream.indirect.gather [spmem:s2], $0x40, s13, s16, $0xb8;
	[tilespmem:$0x1E800] =	vst v63  }
0x1bc: {  	_ =	swait.ge [sflag:s29], $0x2000  }
0x1bd: {  	[sflag:s29] =	ssyncset.done $0x0  }
0x1be: {  	[sflag:s29] =	ssyncadd.s32 $0xFFFFE000  }
0x1bf: {  	[tilespmem:s20], [sflag:$0x4] =	stream.indirect.gather [spmem:s2], $0x40, s31, s16, $0xb8;
	[tilespmem:$0x1E800] =	vst v63  }
0x1c0: {  	_ =	swait.ge [sflag:s21], $0x2000  }
0x1c1: {  	[sflag:s21] =	ssyncset.done $0x0  }
0x1c2: {  	[sflag:s21] =	ssyncadd.s32 $0xFFFFE000  }
0x1c3: {  	[spmem:s1] =	stream.indirect.scatter.add.f32 [tilespmem:s17], [sflag:$0x5], $0x40, s0, s16, $0xb8;
	[tilespmem:$0x1E800] =	vst v63  }
0x1c4: {  	_ =	swait.ge [sflag:s22], $0x2000  }
0x1c5: {  	[sflag:s22] =	ssyncset.done $0x0  }
0x1c6: {  	[sflag:s22] =	ssyncadd.s32 $0xFFFFE000  }
0x1c7: {  	[spmem:s1] =	stream.indirect.scatter.add.f32 [tilespmem:s18], [sflag:$0x6], $0x40, s4, s16, $0xb8;
	[tilespmem:$0x1E800] =	vst v63  }
0x1c8: {  	_ =	swait.ge [sflag:s23], $0x2000  }
0x1c9: {  	[sflag:s23] =	ssyncset.done $0x0  }
0x1ca: {  	[sflag:s23] =	ssyncadd.s32 $0xFFFFE000  }
0x1cb: {  	[spmem:s1] =	stream.indirect.scatter.add.f32 [tilespmem:s19], [sflag:$0x7], $0x40, s5, s16, $0xb8;
	[tilespmem:$0x1E800] =	vst v63  }
0x1cc: {  	_ =	swait.ge [sflag:s24], $0x2000  }
0x1cd: {  	[sflag:s24] =	ssyncset.done $0x0  }
0x1ce: {  	[sflag:s24] =	ssyncadd.s32 $0xFFFFE000  }
0x1cf: {  	[spmem:s1] =	stream.indirect.scatter.add.f32 [tilespmem:s20], [sflag:$0x8], $0x40, s8, s16, $0xb8;
	[tilespmem:$0x1E800] =	vst v63  }
0x1d0: {  	_ =	swait.ge [sflag:s25], $0x2000  }
0x1d1: {  	[sflag:s25] =	ssyncset.done $0x0  }
0x1d2: {  	[sflag:s25] =	ssyncadd.s32 $0xFFFFE000  }
0x1d3: {  	_ =	swait.ge [sflag:s26], $0x2000  }
0x1d4: {  	[sflag:s26] =	ssyncset.done $0x0  }
0x1d5: {  	[sflag:s26] =	ssyncadd.s32 $0xFFFFE000  }
0x1d6: {  	_ =	swait.ge [sflag:s28], $0x2000  }
0x1d7: {  	[sflag:s28] =	ssyncset.done $0x0  }
0x1d8: {  	[sflag:s28] =	ssyncadd.s32 $0xFFFFE000  }
0x1d9: {  	_ =	swait.ge [sflag:s29], $0x2000  }
0x1da: {  	s10 =	simm.s32 $0xFFFFF100;
	[sflag:s29] =	ssyncset.done $0x0  }
.LBB2_2:
0x1db: {  	[sflag:s29] =	ssyncadd.s32 $0xFFFFE000  }
0x1dc: {  	s13 =	smov.u32 s10;
	_ =	swait.ge [sflag:s14], $0x1400  }
0x1dd: {  	s11 =	sadd.s32 s13, s7;
	[sflag:s14] =	ssyncset.done $0x0  }
0x1de: {  	s11 =	sadd.s32 $0x1680, s11;
	[sflag:s14] =	ssyncadd.s32 $0xFFFFEC00  }
0x1df: {  	[tilespmem:s15], [sflag:$0xA] =	stream.linear.gather [hbm4b:s11+s3], $0x1400, $0x38;
	[tilespmem:$0x1E800] =	vst v63  }
0x1e0: {  	_ = 	snop  }
0x1e1: {  	[tilespmem:s17], [sflag:$0x1] =	stream.indirect.gather [spmem:s2], $0x40, s3, s16, $0xb8;
	[tilespmem:$0x1E800] =	vst v63  }
0x1e2: {  	s11 =	rddreg [dreg:$0x5]  }
0x1e3: {  	[tilespmem:s18], [sflag:$0x2] =	stream.indirect.gather [spmem:s2], $0x40, s11, s16, $0xb8;
	[tilespmem:$0x1E800] =	vst v63  }
0x1e4: {  	s6 =	rddreg [dreg:$0x6]  }
0x1e5: {  	[tilespmem:s19], [sflag:$0x3] =	stream.indirect.gather [spmem:s2], $0x40, s6, s16, $0xb8;
	[tilespmem:$0x1E800] =	vst v63  }
0x1e6: {  	s11 =	rddreg [dreg:$0x7]  }
0x1e7: {  	[tilespmem:s20], [sflag:$0x4] =	stream.indirect.gather [spmem:s2], $0x40, s11, s16, $0xb8;
	[tilespmem:$0x1E800] =	vst v63  }
0x1e8: {  	_ =	swait.ge [sflag:s21], $0x2000  }
0x1e9: {  	[sflag:s21] =	ssyncset.done $0x0  }
0x1ea: {  	[sflag:s21] =	ssyncadd.s32 $0xFFFFE000  }
0x1eb: {  	[spmem:s1] =	stream.indirect.scatter.add.f32 [tilespmem:s17], [sflag:$0x5], $0x40, s16, s16, $0xb8;
	[tilespmem:$0x1E800] =	vst v63  }
0x1ec: {  	_ =	swait.ge [sflag:s22], $0x2000  }
0x1ed: {  	[sflag:s22] =	ssyncset.done $0x0  }
0x1ee: {  	s11 =	rddreg [dreg:$0x8];
	[sflag:s22] =	ssyncadd.s32 $0xFFFFE000  }
0x1ef: {  	[spmem:s1] =	stream.indirect.scatter.add.f32 [tilespmem:s18], [sflag:$0x6], $0x40, s11, s16, $0xb8;
	[tilespmem:$0x1E800] =	vst v63  }
0x1f0: {  	_ =	swait.ge [sflag:s23], $0x2000  }
0x1f1: {  	[sflag:s23] =	ssyncset.done $0x0  }
0x1f2: {  	s11 =	rddreg [dreg:$0x9];
	[sflag:s23] =	ssyncadd.s32 $0xFFFFE000  }
0x1f3: {  	[spmem:s1] =	stream.indirect.scatter.add.f32 [tilespmem:s19], [sflag:$0x7], $0x40, s11, s16, $0xb8;
	[tilespmem:$0x1E800] =	vst v63  }
0x1f4: {  	_ =	swait.ge [sflag:s24], $0x2000  }
0x1f5: {  	[sflag:s24] =	ssyncset.done $0x0  }
0x1f6: {  	s11 =	rddreg [dreg:$0xa];
	[sflag:s24] =	ssyncadd.s32 $0xFFFFE000  }
0x1f7: {  	[spmem:s1] =	stream.indirect.scatter.add.f32 [tilespmem:s20], [sflag:$0x8], $0x40, s11, s16, $0xb8;
	[tilespmem:$0x1E800] =	vst v63  }
0x1f8: {  	_ =	swait.ge [sflag:s25], $0x2000  }
0x1f9: {  	[sflag:s25] =	ssyncset.done $0x0  }
0x1fa: {  	s11 =	rddreg [dreg:$0xb];
	[sflag:s25] =	ssyncadd.s32 $0xFFFFE000  }
0x1fb: {  	[tilespmem:s17], [sflag:$0x1] =	stream.indirect.gather [spmem:s2], $0x40, s11, s16, $0xb8;
	[tilespmem:$0x1E800] =	vst v63  }
0x1fc: {  	_ =	swait.ge [sflag:s26], $0x2000  }
0x1fd: {  	[sflag:s26] =	ssyncset.done $0x0  }
0x1fe: {  	s11 =	rddreg [dreg:$0xc];
	[sflag:s26] =	ssyncadd.s32 $0xFFFFE000  }
0x1ff: {  	[tilespmem:s18], [sflag:$0x2] =	stream.indirect.gather [spmem:s2], $0x40, s11, s16, $0xb8;
	[tilespmem:$0x1E800] =	vst v63  }
0x200: {  	_ =	swait.ge [sflag:s28], $0x2000  }
0x201: {  	[sflag:s28] =	ssyncset.done $0x0  }
0x202: {  	s11 =	rddreg [dreg:$0xd];
	[sflag:s28] =	ssyncadd.s32 $0xFFFFE000  }
0x203: {  	[tilespmem:s19], [sflag:$0x3] =	stream.indirect.gather [spmem:s2], $0x40, s11, s16, $0xb8;
	[tilespmem:$0x1E800] =	vst v63  }
0x204: {  	_ =	swait.ge [sflag:s29], $0x2000  }
0x205: {  	[sflag:s29] =	ssyncset.done $0x0  }
0x206: {  	s11 =	rddreg [dreg:$0xe];
	[sflag:s29] =	ssyncadd.s32 $0xFFFFE000  }
0x207: {  	[tilespmem:s20], [sflag:$0x4] =	stream.indirect.gather [spmem:s2], $0x40, s11, s16, $0xb8;
	[tilespmem:$0x1E800] =	vst v63  }
0x208: {  	_ =	swait.ge [sflag:s21], $0x2000  }
0x209: {  	[sflag:s21] =	ssyncset.done $0x0  }
0x20a: {  	s11 =	rddreg [dreg:$0xf];
	[sflag:s21] =	ssyncadd.s32 $0xFFFFE000  }
0x20b: {  	[spmem:s1] =	stream.indirect.scatter.add.f32 [tilespmem:s17], [sflag:$0x5], $0x40, s11, s16, $0xb8;
	[tilespmem:$0x1E800] =	vst v63  }
0x20c: {  	_ =	swait.ge [sflag:s22], $0x2000  }
0x20d: {  	[sflag:s22] =	ssyncset.done $0x0  }
0x20e: {  	s11 =	rddreg [dreg:$0x10];
	[sflag:s22] =	ssyncadd.s32 $0xFFFFE000  }
0x20f: {  	[spmem:s1] =	stream.indirect.scatter.add.f32 [tilespmem:s18], [sflag:$0x6], $0x40, s11, s16, $0xb8;
	[tilespmem:$0x1E800] =	vst v63  }
0x210: {  	_ =	swait.ge [sflag:s23], $0x2000  }
0x211: {  	[sflag:s23] =	ssyncset.done $0x0  }
0x212: {  	s11 =	rddreg [dreg:$0x11];
	[sflag:s23] =	ssyncadd.s32 $0xFFFFE000  }
0x213: {  	[spmem:s1] =	stream.indirect.scatter.add.f32 [tilespmem:s19], [sflag:$0x7], $0x40, s11, s16, $0xb8;
	[tilespmem:$0x1E800] =	vst v63  }
0x214: {  	_ =	swait.ge [sflag:s24], $0x2000  }
0x215: {  	[sflag:s24] =	ssyncset.done $0x0  }
0x216: {  	s11 =	rddreg [dreg:$0x12];
	[sflag:s24] =	ssyncadd.s32 $0xFFFFE000  }
0x217: {  	[spmem:s1] =	stream.indirect.scatter.add.f32 [tilespmem:s20], [sflag:$0x8], $0x40, s11, s16, $0xb8;
	[tilespmem:$0x1E800] =	vst v63  }
0x218: {  	_ =	swait.ge [sflag:s25], $0x2000  }
0x219: {  	[sflag:s25] =	ssyncset.done $0x0  }
0x21a: {  	s11 =	rddreg [dreg:$0x13];
	[sflag:s25] =	ssyncadd.s32 $0xFFFFE000  }
0x21b: {  	[tilespmem:s17], [sflag:$0x1] =	stream.indirect.gather [spmem:s2], $0x40, s11, s16, $0xb8;
	[tilespmem:$0x1E800] =	vst v63  }
0x21c: {  	_ =	swait.ge [sflag:s26], $0x2000  }
0x21d: {  	[sflag:s26] =	ssyncset.done $0x0  }
0x21e: {  	s11 =	rddreg [dreg:$0x14];
	[sflag:s26] =	ssyncadd.s32 $0xFFFFE000  }
0x21f: {  	[tilespmem:s18], [sflag:$0x2] =	stream.indirect.gather [spmem:s2], $0x40, s11, s16, $0xb8;
	[tilespmem:$0x1E800] =	vst v63  }
0x220: {  	_ =	swait.ge [sflag:s28], $0x2000  }
0x221: {  	[sflag:s28] =	ssyncset.done $0x0  }
0x222: {  	s11 =	rddreg [dreg:$0x15];
	[sflag:s28] =	ssyncadd.s32 $0xFFFFE000  }
0x223: {  	[tilespmem:s19], [sflag:$0x3] =	stream.indirect.gather [spmem:s2], $0x40, s11, s16, $0xb8;
	[tilespmem:$0x1E800] =	vst v63  }
0x224: {  	_ =	swait.ge [sflag:s29], $0x2000  }
0x225: {  	[sflag:s29] =	ssyncset.done $0x0  }
0x226: {  	s11 =	rddreg [dreg:$0x16];
	[sflag:s29] =	ssyncadd.s32 $0xFFFFE000  }
0x227: {  	[tilespmem:s20], [sflag:$0x4] =	stream.indirect.gather [spmem:s2], $0x40, s11, s16, $0xb8;
	[tilespmem:$0x1E800] =	vst v63  }
0x228: {  	_ =	swait.ge [sflag:s21], $0x2000  }
0x229: {  	[sflag:s21] =	ssyncset.done $0x0  }
0x22a: {  	s11 =	rddreg [dreg:$0x17];
	[sflag:s21] =	ssyncadd.s32 $0xFFFFE000  }
0x22b: {  	[spmem:s1] =	stream.indirect.scatter.add.f32 [tilespmem:s17], [sflag:$0x5], $0x40, s11, s16, $0xb8;
	[tilespmem:$0x1E800] =	vst v63  }
0x22c: {  	_ =	swait.ge [sflag:s22], $0x2000  }
0x22d: {  	[sflag:s22] =	ssyncset.done $0x0  }
0x22e: {  	s11 =	rddreg [dreg:$0x18];
	[sflag:s22] =	ssyncadd.s32 $0xFFFFE000  }
0x22f: {  	[spmem:s1] =	stream.indirect.scatter.add.f32 [tilespmem:s18], [sflag:$0x6], $0x40, s11, s16, $0xb8;
	[tilespmem:$0x1E800] =	vst v63  }
0x230: {  	_ =	swait.ge [sflag:s23], $0x2000  }
0x231: {  	[sflag:s23] =	ssyncset.done $0x0  }
0x232: {  	s11 =	rddreg [dreg:$0x19];
	[sflag:s23] =	ssyncadd.s32 $0xFFFFE000  }
0x233: {  	[spmem:s1] =	stream.indirect.scatter.add.f32 [tilespmem:s19], [sflag:$0x7], $0x40, s11, s16, $0xb8;
	[tilespmem:$0x1E800] =	vst v63  }
0x234: {  	_ =	swait.ge [sflag:s24], $0x2000  }
0x235: {  	[sflag:s24] =	ssyncset.done $0x0  }
0x236: {  	s11 =	rddreg [dreg:$0x1a];
	[sflag:s24] =	ssyncadd.s32 $0xFFFFE000  }
0x237: {  	[spmem:s1] =	stream.indirect.scatter.add.f32 [tilespmem:s20], [sflag:$0x8], $0x40, s11, s16, $0xb8;
	[tilespmem:$0x1E800] =	vst v63  }
0x238: {  	_ =	swait.ge [sflag:s25], $0x2000  }
0x239: {  	[sflag:s25] =	ssyncset.done $0x0  }
0x23a: {  	s11 =	rddreg [dreg:$0x1b];
	[sflag:s25] =	ssyncadd.s32 $0xFFFFE000  }
0x23b: {  	[tilespmem:s17], [sflag:$0x1] =	stream.indirect.gather [spmem:s2], $0x40, s11, s16, $0xb8;
	[tilespmem:$0x1E800] =	vst v63  }
0x23c: {  	_ =	swait.ge [sflag:s26], $0x2000  }
0x23d: {  	[sflag:s26] =	ssyncset.done $0x0  }
0x23e: {  	s11 =	rddreg [dreg:$0x1c];
	[sflag:s26] =	ssyncadd.s32 $0xFFFFE000  }
0x23f: {  	[tilespmem:s18], [sflag:$0x2] =	stream.indirect.gather [spmem:s2], $0x40, s11, s16, $0xb8;
	[tilespmem:$0x1E800] =	vst v63  }
0x240: {  	_ =	swait.ge [sflag:s28], $0x2000  }
0x241: {  	[sflag:s28] =	ssyncset.done $0x0  }
0x242: {  	s11 =	rddreg [dreg:$0x1d];
	[sflag:s28] =	ssyncadd.s32 $0xFFFFE000  }
0x243: {  	[tilespmem:s19], [sflag:$0x3] =	stream.indirect.gather [spmem:s2], $0x40, s11, s16, $0xb8;
	[tilespmem:$0x1E800] =	vst v63  }
0x244: {  	_ =	swait.ge [sflag:s29], $0x2000  }
0x245: {  	[sflag:s29] =	ssyncset.done $0x0  }
0x246: {  	s11 =	rddreg [dreg:$0x1e];
	[sflag:s29] =	ssyncadd.s32 $0xFFFFE000  }
0x247: {  	[tilespmem:s20], [sflag:$0x4] =	stream.indirect.gather [spmem:s2], $0x40, s11, s16, $0xb8;
	[tilespmem:$0x1E800] =	vst v63  }
0x248: {  	_ =	swait.ge [sflag:s21], $0x2000  }
0x249: {  	[sflag:s21] =	ssyncset.done $0x0  }
0x24a: {  	s11 =	rddreg [dreg:$0x1f];
	[sflag:s21] =	ssyncadd.s32 $0xFFFFE000  }
0x24b: {  	[spmem:s1] =	stream.indirect.scatter.add.f32 [tilespmem:s17], [sflag:$0x5], $0x40, s11, s16, $0xb8;
	[tilespmem:$0x1E800] =	vst v63  }
0x24c: {  	_ =	swait.ge [sflag:s22], $0x2000  }
0x24d: {  	s11 =	sld [smem:$0x7CA]  }
0x24e: {  	[sflag:s22] =	ssyncset.done $0x0  }
0x24f: {  	[sflag:s22] =	ssyncadd.s32 $0xFFFFE000  }
0x250: {  	[spmem:s1] =	stream.indirect.scatter.add.f32 [tilespmem:s18], [sflag:$0x6], $0x40, s11, s16, $0xb8;
	[tilespmem:$0x1E800] =	vst v63  }
0x251: {  	_ =	swait.ge [sflag:s23], $0x2000  }
0x252: {  	s11 =	sld [smem:$0x7CB]  }
0x253: {  	[sflag:s23] =	ssyncset.done $0x0  }
0x254: {  	[sflag:s23] =	ssyncadd.s32 $0xFFFFE000  }
0x255: {  	[spmem:s1] =	stream.indirect.scatter.add.f32 [tilespmem:s19], [sflag:$0x7], $0x40, s11, s16, $0xb8;
	[tilespmem:$0x1E800] =	vst v63  }
0x256: {  	_ =	swait.ge [sflag:s24], $0x2000  }
0x257: {  	s11 =	sld [smem:$0x7CC]  }
0x258: {  	[sflag:s24] =	ssyncset.done $0x0  }
0x259: {  	[sflag:s24] =	ssyncadd.s32 $0xFFFFE000  }
0x25a: {  	[spmem:s1] =	stream.indirect.scatter.add.f32 [tilespmem:s20], [sflag:$0x8], $0x40, s11, s16, $0xb8;
	[tilespmem:$0x1E800] =	vst v63  }
0x25b: {  	_ =	swait.ge [sflag:s25], $0x2000  }
0x25c: {  	s11 =	sld [smem:$0x7CD]  }
0x25d: {  	[sflag:s25] =	ssyncset.done $0x0  }
0x25e: {  	[sflag:s25] =	ssyncadd.s32 $0xFFFFE000  }
0x25f: {  	[tilespmem:s17], [sflag:$0x1] =	stream.indirect.gather [spmem:s2], $0x40, s11, s16, $0xb8;
	[tilespmem:$0x1E800] =	vst v63  }
0x260: {  	_ =	swait.ge [sflag:s26], $0x2000  }
0x261: {  	s11 =	sld [smem:$0x7CE]  }
0x262: {  	[sflag:s26] =	ssyncset.done $0x0  }
0x263: {  	[sflag:s26] =	ssyncadd.s32 $0xFFFFE000  }
0x264: {  	[tilespmem:s18], [sflag:$0x2] =	stream.indirect.gather [spmem:s2], $0x40, s11, s16, $0xb8;
	[tilespmem:$0x1E800] =	vst v63  }
0x265: {  	_ =	swait.ge [sflag:s28], $0x2000  }
0x266: {  	s11 =	sld [smem:$0x7CF]  }
0x267: {  	[sflag:s28] =	ssyncset.done $0x0  }
0x268: {  	[sflag:s28] =	ssyncadd.s32 $0xFFFFE000  }
0x269: {  	[tilespmem:s19], [sflag:$0x3] =	stream.indirect.gather [spmem:s2], $0x40, s11, s16, $0xb8;
	[tilespmem:$0x1E800] =	vst v63  }
0x26a: {  	_ =	swait.ge [sflag:s29], $0x2000  }
0x26b: {  	s11 =	sld [smem:$0x7D0]  }
0x26c: {  	[sflag:s29] =	ssyncset.done $0x0  }
0x26d: {  	[sflag:s29] =	ssyncadd.s32 $0xFFFFE000  }
0x26e: {  	[tilespmem:s20], [sflag:$0x4] =	stream.indirect.gather [spmem:s2], $0x40, s11, s16, $0xb8;
	[tilespmem:$0x1E800] =	vst v63  }
0x26f: {  	_ =	swait.ge [sflag:s21], $0x2000  }
0x270: {  	s11 =	sld [smem:$0x7D1]  }
0x271: {  	[sflag:s21] =	ssyncset.done $0x0  }
0x272: {  	[sflag:s21] =	ssyncadd.s32 $0xFFFFE000  }
0x273: {  	[spmem:s1] =	stream.indirect.scatter.add.f32 [tilespmem:s17], [sflag:$0x5], $0x40, s11, s16, $0xb8;
	[tilespmem:$0x1E800] =	vst v63  }
0x274: {  	_ =	swait.ge [sflag:s22], $0x2000  }
0x275: {  	s11 =	sld [smem:$0x7D2]  }
0x276: {  	[sflag:s22] =	ssyncset.done $0x0  }
0x277: {  	[sflag:s22] =	ssyncadd.s32 $0xFFFFE000  }
0x278: {  	[spmem:s1] =	stream.indirect.scatter.add.f32 [tilespmem:s18], [sflag:$0x6], $0x40, s11, s16, $0xb8;
	[tilespmem:$0x1E800] =	vst v63  }
0x279: {  	_ =	swait.ge [sflag:s23], $0x2000  }
0x27a: {  	s11 =	sld [smem:$0x7D3]  }
0x27b: {  	[sflag:s23] =	ssyncset.done $0x0  }
0x27c: {  	[sflag:s23] =	ssyncadd.s32 $0xFFFFE000  }
0x27d: {  	[spmem:s1] =	stream.indirect.scatter.add.f32 [tilespmem:s19], [sflag:$0x7], $0x40, s11, s16, $0xb8;
	[tilespmem:$0x1E800] =	vst v63  }
0x27e: {  	_ =	swait.ge [sflag:s24], $0x2000  }
0x27f: {  	s11 =	sld [smem:$0x7D4]  }
0x280: {  	[sflag:s24] =	ssyncset.done $0x0  }
0x281: {  	[sflag:s24] =	ssyncadd.s32 $0xFFFFE000  }
0x282: {  	[spmem:s1] =	stream.indirect.scatter.add.f32 [tilespmem:s20], [sflag:$0x8], $0x40, s11, s16, $0xb8;
	[tilespmem:$0x1E800] =	vst v63  }
0x283: {  	_ =	swait.ge [sflag:s25], $0x2000  }
0x284: {  	[sflag:s25] =	ssyncset.done $0x0  }
0x285: {  	[sflag:s25] =	ssyncadd.s32 $0xFFFFE000  }
0x286: {  	_ =	swait.ge [sflag:s26], $0x2000  }
0x287: {  	[sflag:s26] =	ssyncset.done $0x0  }
0x288: {  	[sflag:s26] =	ssyncadd.s32 $0xFFFFE000  }
0x289: {  	_ =	swait.ge [sflag:s28], $0x2000  }
0x28a: {  	[sflag:s28] =	ssyncset.done $0x0  }
0x28b: {  	[sflag:s28] =	ssyncadd.s32 $0xFFFFE000  }
0x28c: {  	_ =	swait.ge [sflag:s29], $0x2000  }
0x28d: {  	[sflag:s29] =	ssyncset.done $0x0  }
0x28e: {  	[sflag:s29] =	ssyncadd.s32 $0xFFFFE000  }
0x28f: {  	p1 =	seq.s32 s13, $0xFFFFFB00;
	_ =	swait.ge [sflag:s30], $0x1400  }
0x290: {  	s6 =	sadd.s32 @!p1 s13, s7;
	[sflag:s30] =	ssyncset.done $0x0  }
0x291: {  	s6 =	sadd.s32 @!p1 $0x1900, s6;
	s11 =	simm.s32 @!p1 $0x0;
	[sflag:s30] =	ssyncadd.s32 $0xFFFFEC00  }
0x292: {  	[tilespmem:s11], [sflag:$0x9] =	stream.linear.gather @!p1 [hbm4b:s6+s11], $0x1400, $0x38;
	[tilespmem:$0x1E800] =	vst v63  }
0x293: {  	s13 =	sld [smem:$0x7D5]  }
0x294: {  	[tilespmem:s17], [sflag:$0x1] =	stream.indirect.gather [spmem:s2], $0x40, s15, s16, $0xb8;
	[tilespmem:$0x1E800] =	vst v63  }
0x295: {  	s11 =	sld [smem:$0x7D7]  }
0x296: {  	[tilespmem:s18], [sflag:$0x2] =	stream.indirect.gather [spmem:s2], $0x40, s13, s16, $0xb8;
	[tilespmem:$0x1E800] =	vst v63  }
0x297: {  	s13 =	sld [smem:$0x7D8]  }
0x298: {  	[tilespmem:s19], [sflag:$0x3] =	stream.indirect.gather [spmem:s2], $0x40, s11, s16, $0xb8;
	[tilespmem:$0x1E800] =	vst v63  }
0x299: {  	_ = 	snop  }
0x29a: {  	[tilespmem:s20], [sflag:$0x4] =	stream.indirect.gather [spmem:s2], $0x40, s13, s16, $0xb8;
	[tilespmem:$0x1E800] =	vst v63  }
0x29b: {  	_ =	swait.ge [sflag:s21], $0x2000  }
0x29c: {  	s13 =	sld [smem:$0x7D9]  }
0x29d: {  	[sflag:s21] =	ssyncset.done $0x0  }
0x29e: {  	[sflag:s21] =	ssyncadd.s32 $0xFFFFE000  }
0x29f: {  	[spmem:s1] =	stream.indirect.scatter.add.f32 [tilespmem:s17], [sflag:$0x5], $0x40, s13, s16, $0xb8;
	[tilespmem:$0x1E800] =	vst v63  }
0x2a0: {  	_ =	swait.ge [sflag:s22], $0x2000  }
0x2a1: {  	s11 =	sld [smem:$0x7DA]  }
0x2a2: {  	[sflag:s22] =	ssyncset.done $0x0  }
0x2a3: {  	[sflag:s22] =	ssyncadd.s32 $0xFFFFE000  }
0x2a4: {  	[spmem:s1] =	stream.indirect.scatter.add.f32 [tilespmem:s18], [sflag:$0x6], $0x40, s11, s16, $0xb8;
	[tilespmem:$0x1E800] =	vst v63  }
0x2a5: {  	_ =	swait.ge [sflag:s23], $0x2000  }
0x2a6: {  	s13 =	sld [smem:$0x7DB]  }
0x2a7: {  	[sflag:s23] =	ssyncset.done $0x0  }
0x2a8: {  	[sflag:s23] =	ssyncadd.s32 $0xFFFFE000  }
0x2a9: {  	[spmem:s1] =	stream.indirect.scatter.add.f32 [tilespmem:s19], [sflag:$0x7], $0x40, s13, s16, $0xb8;
	[tilespmem:$0x1E800] =	vst v63  }
0x2aa: {  	_ =	swait.ge [sflag:s24], $0x2000  }
0x2ab: {  	s11 =	sld [smem:$0x7DC]  }
0x2ac: {  	[sflag:s24] =	ssyncset.done $0x0  }
0x2ad: {  	[sflag:s24] =	ssyncadd.s32 $0xFFFFE000  }
0x2ae: {  	[spmem:s1] =	stream.indirect.scatter.add.f32 [tilespmem:s20], [sflag:$0x8], $0x40, s11, s16, $0xb8;
	[tilespmem:$0x1E800] =	vst v63  }
0x2af: {  	_ =	swait.ge [sflag:s25], $0x2000  }
0x2b0: {  	s13 =	sld [smem:$0x7DD]  }
0x2b1: {  	[sflag:s25] =	ssyncset.done $0x0  }
0x2b2: {  	[sflag:s25] =	ssyncadd.s32 $0xFFFFE000  }
0x2b3: {  	[tilespmem:s17], [sflag:$0x1] =	stream.indirect.gather [spmem:s2], $0x40, s13, s16, $0xb8;
	[tilespmem:$0x1E800] =	vst v63  }
0x2b4: {  	_ =	swait.ge [sflag:s26], $0x2000  }
0x2b5: {  	s11 =	sld [smem:$0x7DE]  }
0x2b6: {  	[sflag:s26] =	ssyncset.done $0x0  }
0x2b7: {  	[sflag:s26] =	ssyncadd.s32 $0xFFFFE000  }
0x2b8: {  	[tilespmem:s18], [sflag:$0x2] =	stream.indirect.gather [spmem:s2], $0x40, s11, s16, $0xb8;
	[tilespmem:$0x1E800] =	vst v63  }
0x2b9: {  	_ =	swait.ge [sflag:s28], $0x2000  }
0x2ba: {  	s13 =	sld [smem:$0x7DF]  }
0x2bb: {  	[sflag:s28] =	ssyncset.done $0x0  }
0x2bc: {  	[sflag:s28] =	ssyncadd.s32 $0xFFFFE000  }
0x2bd: {  	[tilespmem:s19], [sflag:$0x3] =	stream.indirect.gather [spmem:s2], $0x40, s13, s16, $0xb8;
	[tilespmem:$0x1E800] =	vst v63  }
0x2be: {  	_ =	swait.ge [sflag:s29], $0x2000  }
0x2bf: {  	s11 =	sld [smem:$0x7E0]  }
0x2c0: {  	[sflag:s29] =	ssyncset.done $0x0  }
0x2c1: {  	[sflag:s29] =	ssyncadd.s32 $0xFFFFE000  }
0x2c2: {  	[tilespmem:s20], [sflag:$0x4] =	stream.indirect.gather [spmem:s2], $0x40, s11, s16, $0xb8;
	[tilespmem:$0x1E800] =	vst v63  }
0x2c3: {  	_ =	swait.ge [sflag:s21], $0x2000  }
0x2c4: {  	s13 =	sld [smem:$0x7E1]  }
0x2c5: {  	[sflag:s21] =	ssyncset.done $0x0  }
0x2c6: {  	[sflag:s21] =	ssyncadd.s32 $0xFFFFE000  }
0x2c7: {  	[spmem:s1] =	stream.indirect.scatter.add.f32 [tilespmem:s17], [sflag:$0x5], $0x40, s13, s16, $0xb8;
	[tilespmem:$0x1E800] =	vst v63  }
0x2c8: {  	_ =	swait.ge [sflag:s22], $0x2000  }
0x2c9: {  	s11 =	sld [smem:$0x7E2]  }
0x2ca: {  	[sflag:s22] =	ssyncset.done $0x0  }
0x2cb: {  	[sflag:s22] =	ssyncadd.s32 $0xFFFFE000  }
0x2cc: {  	[spmem:s1] =	stream.indirect.scatter.add.f32 [tilespmem:s18], [sflag:$0x6], $0x40, s11, s16, $0xb8;
	[tilespmem:$0x1E800] =	vst v63  }
0x2cd: {  	_ =	swait.ge [sflag:s23], $0x2000  }
0x2ce: {  	s13 =	sld [smem:$0x7E3]  }
0x2cf: {  	[sflag:s23] =	ssyncset.done $0x0  }
0x2d0: {  	[sflag:s23] =	ssyncadd.s32 $0xFFFFE000  }
0x2d1: {  	[spmem:s1] =	stream.indirect.scatter.add.f32 [tilespmem:s19], [sflag:$0x7], $0x40, s13, s16, $0xb8;
	[tilespmem:$0x1E800] =	vst v63  }
0x2d2: {  	_ =	swait.ge [sflag:s24], $0x2000  }
0x2d3: {  	s11 =	sld [smem:$0x7E4]  }
0x2d4: {  	[sflag:s24] =	ssyncset.done $0x0  }
0x2d5: {  	[sflag:s24] =	ssyncadd.s32 $0xFFFFE000  }
0x2d6: {  	[spmem:s1] =	stream.indirect.scatter.add.f32 [tilespmem:s20], [sflag:$0x8], $0x40, s11, s16, $0xb8;
	[tilespmem:$0x1E800] =	vst v63  }
0x2d7: {  	_ =	swait.ge [sflag:s25], $0x2000  }
0x2d8: {  	s13 =	sld [smem:$0x7E6]  }
0x2d9: {  	[sflag:s25] =	ssyncset.done $0x0  }
0x2da: {  	[sflag:s25] =	ssyncadd.s32 $0xFFFFE000  }
0x2db: {  	[tilespmem:s17], [sflag:$0x1] =	stream.indirect.gather [spmem:s2], $0x40, s13, s16, $0xb8;
	[tilespmem:$0x1E800] =	vst v63  }
0x2dc: {  	_ =	swait.ge [sflag:s26], $0x2000  }
0x2dd: {  	s11 =	sld [smem:$0x7E8]  }
0x2de: {  	[sflag:s26] =	ssyncset.done $0x0  }
0x2df: {  	[sflag:s26] =	ssyncadd.s32 $0xFFFFE000  }
0x2e0: {  	[tilespmem:s18], [sflag:$0x2] =	stream.indirect.gather [spmem:s2], $0x40, s11, s16, $0xb8;
	[tilespmem:$0x1E800] =	vst v63  }
0x2e1: {  	_ =	swait.ge [sflag:s28], $0x2000  }
0x2e2: {  	s13 =	sld [smem:$0x7E9]  }
0x2e3: {  	[sflag:s28] =	ssyncset.done $0x0  }
0x2e4: {  	[sflag:s28] =	ssyncadd.s32 $0xFFFFE000  }
0x2e5: {  	[tilespmem:s19], [sflag:$0x3] =	stream.indirect.gather [spmem:s2], $0x40, s13, s16, $0xb8;
	[tilespmem:$0x1E800] =	vst v63  }
0x2e6: {  	_ =	swait.ge [sflag:s29], $0x2000  }
0x2e7: {  	s11 =	sld [smem:$0x7EB]  }
0x2e8: {  	[sflag:s29] =	ssyncset.done $0x0  }
0x2e9: {  	[sflag:s29] =	ssyncadd.s32 $0xFFFFE000  }
0x2ea: {  	[tilespmem:s20], [sflag:$0x4] =	stream.indirect.gather [spmem:s2], $0x40, s11, s16, $0xb8;
	[tilespmem:$0x1E800] =	vst v63  }
0x2eb: {  	_ =	swait.ge [sflag:s21], $0x2000  }
0x2ec: {  	s13 =	sld [smem:$0x7EC]  }
0x2ed: {  	[sflag:s21] =	ssyncset.done $0x0  }
0x2ee: {  	[sflag:s21] =	ssyncadd.s32 $0xFFFFE000  }
0x2ef: {  	[spmem:s1] =	stream.indirect.scatter.add.f32 [tilespmem:s17], [sflag:$0x5], $0x40, s13, s16, $0xb8;
	[tilespmem:$0x1E800] =	vst v63  }
0x2f0: {  	_ =	swait.ge [sflag:s22], $0x2000  }
0x2f1: {  	s11 =	sld [smem:$0x7ED]  }
0x2f2: {  	[sflag:s22] =	ssyncset.done $0x0  }
0x2f3: {  	[sflag:s22] =	ssyncadd.s32 $0xFFFFE000  }
0x2f4: {  	[spmem:s1] =	stream.indirect.scatter.add.f32 [tilespmem:s18], [sflag:$0x6], $0x40, s11, s16, $0xb8;
	[tilespmem:$0x1E800] =	vst v63  }
0x2f5: {  	_ =	swait.ge [sflag:s23], $0x2000  }
0x2f6: {  	s13 =	sld [smem:$0x7EF]  }
0x2f7: {  	[sflag:s23] =	ssyncset.done $0x0  }
0x2f8: {  	[sflag:s23] =	ssyncadd.s32 $0xFFFFE000  }
0x2f9: {  	[spmem:s1] =	stream.indirect.scatter.add.f32 [tilespmem:s19], [sflag:$0x7], $0x40, s13, s16, $0xb8;
	[tilespmem:$0x1E800] =	vst v63  }
0x2fa: {  	_ =	swait.ge [sflag:s24], $0x2000  }
0x2fb: {  	s11 =	sld [smem:$0x7F0]  }
0x2fc: {  	[sflag:s24] =	ssyncset.done $0x0  }
0x2fd: {  	[sflag:s24] =	ssyncadd.s32 $0xFFFFE000  }
0x2fe: {  	[spmem:s1] =	stream.indirect.scatter.add.f32 [tilespmem:s20], [sflag:$0x8], $0x40, s11, s16, $0xb8;
	[tilespmem:$0x1E800] =	vst v63  }
0x2ff: {  	_ =	swait.ge [sflag:s25], $0x2000  }
0x300: {  	s13 =	sld [smem:$0x7F1]  }
0x301: {  	[sflag:s25] =	ssyncset.done $0x0  }
0x302: {  	[sflag:s25] =	ssyncadd.s32 $0xFFFFE000  }
0x303: {  	[tilespmem:s17], [sflag:$0x1] =	stream.indirect.gather [spmem:s2], $0x40, s13, s16, $0xb8;
	[tilespmem:$0x1E800] =	vst v63  }
0x304: {  	_ =	swait.ge [sflag:s26], $0x2000  }
0x305: {  	s11 =	sld [smem:$0x7F2]  }
0x306: {  	[sflag:s26] =	ssyncset.done $0x0  }
0x307: {  	[sflag:s26] =	ssyncadd.s32 $0xFFFFE000  }
0x308: {  	[tilespmem:s18], [sflag:$0x2] =	stream.indirect.gather [spmem:s2], $0x40, s11, s16, $0xb8;
	[tilespmem:$0x1E800] =	vst v63  }
0x309: {  	_ =	swait.ge [sflag:s28], $0x2000  }
0x30a: {  	s13 =	sld [smem:$0x7F3]  }
0x30b: {  	[sflag:s28] =	ssyncset.done $0x0  }
0x30c: {  	[sflag:s28] =	ssyncadd.s32 $0xFFFFE000  }
0x30d: {  	[tilespmem:s19], [sflag:$0x3] =	stream.indirect.gather [spmem:s2], $0x40, s13, s16, $0xb8;
	[tilespmem:$0x1E800] =	vst v63  }
0x30e: {  	_ =	swait.ge [sflag:s29], $0x2000  }
0x30f: {  	s11 =	sld [smem:$0x7F4]  }
0x310: {  	[sflag:s29] =	ssyncset.done $0x0  }
0x311: {  	[sflag:s29] =	ssyncadd.s32 $0xFFFFE000  }
0x312: {  	[tilespmem:s20], [sflag:$0x4] =	stream.indirect.gather [spmem:s2], $0x40, s11, s16, $0xb8;
	[tilespmem:$0x1E800] =	vst v63  }
0x313: {  	_ =	swait.ge [sflag:s21], $0x2000  }
0x314: {  	s13 =	sld [smem:$0x7F5]  }
0x315: {  	[sflag:s21] =	ssyncset.done $0x0  }
0x316: {  	[sflag:s21] =	ssyncadd.s32 $0xFFFFE000  }
0x317: {  	[spmem:s1] =	stream.indirect.scatter.add.f32 [tilespmem:s17], [sflag:$0x5], $0x40, s13, s16, $0xb8;
	[tilespmem:$0x1E800] =	vst v63  }
0x318: {  	_ =	swait.ge [sflag:s22], $0x2000  }
0x319: {  	s11 =	sld [smem:$0x7F6]  }
0x31a: {  	[sflag:s22] =	ssyncset.done $0x0  }
0x31b: {  	[sflag:s22] =	ssyncadd.s32 $0xFFFFE000  }
0x31c: {  	[spmem:s1] =	stream.indirect.scatter.add.f32 [tilespmem:s18], [sflag:$0x6], $0x40, s11, s16, $0xb8;
	[tilespmem:$0x1E800] =	vst v63  }
0x31d: {  	_ =	swait.ge [sflag:s23], $0x2000  }
0x31e: {  	s13 =	sld [smem:$0x7F7]  }
0x31f: {  	[sflag:s23] =	ssyncset.done $0x0  }
0x320: {  	[sflag:s23] =	ssyncadd.s32 $0xFFFFE000  }
0x321: {  	[spmem:s1] =	stream.indirect.scatter.add.f32 [tilespmem:s19], [sflag:$0x7], $0x40, s13, s16, $0xb8;
	[tilespmem:$0x1E800] =	vst v63  }
0x322: {  	_ =	swait.ge [sflag:s24], $0x2000  }
0x323: {  	s11 =	sld [smem:$0x7F8]  }
0x324: {  	[sflag:s24] =	ssyncset.done $0x0  }
0x325: {  	[sflag:s24] =	ssyncadd.s32 $0xFFFFE000  }
0x326: {  	[spmem:s1] =	stream.indirect.scatter.add.f32 [tilespmem:s20], [sflag:$0x8], $0x40, s11, s16, $0xb8;
	[tilespmem:$0x1E800] =	vst v63  }
0x327: {  	_ =	swait.ge [sflag:s25], $0x2000  }
0x328: {  	s13 =	sld [smem:$0x7F9]  }
0x329: {  	[sflag:s25] =	ssyncset.done $0x0  }
0x32a: {  	[sflag:s25] =	ssyncadd.s32 $0xFFFFE000  }
0x32b: {  	[tilespmem:s17], [sflag:$0x1] =	stream.indirect.gather [spmem:s2], $0x40, s13, s16, $0xb8;
	[tilespmem:$0x1E800] =	vst v63  }
0x32c: {  	_ =	swait.ge [sflag:s26], $0x2000  }
0x32d: {  	s11 =	sld [smem:$0x7FA]  }
0x32e: {  	[sflag:s26] =	ssyncset.done $0x0  }
0x32f: {  	[sflag:s26] =	ssyncadd.s32 $0xFFFFE000  }
0x330: {  	[tilespmem:s18], [sflag:$0x2] =	stream.indirect.gather [spmem:s2], $0x40, s11, s16, $0xb8;
	[tilespmem:$0x1E800] =	vst v63  }
0x331: {  	_ =	swait.ge [sflag:s28], $0x2000  }
0x332: {  	s13 =	sld [smem:$0x7FB]  }
0x333: {  	[sflag:s28] =	ssyncset.done $0x0  }
0x334: {  	[sflag:s28] =	ssyncadd.s32 $0xFFFFE000  }
0x335: {  	[tilespmem:s19], [sflag:$0x3] =	stream.indirect.gather [spmem:s2], $0x40, s13, s16, $0xb8;
	[tilespmem:$0x1E800] =	vst v63  }
0x336: {  	_ =	swait.ge [sflag:s29], $0x2000  }
0x337: {  	[sflag:s29] =	ssyncset.done $0x0  }
0x338: {  	[sflag:s29] =	ssyncadd.s32 $0xFFFFE000  }
0x339: {  	[tilespmem:s20], [sflag:$0x4] =	stream.indirect.gather [spmem:s2], $0x40, s31, s16, $0xb8;
	[tilespmem:$0x1E800] =	vst v63  }
0x33a: {  	_ =	swait.ge [sflag:s21], $0x2000  }
0x33b: {  	[sflag:s21] =	ssyncset.done $0x0  }
0x33c: {  	[sflag:s21] =	ssyncadd.s32 $0xFFFFE000  }
0x33d: {  	[spmem:s1] =	stream.indirect.scatter.add.f32 [tilespmem:s17], [sflag:$0x5], $0x40, s0, s16, $0xb8;
	[tilespmem:$0x1E800] =	vst v63  }
0x33e: {  	_ =	swait.ge [sflag:s22], $0x2000  }
0x33f: {  	[sflag:s22] =	ssyncset.done $0x0  }
0x340: {  	[sflag:s22] =	ssyncadd.s32 $0xFFFFE000  }
0x341: {  	[spmem:s1] =	stream.indirect.scatter.add.f32 [tilespmem:s18], [sflag:$0x6], $0x40, s4, s16, $0xb8;
	[tilespmem:$0x1E800] =	vst v63  }
0x342: {  	_ =	swait.ge [sflag:s23], $0x2000  }
0x343: {  	[sflag:s23] =	ssyncset.done $0x0  }
0x344: {  	[sflag:s23] =	ssyncadd.s32 $0xFFFFE000  }
0x345: {  	[spmem:s1] =	stream.indirect.scatter.add.f32 [tilespmem:s19], [sflag:$0x7], $0x40, s5, s16, $0xb8;
	[tilespmem:$0x1E800] =	vst v63  }
0x346: {  	_ =	swait.ge [sflag:s24], $0x2000  }
0x347: {  	[sflag:s24] =	ssyncset.done $0x0  }
0x348: {  	[sflag:s24] =	ssyncadd.s32 $0xFFFFE000  }
0x349: {  	[spmem:s1] =	stream.indirect.scatter.add.f32 [tilespmem:s20], [sflag:$0x8], $0x40, s8, s16, $0xb8;
	[tilespmem:$0x1E800] =	vst v63  }
0x34a: {  	_ =	swait.ge [sflag:s25], $0x2000  }
0x34b: {  	[sflag:s25] =	ssyncset.done $0x0  }
0x34c: {  	[sflag:s25] =	ssyncadd.s32 $0xFFFFE000  }
0x34d: {  	_ =	swait.ge [sflag:s26], $0x2000  }
0x34e: {  	s10 =	sadd.s32 $0x500, s10;
	[sflag:s26] =	ssyncset.done $0x0  }
0x34f: {  	p0 =	sne.s32 s10, $0x0;
	[sflag:s26] =	ssyncadd.s32 $0xFFFFE000  }
.Ltmp0:
0x350: {  	_ =	swait.ge [sflag:s28], $0x2000;
	(pc) =	sbr.rel @p0 .LBB2_2-.Ltmp0, $4  }
0x351: {  	[sflag:s28] =	ssyncset.done $0x0  }
0x352: {  	[sflag:s28] =	ssyncadd.s32 $0xFFFFE000  }
0x353: {  	_ =	swait.ge [sflag:s29], $0x2000  }
0x354: {  	[sflag:s29] =	ssyncset.done $0x0  }
0x355: {  	[sflag:s29] =	ssyncadd.s32 $0xFFFFE000  }
0x356: {  	[bflag:$0x0] =	sbarrier.arrive $0xFFFF  }
0x357: {  	s10 =	sld [smem:$0x7FC]  }
0x358: {  	s6 =	sld [smem:$0x7E5]  }
0x359: {  	s11 =	sld [smem:$0x7FD];
	_ =	sdelay $0x2  }
0x35a: {  	[hbm:s6], [sflag:s10] =	dma.local [spmem:s11], $0x1400  }
0x35b: {  	_ =	swait.ge [sflag:s12], $0x1400  }
0x35c: {  	s13 =	sld [smem:$0x7E7];
	_ =	sdelay $0x1  }
0x35d: {  	s9 =	sadd.s32 $0x1, s9  }
0x35e: {  	p0 =	sne.s32 s9, s13  }
.Ltmp1:
0x35f: {  	_ = 	snop;
	(pc) =	sbr.rel @p0 .LBB2_1-.Ltmp1, $3  }
0x360: {  	_ =	sdelay $0x1  }
0x361: {  	[sflag:s12] =	ssyncset.done $0x0  }
0x362: {  	[sflag:s12] =	ssyncadd.s32 $0xFFFFEC00  }
0x363: {  	_ =	sfence.sel $0x180000  }
0x364: {  	[bflag:$0x0] =	sbarrier.arrive $0xFFFF  }
0x365: {  	_ =	strace $0x9000004D  }
0x366: {  	s0 =	stileid.u32;
	[bflag:$0x2] =	sbarrier.arrive $0xFFFF  }
0x367: {  	p0 =	sne.s32 s0, $0x0;
	s0 =	rddreg [dreg:$0x4]  }
0x368: {  	s0 =	sadd.s32 @!p0 $0x100000, s0  }
0x369: {  	[sflag:s0] =	ssyncadd.tile.s32 @!p0 $0x1;
	_ =	shalt  }
.Lfunc_end2:
_tile_overlayer_lowered:
.L_overlay_start_2:
0x36a: {  	(tag) =	ssettag $0x2  }
0x36b: {  	s0 =	rddreg [dreg:$0x0];
	s2 =	stileid.u32  }
0x36c: {  	s1 =	rddreg [dreg:$0x1];
	p0 =	sne.s32 s2, $0x0  }
0x36d: {  	s3 =	rddreg [dreg:$0x2];
	[bflag:$0x3] =	sbarrier.arrive $0xFFFF;
	s2 =	simm.s32 @!p0 $0x1C0B  }
0x36e: {  	[timem:s3], [sflag:s2] =	dma.local @!p0 [hbm:s0], s1  }
0x36f: {  	s0 =	simm.s32 @!p0 $0xB  }
0x370: {  	_ =	swait.ge @!p0 [sflag:s0], s1  }
0x371: {  	s1 =	ssub.s32 @!p0 $0x0, s1;
	[sflag:s0] =	ssyncset.done @!p0 $0x0  }
0x372: {  	[sflag:s0] =	ssyncadd.s32 @!p0 s1  }
0x373: {  	[bflag:$0x3] =	sbarrier.arrive $0xFFFF  }
0x374: {  	_ =	shalt  }

// kernel: kernel.22.cloned.1.call-start
scs
__scs_entry_jumppad:
0x0: {  	(pc) =	sbr.rel $0x88, $3  }
0x1: {  	(tag) =	ssettag $0x0;
	lr =	simm.s32 $0x1  }
0x2: {  	[smem:$0x3F91] =	sst lr;
	_ =	strace $0xD0000000  }
0x3: {  	_ = 	snop  }
0x4: {  	_ = 	snop  }
0x5: {  	_ = 	snop  }
0x6: {  	_ = 	snop  }
0x7: {  	_ = 	snop  }
__scs_overlays_trampoline_lowered:
0x8: {  	[smem:$0x3FA0] =	sst s0  }
0x9: {  	[smem:$0x3FA1] =	sst s1  }
0xa: {  	[smem:$0x3FA2] =	sst s2  }
0xb: {  	[smem:$0x3FA3] =	sst s3  }
0xc: {  	[smem:$0x3FA4] =	sst s4  }
0xd: {  	[smem:$0x3FA5] =	sst s5  }
0xe: {  	[smem:$0x3FA6] =	sst s6  }
0xf: {  	[smem:$0x3FA7] =	sst s7  }
0x10: {  	[smem:$0x3FA8] =	sst s8  }
0x11: {  	[smem:$0x3FA9] =	sst s9;
	s0 =	simm.s32 @!p0 $0x0  }
0x12: {  	s1 =	sld [smem:$0x3F8F];
	s0 =	simm.s32 @p0 $0x1  }
0x13: {  	[smem:$0x3FAA] =	sst s0;
	s0 =	simm.s32 @!p1 $0x0  }
0x14: {  	s2 =	sld [smem:$0x3F8E];
	s0 =	simm.s32 @p1 $0x1  }
0x15: {  	[smem:$0x3FAB] =	sst s0;
	s0 =	simm.s32 @!p2 $0x0  }
0x16: {  	s3 =	sld [smem:$0x3FDB];
	s0 =	simm.s32 @p2 $0x1  }
0x17: {  	s4 =	simm.s32 $0x1BF5;
	[smem:$0x3FAD] =	sst s0  }
0x18: {  	s0 =	sld [smem:$0x3F90];
	_ =	swait.ge [sflag:s4], $0x0  }
0x19: {  	s7 =	sld [smem:$0x3F91]  }
0x1a: {  	s8 =	sadd.s32 $0xFFFFE003, lr  }
0x1b: {  	s9 =	sadd.s32 $0xFFFFFEF7, lr;
	s5 =	simm.s32 $0xFFFFFFFF;
	p2 =	slt.u32 s8, $0xFFFFF086  }
0x1c: {  	p1 =	slt.u32 s9, $0xF7A;
	s5 =	simm.s32 @!p2 $0x0  }
0x1d: {  	s5 =	simm.s32 @p1 $0x1;
	p0 =	seq.s32 s7, s2  }
0x1e: {  	s7 =	smul.u32 @!p0 $0xF7A, s2;
	p2 =	seq.s32 @!p0 s5, $0x0  }
0x1f: {  	s9 =	smul.u32 $0xF7A, s1;
	s8 =	simm.s32 @!p0 $0x1BF5;
	p2 =	por !p2, p0  }
0x20: {  	[sflag:s8] =	ssyncset.s32 @!p0 $0xFFFFF086;
	s6 =	sadd.s32 @!p0 s3, s7;
	s7 =	simm.s32 @!p0 $0x108  }
0x21: {  	s3 =	sadd.s32 s3, s9;
	s6 =	sadd.s32 @!p0 $0x88, s6;
	s7 =	simm.s32 @p2 $0x1082  }
0x22: {  	[simem:s7], [sflag:s8] =	dma.local @!p0 [hbm:s6], $0xF7A  }
0x23: {  	s9 =	sor.u32 $0xD0000000, s2;
	s6 =	simm.s32 $0x108;
	_ =	swait.ge @!p0 [sflag:s8], $0x0  }
0x24: {  	s3 =	sadd.s32 $0x88, s3;
	s6 =	simm.s32 @!p1 $0x1082;
	[sflag:s4] =	ssyncset.s32 $0xFFFFF086  }
0x25: {  	[simem:s6], [sflag:s4] =	dma.local [hbm:s3], $0xF7A  }
0x26: {  	[smem:$0x3F91] =	sst s1;
	(tag) =	ssettag s2;
	_ =	strace s9  }
0x27: {  	s1 =	sld [smem:$0x3FA1]  }
0x28: {  	s2 =	sld [smem:$0x3FA2]  }
0x29: {  	s4 =	sld [smem:$0x3FA4]  }
0x2a: {  	p0 =	seq.s32 s5, $0x0;
	s5 =	sld [smem:$0x3FA5]  }
0x2b: {  	s6 =	sld [smem:$0x3FA6]  }
0x2c: {  	s7 =	sld [smem:$0x3FA7]  }
0x2d: {  	s3 =	simm.s32 $0x108;
	s8 =	sld [smem:$0x3FA8]  }
0x2e: {  	s3 =	simm.s32 @!p0 $0x1082;
	s9 =	sld [smem:$0x3FA9]  }
0x2f: {  	lr =	sadd.s32 s0, s3;
	s0 =	sld [smem:$0x3FA0]  }
0x30: {  	s3 =	sld [smem:$0x3FA3]  }
0x31: {  	[smem:$0x3FAC] =	sst s10  }
0x32: {  	s10 =	sld [smem:$0x3FAA];
	_ =	sdelay $0x3  }
0x33: {  	p0 =	seq.s32 s10, $0x1;
	s10 =	sld [smem:$0x3FAC];
	_ =	sdelay $0x3  }
0x34: {  	[smem:$0x3FAC] =	sst s10  }
0x35: {  	s10 =	sld [smem:$0x3FAB];
	_ =	sdelay $0x3  }
0x36: {  	p1 =	seq.s32 s10, $0x1;
	s10 =	sld [smem:$0x3FAC];
	_ =	sdelay $0x3  }
0x37: {  	[smem:$0x3FAC] =	sst s10  }
0x38: {  	s10 =	sld [smem:$0x3FAD]  }
0x39: {  	_ = 	snop;
	(pc) =	sbr.ind lr, $3  }
0x3a: {  	_ = 	snop  }
0x3b: {  	_ = 	snop  }
0x3c: {  	p2 =	seq.s32 s10, $0x1;
	s10 =	sld [smem:$0x3FAC]  }
0x3d: {  	_ =	shalt  }
0x3e: {  	_ =	shalt  }
0x3f: {  	_ =	shalt  }
0x40: {  	_ =	shalt  }
0x41: {  	_ =	shalt  }
0x42: {  	_ =	shalt  }
0x43: {  	_ =	shalt  }
0x44: {  	_ =	shalt  }
0x45: {  	_ =	shalt  }
0x46: {  	_ =	shalt  }
0x47: {  	_ =	shalt  }
0x48: {  	_ =	shalt  }
0x49: {  	_ =	shalt  }
0x4a: {  	_ =	shalt  }
0x4b: {  	_ =	shalt  }
0x4c: {  	_ =	shalt  }
0x4d: {  	_ =	shalt  }
0x4e: {  	_ =	shalt  }
0x4f: {  	_ =	shalt  }
0x50: {  	_ =	shalt  }
0x51: {  	_ =	shalt  }
0x52: {  	_ =	shalt  }
0x53: {  	_ =	shalt  }
0x54: {  	_ =	shalt  }
0x55: {  	_ =	shalt  }
0x56: {  	_ =	shalt  }
0x57: {  	_ =	shalt  }
0x58: {  	_ =	shalt  }
0x59: {  	_ =	shalt  }
0x5a: {  	_ =	shalt  }
0x5b: {  	_ =	shalt  }
0x5c: {  	_ =	shalt  }
0x5d: {  	_ =	shalt  }
0x5e: {  	_ =	shalt  }
0x5f: {  	_ =	shalt  }
0x60: {  	_ =	shalt  }
0x61: {  	_ =	shalt  }
0x62: {  	_ =	shalt  }
0x63: {  	_ =	shalt  }
0x64: {  	_ =	shalt  }
0x65: {  	_ =	shalt  }
0x66: {  	_ =	shalt  }
0x67: {  	_ =	shalt  }
0x68: {  	_ =	shalt  }
0x69: {  	_ =	shalt  }
0x6a: {  	_ =	shalt  }
0x6b: {  	_ =	shalt  }
0x6c: {  	_ =	shalt  }
0x6d: {  	_ =	shalt  }
0x6e: {  	_ =	shalt  }
0x6f: {  	_ =	shalt  }
0x70: {  	_ =	shalt  }
0x71: {  	_ =	shalt  }
0x72: {  	_ =	shalt  }
0x73: {  	_ =	shalt  }
0x74: {  	_ =	shalt  }
0x75: {  	_ =	shalt  }
0x76: {  	_ =	shalt  }
0x77: {  	_ =	shalt  }
0x78: {  	_ =	shalt  }
0x79: {  	_ =	shalt  }
0x7a: {  	_ =	shalt  }
0x7b: {  	_ =	shalt  }
0x7c: {  	_ =	shalt  }
0x7d: {  	_ =	shalt  }
0x7e: {  	_ =	shalt  }
0x7f: {  	_ =	shalt  }
0x80: {  	_ =	shalt  }
0x81: {  	_ =	shalt  }
0x82: {  	_ =	shalt  }
0x83: {  	_ =	shalt  }
0x84: {  	_ =	shalt  }
0x85: {  	_ =	shalt  }
0x86: {  	_ =	shalt  }
0x87: {  	_ =	shalt  }
.Lfunc_end0:
.L_simem_size_0:
called_computation.3_lowered:
.L_overlay_start_0:
0x88: {  	s2 =	sld [smem:$0x3FD9]  }
0x89: {  	s3 =	sld [smem:$0x3FFE];
	_ =	sdelay $0x1  }
0x8a: {  	s1 =	srdreg.scid  }
0x8b: {  	s0 =	sand.u32 $0x1, s1  }
0x8c: {  	s17 =	sshll.u32 s0, $0xA;
	s2 =	sadd.s32 s3, s2  }
0x8d: {  	s2 =	sadd.s32 s2, s17  }
0x8e: {  	[smem:$0x3FB8] =	sst s2  }
0x8f: {  	_ = 	snop  }
0x90: {  	s2 =	sld [smem:$0x3FD0];
	(tm) =	ssettm $0x1  }
0x91: {  	s18 =	sld [smem:$0x3FFB];
	_ =	sdelay $0x3  }
0x92: {  	_ =	strace s18  }
0x93: {  	s3 =	sld [smem:$0x3FFC];
	_ =	sdelay $0x3  }
0x94: {  	_ =	strace s3  }
0x95: {  	s3 =	sld [smem:$0x3FFD];
	_ =	sdelay $0x3  }
0x96: {  	_ =	strace s3  }
0x97: {  	_ =	strace $0x8FFFFFFF  }
0x98: {  	s19 =	sld [smem:$0x3FDB];
	_ =	sdelay $0x1  }
0x99: {  	s4 =	simm.s32 $_scs_section_size  }
0x9a: {  	s5 =	simm.s32 $_size__tile_overlayer_lowered;
	s6 =	simm.s32 $_tile_overlayer_lowered  }
0x9b: {  	s22 =	simm.s32 $0x1BFF;
	s21 =	sshll.u32 s6, $0x1;
	s3 =	sadd.s32 s4, s19  }
0x9c: {  	s7 =	simm.s32 $0x0;
	s20 =	sshll.u32 s5, $0x1;
	s5 =	sadd.s32 s21, s3  }
0x9d: {  	[timem:s7], [sflag:s22] =	dma.local [hbm:s5], s20  }
0x9e: {  	_ =	swait.ge [sflag:s22], s20  }
0x9f: {  	s4 =	ssub.s32 $0x0, s20;
	[sflag:s22] =	ssyncset.done $0x0  }
0xa0: {  	[sflag:s22] =	ssyncadd.s32 s4;
	_ =	sdelay $0x1  }
0xa1: {  	s23 =	simm.s32 $0x1B8B  }
0xa2: {  	_ =	swait.ge [sflag:s23], $0x1  }
0xa3: {  	[sflag:s23] =	ssyncset.done $0x0  }
0xa4: {  	s25 =	simm.s32 $0x1B8E;
	s24 =	sld [smem:$0x3FFE];
	[sflag:s23] =	ssyncadd.s32 $0xFFFFFFFF  }
0xa5: {  	s26 =	simm.s32 $execute0_lowered;
	[smem:$0x3FD2] =	sst s25  }
0xa6: {  	s5 =	sshll.u32 s26, $0x1;
	_ =	strace $0x8000004F;
	[dreg:$0x1] =	wrdreg $0xFFFFFFFF  }
0xa7: {  	s28 =	simm.s32 $_size_execute0_lowered;
	s3 =	sadd.s32 s3, s5;
	[dreg:$0x0] =	wrdreg $0x0  }
0xa8: {  	s5 =	sshll.u32 s28, $0x1;
	[dreg:$0x2] =	wrdreg s3  }
0xa9: {  	[dreg:$0x3] =	wrdreg s5  }
0xaa: {  	[dreg:$0x4] =	wrdreg $0xC0  }
0xab: {  	_ =	task [dreg:s7], $0x5FFFF  }
0xac: {  	[dreg:$0x1] =	wrdreg $0xFFFFFFFF  }
0xad: {  	[dreg:$0x0] =	wrdreg $0x60  }
0xae: {  	[dreg:$0x2] =	wrdreg s2  }
0xaf: {  	[dreg:$0x3] =	wrdreg s24  }
0xb0: {  	[dreg:$0x4] =	wrdreg $0xA8000  }
0xb1: {  	[dreg:$0x5] =	wrdreg $0x148000  }
0xb2: {  	[dreg:$0x6] =	wrdreg $0x9  }
0xb3: {  	_ =	task.clear_ibuf [dreg:s7], $0x7FFFF;
	_ =	strace $0x9000004F  }
0xb4: {  	s29 =	simm.s32 $0x9;
	_ =	strace $0x80000051  }
0xb5: {  	_ =	swait.ge [sflag:s29], $0x1  }
0xb6: {  	[sflag:s29] =	ssyncadd.s32 $0xFFFFFFFF  }
0xb7: {  	_ =	strace $0x90000051  }
0xb8: {  	_ =	sfence  }
0xb9: {  	s30 =	sld [smem:$0x0];
	_ =	sdelay $0x2  }
0xba: {  	s31 =	sshll.u32 s1, $0xD;
	s1 =	sshrl.u32 s1, $0x2  }
0xbb: {  	s3 =	sand.u32 $0x4000, s31;
	s1 =	sadd.s32 s1, s30  }
0xbc: {  	s0 =	sor.u32 s3, s0;
	s1 =	sshll.u32 s1, $0x11  }
0xbd: {  	s0 =	sor.u32 s1, s0  }
0xbe: {  	s0 =	sadd.s32 $0x8F2B, s0  }
0xbf: {  	[sflag:s0] =	ssyncadd.remote.s32 $0x1  }
0xc0: {  	_ =	sfence.sel $0xFFFF  }
0xc1: {  	[dreg:$0x0] =	wrdreg $0xFFFFFFFF;
	(pc) =	sbr.abs _section_cstart, $3  }
0xc2: {  	[dreg:$0x1] =	wrdreg $0xFFFFFFFF  }
0xc3: {  	_ =	task.clear_ibuf [dreg:s7], $0x2FFFF;
	_ =	strace $0x9FFFFFFF  }
0xc4: {  	(tm) =	ssettm $0x7FFFFFFF  }
0xc5: {  	_ =	shalt  }
tec
execute0_lowered:
.L_overlay_start_1:
0x0: {  	(tag) =	ssettag $0x1  }
0x1: {  	s0 =	rddreg [dreg:$0x0]  }
0x2: {  	s4 =	rddreg [dreg:$0x1]  }
0x3: {  	s1 =	rddreg [dreg:$0x2]  }
0x4: {  	s2 =	rddreg [dreg:$0x3];
	s3 =	simm.s32 $0x0  }
0x5: {  	s5 =	simm.s32 $0x100;
	[smem:$0x7FF] =	sst s3  }
0x6: {  	s21 =	simm.s32 $0x200;
	_ =	strace $0x80000050;
	[dreg:$0x5] =	wrdreg s5  }
0x7: {  	s22 =	simm.s32 $0x300;
	[dreg:$0x6] =	wrdreg s21  }
0x8: {  	s23 =	simm.s32 $0x180;
	[dreg:$0x7] =	wrdreg s22  }
0x9: {  	s24 =	simm.s32 $0x280;
	[dreg:$0x8] =	wrdreg s23  }
0xa: {  	s25 =	simm.s32 $0x380;
	[dreg:$0x9] =	wrdreg s24  }
0xb: {  	s26 =	simm.s32 $0x400;
	[dreg:$0xa] =	wrdreg s25  }
0xc: {  	s6 =	simm.s32 $0x500;
	[dreg:$0xb] =	wrdreg s26  }
0xd: {  	s7 =	simm.s32 $0x600;
	[dreg:$0xc] =	wrdreg s6  }
0xe: {  	s8 =	simm.s32 $0x700;
	[dreg:$0xd] =	wrdreg s7  }
0xf: {  	s9 =	simm.s32 $0x480;
	[dreg:$0xe] =	wrdreg s8  }
0x10: {  	s10 =	simm.s32 $0x580;
	[dreg:$0xf] =	wrdreg s9  }
0x11: {  	s11 =	simm.s32 $0x680;
	[dreg:$0x10] =	wrdreg s10  }
0x12: {  	s12 =	simm.s32 $0x780;
	[dreg:$0x11] =	wrdreg s11  }
0x13: {  	s13 =	simm.s32 $0x800;
	[dreg:$0x12] =	wrdreg s12  }
0x14: {  	s14 =	simm.s32 $0x900;
	[dreg:$0x13] =	wrdreg s13  }
0x15: {  	s15 =	simm.s32 $0xA00;
	[dreg:$0x14] =	wrdreg s14  }
0x16: {  	s16 =	simm.s32 $0xB00;
	[dreg:$0x15] =	wrdreg s15  }
0x17: {  	s17 =	simm.s32 $0x880;
	[dreg:$0x16] =	wrdreg s16  }
0x18: {  	s18 =	simm.s32 $0x980;
	[dreg:$0x17] =	wrdreg s17  }
0x19: {  	s19 =	simm.s32 $0xA80;
	[dreg:$0x18] =	wrdreg s18  }
0x1a: {  	s20 =	simm.s32 $0xB80;
	[dreg:$0x19] =	wrdreg s19  }
0x1b: {  	[dreg:$0x1a] =	wrdreg s20;
	s21 =	simm.s32 $0xC00  }
0x1c: {  	s22 =	simm.s32 $0xD00;
	[dreg:$0x1b] =	wrdreg s21  }
0x1d: {  	s23 =	simm.s32 $0xE00;
	[dreg:$0x1c] =	wrdreg s22  }
0x1e: {  	s24 =	simm.s32 $0xF00;
	[dreg:$0x1d] =	wrdreg s23  }
0x1f: {  	s25 =	simm.s32 $0xC80;
	[dreg:$0x1e] =	wrdreg s24  }
0x20: {  	s26 =	simm.s32 $0xD80;
	[dreg:$0x1f] =	wrdreg s25  }
0x21: {  	s6 =	simm.s32 $0xE80;
	[smem:$0x7CA] =	sst s26  }
0x22: {  	s7 =	simm.s32 $0xF80;
	[smem:$0x7CB] =	sst s6  }
0x23: {  	s8 =	simm.s32 $0x1000;
	[smem:$0x7CC] =	sst s7  }
0x24: {  	s9 =	simm.s32 $0x1100;
	[smem:$0x7CD] =	sst s8  }
0x25: {  	s10 =	simm.s32 $0x1200;
	[smem:$0x7CE] =	sst s9  }
0x26: {  	s11 =	simm.s32 $0x1080;
	[smem:$0x7CF] =	sst s10  }
0x27: {  	s12 =	simm.s32 $0x1180;
	[smem:$0x7D1] =	sst s11  }
0x28: {  	s15 =	simm.s32 $0x1280;
	[smem:$0x7D2] =	sst s12  }
0x29: {  	s16 =	simm.s32 $0x1380;
	[smem:$0x7D3] =	sst s15  }
0x2a: {  	s17 =	simm.s32 $0x1500;
	[smem:$0x7D4] =	sst s16  }
0x2b: {  	s18 =	simm.s32 $0x1600;
	[smem:$0x7D5] =	sst s17  }
0x2c: {  	s28 =	simm.s32 $0x7;
	s19 =	simm.s32 $0x1700;
	[smem:$0x7D7] =	sst s18  }
0x2d: {  	s29 =	simm.s32 $0x8;
	s20 =	simm.s32 $0x1480;
	[smem:$0x7D8] =	sst s19  }
0x2e: {  	s30 =	simm.s32 $0xA;
	s7 =	simm.s32 $0x1300;
	[smem:$0x7D9] =	sst s20  }
0x2f: {  	s31 =	simm.s32 $0x2700;
	s11 =	sadd.s32 $0x2CE00, s4;
	[smem:$0x7D0] =	sst s7  }
0x30: {  	s13 =	stileid.u32;
	s21 =	simm.s32 $0x1580;
	[smem:$0x7D6] =	sst s11  }
0x31: {  	s5 =	sadd.s32 $0x18E00, s4;
	s22 =	simm.s32 $0x1680;
	[smem:$0x7DA] =	sst s21  }
0x32: {  	s14 =	srdreg.scid;
	s24 =	simm.s32 $0x1780;
	[smem:$0x7DB] =	sst s22  }
0x33: {  	s6 =	smul.u32 $0x1400, s13;
	s26 =	simm.s32 $0x1800;
	[smem:$0x7DC] =	sst s24  }
0x34: {  	s9 =	sand.u32 $0x1, s14;
	s14 =	simm.s32 $0x1A00;
	[smem:$0x7DD] =	sst s26  }
0x35: {  	s10 =	smul.u32 $0xA000, s13;
	s16 =	simm.s32 $0x1B00;
	[smem:$0x7DF] =	sst s14  }
0x36: {  	s15 =	sshll.u32 s13, $0x6;
	s17 =	simm.s32 $0x1880;
	[smem:$0x7E0] =	sst s16  }
0x37: {  	s18 =	simm.s32 $0x1980;
	s19 =	simm.s32 $0x1A80;
	[smem:$0x7E1] =	sst s17  }
0x38: {  	s13 =	simm.s32 $0x1E80;
	s7 =	smul.u32 $0xA0000, s9;
	[smem:$0x7E2] =	sst s18  }
0x39: {  	s23 =	ssub.s32 $0x2, s9;
	p0 =	seq.s32 s9, $0x1;
	[smem:$0x7E3] =	sst s19  }
0x3a: {  	s21 =	simm.s32 $0x1B80;
	s22 =	simm.s32 $0x1C00;
	s26 =	simm.s32 $0x1F00  }
0x3b: {  	[smem:$0x7EF] =	sst s13;
	s16 =	simm.s32 $0x2000;
	s17 =	simm.s32 $0x2100  }
0x3c: {  	s18 =	simm.s32 $0x2200;
	s19 =	simm.s32 $0x2300;
	[smem:$0x7E4] =	sst s21  }
0x3d: {  	s9 =	simm.s32 $0x0;
	s8 =	sadd.s32 s6, s4;
	[smem:$0x7E6] =	sst s22  }
0x3e: {  	s25 =	sshrl.u32 s23, $0x1;
	s12 =	sadd.s32 s10, s1;
	[smem:$0x7EB] =	sst s26  }
0x3f: {  	s6 =	sor.u32 $0x1C0B, s15;
	s20 =	sadd.s32 s10, s2;
	[smem:$0x7F1] =	sst s16  }
0x40: {  	s0 =	smov.u32 @p0 s5;
	s5 =	simm.s32 $0x1C80;
	[smem:$0x7F2] =	sst s17  }
0x41: {  	s15 =	simm.s32 $0x1F80;
	s16 =	simm.s32 $0x80;
	[smem:$0x7F3] =	sst s18  }
0x42: {  	s17 =	simm.s32 $0x2800;
	s18 =	simm.s32 $0x4800;
	[smem:$0x7F4] =	sst s19  }
0x43: {  	s19 =	simm.s32 $0x6800;
	s21 =	simm.s32 $0x2180;
	[smem:$0x7EC] =	sst s5  }
0x44: {  	s22 =	simm.s32 $0x2280;
	s26 =	simm.s32 $0x2600;
	[smem:$0x7F0] =	sst s15  }
0x45: {  	s7 =	sadd.s32 s10, s7;
	s11 =	ssub.s32 s23, s25;
	[smem:$0x7F6] =	sst s21  }
0x46: {  	s10 =	sshrl.u32 s10, $0x3;
	s23 =	simm.s32 $0x1D00;
	[smem:$0x7F7] =	sst s22  }
0x47: {  	s25 =	simm.s32 $0x1E00;
	s14 =	sshrl.u32 s20, $0x3;
	[smem:$0x7FB] =	sst s26  }
0x48: {  	s15 =	simm.s32 $0x1400;
	s20 =	simm.s32 $0x2080;
	[smem:$0x7FC] =	sst s6  }
0x49: {  	s21 =	simm.s32 $0x1;
	s22 =	simm.s32 $0x2;
	[smem:$0x7E8] =	sst s23  }
0x4a: {  	s26 =	simm.s32 $0x6;
	s5 =	simm.s32 $0x2680;
	[smem:$0x7E9] =	sst s25  }
0x4b: {  	s7 =	sshrl.u32 s7, $0x3;
	s24 =	smax.u32 s11, $0x1;
	[smem:$0x7EE] =	sst s14  }
0x4c: {  	s0 =	sadd.s32 s0, s10;
	s10 =	smov.u32 s6;
	[smem:$0x7F5] =	sst s20  }
0x4d: {  	s11 =	sshrl.u32 s12, $0x3;
	s12 =	simm.s32 $0xB;
	[smem:$0x7E7] =	sst s24  }
0x4e: {  	s14 =	simm.s32 $0x9;
	s23 =	simm.s32 $0x2380;
	[smem:$0x7EA] =	sst s0  }
0x4f: {  	s20 =	simm.s32 $0x8800;
	s25 =	simm.s32 $0x2500;
	[smem:$0x7F8] =	sst s23  }
0x50: {  	s4 =	sadd.s32 s7, s4;
	s7 =	simm.s32 $0x1900;
	[smem:$0x7FA] =	sst s25  }
0x51: {  	s24 =	simm.s32 $0x2400;
	s23 =	simm.s32 $0x3;
	[smem:$0x7FD] =	sst s11  }
0x52: {  	s25 =	simm.s32 $0x5;
	s0 =	simm.s32 $0x2480;
	[smem:$0x7DE] =	sst s7  }
0x53: {  	s7 =	sadd.s32 $0x4E00, s8;
	s4 =	sadd.s32 $0x56200, s4;
	[smem:$0x7F9] =	sst s24  }
0x54: {  	s8 =	simm.s32 $0x1D80;
	s24 =	simm.s32 $0x4;
	[smem:$0x7E5] =	sst s4  }
0x55: {  	[smem:$0x7ED] =	sst s8;
	s4 =	simm.s32 $0x2580;
	s8 =	simm.s32 $0x2780  }
.LBB2_1:
0x56: {  	s6 =	sld [smem:$0x7D6];
	_ =	sdelay $0x2  }
0x57: {  	[spmem:s11], [sflag:s10] =	dma.local [hbm:s6], $0x1400  }
0x58: {  	_ =	swait.ge [sflag:s12], $0x1400  }
0x59: {  	s11 =	sld [smem:$0x7EA]  }
0x5a: {  	[sflag:s12] =	ssyncset.done $0x0;
	s13 =	sld [smem:$0x7EE]  }
0x5b: {  	[sflag:s12] =	ssyncadd.s32 $0xFFFFEC00  }
0x5c: {  	[tilespmem:s3], [sflag:$0x9] =	stream.linear.gather [hbm4b:s7+s3], $0x1400, $0x38;
	[tilespmem:$0x1E800] =	vst v63  }
0x5d: {  	[spmem:s13], [sflag:s10] =	dma.local [hbm:s11], $0x1400  }
0x5e: {  	_ =	swait.ge [sflag:s12], $0x1400  }
0x5f: {  	[sflag:s12] =	ssyncset.done $0x0  }
0x60: {  	[sflag:s12] =	ssyncadd.s32 $0xFFFFEC00  }
0x61: {  	[bflag:$0x0] =	sbarrier.arrive $0xFFFF  }
0x62: {  	_ =	swait.ge [sflag:s14], $0x1400  }
0x63: {  	s13 =	sadd.s32 $0xFFFFEC00, s7;
	[sflag:s14] =	ssyncset.done $0x0  }
0x64: {  	s10 =	sadd.s32 $0x1680, s13;
	[sflag:s14] =	ssyncadd.s32 $0xFFFFEC00  }
0x65: {  	[tilespmem:s15], [sflag:$0xA] =	stream.linear.gather [hbm4b:s10+s3], $0x1400, $0x38;
	[tilespmem:$0x1E800] =	vst v63  }
0x66: {  	_ = 	snop  }
0x67: {  	[tilespmem:s17], [sflag:$0x1] =	stream.indirect.gather [spmem:s2], $0x40, s3, s16, $0xb8;
	[tilespmem:$0x1E800] =	vst v63  }
0x68: {  	s6 =	rddreg [dreg:$0x5]  }
0x69: {  	[tilespmem:s18], [sflag:$0x2] =	stream.indirect.gather [spmem:s2], $0x40, s6, s16, $0xb8;
	[tilespmem:$0x1E800] =	vst v63  }
0x6a: {  	s13 =	rddreg [dreg:$0x6]  }
0x6b: {  	[tilespmem:s19], [sflag:$0x3] =	stream.indirect.gather [spmem:s2], $0x40, s13, s16, $0xb8;
	[tilespmem:$0x1E800] =	vst v63  }
0x6c: {  	s11 =	rddreg [dreg:$0x7]  }
0x6d: {  	[tilespmem:s20], [sflag:$0x4] =	stream.indirect.gather [spmem:s2], $0x40, s11, s16, $0xb8;
	[tilespmem:$0x1E800] =	vst v63  }
0x6e: {  	_ =	swait.ge [sflag:s21], $0x2000  }
0x6f: {  	[sflag:s21] =	ssyncset.done $0x0  }
0x70: {  	[sflag:s21] =	ssyncadd.s32 $0xFFFFE000  }
0x71: {  	[spmem:s1] =	stream.indirect.scatter.add.f32 [tilespmem:s17], [sflag:$0x5], $0x40, s16, s16, $0xb8;
	[tilespmem:$0x1E800] =	vst v63  }
0x72: {  	_ =	swait.ge [sflag:s22], $0x2000  }
0x73: {  	[sflag:s22] =	ssyncset.done $0x0  }
0x74: {  	s6 =	rddreg [dreg:$0x8];
	[sflag:s22] =	ssyncadd.s32 $0xFFFFE000  }
0x75: {  	[spmem:s1] =	stream.indirect.scatter.add.f32 [tilespmem:s18], [sflag:$0x6], $0x40, s6, s16, $0xb8;
	[tilespmem:$0x1E800] =	vst v63  }
0x76: {  	_ =	swait.ge [sflag:s23], $0x2000  }
0x77: {  	[sflag:s23] =	ssyncset.done $0x0  }
0x78: {  	s11 =	rddreg [dreg:$0x9];
	[sflag:s23] =	ssyncadd.s32 $0xFFFFE000  }
0x79: {  	[spmem:s1] =	stream.indirect.scatter.add.f32 [tilespmem:s19], [sflag:$0x7], $0x40, s11, s16, $0xb8;
	[tilespmem:$0x1E800] =	vst v63  }
0x7a: {  	_ =	swait.ge [sflag:s24], $0x2000  }
0x7b: {  	[sflag:s24] =	ssyncset.done $0x0  }
0x7c: {  	s13 =	rddreg [dreg:$0xa];
	[sflag:s24] =	ssyncadd.s32 $0xFFFFE000  }
0x7d: {  	[spmem:s1] =	stream.indirect.scatter.add.f32 [tilespmem:s20], [sflag:$0x8], $0x40, s13, s16, $0xb8;
	[tilespmem:$0x1E800] =	vst v63  }
0x7e: {  	_ =	swait.ge [sflag:s25], $0x2000  }
0x7f: {  	[sflag:s25] =	ssyncset.done $0x0  }
0x80: {  	s6 =	rddreg [dreg:$0xb];
	[sflag:s25] =	ssyncadd.s32 $0xFFFFE000  }
0x81: {  	[tilespmem:s17], [sflag:$0x1] =	stream.indirect.gather [spmem:s2], $0x40, s6, s16, $0xb8;
	[tilespmem:$0x1E800] =	vst v63  }
0x82: {  	_ =	swait.ge [sflag:s26], $0x2000  }
0x83: {  	[sflag:s26] =	ssyncset.done $0x0  }
0x84: {  	s11 =	rddreg [dreg:$0xc];
	[sflag:s26] =	ssyncadd.s32 $0xFFFFE000  }
0x85: {  	[tilespmem:s18], [sflag:$0x2] =	stream.indirect.gather [spmem:s2], $0x40, s11, s16, $0xb8;
	[tilespmem:$0x1E800] =	vst v63  }
0x86: {  	_ =	swait.ge [sflag:s28], $0x2000  }
0x87: {  	[sflag:s28] =	ssyncset.done $0x0  }
0x88: {  	s13 =	rddreg [dreg:$0xd];
	[sflag:s28] =	ssyncadd.s32 $0xFFFFE000  }
0x89: {  	[tilespmem:s19], [sflag:$0x3] =	stream.indirect.gather [spmem:s2], $0x40, s13, s16, $0xb8;
	[tilespmem:$0x1E800] =	vst v63  }
0x8a: {  	_ =	swait.ge [sflag:s29], $0x2000  }
0x8b: {  	[sflag:s29] =	ssyncset.done $0x0  }
0x8c: {  	s6 =	rddreg [dreg:$0xe];
	[sflag:s29] =	ssyncadd.s32 $0xFFFFE000  }
0x8d: {  	[tilespmem:s20], [sflag:$0x4] =	stream.indirect.gather [spmem:s2], $0x40, s6, s16, $0xb8;
	[tilespmem:$0x1E800] =	vst v63  }
0x8e: {  	_ =	swait.ge [sflag:s21], $0x2000  }
0x8f: {  	[sflag:s21] =	ssyncset.done $0x0  }
0x90: {  	s11 =	rddreg [dreg:$0xf];
	[sflag:s21] =	ssyncadd.s32 $0xFFFFE000  }
0x91: {  	[spmem:s1] =	stream.indirect.scatter.add.f32 [tilespmem:s17], [sflag:$0x5], $0x40, s11, s16, $0xb8;
	[tilespmem:$0x1E800] =	vst v63  }
0x92: {  	_ =	swait.ge [sflag:s22], $0x2000  }
0x93: {  	[sflag:s22] =	ssyncset.done $0x0  }
0x94: {  	s13 =	rddreg [dreg:$0x10];
	[sflag:s22] =	ssyncadd.s32 $0xFFFFE000  }
0x95: {  	[spmem:s1] =	stream.indirect.scatter.add.f32 [tilespmem:s18], [sflag:$0x6], $0x40, s13, s16, $0xb8;
	[tilespmem:$0x1E800] =	vst v63  }
0x96: {  	_ =	swait.ge [sflag:s23], $0x2000  }
0x97: {  	[sflag:s23] =	ssyncset.done $0x0  }
0x98: {  	s6 =	rddreg [dreg:$0x11];
	[sflag:s23] =	ssyncadd.s32 $0xFFFFE000  }
0x99: {  	[spmem:s1] =	stream.indirect.scatter.add.f32 [tilespmem:s19], [sflag:$0x7], $0x40, s6, s16, $0xb8;
	[tilespmem:$0x1E800] =	vst v63  }
0x9a: {  	_ =	swait.ge [sflag:s24], $0x2000  }
0x9b: {  	[sflag:s24] =	ssyncset.done $0x0  }
0x9c: {  	s11 =	rddreg [dreg:$0x12];
	[sflag:s24] =	ssyncadd.s32 $0xFFFFE000  }
0x9d: {  	[spmem:s1] =	stream.indirect.scatter.add.f32 [tilespmem:s20], [sflag:$0x8], $0x40, s11, s16, $0xb8;
	[tilespmem:$0x1E800] =	vst v63  }
0x9e: {  	_ =	swait.ge [sflag:s25], $0x2000  }
0x9f: {  	[sflag:s25] =	ssyncset.done $0x0  }
0xa0: {  	s13 =	rddreg [dreg:$0x13];
	[sflag:s25] =	ssyncadd.s32 $0xFFFFE000  }
0xa1: {  	[tilespmem:s17], [sflag:$0x1] =	stream.indirect.gather [spmem:s2], $0x40, s13, s16, $0xb8;
	[tilespmem:$0x1E800] =	vst v63  }
0xa2: {  	_ =	swait.ge [sflag:s26], $0x2000  }
0xa3: {  	[sflag:s26] =	ssyncset.done $0x0  }
0xa4: {  	s6 =	rddreg [dreg:$0x14];
	[sflag:s26] =	ssyncadd.s32 $0xFFFFE000  }
0xa5: {  	[tilespmem:s18], [sflag:$0x2] =	stream.indirect.gather [spmem:s2], $0x40, s6, s16, $0xb8;
	[tilespmem:$0x1E800] =	vst v63  }
0xa6: {  	_ =	swait.ge [sflag:s28], $0x2000  }
0xa7: {  	[sflag:s28] =	ssyncset.done $0x0  }
0xa8: {  	s11 =	rddreg [dreg:$0x15];
	[sflag:s28] =	ssyncadd.s32 $0xFFFFE000  }
0xa9: {  	[tilespmem:s19], [sflag:$0x3] =	stream.indirect.gather [spmem:s2], $0x40, s11, s16, $0xb8;
	[tilespmem:$0x1E800] =	vst v63  }
0xaa: {  	_ =	swait.ge [sflag:s29], $0x2000  }
0xab: {  	[sflag:s29] =	ssyncset.done $0x0  }
0xac: {  	s13 =	rddreg [dreg:$0x16];
	[sflag:s29] =	ssyncadd.s32 $0xFFFFE000  }
0xad: {  	[tilespmem:s20], [sflag:$0x4] =	stream.indirect.gather [spmem:s2], $0x40, s13, s16, $0xb8;
	[tilespmem:$0x1E800] =	vst v63  }
0xae: {  	_ =	swait.ge [sflag:s21], $0x2000  }
0xaf: {  	[sflag:s21] =	ssyncset.done $0x0  }
0xb0: {  	s6 =	rddreg [dreg:$0x17];
	[sflag:s21] =	ssyncadd.s32 $0xFFFFE000  }
0xb1: {  	[spmem:s1] =	stream.indirect.scatter.add.f32 [tilespmem:s17], [sflag:$0x5], $0x40, s6, s16, $0xb8;
	[tilespmem:$0x1E800] =	vst v63  }
0xb2: {  	_ =	swait.ge [sflag:s22], $0x2000  }
0xb3: {  	[sflag:s22] =	ssyncset.done $0x0  }
0xb4: {  	s11 =	rddreg [dreg:$0x18];
	[sflag:s22] =	ssyncadd.s32 $0xFFFFE000  }
0xb5: {  	[spmem:s1] =	stream.indirect.scatter.add.f32 [tilespmem:s18], [sflag:$0x6], $0x40, s11, s16, $0xb8;
	[tilespmem:$0x1E800] =	vst v63  }
0xb6: {  	_ =	swait.ge [sflag:s23], $0x2000  }
0xb7: {  	[sflag:s23] =	ssyncset.done $0x0  }
0xb8: {  	s13 =	rddreg [dreg:$0x19];
	[sflag:s23] =	ssyncadd.s32 $0xFFFFE000  }
0xb9: {  	[spmem:s1] =	stream.indirect.scatter.add.f32 [tilespmem:s19], [sflag:$0x7], $0x40, s13, s16, $0xb8;
	[tilespmem:$0x1E800] =	vst v63  }
0xba: {  	_ =	swait.ge [sflag:s24], $0x2000  }
0xbb: {  	[sflag:s24] =	ssyncset.done $0x0  }
0xbc: {  	s6 =	rddreg [dreg:$0x1a];
	[sflag:s24] =	ssyncadd.s32 $0xFFFFE000  }
0xbd: {  	[spmem:s1] =	stream.indirect.scatter.add.f32 [tilespmem:s20], [sflag:$0x8], $0x40, s6, s16, $0xb8;
	[tilespmem:$0x1E800] =	vst v63  }
0xbe: {  	_ =	swait.ge [sflag:s25], $0x2000  }
0xbf: {  	[sflag:s25] =	ssyncset.done $0x0  }
0xc0: {  	s11 =	rddreg [dreg:$0x1b];
	[sflag:s25] =	ssyncadd.s32 $0xFFFFE000  }
0xc1: {  	[tilespmem:s17], [sflag:$0x1] =	stream.indirect.gather [spmem:s2], $0x40, s11, s16, $0xb8;
	[tilespmem:$0x1E800] =	vst v63  }
0xc2: {  	_ =	swait.ge [sflag:s26], $0x2000  }
0xc3: {  	[sflag:s26] =	ssyncset.done $0x0  }
0xc4: {  	s13 =	rddreg [dreg:$0x1c];
	[sflag:s26] =	ssyncadd.s32 $0xFFFFE000  }
0xc5: {  	[tilespmem:s18], [sflag:$0x2] =	stream.indirect.gather [spmem:s2], $0x40, s13, s16, $0xb8;
	[tilespmem:$0x1E800] =	vst v63  }
0xc6: {  	_ =	swait.ge [sflag:s28], $0x2000  }
0xc7: {  	[sflag:s28] =	ssyncset.done $0x0  }
0xc8: {  	s6 =	rddreg [dreg:$0x1d];
	[sflag:s28] =	ssyncadd.s32 $0xFFFFE000  }
0xc9: {  	[tilespmem:s19], [sflag:$0x3] =	stream.indirect.gather [spmem:s2], $0x40, s6, s16, $0xb8;
	[tilespmem:$0x1E800] =	vst v63  }
0xca: {  	_ =	swait.ge [sflag:s29], $0x2000  }
0xcb: {  	[sflag:s29] =	ssyncset.done $0x0  }
0xcc: {  	s11 =	rddreg [dreg:$0x1e];
	[sflag:s29] =	ssyncadd.s32 $0xFFFFE000  }
0xcd: {  	[tilespmem:s20], [sflag:$0x4] =	stream.indirect.gather [spmem:s2], $0x40, s11, s16, $0xb8;
	[tilespmem:$0x1E800] =	vst v63  }
0xce: {  	_ =	swait.ge [sflag:s21], $0x2000  }
0xcf: {  	[sflag:s21] =	ssyncset.done $0x0  }
0xd0: {  	s13 =	rddreg [dreg:$0x1f];
	[sflag:s21] =	ssyncadd.s32 $0xFFFFE000  }
0xd1: {  	[spmem:s1] =	stream.indirect.scatter.add.f32 [tilespmem:s17], [sflag:$0x5], $0x40, s13, s16, $0xb8;
	[tilespmem:$0x1E800] =	vst v63  }
0xd2: {  	_ =	swait.ge [sflag:s22], $0x2000  }
0xd3: {  	s6 =	sld [smem:$0x7CA]  }
0xd4: {  	[sflag:s22] =	ssyncset.done $0x0  }
0xd5: {  	[sflag:s22] =	ssyncadd.s32 $0xFFFFE000  }
0xd6: {  	[spmem:s1] =	stream.indirect.scatter.add.f32 [tilespmem:s18], [sflag:$0x6], $0x40, s6, s16, $0xb8;
	[tilespmem:$0x1E800] =	vst v63  }
0xd7: {  	_ =	swait.ge [sflag:s23], $0x2000  }
0xd8: {  	s11 =	sld [smem:$0x7CB]  }
0xd9: {  	[sflag:s23] =	ssyncset.done $0x0  }
0xda: {  	[sflag:s23] =	ssyncadd.s32 $0xFFFFE000  }
0xdb: {  	[spmem:s1] =	stream.indirect.scatter.add.f32 [tilespmem:s19], [sflag:$0x7], $0x40, s11, s16, $0xb8;
	[tilespmem:$0x1E800] =	vst v63  }
0xdc: {  	_ =	swait.ge [sflag:s24], $0x2000  }
0xdd: {  	s13 =	sld [smem:$0x7CC]  }
0xde: {  	[sflag:s24] =	ssyncset.done $0x0  }
0xdf: {  	[sflag:s24] =	ssyncadd.s32 $0xFFFFE000  }
0xe0: {  	[spmem:s1] =	stream.indirect.scatter.add.f32 [tilespmem:s20], [sflag:$0x8], $0x40, s13, s16, $0xb8;
	[tilespmem:$0x1E800] =	vst v63  }
0xe1: {  	_ =	swait.ge [sflag:s25], $0x2000  }
0xe2: {  	s6 =	sld [smem:$0x7CD]  }
0xe3: {  	[sflag:s25] =	ssyncset.done $0x0  }
0xe4: {  	[sflag:s25] =	ssyncadd.s32 $0xFFFFE000  }
0xe5: {  	[tilespmem:s17], [sflag:$0x1] =	stream.indirect.gather [spmem:s2], $0x40, s6, s16, $0xb8;
	[tilespmem:$0x1E800] =	vst v63  }
0xe6: {  	_ =	swait.ge [sflag:s26], $0x2000  }
0xe7: {  	s11 =	sld [smem:$0x7CE]  }
0xe8: {  	[sflag:s26] =	ssyncset.done $0x0  }
0xe9: {  	[sflag:s26] =	ssyncadd.s32 $0xFFFFE000  }
0xea: {  	[tilespmem:s18], [sflag:$0x2] =	stream.indirect.gather [spmem:s2], $0x40, s11, s16, $0xb8;
	[tilespmem:$0x1E800] =	vst v63  }
0xeb: {  	_ =	swait.ge [sflag:s28], $0x2000  }
0xec: {  	s13 =	sld [smem:$0x7CF]  }
0xed: {  	[sflag:s28] =	ssyncset.done $0x0  }
0xee: {  	[sflag:s28] =	ssyncadd.s32 $0xFFFFE000  }
0xef: {  	[tilespmem:s19], [sflag:$0x3] =	stream.indirect.gather [spmem:s2], $0x40, s13, s16, $0xb8;
	[tilespmem:$0x1E800] =	vst v63  }
0xf0: {  	_ =	swait.ge [sflag:s29], $0x2000  }
0xf1: {  	s6 =	sld [smem:$0x7D0]  }
0xf2: {  	[sflag:s29] =	ssyncset.done $0x0  }
0xf3: {  	[sflag:s29] =	ssyncadd.s32 $0xFFFFE000  }
0xf4: {  	[tilespmem:s20], [sflag:$0x4] =	stream.indirect.gather [spmem:s2], $0x40, s6, s16, $0xb8;
	[tilespmem:$0x1E800] =	vst v63  }
0xf5: {  	_ =	swait.ge [sflag:s21], $0x2000  }
0xf6: {  	s11 =	sld [smem:$0x7D1]  }
0xf7: {  	[sflag:s21] =	ssyncset.done $0x0  }
0xf8: {  	[sflag:s21] =	ssyncadd.s32 $0xFFFFE000  }
0xf9: {  	[spmem:s1] =	stream.indirect.scatter.add.f32 [tilespmem:s17], [sflag:$0x5], $0x40, s11, s16, $0xb8;
	[tilespmem:$0x1E800] =	vst v63  }
0xfa: {  	_ =	swait.ge [sflag:s22], $0x2000  }
0xfb: {  	s13 =	sld [smem:$0x7D2]  }
0xfc: {  	[sflag:s22] =	ssyncset.done $0x0  }
0xfd: {  	[sflag:s22] =	ssyncadd.s32 $0xFFFFE000  }
0xfe: {  	[spmem:s1] =	stream.indirect.scatter.add.f32 [tilespmem:s18], [sflag:$0x6], $0x40, s13, s16, $0xb8;
	[tilespmem:$0x1E800] =	vst v63  }
0xff: {  	_ =	swait.ge [sflag:s23], $0x2000  }
0x100: {  	s6 =	sld [smem:$0x7D3]  }
0x101: {  	[sflag:s23] =	ssyncset.done $0x0  }
0x102: {  	[sflag:s23] =	ssyncadd.s32 $0xFFFFE000  }
0x103: {  	[spmem:s1] =	stream.indirect.scatter.add.f32 [tilespmem:s19], [sflag:$0x7], $0x40, s6, s16, $0xb8;
	[tilespmem:$0x1E800] =	vst v63  }
0x104: {  	_ =	swait.ge [sflag:s24], $0x2000  }
0x105: {  	s11 =	sld [smem:$0x7D4]  }
0x106: {  	[sflag:s24] =	ssyncset.done $0x0  }
0x107: {  	[sflag:s24] =	ssyncadd.s32 $0xFFFFE000  }
0x108: {  	[spmem:s1] =	stream.indirect.scatter.add.f32 [tilespmem:s20], [sflag:$0x8], $0x40, s11, s16, $0xb8;
	[tilespmem:$0x1E800] =	vst v63  }
0x109: {  	_ =	swait.ge [sflag:s25], $0x2000  }
0x10a: {  	[sflag:s25] =	ssyncset.done $0x0  }
0x10b: {  	[sflag:s25] =	ssyncadd.s32 $0xFFFFE000  }
0x10c: {  	_ =	swait.ge [sflag:s26], $0x2000  }
0x10d: {  	[sflag:s26] =	ssyncset.done $0x0  }
0x10e: {  	[sflag:s26] =	ssyncadd.s32 $0xFFFFE000  }
0x10f: {  	_ =	swait.ge [sflag:s28], $0x2000  }
0x110: {  	[sflag:s28] =	ssyncset.done $0x0  }
0x111: {  	[sflag:s28] =	ssyncadd.s32 $0xFFFFE000  }
0x112: {  	_ =	swait.ge [sflag:s29], $0x2000  }
0x113: {  	[sflag:s29] =	ssyncset.done $0x0  }
0x114: {  	[sflag:s29] =	ssyncadd.s32 $0xFFFFE000  }
0x115: {  	p0 =	por $0x0, $0x0;
	_ =	swait.ge [sflag:s30], $0x1400  }
0x116: {  	s10 =	sadd.s32 @!p0 $0xFFFFEC00, s7;
	[sflag:s30] =	ssyncset.done $0x0  }
0x117: {  	s10 =	sadd.s32 @!p0 $0x1900, s10;
	s13 =	simm.s32 @!p0 $0x0;
	[sflag:s30] =	ssyncadd.s32 $0xFFFFEC00  }
0x118: {  	[tilespmem:s13], [sflag:$0x9] =	stream.linear.gather @!p0 [hbm4b:s10+s13], $0x1400, $0x38;
	[tilespmem:$0x1E800] =	vst v63  }
0x119: {  	s13 =	sld [smem:$0x7D5]  }
0x11a: {  	[tilespmem:s17], [sflag:$0x1] =	stream.indirect.gather [spmem:s2], $0x40, s15, s16, $0xb8;
	[tilespmem:$0x1E800] =	vst v63  }
0x11b: {  	s6 =	sld [smem:$0x7D7]  }
0x11c: {  	[tilespmem:s18], [sflag:$0x2] =	stream.indirect.gather [spmem:s2], $0x40, s13, s16, $0xb8;
	[tilespmem:$0x1E800] =	vst v63  }
0x11d: {  	s11 =	sld [smem:$0x7D8]  }
0x11e: {  	[tilespmem:s19], [sflag:$0x3] =	stream.indirect.gather [spmem:s2], $0x40, s6, s16, $0xb8;
	[tilespmem:$0x1E800] =	vst v63  }
0x11f: {  	_ = 	snop  }
0x120: {  	[tilespmem:s20], [sflag:$0x4] =	stream.indirect.gather [spmem:s2], $0x40, s11, s16, $0xb8;
	[tilespmem:$0x1E800] =	vst v63  }
0x121: {  	_ =	swait.ge [sflag:s21], $0x2000  }
0x122: {  	s13 =	sld [smem:$0x7D9]  }
0x123: {  	[sflag:s21] =	ssyncset.done $0x0  }
0x124: {  	[sflag:s21] =	ssyncadd.s32 $0xFFFFE000  }
0x125: {  	[spmem:s1] =	stream.indirect.scatter.add.f32 [tilespmem:s17], [sflag:$0x5], $0x40, s13, s16, $0xb8;
	[tilespmem:$0x1E800] =	vst v63  }
0x126: {  	_ =	swait.ge [sflag:s22], $0x2000  }
0x127: {  	s6 =	sld [smem:$0x7DA]  }
0x128: {  	[sflag:s22] =	ssyncset.done $0x0  }
0x129: {  	[sflag:s22] =	ssyncadd.s32 $0xFFFFE000  }
0x12a: {  	[spmem:s1] =	stream.indirect.scatter.add.f32 [tilespmem:s18], [sflag:$0x6], $0x40, s6, s16, $0xb8;
	[tilespmem:$0x1E800] =	vst v63  }
0x12b: {  	_ =	swait.ge [sflag:s23], $0x2000  }
0x12c: {  	s11 =	sld [smem:$0x7DB]  }
0x12d: {  	[sflag:s23] =	ssyncset.done $0x0  }
0x12e: {  	[sflag:s23] =	ssyncadd.s32 $0xFFFFE000  }
0x12f: {  	[spmem:s1] =	stream.indirect.scatter.add.f32 [tilespmem:s19], [sflag:$0x7], $0x40, s11, s16, $0xb8;
	[tilespmem:$0x1E800] =	vst v63  }
0x130: {  	_ =	swait.ge [sflag:s24], $0x2000  }
0x131: {  	s13 =	sld [smem:$0x7DC]  }
0x132: {  	[sflag:s24] =	ssyncset.done $0x0  }
0x133: {  	[sflag:s24] =	ssyncadd.s32 $0xFFFFE000  }
0x134: {  	[spmem:s1] =	stream.indirect.scatter.add.f32 [tilespmem:s20], [sflag:$0x8], $0x40, s13, s16, $0xb8;
	[tilespmem:$0x1E800] =	vst v63  }
0x135: {  	_ =	swait.ge [sflag:s25], $0x2000  }
0x136: {  	s6 =	sld [smem:$0x7DD]  }
0x137: {  	[sflag:s25] =	ssyncset.done $0x0  }
0x138: {  	[sflag:s25] =	ssyncadd.s32 $0xFFFFE000  }
0x139: {  	[tilespmem:s17], [sflag:$0x1] =	stream.indirect.gather [spmem:s2], $0x40, s6, s16, $0xb8;
	[tilespmem:$0x1E800] =	vst v63  }
0x13a: {  	_ =	swait.ge [sflag:s26], $0x2000  }
0x13b: {  	s11 =	sld [smem:$0x7DE]  }
0x13c: {  	[sflag:s26] =	ssyncset.done $0x0  }
0x13d: {  	[sflag:s26] =	ssyncadd.s32 $0xFFFFE000  }
0x13e: {  	[tilespmem:s18], [sflag:$0x2] =	stream.indirect.gather [spmem:s2], $0x40, s11, s16, $0xb8;
	[tilespmem:$0x1E800] =	vst v63  }
0x13f: {  	_ =	swait.ge [sflag:s28], $0x2000  }
0x140: {  	s13 =	sld [smem:$0x7DF]  }
0x141: {  	[sflag:s28] =	ssyncset.done $0x0  }
0x142: {  	[sflag:s28] =	ssyncadd.s32 $0xFFFFE000  }
0x143: {  	[tilespmem:s19], [sflag:$0x3] =	stream.indirect.gather [spmem:s2], $0x40, s13, s16, $0xb8;
	[tilespmem:$0x1E800] =	vst v63  }
0x144: {  	_ =	swait.ge [sflag:s29], $0x2000  }
0x145: {  	s6 =	sld [smem:$0x7E0]  }
0x146: {  	[sflag:s29] =	ssyncset.done $0x0  }
0x147: {  	[sflag:s29] =	ssyncadd.s32 $0xFFFFE000  }
0x148: {  	[tilespmem:s20], [sflag:$0x4] =	stream.indirect.gather [spmem:s2], $0x40, s6, s16, $0xb8;
	[tilespmem:$0x1E800] =	vst v63  }
0x149: {  	_ =	swait.ge [sflag:s21], $0x2000  }
0x14a: {  	s11 =	sld [smem:$0x7E1]  }
0x14b: {  	[sflag:s21] =	ssyncset.done $0x0  }
0x14c: {  	[sflag:s21] =	ssyncadd.s32 $0xFFFFE000  }
0x14d: {  	[spmem:s1] =	stream.indirect.scatter.add.f32 [tilespmem:s17], [sflag:$0x5], $0x40, s11, s16, $0xb8;
	[tilespmem:$0x1E800] =	vst v63  }
0x14e: {  	_ =	swait.ge [sflag:s22], $0x2000  }
0x14f: {  	s13 =	sld [smem:$0x7E2]  }
0x150: {  	[sflag:s22] =	ssyncset.done $0x0  }
0x151: {  	[sflag:s22] =	ssyncadd.s32 $0xFFFFE000  }
0x152: {  	[spmem:s1] =	stream.indirect.scatter.add.f32 [tilespmem:s18], [sflag:$0x6], $0x40, s13, s16, $0xb8;
	[tilespmem:$0x1E800] =	vst v63  }
0x153: {  	_ =	swait.ge [sflag:s23], $0x2000  }
0x154: {  	s6 =	sld [smem:$0x7E3]  }
0x155: {  	[sflag:s23] =	ssyncset.done $0x0  }
0x156: {  	[sflag:s23] =	ssyncadd.s32 $0xFFFFE000  }
0x157: {  	[spmem:s1] =	stream.indirect.scatter.add.f32 [tilespmem:s19], [sflag:$0x7], $0x40, s6, s16, $0xb8;
	[tilespmem:$0x1E800] =	vst v63  }
0x158: {  	_ =	swait.ge [sflag:s24], $0x2000  }
0x159: {  	s11 =	sld [smem:$0x7E4]  }
0x15a: {  	[sflag:s24] =	ssyncset.done $0x0  }
0x15b: {  	[sflag:s24] =	ssyncadd.s32 $0xFFFFE000  }
0x15c: {  	[spmem:s1] =	stream.indirect.scatter.add.f32 [tilespmem:s20], [sflag:$0x8], $0x40, s11, s16, $0xb8;
	[tilespmem:$0x1E800] =	vst v63  }
0x15d: {  	_ =	swait.ge [sflag:s25], $0x2000  }
0x15e: {  	s13 =	sld [smem:$0x7E6]  }
0x15f: {  	[sflag:s25] =	ssyncset.done $0x0  }
0x160: {  	[sflag:s25] =	ssyncadd.s32 $0xFFFFE000  }
0x161: {  	[tilespmem:s17], [sflag:$0x1] =	stream.indirect.gather [spmem:s2], $0x40, s13, s16, $0xb8;
	[tilespmem:$0x1E800] =	vst v63  }
0x162: {  	_ =	swait.ge [sflag:s26], $0x2000  }
0x163: {  	s6 =	sld [smem:$0x7E8]  }
0x164: {  	[sflag:s26] =	ssyncset.done $0x0  }
0x165: {  	[sflag:s26] =	ssyncadd.s32 $0xFFFFE000  }
0x166: {  	[tilespmem:s18], [sflag:$0x2] =	stream.indirect.gather [spmem:s2], $0x40, s6, s16, $0xb8;
	[tilespmem:$0x1E800] =	vst v63  }
0x167: {  	_ =	swait.ge [sflag:s28], $0x2000  }
0x168: {  	s11 =	sld [smem:$0x7E9]  }
0x169: {  	[sflag:s28] =	ssyncset.done $0x0  }
0x16a: {  	[sflag:s28] =	ssyncadd.s32 $0xFFFFE000  }
0x16b: {  	[tilespmem:s19], [sflag:$0x3] =	stream.indirect.gather [spmem:s2], $0x40, s11, s16, $0xb8;
	[tilespmem:$0x1E800] =	vst v63  }
0x16c: {  	_ =	swait.ge [sflag:s29], $0x2000  }
0x16d: {  	s13 =	sld [smem:$0x7EB]  }
0x16e: {  	[sflag:s29] =	ssyncset.done $0x0  }
0x16f: {  	[sflag:s29] =	ssyncadd.s32 $0xFFFFE000  }
0x170: {  	[tilespmem:s20], [sflag:$0x4] =	stream.indirect.gather [spmem:s2], $0x40, s13, s16, $0xb8;
	[tilespmem:$0x1E800] =	vst v63  }
0x171: {  	_ =	swait.ge [sflag:s21], $0x2000  }
0x172: {  	s6 =	sld [smem:$0x7EC]  }
0x173: {  	[sflag:s21] =	ssyncset.done $0x0  }
0x174: {  	[sflag:s21] =	ssyncadd.s32 $0xFFFFE000  }
0x175: {  	[spmem:s1] =	stream.indirect.scatter.add.f32 [tilespmem:s17], [sflag:$0x5], $0x40, s6, s16, $0xb8;
	[tilespmem:$0x1E800] =	vst v63  }
0x176: {  	_ =	swait.ge [sflag:s22], $0x2000  }
0x177: {  	s11 =	sld [smem:$0x7ED]  }
0x178: {  	[sflag:s22] =	ssyncset.done $0x0  }
0x179: {  	[sflag:s22] =	ssyncadd.s32 $0xFFFFE000  }
0x17a: {  	[spmem:s1] =	stream.indirect.scatter.add.f32 [tilespmem:s18], [sflag:$0x6], $0x40, s11, s16, $0xb8;
	[tilespmem:$0x1E800] =	vst v63  }
0x17b: {  	_ =	swait.ge [sflag:s23], $0x2000  }
0x17c: {  	s13 =	sld [smem:$0x7EF]  }
0x17d: {  	[sflag:s23] =	ssyncset.done $0x0  }
0x17e: {  	[sflag:s23] =	ssyncadd.s32 $0xFFFFE000  }
0x17f: {  	[spmem:s1] =	stream.indirect.scatter.add.f32 [tilespmem:s19], [sflag:$0x7], $0x40, s13, s16, $0xb8;
	[tilespmem:$0x1E800] =	vst v63  }
0x180: {  	_ =	swait.ge [sflag:s24], $0x2000  }
0x181: {  	s6 =	sld [smem:$0x7F0]  }
0x182: {  	[sflag:s24] =	ssyncset.done $0x0  }
0x183: {  	[sflag:s24] =	ssyncadd.s32 $0xFFFFE000  }
0x184: {  	[spmem:s1] =	stream.indirect.scatter.add.f32 [tilespmem:s20], [sflag:$0x8], $0x40, s6, s16, $0xb8;
	[tilespmem:$0x1E800] =	vst v63  }
0x185: {  	_ =	swait.ge [sflag:s25], $0x2000  }
0x186: {  	s11 =	sld [smem:$0x7F1]  }
0x187: {  	[sflag:s25] =	ssyncset.done $0x0  }
0x188: {  	[sflag:s25] =	ssyncadd.s32 $0xFFFFE000  }
0x189: {  	[tilespmem:s17], [sflag:$0x1] =	stream.indirect.gather [spmem:s2], $0x40, s11, s16, $0xb8;
	[tilespmem:$0x1E800] =	vst v63  }
0x18a: {  	_ =	swait.ge [sflag:s26], $0x2000  }
0x18b: {  	s13 =	sld [smem:$0x7F2]  }
0x18c: {  	[sflag:s26] =	ssyncset.done $0x0  }
0x18d: {  	[sflag:s26] =	ssyncadd.s32 $0xFFFFE000  }
0x18e: {  	[tilespmem:s18], [sflag:$0x2] =	stream.indirect.gather [spmem:s2], $0x40, s13, s16, $0xb8;
	[tilespmem:$0x1E800] =	vst v63  }
0x18f: {  	_ =	swait.ge [sflag:s28], $0x2000  }
0x190: {  	s6 =	sld [smem:$0x7F3]  }
0x191: {  	[sflag:s28] =	ssyncset.done $0x0  }
0x192: {  	[sflag:s28] =	ssyncadd.s32 $0xFFFFE000  }
0x193: {  	[tilespmem:s19], [sflag:$0x3] =	stream.indirect.gather [spmem:s2], $0x40, s6, s16, $0xb8;
	[tilespmem:$0x1E800] =	vst v63  }
0x194: {  	_ =	swait.ge [sflag:s29], $0x2000  }
0x195: {  	s11 =	sld [smem:$0x7F4]  }
0x196: {  	[sflag:s29] =	ssyncset.done $0x0  }
0x197: {  	[sflag:s29] =	ssyncadd.s32 $0xFFFFE000  }
0x198: {  	[tilespmem:s20], [sflag:$0x4] =	stream.indirect.gather [spmem:s2], $0x40, s11, s16, $0xb8;
	[tilespmem:$0x1E800] =	vst v63  }
0x199: {  	_ =	swait.ge [sflag:s21], $0x2000  }
0x19a: {  	s13 =	sld [smem:$0x7F5]  }
0x19b: {  	[sflag:s21] =	ssyncset.done $0x0  }
0x19c: {  	[sflag:s21] =	ssyncadd.s32 $0xFFFFE000  }
0x19d: {  	[spmem:s1] =	stream.indirect.scatter.add.f32 [tilespmem:s17], [sflag:$0x5], $0x40, s13, s16, $0xb8;
	[tilespmem:$0x1E800] =	vst v63  }
0x19e: {  	_ =	swait.ge [sflag:s22], $0x2000  }
0x19f: {  	s6 =	sld [smem:$0x7F6]  }
0x1a0: {  	[sflag:s22] =	ssyncset.done $0x0  }
0x1a1: {  	[sflag:s22] =	ssyncadd.s32 $0xFFFFE000  }
0x1a2: {  	[spmem:s1] =	stream.indirect.scatter.add.f32 [tilespmem:s18], [sflag:$0x6], $0x40, s6, s16, $0xb8;
	[tilespmem:$0x1E800] =	vst v63  }
0x1a3: {  	_ =	swait.ge [sflag:s23], $0x2000  }
0x1a4: {  	s11 =	sld [smem:$0x7F7]  }
0x1a5: {  	[sflag:s23] =	ssyncset.done $0x0  }
0x1a6: {  	[sflag:s23] =	ssyncadd.s32 $0xFFFFE000  }
0x1a7: {  	[spmem:s1] =	stream.indirect.scatter.add.f32 [tilespmem:s19], [sflag:$0x7], $0x40, s11, s16, $0xb8;
	[tilespmem:$0x1E800] =	vst v63  }
0x1a8: {  	_ =	swait.ge [sflag:s24], $0x2000  }
0x1a9: {  	s13 =	sld [smem:$0x7F8]  }
0x1aa: {  	[sflag:s24] =	ssyncset.done $0x0  }
0x1ab: {  	[sflag:s24] =	ssyncadd.s32 $0xFFFFE000  }
0x1ac: {  	[spmem:s1] =	stream.indirect.scatter.add.f32 [tilespmem:s20], [sflag:$0x8], $0x40, s13, s16, $0xb8;
	[tilespmem:$0x1E800] =	vst v63  }
0x1ad: {  	_ =	swait.ge [sflag:s25], $0x2000  }
0x1ae: {  	s6 =	sld [smem:$0x7F9]  }
0x1af: {  	[sflag:s25] =	ssyncset.done $0x0  }
0x1b0: {  	[sflag:s25] =	ssyncadd.s32 $0xFFFFE000  }
0x1b1: {  	[tilespmem:s17], [sflag:$0x1] =	stream.indirect.gather [spmem:s2], $0x40, s6, s16, $0xb8;
	[tilespmem:$0x1E800] =	vst v63  }
0x1b2: {  	_ =	swait.ge [sflag:s26], $0x2000  }
0x1b3: {  	s11 =	sld [smem:$0x7FA]  }
0x1b4: {  	[sflag:s26] =	ssyncset.done $0x0  }
0x1b5: {  	[sflag:s26] =	ssyncadd.s32 $0xFFFFE000  }
0x1b6: {  	[tilespmem:s18], [sflag:$0x2] =	stream.indirect.gather [spmem:s2], $0x40, s11, s16, $0xb8;
	[tilespmem:$0x1E800] =	vst v63  }
0x1b7: {  	_ =	swait.ge [sflag:s28], $0x2000  }
0x1b8: {  	s13 =	sld [smem:$0x7FB]  }
0x1b9: {  	[sflag:s28] =	ssyncset.done $0x0  }
0x1ba: {  	[sflag:s28] =	ssyncadd.s32 $0xFFFFE000  }
0x1bb: {  	[tilespmem:s19], [sflag:$0x3] =	stream.indirect.gather [spmem:s2], $0x40, s13, s16, $0xb8;
	[tilespmem:$0x1E800] =	vst v63  }
0x1bc: {  	_ =	swait.ge [sflag:s29], $0x2000  }
0x1bd: {  	[sflag:s29] =	ssyncset.done $0x0  }
0x1be: {  	[sflag:s29] =	ssyncadd.s32 $0xFFFFE000  }
0x1bf: {  	[tilespmem:s20], [sflag:$0x4] =	stream.indirect.gather [spmem:s2], $0x40, s31, s16, $0xb8;
	[tilespmem:$0x1E800] =	vst v63  }
0x1c0: {  	_ =	swait.ge [sflag:s21], $0x2000  }
0x1c1: {  	[sflag:s21] =	ssyncset.done $0x0  }
0x1c2: {  	[sflag:s21] =	ssyncadd.s32 $0xFFFFE000  }
0x1c3: {  	[spmem:s1] =	stream.indirect.scatter.add.f32 [tilespmem:s17], [sflag:$0x5], $0x40, s0, s16, $0xb8;
	[tilespmem:$0x1E800] =	vst v63  }
0x1c4: {  	_ =	swait.ge [sflag:s22], $0x2000  }
0x1c5: {  	[sflag:s22] =	ssyncset.done $0x0  }
0x1c6: {  	[sflag:s22] =	ssyncadd.s32 $0xFFFFE000  }
0x1c7: {  	[spmem:s1] =	stream.indirect.scatter.add.f32 [tilespmem:s18], [sflag:$0x6], $0x40, s4, s16, $0xb8;
	[tilespmem:$0x1E800] =	vst v63  }
0x1c8: {  	_ =	swait.ge [sflag:s23], $0x2000  }
0x1c9: {  	[sflag:s23] =	ssyncset.done $0x0  }
0x1ca: {  	[sflag:s23] =	ssyncadd.s32 $0xFFFFE000  }
0x1cb: {  	[spmem:s1] =	stream.indirect.scatter.add.f32 [tilespmem:s19], [sflag:$0x7], $0x40, s5, s16, $0xb8;
	[tilespmem:$0x1E800] =	vst v63  }
0x1cc: {  	_ =	swait.ge [sflag:s24], $0x2000  }
0x1cd: {  	[sflag:s24] =	ssyncset.done $0x0  }
0x1ce: {  	[sflag:s24] =	ssyncadd.s32 $0xFFFFE000  }
0x1cf: {  	[spmem:s1] =	stream.indirect.scatter.add.f32 [tilespmem:s20], [sflag:$0x8], $0x40, s8, s16, $0xb8;
	[tilespmem:$0x1E800] =	vst v63  }
0x1d0: {  	_ =	swait.ge [sflag:s25], $0x2000  }
0x1d1: {  	[sflag:s25] =	ssyncset.done $0x0  }
0x1d2: {  	[sflag:s25] =	ssyncadd.s32 $0xFFFFE000  }
0x1d3: {  	_ =	swait.ge [sflag:s26], $0x2000  }
0x1d4: {  	[sflag:s26] =	ssyncset.done $0x0  }
0x1d5: {  	[sflag:s26] =	ssyncadd.s32 $0xFFFFE000  }
0x1d6: {  	_ =	swait.ge [sflag:s28], $0x2000  }
0x1d7: {  	[sflag:s28] =	ssyncset.done $0x0  }
0x1d8: {  	[sflag:s28] =	ssyncadd.s32 $0xFFFFE000  }
0x1d9: {  	_ =	swait.ge [sflag:s29], $0x2000  }
0x1da: {  	s10 =	simm.s32 $0xFFFFF100;
	[sflag:s29] =	ssyncset.done $0x0  }
.LBB2_2:
0x1db: {  	[sflag:s29] =	ssyncadd.s32 $0xFFFFE000  }
0x1dc: {  	s13 =	smov.u32 s10;
	_ =	swait.ge [sflag:s14], $0x1400  }
0x1dd: {  	s11 =	sadd.s32 s13, s7;
	[sflag:s14] =	ssyncset.done $0x0  }
0x1de: {  	s11 =	sadd.s32 $0x1680, s11;
	[sflag:s14] =	ssyncadd.s32 $0xFFFFEC00  }
0x1df: {  	[tilespmem:s15], [sflag:$0xA] =	stream.linear.gather [hbm4b:s11+s3], $0x1400, $0x38;
	[tilespmem:$0x1E800] =	vst v63  }
0x1e0: {  	_ = 	snop  }
0x1e1: {  	[tilespmem:s17], [sflag:$0x1] =	stream.indirect.gather [spmem:s2], $0x40, s3, s16, $0xb8;
	[tilespmem:$0x1E800] =	vst v63  }
0x1e2: {  	s11 =	rddreg [dreg:$0x5]  }
0x1e3: {  	[tilespmem:s18], [sflag:$0x2] =	stream.indirect.gather [spmem:s2], $0x40, s11, s16, $0xb8;
	[tilespmem:$0x1E800] =	vst v63  }
0x1e4: {  	s6 =	rddreg [dreg:$0x6]  }
0x1e5: {  	[tilespmem:s19], [sflag:$0x3] =	stream.indirect.gather [spmem:s2], $0x40, s6, s16, $0xb8;
	[tilespmem:$0x1E800] =	vst v63  }
0x1e6: {  	s11 =	rddreg [dreg:$0x7]  }
0x1e7: {  	[tilespmem:s20], [sflag:$0x4] =	stream.indirect.gather [spmem:s2], $0x40, s11, s16, $0xb8;
	[tilespmem:$0x1E800] =	vst v63  }
0x1e8: {  	_ =	swait.ge [sflag:s21], $0x2000  }
0x1e9: {  	[sflag:s21] =	ssyncset.done $0x0  }
0x1ea: {  	[sflag:s21] =	ssyncadd.s32 $0xFFFFE000  }
0x1eb: {  	[spmem:s1] =	stream.indirect.scatter.add.f32 [tilespmem:s17], [sflag:$0x5], $0x40, s16, s16, $0xb8;
	[tilespmem:$0x1E800] =	vst v63  }
0x1ec: {  	_ =	swait.ge [sflag:s22], $0x2000  }
0x1ed: {  	[sflag:s22] =	ssyncset.done $0x0  }
0x1ee: {  	s11 =	rddreg [dreg:$0x8];
	[sflag:s22] =	ssyncadd.s32 $0xFFFFE000  }
0x1ef: {  	[spmem:s1] =	stream.indirect.scatter.add.f32 [tilespmem:s18], [sflag:$0x6], $0x40, s11, s16, $0xb8;
	[tilespmem:$0x1E800] =	vst v63  }
0x1f0: {  	_ =	swait.ge [sflag:s23], $0x2000  }
0x1f1: {  	[sflag:s23] =	ssyncset.done $0x0  }
0x1f2: {  	s11 =	rddreg [dreg:$0x9];
	[sflag:s23] =	ssyncadd.s32 $0xFFFFE000  }
0x1f3: {  	[spmem:s1] =	stream.indirect.scatter.add.f32 [tilespmem:s19], [sflag:$0x7], $0x40, s11, s16, $0xb8;
	[tilespmem:$0x1E800] =	vst v63  }
0x1f4: {  	_ =	swait.ge [sflag:s24], $0x2000  }
0x1f5: {  	[sflag:s24] =	ssyncset.done $0x0  }
0x1f6: {  	s11 =	rddreg [dreg:$0xa];
	[sflag:s24] =	ssyncadd.s32 $0xFFFFE000  }
0x1f7: {  	[spmem:s1] =	stream.indirect.scatter.add.f32 [tilespmem:s20], [sflag:$0x8], $0x40, s11, s16, $0xb8;
	[tilespmem:$0x1E800] =	vst v63  }
0x1f8: {  	_ =	swait.ge [sflag:s25], $0x2000  }
0x1f9: {  	[sflag:s25] =	ssyncset.done $0x0  }
0x1fa: {  	s11 =	rddreg [dreg:$0xb];
	[sflag:s25] =	ssyncadd.s32 $0xFFFFE000  }
0x1fb: {  	[tilespmem:s17], [sflag:$0x1] =	stream.indirect.gather [spmem:s2], $0x40, s11, s16, $0xb8;
	[tilespmem:$0x1E800] =	vst v63  }
0x1fc: {  	_ =	swait.ge [sflag:s26], $0x2000  }
0x1fd: {  	[sflag:s26] =	ssyncset.done $0x0  }
0x1fe: {  	s11 =	rddreg [dreg:$0xc];
	[sflag:s26] =	ssyncadd.s32 $0xFFFFE000  }
0x1ff: {  	[tilespmem:s18], [sflag:$0x2] =	stream.indirect.gather [spmem:s2], $0x40, s11, s16, $0xb8;
	[tilespmem:$0x1E800] =	vst v63  }
0x200: {  	_ =	swait.ge [sflag:s28], $0x2000  }
0x201: {  	[sflag:s28] =	ssyncset.done $0x0  }
0x202: {  	s11 =	rddreg [dreg:$0xd];
	[sflag:s28] =	ssyncadd.s32 $0xFFFFE000  }
0x203: {  	[tilespmem:s19], [sflag:$0x3] =	stream.indirect.gather [spmem:s2], $0x40, s11, s16, $0xb8;
	[tilespmem:$0x1E800] =	vst v63  }
0x204: {  	_ =	swait.ge [sflag:s29], $0x2000  }
0x205: {  	[sflag:s29] =	ssyncset.done $0x0  }
0x206: {  	s11 =	rddreg [dreg:$0xe];
	[sflag:s29] =	ssyncadd.s32 $0xFFFFE000  }
0x207: {  	[tilespmem:s20], [sflag:$0x4] =	stream.indirect.gather [spmem:s2], $0x40, s11, s16, $0xb8;
	[tilespmem:$0x1E800] =	vst v63  }
0x208: {  	_ =	swait.ge [sflag:s21], $0x2000  }
0x209: {  	[sflag:s21] =	ssyncset.done $0x0  }
0x20a: {  	s11 =	rddreg [dreg:$0xf];
	[sflag:s21] =	ssyncadd.s32 $0xFFFFE000  }
0x20b: {  	[spmem:s1] =	stream.indirect.scatter.add.f32 [tilespmem:s17], [sflag:$0x5], $0x40, s11, s16, $0xb8;
	[tilespmem:$0x1E800] =	vst v63  }
0x20c: {  	_ =	swait.ge [sflag:s22], $0x2000  }
0x20d: {  	[sflag:s22] =	ssyncset.done $0x0  }
0x20e: {  	s11 =	rddreg [dreg:$0x10];
	[sflag:s22] =	ssyncadd.s32 $0xFFFFE000  }
0x20f: {  	[spmem:s1] =	stream.indirect.scatter.add.f32 [tilespmem:s18], [sflag:$0x6], $0x40, s11, s16, $0xb8;
	[tilespmem:$0x1E800] =	vst v63  }
0x210: {  	_ =	swait.ge [sflag:s23], $0x2000  }
0x211: {  	[sflag:s23] =	ssyncset.done $0x0  }
0x212: {  	s11 =	rddreg [dreg:$0x11];
	[sflag:s23] =	ssyncadd.s32 $0xFFFFE000  }
0x213: {  	[spmem:s1] =	stream.indirect.scatter.add.f32 [tilespmem:s19], [sflag:$0x7], $0x40, s11, s16, $0xb8;
	[tilespmem:$0x1E800] =	vst v63  }
0x214: {  	_ =	swait.ge [sflag:s24], $0x2000  }
0x215: {  	[sflag:s24] =	ssyncset.done $0x0  }
0x216: {  	s11 =	rddreg [dreg:$0x12];
	[sflag:s24] =	ssyncadd.s32 $0xFFFFE000  }
0x217: {  	[spmem:s1] =	stream.indirect.scatter.add.f32 [tilespmem:s20], [sflag:$0x8], $0x40, s11, s16, $0xb8;
	[tilespmem:$0x1E800] =	vst v63  }
0x218: {  	_ =	swait.ge [sflag:s25], $0x2000  }
0x219: {  	[sflag:s25] =	ssyncset.done $0x0  }
0x21a: {  	s11 =	rddreg [dreg:$0x13];
	[sflag:s25] =	ssyncadd.s32 $0xFFFFE000  }
0x21b: {  	[tilespmem:s17], [sflag:$0x1] =	stream.indirect.gather [spmem:s2], $0x40, s11, s16, $0xb8;
	[tilespmem:$0x1E800] =	vst v63  }
0x21c: {  	_ =	swait.ge [sflag:s26], $0x2000  }
0x21d: {  	[sflag:s26] =	ssyncset.done $0x0  }
0x21e: {  	s11 =	rddreg [dreg:$0x14];
	[sflag:s26] =	ssyncadd.s32 $0xFFFFE000  }
0x21f: {  	[tilespmem:s18], [sflag:$0x2] =	stream.indirect.gather [spmem:s2], $0x40, s11, s16, $0xb8;
	[tilespmem:$0x1E800] =	vst v63  }
0x220: {  	_ =	swait.ge [sflag:s28], $0x2000  }
0x221: {  	[sflag:s28] =	ssyncset.done $0x0  }
0x222: {  	s11 =	rddreg [dreg:$0x15];
	[sflag:s28] =	ssyncadd.s32 $0xFFFFE000  }
0x223: {  	[tilespmem:s19], [sflag:$0x3] =	stream.indirect.gather [spmem:s2], $0x40, s11, s16, $0xb8;
	[tilespmem:$0x1E800] =	vst v63  }
0x224: {  	_ =	swait.ge [sflag:s29], $0x2000  }
0x225: {  	[sflag:s29] =	ssyncset.done $0x0  }
0x226: {  	s11 =	rddreg [dreg:$0x16];
	[sflag:s29] =	ssyncadd.s32 $0xFFFFE000  }
0x227: {  	[tilespmem:s20], [sflag:$0x4] =	stream.indirect.gather [spmem:s2], $0x40, s11, s16, $0xb8;
	[tilespmem:$0x1E800] =	vst v63  }
0x228: {  	_ =	swait.ge [sflag:s21], $0x2000  }
0x229: {  	[sflag:s21] =	ssyncset.done $0x0  }
0x22a: {  	s11 =	rddreg [dreg:$0x17];
	[sflag:s21] =	ssyncadd.s32 $0xFFFFE000  }
0x22b: {  	[spmem:s1] =	stream.indirect.scatter.add.f32 [tilespmem:s17], [sflag:$0x5], $0x40, s11, s16, $0xb8;
	[tilespmem:$0x1E800] =	vst v63  }
0x22c: {  	_ =	swait.ge [sflag:s22], $0x2000  }
0x22d: {  	[sflag:s22] =	ssyncset.done $0x0  }
0x22e: {  	s11 =	rddreg [dreg:$0x18];
	[sflag:s22] =	ssyncadd.s32 $0xFFFFE000  }
0x22f: {  	[spmem:s1] =	stream.indirect.scatter.add.f32 [tilespmem:s18], [sflag:$0x6], $0x40, s11, s16, $0xb8;
	[tilespmem:$0x1E800] =	vst v63  }
0x230: {  	_ =	swait.ge [sflag:s23], $0x2000  }
0x231: {  	[sflag:s23] =	ssyncset.done $0x0  }
0x232: {  	s11 =	rddreg [dreg:$0x19];
	[sflag:s23] =	ssyncadd.s32 $0xFFFFE000  }
0x233: {  	[spmem:s1] =	stream.indirect.scatter.add.f32 [tilespmem:s19], [sflag:$0x7], $0x40, s11, s16, $0xb8;
	[tilespmem:$0x1E800] =	vst v63  }
0x234: {  	_ =	swait.ge [sflag:s24], $0x2000  }
0x235: {  	[sflag:s24] =	ssyncset.done $0x0  }
0x236: {  	s11 =	rddreg [dreg:$0x1a];
	[sflag:s24] =	ssyncadd.s32 $0xFFFFE000  }
0x237: {  	[spmem:s1] =	stream.indirect.scatter.add.f32 [tilespmem:s20], [sflag:$0x8], $0x40, s11, s16, $0xb8;
	[tilespmem:$0x1E800] =	vst v63  }
0x238: {  	_ =	swait.ge [sflag:s25], $0x2000  }
0x239: {  	[sflag:s25] =	ssyncset.done $0x0  }
0x23a: {  	s11 =	rddreg [dreg:$0x1b];
	[sflag:s25] =	ssyncadd.s32 $0xFFFFE000  }
0x23b: {  	[tilespmem:s17], [sflag:$0x1] =	stream.indirect.gather [spmem:s2], $0x40, s11, s16, $0xb8;
	[tilespmem:$0x1E800] =	vst v63  }
0x23c: {  	_ =	swait.ge [sflag:s26], $0x2000  }
0x23d: {  	[sflag:s26] =	ssyncset.done $0x0  }
0x23e: {  	s11 =	rddreg [dreg:$0x1c];
	[sflag:s26] =	ssyncadd.s32 $0xFFFFE000  }
0x23f: {  	[tilespmem:s18], [sflag:$0x2] =	stream.indirect.gather [spmem:s2], $0x40, s11, s16, $0xb8;
	[tilespmem:$0x1E800] =	vst v63  }
0x240: {  	_ =	swait.ge [sflag:s28], $0x2000  }
0x241: {  	[sflag:s28] =	ssyncset.done $0x0  }
0x242: {  	s11 =	rddreg [dreg:$0x1d];
	[sflag:s28] =	ssyncadd.s32 $0xFFFFE000  }
0x243: {  	[tilespmem:s19], [sflag:$0x3] =	stream.indirect.gather [spmem:s2], $0x40, s11, s16, $0xb8;
	[tilespmem:$0x1E800] =	vst v63  }
0x244: {  	_ =	swait.ge [sflag:s29], $0x2000  }
0x245: {  	[sflag:s29] =	ssyncset.done $0x0  }
0x246: {  	s11 =	rddreg [dreg:$0x1e];
	[sflag:s29] =	ssyncadd.s32 $0xFFFFE000  }
0x247: {  	[tilespmem:s20], [sflag:$0x4] =	stream.indirect.gather [spmem:s2], $0x40, s11, s16, $0xb8;
	[tilespmem:$0x1E800] =	vst v63  }
0x248: {  	_ =	swait.ge [sflag:s21], $0x2000  }
0x249: {  	[sflag:s21] =	ssyncset.done $0x0  }
0x24a: {  	s11 =	rddreg [dreg:$0x1f];
	[sflag:s21] =	ssyncadd.s32 $0xFFFFE000  }
0x24b: {  	[spmem:s1] =	stream.indirect.scatter.add.f32 [tilespmem:s17], [sflag:$0x5], $0x40, s11, s16, $0xb8;
	[tilespmem:$0x1E800] =	vst v63  }
0x24c: {  	_ =	swait.ge [sflag:s22], $0x2000  }
0x24d: {  	s11 =	sld [smem:$0x7CA]  }
0x24e: {  	[sflag:s22] =	ssyncset.done $0x0  }
0x24f: {  	[sflag:s22] =	ssyncadd.s32 $0xFFFFE000  }
0x250: {  	[spmem:s1] =	stream.indirect.scatter.add.f32 [tilespmem:s18], [sflag:$0x6], $0x40, s11, s16, $0xb8;
	[tilespmem:$0x1E800] =	vst v63  }
0x251: {  	_ =	swait.ge [sflag:s23], $0x2000  }
0x252: {  	s11 =	sld [smem:$0x7CB]  }
0x253: {  	[sflag:s23] =	ssyncset.done $0x0  }
0x254: {  	[sflag:s23] =	ssyncadd.s32 $0xFFFFE000  }
0x255: {  	[spmem:s1] =	stream.indirect.scatter.add.f32 [tilespmem:s19], [sflag:$0x7], $0x40, s11, s16, $0xb8;
	[tilespmem:$0x1E800] =	vst v63  }
0x256: {  	_ =	swait.ge [sflag:s24], $0x2000  }
0x257: {  	s11 =	sld [smem:$0x7CC]  }
0x258: {  	[sflag:s24] =	ssyncset.done $0x0  }
0x259: {  	[sflag:s24] =	ssyncadd.s32 $0xFFFFE000  }
0x25a: {  	[spmem:s1] =	stream.indirect.scatter.add.f32 [tilespmem:s20], [sflag:$0x8], $0x40, s11, s16, $0xb8;
	[tilespmem:$0x1E800] =	vst v63  }
0x25b: {  	_ =	swait.ge [sflag:s25], $0x2000  }
0x25c: {  	s11 =	sld [smem:$0x7CD]  }
0x25d: {  	[sflag:s25] =	ssyncset.done $0x0  }
0x25e: {  	[sflag:s25] =	ssyncadd.s32 $0xFFFFE000  }
0x25f: {  	[tilespmem:s17], [sflag:$0x1] =	stream.indirect.gather [spmem:s2], $0x40, s11, s16, $0xb8;
	[tilespmem:$0x1E800] =	vst v63  }
0x260: {  	_ =	swait.ge [sflag:s26], $0x2000  }
0x261: {  	s11 =	sld [smem:$0x7CE]  }
0x262: {  	[sflag:s26] =	ssyncset.done $0x0  }
0x263: {  	[sflag:s26] =	ssyncadd.s32 $0xFFFFE000  }
0x264: {  	[tilespmem:s18], [sflag:$0x2] =	stream.indirect.gather [spmem:s2], $0x40, s11, s16, $0xb8;
	[tilespmem:$0x1E800] =	vst v63  }
0x265: {  	_ =	swait.ge [sflag:s28], $0x2000  }
0x266: {  	s11 =	sld [smem:$0x7CF]  }
0x267: {  	[sflag:s28] =	ssyncset.done $0x0  }
0x268: {  	[sflag:s28] =	ssyncadd.s32 $0xFFFFE000  }
0x269: {  	[tilespmem:s19], [sflag:$0x3] =	stream.indirect.gather [spmem:s2], $0x40, s11, s16, $0xb8;
	[tilespmem:$0x1E800] =	vst v63  }
0x26a: {  	_ =	swait.ge [sflag:s29], $0x2000  }
0x26b: {  	s11 =	sld [smem:$0x7D0]  }
0x26c: {  	[sflag:s29] =	ssyncset.done $0x0  }
0x26d: {  	[sflag:s29] =	ssyncadd.s32 $0xFFFFE000  }
0x26e: {  	[tilespmem:s20], [sflag:$0x4] =	stream.indirect.gather [spmem:s2], $0x40, s11, s16, $0xb8;
	[tilespmem:$0x1E800] =	vst v63  }
0x26f: {  	_ =	swait.ge [sflag:s21], $0x2000  }
0x270: {  	s11 =	sld [smem:$0x7D1]  }
0x271: {  	[sflag:s21] =	ssyncset.done $0x0  }
0x272: {  	[sflag:s21] =	ssyncadd.s32 $0xFFFFE000  }
0x273: {  	[spmem:s1] =	stream.indirect.scatter.add.f32 [tilespmem:s17], [sflag:$0x5], $0x40, s11, s16, $0xb8;
	[tilespmem:$0x1E800] =	vst v63  }
0x274: {  	_ =	swait.ge [sflag:s22], $0x2000  }
0x275: {  	s11 =	sld [smem:$0x7D2]  }
0x276: {  	[sflag:s22] =	ssyncset.done $0x0  }
0x277: {  	[sflag:s22] =	ssyncadd.s32 $0xFFFFE000  }
0x278: {  	[spmem:s1] =	stream.indirect.scatter.add.f32 [tilespmem:s18], [sflag:$0x6], $0x40, s11, s16, $0xb8;
	[tilespmem:$0x1E800] =	vst v63  }
0x279: {  	_ =	swait.ge [sflag:s23], $0x2000  }
0x27a: {  	s11 =	sld [smem:$0x7D3]  }
0x27b: {  	[sflag:s23] =	ssyncset.done $0x0  }
0x27c: {  	[sflag:s23] =	ssyncadd.s32 $0xFFFFE000  }
0x27d: {  	[spmem:s1] =	stream.indirect.scatter.add.f32 [tilespmem:s19], [sflag:$0x7], $0x40, s11, s16, $0xb8;
	[tilespmem:$0x1E800] =	vst v63  }
0x27e: {  	_ =	swait.ge [sflag:s24], $0x2000  }
0x27f: {  	s11 =	sld [smem:$0x7D4]  }
0x280: {  	[sflag:s24] =	ssyncset.done $0x0  }
0x281: {  	[sflag:s24] =	ssyncadd.s32 $0xFFFFE000  }
0x282: {  	[spmem:s1] =	stream.indirect.scatter.add.f32 [tilespmem:s20], [sflag:$0x8], $0x40, s11, s16, $0xb8;
	[tilespmem:$0x1E800] =	vst v63  }
0x283: {  	_ =	swait.ge [sflag:s25], $0x2000  }
0x284: {  	[sflag:s25] =	ssyncset.done $0x0  }
0x285: {  	[sflag:s25] =	ssyncadd.s32 $0xFFFFE000  }
0x286: {  	_ =	swait.ge [sflag:s26], $0x2000  }
0x287: {  	[sflag:s26] =	ssyncset.done $0x0  }
0x288: {  	[sflag:s26] =	ssyncadd.s32 $0xFFFFE000  }
0x289: {  	_ =	swait.ge [sflag:s28], $0x2000  }
0x28a: {  	[sflag:s28] =	ssyncset.done $0x0  }
0x28b: {  	[sflag:s28] =	ssyncadd.s32 $0xFFFFE000  }
0x28c: {  	_ =	swait.ge [sflag:s29], $0x2000  }
0x28d: {  	[sflag:s29] =	ssyncset.done $0x0  }
0x28e: {  	[sflag:s29] =	ssyncadd.s32 $0xFFFFE000  }
0x28f: {  	p1 =	seq.s32 s13, $0xFFFFFB00;
	_ =	swait.ge [sflag:s30], $0x1400  }
0x290: {  	s6 =	sadd.s32 @!p1 s13, s7;
	[sflag:s30] =	ssyncset.done $0x0  }
0x291: {  	s6 =	sadd.s32 @!p1 $0x1900, s6;
	s11 =	simm.s32 @!p1 $0x0;
	[sflag:s30] =	ssyncadd.s32 $0xFFFFEC00  }
0x292: {  	[tilespmem:s11], [sflag:$0x9] =	stream.linear.gather @!p1 [hbm4b:s6+s11], $0x1400, $0x38;
	[tilespmem:$0x1E800] =	vst v63  }
0x293: {  	s13 =	sld [smem:$0x7D5]  }
0x294: {  	[tilespmem:s17], [sflag:$0x1] =	stream.indirect.gather [spmem:s2], $0x40, s15, s16, $0xb8;
	[tilespmem:$0x1E800] =	vst v63  }
0x295: {  	s11 =	sld [smem:$0x7D7]  }
0x296: {  	[tilespmem:s18], [sflag:$0x2] =	stream.indirect.gather [spmem:s2], $0x40, s13, s16, $0xb8;
	[tilespmem:$0x1E800] =	vst v63  }
0x297: {  	s13 =	sld [smem:$0x7D8]  }
0x298: {  	[tilespmem:s19], [sflag:$0x3] =	stream.indirect.gather [spmem:s2], $0x40, s11, s16, $0xb8;
	[tilespmem:$0x1E800] =	vst v63  }
0x299: {  	_ = 	snop  }
0x29a: {  	[tilespmem:s20], [sflag:$0x4] =	stream.indirect.gather [spmem:s2], $0x40, s13, s16, $0xb8;
	[tilespmem:$0x1E800] =	vst v63  }
0x29b: {  	_ =	swait.ge [sflag:s21], $0x2000  }
0x29c: {  	s13 =	sld [smem:$0x7D9]  }
0x29d: {  	[sflag:s21] =	ssyncset.done $0x0  }
0x29e: {  	[sflag:s21] =	ssyncadd.s32 $0xFFFFE000  }
0x29f: {  	[spmem:s1] =	stream.indirect.scatter.add.f32 [tilespmem:s17], [sflag:$0x5], $0x40, s13, s16, $0xb8;
	[tilespmem:$0x1E800] =	vst v63  }
0x2a0: {  	_ =	swait.ge [sflag:s22], $0x2000  }
0x2a1: {  	s11 =	sld [smem:$0x7DA]  }
0x2a2: {  	[sflag:s22] =	ssyncset.done $0x0  }
0x2a3: {  	[sflag:s22] =	ssyncadd.s32 $0xFFFFE000  }
0x2a4: {  	[spmem:s1] =	stream.indirect.scatter.add.f32 [tilespmem:s18], [sflag:$0x6], $0x40, s11, s16, $0xb8;
	[tilespmem:$0x1E800] =	vst v63  }
0x2a5: {  	_ =	swait.ge [sflag:s23], $0x2000  }
0x2a6: {  	s13 =	sld [smem:$0x7DB]  }
0x2a7: {  	[sflag:s23] =	ssyncset.done $0x0  }
0x2a8: {  	[sflag:s23] =	ssyncadd.s32 $0xFFFFE000  }
0x2a9: {  	[spmem:s1] =	stream.indirect.scatter.add.f32 [tilespmem:s19], [sflag:$0x7], $0x40, s13, s16, $0xb8;
	[tilespmem:$0x1E800] =	vst v63  }
0x2aa: {  	_ =	swait.ge [sflag:s24], $0x2000  }
0x2ab: {  	s11 =	sld [smem:$0x7DC]  }
0x2ac: {  	[sflag:s24] =	ssyncset.done $0x0  }
0x2ad: {  	[sflag:s24] =	ssyncadd.s32 $0xFFFFE000  }
0x2ae: {  	[spmem:s1] =	stream.indirect.scatter.add.f32 [tilespmem:s20], [sflag:$0x8], $0x40, s11, s16, $0xb8;
	[tilespmem:$0x1E800] =	vst v63  }
0x2af: {  	_ =	swait.ge [sflag:s25], $0x2000  }
0x2b0: {  	s13 =	sld [smem:$0x7DD]  }
0x2b1: {  	[sflag:s25] =	ssyncset.done $0x0  }
0x2b2: {  	[sflag:s25] =	ssyncadd.s32 $0xFFFFE000  }
0x2b3: {  	[tilespmem:s17], [sflag:$0x1] =	stream.indirect.gather [spmem:s2], $0x40, s13, s16, $0xb8;
	[tilespmem:$0x1E800] =	vst v63  }
0x2b4: {  	_ =	swait.ge [sflag:s26], $0x2000  }
0x2b5: {  	s11 =	sld [smem:$0x7DE]  }
0x2b6: {  	[sflag:s26] =	ssyncset.done $0x0  }
0x2b7: {  	[sflag:s26] =	ssyncadd.s32 $0xFFFFE000  }
0x2b8: {  	[tilespmem:s18], [sflag:$0x2] =	stream.indirect.gather [spmem:s2], $0x40, s11, s16, $0xb8;
	[tilespmem:$0x1E800] =	vst v63  }
0x2b9: {  	_ =	swait.ge [sflag:s28], $0x2000  }
0x2ba: {  	s13 =	sld [smem:$0x7DF]  }
0x2bb: {  	[sflag:s28] =	ssyncset.done $0x0  }
0x2bc: {  	[sflag:s28] =	ssyncadd.s32 $0xFFFFE000  }
0x2bd: {  	[tilespmem:s19], [sflag:$0x3] =	stream.indirect.gather [spmem:s2], $0x40, s13, s16, $0xb8;
	[tilespmem:$0x1E800] =	vst v63  }
0x2be: {  	_ =	swait.ge [sflag:s29], $0x2000  }
0x2bf: {  	s11 =	sld [smem:$0x7E0]  }
0x2c0: {  	[sflag:s29] =	ssyncset.done $0x0  }
0x2c1: {  	[sflag:s29] =	ssyncadd.s32 $0xFFFFE000  }
0x2c2: {  	[tilespmem:s20], [sflag:$0x4] =	stream.indirect.gather [spmem:s2], $0x40, s11, s16, $0xb8;
	[tilespmem:$0x1E800] =	vst v63  }
0x2c3: {  	_ =	swait.ge [sflag:s21], $0x2000  }
0x2c4: {  	s13 =	sld [smem:$0x7E1]  }
0x2c5: {  	[sflag:s21] =	ssyncset.done $0x0  }
0x2c6: {  	[sflag:s21] =	ssyncadd.s32 $0xFFFFE000  }
0x2c7: {  	[spmem:s1] =	stream.indirect.scatter.add.f32 [tilespmem:s17], [sflag:$0x5], $0x40, s13, s16, $0xb8;
	[tilespmem:$0x1E800] =	vst v63  }
0x2c8: {  	_ =	swait.ge [sflag:s22], $0x2000  }
0x2c9: {  	s11 =	sld [smem:$0x7E2]  }
0x2ca: {  	[sflag:s22] =	ssyncset.done $0x0  }
0x2cb: {  	[sflag:s22] =	ssyncadd.s32 $0xFFFFE000  }
0x2cc: {  	[spmem:s1] =	stream.indirect.scatter.add.f32 [tilespmem:s18], [sflag:$0x6], $0x40, s11, s16, $0xb8;
	[tilespmem:$0x1E800] =	vst v63  }
0x2cd: {  	_ =	swait.ge [sflag:s23], $0x2000  }
0x2ce: {  	s13 =	sld [smem:$0x7E3]  }
0x2cf: {  	[sflag:s23] =	ssyncset.done $0x0  }
0x2d0: {  	[sflag:s23] =	ssyncadd.s32 $0xFFFFE000  }
0x2d1: {  	[spmem:s1] =	stream.indirect.scatter.add.f32 [tilespmem:s19], [sflag:$0x7], $0x40, s13, s16, $0xb8;
	[tilespmem:$0x1E800] =	vst v63  }
0x2d2: {  	_ =	swait.ge [sflag:s24], $0x2000  }
0x2d3: {  	s11 =	sld [smem:$0x7E4]  }
0x2d4: {  	[sflag:s24] =	ssyncset.done $0x0  }
0x2d5: {  	[sflag:s24] =	ssyncadd.s32 $0xFFFFE000  }
0x2d6: {  	[spmem:s1] =	stream.indirect.scatter.add.f32 [tilespmem:s20], [sflag:$0x8], $0x40, s11, s16, $0xb8;
	[tilespmem:$0x1E800] =	vst v63  }
0x2d7: {  	_ =	swait.ge [sflag:s25], $0x2000  }
0x2d8: {  	s13 =	sld [smem:$0x7E6]  }
0x2d9: {  	[sflag:s25] =	ssyncset.done $0x0  }
0x2da: {  	[sflag:s25] =	ssyncadd.s32 $0xFFFFE000  }
0x2db: {  	[tilespmem:s17], [sflag:$0x1] =	stream.indirect.gather [spmem:s2], $0x40, s13, s16, $0xb8;
	[tilespmem:$0x1E800] =	vst v63  }
0x2dc: {  	_ =	swait.ge [sflag:s26], $0x2000  }
0x2dd: {  	s11 =	sld [smem:$0x7E8]  }
0x2de: {  	[sflag:s26] =	ssyncset.done $0x0  }
0x2df: {  	[sflag:s26] =	ssyncadd.s32 $0xFFFFE000  }
0x2e0: {  	[tilespmem:s18], [sflag:$0x2] =	stream.indirect.gather [spmem:s2], $0x40, s11, s16, $0xb8;
	[tilespmem:$0x1E800] =	vst v63  }
0x2e1: {  	_ =	swait.ge [sflag:s28], $0x2000  }
0x2e2: {  	s13 =	sld [smem:$0x7E9]  }
0x2e3: {  	[sflag:s28] =	ssyncset.done $0x0  }
0x2e4: {  	[sflag:s28] =	ssyncadd.s32 $0xFFFFE000  }
0x2e5: {  	[tilespmem:s19], [sflag:$0x3] =	stream.indirect.gather [spmem:s2], $0x40, s13, s16, $0xb8;
	[tilespmem:$0x1E800] =	vst v63  }
0x2e6: {  	_ =	swait.ge [sflag:s29], $0x2000  }
0x2e7: {  	s11 =	sld [smem:$0x7EB]  }
0x2e8: {  	[sflag:s29] =	ssyncset.done $0x0  }
0x2e9: {  	[sflag:s29] =	ssyncadd.s32 $0xFFFFE000  }
0x2ea: {  	[tilespmem:s20], [sflag:$0x4] =	stream.indirect.gather [spmem:s2], $0x40, s11, s16, $0xb8;
	[tilespmem:$0x1E800] =	vst v63  }
0x2eb: {  	_ =	swait.ge [sflag:s21], $0x2000  }
0x2ec: {  	s13 =	sld [smem:$0x7EC]  }
0x2ed: {  	[sflag:s21] =	ssyncset.done $0x0  }
0x2ee: {  	[sflag:s21] =	ssyncadd.s32 $0xFFFFE000  }
0x2ef: {  	[spmem:s1] =	stream.indirect.scatter.add.f32 [tilespmem:s17], [sflag:$0x5], $0x40, s13, s16, $0xb8;
	[tilespmem:$0x1E800] =	vst v63  }
0x2f0: {  	_ =	swait.ge [sflag:s22], $0x2000  }
0x2f1: {  	s11 =	sld [smem:$0x7ED]  }
0x2f2: {  	[sflag:s22] =	ssyncset.done $0x0  }
0x2f3: {  	[sflag:s22] =	ssyncadd.s32 $0xFFFFE000  }
0x2f4: {  	[spmem:s1] =	stream.indirect.scatter.add.f32 [tilespmem:s18], [sflag:$0x6], $0x40, s11, s16, $0xb8;
	[tilespmem:$0x1E800] =	vst v63  }
0x2f5: {  	_ =	swait.ge [sflag:s23], $0x2000  }
0x2f6: {  	s13 =	sld [smem:$0x7EF]  }
0x2f7: {  	[sflag:s23] =	ssyncset.done $0x0  }
0x2f8: {  	[sflag:s23] =	ssyncadd.s32 $0xFFFFE000  }
0x2f9: {  	[spmem:s1] =	stream.indirect.scatter.add.f32 [tilespmem:s19], [sflag:$0x7], $0x40, s13, s16, $0xb8;
	[tilespmem:$0x1E800] =	vst v63  }
0x2fa: {  	_ =	swait.ge [sflag:s24], $0x2000  }
0x2fb: {  	s11 =	sld [smem:$0x7F0]  }
0x2fc: {  	[sflag:s24] =	ssyncset.done $0x0  }
0x2fd: {  	[sflag:s24] =	ssyncadd.s32 $0xFFFFE000  }
0x2fe: {  	[spmem:s1] =	stream.indirect.scatter.add.f32 [tilespmem:s20], [sflag:$0x8], $0x40, s11, s16, $0xb8;
	[tilespmem:$0x1E800] =	vst v63  }
0x2ff: {  	_ =	swait.ge [sflag:s25], $0x2000  }
0x300: {  	s13 =	sld [smem:$0x7F1]  }
0x301: {  	[sflag:s25] =	ssyncset.done $0x0  }
0x302: {  	[sflag:s25] =	ssyncadd.s32 $0xFFFFE000  }
0x303: {  	[tilespmem:s17], [sflag:$0x1] =	stream.indirect.gather [spmem:s2], $0x40, s13, s16, $0xb8;
	[tilespmem:$0x1E800] =	vst v63  }
0x304: {  	_ =	swait.ge [sflag:s26], $0x2000  }
0x305: {  	s11 =	sld [smem:$0x7F2]  }
0x306: {  	[sflag:s26] =	ssyncset.done $0x0  }
0x307: {  	[sflag:s26] =	ssyncadd.s32 $0xFFFFE000  }
0x308: {  	[tilespmem:s18], [sflag:$0x2] =	stream.indirect.gather [spmem:s2], $0x40, s11, s16, $0xb8;
	[tilespmem:$0x1E800] =	vst v63  }
0x309: {  	_ =	swait.ge [sflag:s28], $0x2000  }
0x30a: {  	s13 =	sld [smem:$0x7F3]  }
0x30b: {  	[sflag:s28] =	ssyncset.done $0x0  }
0x30c: {  	[sflag:s28] =	ssyncadd.s32 $0xFFFFE000  }
0x30d: {  	[tilespmem:s19], [sflag:$0x3] =	stream.indirect.gather [spmem:s2], $0x40, s13, s16, $0xb8;
	[tilespmem:$0x1E800] =	vst v63  }
0x30e: {  	_ =	swait.ge [sflag:s29], $0x2000  }
0x30f: {  	s11 =	sld [smem:$0x7F4]  }
0x310: {  	[sflag:s29] =	ssyncset.done $0x0  }
0x311: {  	[sflag:s29] =	ssyncadd.s32 $0xFFFFE000  }
0x312: {  	[tilespmem:s20], [sflag:$0x4] =	stream.indirect.gather [spmem:s2], $0x40, s11, s16, $0xb8;
	[tilespmem:$0x1E800] =	vst v63  }
0x313: {  	_ =	swait.ge [sflag:s21], $0x2000  }
0x314: {  	s13 =	sld [smem:$0x7F5]  }
0x315: {  	[sflag:s21] =	ssyncset.done $0x0  }
0x316: {  	[sflag:s21] =	ssyncadd.s32 $0xFFFFE000  }
0x317: {  	[spmem:s1] =	stream.indirect.scatter.add.f32 [tilespmem:s17], [sflag:$0x5], $0x40, s13, s16, $0xb8;
	[tilespmem:$0x1E800] =	vst v63  }
0x318: {  	_ =	swait.ge [sflag:s22], $0x2000  }
0x319: {  	s11 =	sld [smem:$0x7F6]  }
0x31a: {  	[sflag:s22] =	ssyncset.done $0x0  }
0x31b: {  	[sflag:s22] =	ssyncadd.s32 $0xFFFFE000  }
0x31c: {  	[spmem:s1] =	stream.indirect.scatter.add.f32 [tilespmem:s18], [sflag:$0x6], $0x40, s11, s16, $0xb8;
	[tilespmem:$0x1E800] =	vst v63  }
0x31d: {  	_ =	swait.ge [sflag:s23], $0x2000  }
0x31e: {  	s13 =	sld [smem:$0x7F7]  }
0x31f: {  	[sflag:s23] =	ssyncset.done $0x0  }
0x320: {  	[sflag:s23] =	ssyncadd.s32 $0xFFFFE000  }
0x321: {  	[spmem:s1] =	stream.indirect.scatter.add.f32 [tilespmem:s19], [sflag:$0x7], $0x40, s13, s16, $0xb8;
	[tilespmem:$0x1E800] =	vst v63  }
0x322: {  	_ =	swait.ge [sflag:s24], $0x2000  }
0x323: {  	s11 =	sld [smem:$0x7F8]  }
0x324: {  	[sflag:s24] =	ssyncset.done $0x0  }
0x325: {  	[sflag:s24] =	ssyncadd.s32 $0xFFFFE000  }
0x326: {  	[spmem:s1] =	stream.indirect.scatter.add.f32 [tilespmem:s20], [sflag:$0x8], $0x40, s11, s16, $0xb8;
	[tilespmem:$0x1E800] =	vst v63  }
0x327: {  	_ =	swait.ge [sflag:s25], $0x2000  }
0x328: {  	s13 =	sld [smem:$0x7F9]  }
0x329: {  	[sflag:s25] =	ssyncset.done $0x0  }
0x32a: {  	[sflag:s25] =	ssyncadd.s32 $0xFFFFE000  }
0x32b: {  	[tilespmem:s17], [sflag:$0x1] =	stream.indirect.gather [spmem:s2], $0x40, s13, s16, $0xb8;
	[tilespmem:$0x1E800] =	vst v63  }
0x32c: {  	_ =	swait.ge [sflag:s26], $0x2000  }
0x32d: {  	s11 =	sld [smem:$0x7FA]  }
0x32e: {  	[sflag:s26] =	ssyncset.done $0x0  }
0x32f: {  	[sflag:s26] =	ssyncadd.s32 $0xFFFFE000  }
0x330: {  	[tilespmem:s18], [sflag:$0x2] =	stream.indirect.gather [spmem:s2], $0x40, s11, s16, $0xb8;
	[tilespmem:$0x1E800] =	vst v63  }
0x331: {  	_ =	swait.ge [sflag:s28], $0x2000  }
0x332: {  	s13 =	sld [smem:$0x7FB]  }
0x333: {  	[sflag:s28] =	ssyncset.done $0x0  }
0x334: {  	[sflag:s28] =	ssyncadd.s32 $0xFFFFE000  }
0x335: {  	[tilespmem:s19], [sflag:$0x3] =	stream.indirect.gather [spmem:s2], $0x40, s13, s16, $0xb8;
	[tilespmem:$0x1E800] =	vst v63  }
0x336: {  	_ =	swait.ge [sflag:s29], $0x2000  }
0x337: {  	[sflag:s29] =	ssyncset.done $0x0  }
0x338: {  	[sflag:s29] =	ssyncadd.s32 $0xFFFFE000  }
0x339: {  	[tilespmem:s20], [sflag:$0x4] =	stream.indirect.gather [spmem:s2], $0x40, s31, s16, $0xb8;
	[tilespmem:$0x1E800] =	vst v63  }
0x33a: {  	_ =	swait.ge [sflag:s21], $0x2000  }
0x33b: {  	[sflag:s21] =	ssyncset.done $0x0  }
0x33c: {  	[sflag:s21] =	ssyncadd.s32 $0xFFFFE000  }
0x33d: {  	[spmem:s1] =	stream.indirect.scatter.add.f32 [tilespmem:s17], [sflag:$0x5], $0x40, s0, s16, $0xb8;
	[tilespmem:$0x1E800] =	vst v63  }
0x33e: {  	_ =	swait.ge [sflag:s22], $0x2000  }
0x33f: {  	[sflag:s22] =	ssyncset.done $0x0  }
0x340: {  	[sflag:s22] =	ssyncadd.s32 $0xFFFFE000  }
0x341: {  	[spmem:s1] =	stream.indirect.scatter.add.f32 [tilespmem:s18], [sflag:$0x6], $0x40, s4, s16, $0xb8;
	[tilespmem:$0x1E800] =	vst v63  }
0x342: {  	_ =	swait.ge [sflag:s23], $0x2000  }
0x343: {  	[sflag:s23] =	ssyncset.done $0x0  }
0x344: {  	[sflag:s23] =	ssyncadd.s32 $0xFFFFE000  }
0x345: {  	[spmem:s1] =	stream.indirect.scatter.add.f32 [tilespmem:s19], [sflag:$0x7], $0x40, s5, s16, $0xb8;
	[tilespmem:$0x1E800] =	vst v63  }
0x346: {  	_ =	swait.ge [sflag:s24], $0x2000  }
0x347: {  	[sflag:s24] =	ssyncset.done $0x0  }
0x348: {  	[sflag:s24] =	ssyncadd.s32 $0xFFFFE000  }
0x349: {  	[spmem:s1] =	stream.indirect.scatter.add.f32 [tilespmem:s20], [sflag:$0x8], $0x40, s8, s16, $0xb8;
	[tilespmem:$0x1E800] =	vst v63  }
0x34a: {  	_ =	swait.ge [sflag:s25], $0x2000  }
0x34b: {  	[sflag:s25] =	ssyncset.done $0x0  }
0x34c: {  	[sflag:s25] =	ssyncadd.s32 $0xFFFFE000  }
0x34d: {  	_ =	swait.ge [sflag:s26], $0x2000  }
0x34e: {  	s10 =	sadd.s32 $0x500, s10;
	[sflag:s26] =	ssyncset.done $0x0  }
0x34f: {  	p0 =	sne.s32 s10, $0x0;
	[sflag:s26] =	ssyncadd.s32 $0xFFFFE000  }
.Ltmp0:
0x350: {  	_ =	swait.ge [sflag:s28], $0x2000;
	(pc) =	sbr.rel @p0 .LBB2_2-.Ltmp0, $4  }
0x351: {  	[sflag:s28] =	ssyncset.done $0x0  }
0x352: {  	[sflag:s28] =	ssyncadd.s32 $0xFFFFE000  }
0x353: {  	_ =	swait.ge [sflag:s29], $0x2000  }
0x354: {  	[sflag:s29] =	ssyncset.done $0x0  }
0x355: {  	[sflag:s29] =	ssyncadd.s32 $0xFFFFE000  }
0x356: {  	[bflag:$0x0] =	sbarrier.arrive $0xFFFF  }
0x357: {  	s10 =	sld [smem:$0x7FC]  }
0x358: {  	s6 =	sld [smem:$0x7E5]  }
0x359: {  	s11 =	sld [smem:$0x7FD];
	_ =	sdelay $0x2  }
0x35a: {  	[hbm:s6], [sflag:s10] =	dma.local [spmem:s11], $0x1400  }
0x35b: {  	_ =	swait.ge [sflag:s12], $0x1400  }
0x35c: {  	s13 =	sld [smem:$0x7E7];
	_ =	sdelay $0x1  }
0x35d: {  	s9 =	sadd.s32 $0x1, s9  }
0x35e: {  	p0 =	sne.s32 s9, s13  }
.Ltmp1:
0x35f: {  	_ = 	snop;
	(pc) =	sbr.rel @p0 .LBB2_1-.Ltmp1, $3  }
0x360: {  	_ =	sdelay $0x1  }
0x361: {  	[sflag:s12] =	ssyncset.done $0x0  }
0x362: {  	[sflag:s12] =	ssyncadd.s32 $0xFFFFEC00  }
0x363: {  	_ =	sfence.sel $0x180000  }
0x364: {  	[bflag:$0x0] =	sbarrier.arrive $0xFFFF  }
0x365: {  	_ =	strace $0x90000050  }
0x366: {  	s0 =	stileid.u32;
	[bflag:$0x2] =	sbarrier.arrive $0xFFFF  }
0x367: {  	p0 =	sne.s32 s0, $0x0;
	s0 =	rddreg [dreg:$0x4]  }
0x368: {  	s0 =	sadd.s32 @!p0 $0x100000, s0  }
0x369: {  	[sflag:s0] =	ssyncadd.tile.s32 @!p0 $0x1;
	_ =	shalt  }
.Lfunc_end2:
_tile_overlayer_lowered:
.L_overlay_start_2:
0x36a: {  	(tag) =	ssettag $0x2  }
0x36b: {  	s0 =	rddreg [dreg:$0x0];
	s2 =	stileid.u32  }
0x36c: {  	s1 =	rddreg [dreg:$0x1];
	p0 =	sne.s32 s2, $0x0  }
0x36d: {  	s3 =	rddreg [dreg:$0x2];
	[bflag:$0x3] =	sbarrier.arrive $0xFFFF;
	s2 =	simm.s32 @!p0 $0x1C0B  }
0x36e: {  	[timem:s3], [sflag:s2] =	dma.local @!p0 [hbm:s0], s1  }
0x36f: {  	s0 =	simm.s32 @!p0 $0xB  }
0x370: {  	_ =	swait.ge @!p0 [sflag:s0], s1  }
0x371: {  	s1 =	ssub.s32 @!p0 $0x0, s1;
	[sflag:s0] =	ssyncset.done @!p0 $0x0  }
0x372: {  	[sflag:s0] =	ssyncadd.s32 @!p0 s1  }
0x373: {  	[bflag:$0x3] =	sbarrier.arrive $0xFFFF  }
0x374: {  	_ =	shalt  }

</sc_bundles>
